<compile_context>
chip_gen: v7x
topology: tpu7x:2x2x1
jax: 0.10.2.dev20260603
libtpu: 0.0.44.dev20260713+nightly
codegen_flags: <defaults>
</compile_context>

<pallas_src>
import functools

import jax
import jax.numpy as jnp
from jax import lax
from jax.experimental import pallas as pl
from jax.experimental.pallas import tpu as pltpu
from jax.experimental.pallas import tpu_sc as plsc

_N = 10000
_NP = 10240
_E = 160000
_H = 512
_L = 16
_NS = 16
_NC = 2
_EB = 128
_NBLK = _E // _EB
_RPT = _NP // _NS
_ZR = 128


def _mesh():
    return plsc.VectorSubcoreMesh(
        core_axis_name="c", subcore_axis_name="s",
        num_cores=_NC, num_subcores=_NS)


@functools.cache
def _segsum_fn(C):

    @functools.partial(
        pl.kernel,
        out_type=jax.ShapeDtypeStruct((C * _NP, 128), jnp.float32),
        mesh=_mesh(),
        scratch_types=[
            pltpu.VMEM((1, _EB), jnp.int32),
            pltpu.VMEM((1, _EB), jnp.int32),
            pltpu.VMEM((_EB, 128), jnp.float32),
            pltpu.VMEM((_ZR, 128), jnp.float32),
            pltpu.VMEM_SHARED((_NP, 128), jnp.float32),
        ],
    )
    def segsum(x_hbm, src_hbm, dst_hbm, out_hbm, idx_s, idx_d, rows, zbuf, acc):
        cid = lax.axis_index("c")
        sid = lax.axis_index("s")

        def zb(i, carry):
            r = i // 8
            c0 = (i % 8) * _L
            zbuf[r, pl.ds(c0, _L)] = jnp.zeros((_L,), jnp.float32)
            return carry
        lax.fori_loop(0, _ZR * 8, zb, 0)

        for k in range(C // _NC):
            ch = cid + _NC * k
            base = ch * _NP
            for t in range(_RPT // _ZR):
                pltpu.sync_copy(zbuf, acc.at[pl.ds(sid * _RPT + t * _ZR, _ZR)])
            plsc.subcore_barrier()

            nblk = (_NBLK - sid + _NS - 1) // _NS

            def body(i, carry):
                e0 = (sid + i * _NS) * _EB
                pltpu.sync_copy(src_hbm.at[pl.ds(e0, _EB)], idx_s.at[0])
                pltpu.sync_copy(dst_hbm.at[pl.ds(e0, _EB)], idx_d.at[0])
                for j in range(_EB // _L):
                    idx_s[0, pl.ds(j * _L, _L)] = (
                        idx_s[0, pl.ds(j * _L, _L)] + base)
                pltpu.sync_copy(x_hbm.at[idx_s.at[0]], rows)
                pltpu.sync_copy(rows, acc.at[idx_d.at[0]], add=True)
                return carry
            lax.fori_loop(0, nblk, body, 0)
            plsc.subcore_barrier()

            for t in range(_RPT // _ZR):
                r0 = sid * _RPT + t * _ZR
                pltpu.sync_copy(acc.at[pl.ds(r0, _ZR)],
                                out_hbm.at[pl.ds(base + r0, _ZR)])
    return segsum


@functools.cache
def _deg_fn():

    @functools.partial(
        pl.kernel,
        out_type=jax.ShapeDtypeStruct((_NC, _NP, 128), jnp.float32),
        mesh=_mesh(),
        scratch_types=[
            pltpu.VMEM((1, _EB), jnp.int32),
            pltpu.VMEM((_EB, 128), jnp.float32),
            pltpu.VMEM((_ZR, 128), jnp.float32),
            pltpu.VMEM_SHARED((_NP, 128), jnp.float32),
        ],
    )
    def deg(dst_hbm, out_hbm, idx_d, ones, zbuf, acc):
        cid = lax.axis_index("c")
        sid = lax.axis_index("s")

        def fill(i, carry):
            r = i // 8
            c0 = (i % 8) * _L
            ones[r, pl.ds(c0, _L)] = jnp.ones((_L,), jnp.float32)
            zbuf[r, pl.ds(c0, _L)] = jnp.zeros((_L,), jnp.float32)
            return carry
        lax.fori_loop(0, _EB * 8, fill, 0)

        for t in range(_RPT // _ZR):
            pltpu.sync_copy(zbuf, acc.at[pl.ds(sid * _RPT + t * _ZR, _ZR)])
        plsc.subcore_barrier()

        w = sid * _NC + cid
        nw = _NS * _NC
        nblk = (_NBLK - w + nw - 1) // nw

        def body(i, carry):
            e0 = (w + i * nw) * _EB
            pltpu.sync_copy(dst_hbm.at[pl.ds(e0, _EB)], idx_d.at[0])
            pltpu.sync_copy(ones, acc.at[idx_d.at[0]], add=True)
            return carry
        lax.fori_loop(0, nblk, body, 0)
        plsc.subcore_barrier()

        for t in range(_RPT // _ZR):
            r0 = sid * _RPT + t * _ZR
            pltpu.sync_copy(acc.at[pl.ds(r0, _ZR)],
                            out_hbm.at[cid, pl.ds(r0, _ZR)])
    return deg


def _mm(x, agg, deg, ws, wn, b, relu, c_out):
    C = x.shape[0]
    H = ws.shape[2]
    MB = 1024
    G = _NP // MB

    def kern(x_ref, agg_ref, deg_ref, ws_ref, wn_ref, b_ref, out_ref):
        d = deg_ref[0, :, 0:1] + deg_ref[1, :, 0:1]
        inv = 1.0 / jnp.maximum(d, 1.0)
        acc = jnp.broadcast_to(b_ref[...], (MB, H))
        for c in range(C):
            acc = acc + jnp.dot(x_ref[c], ws_ref[c],
                                preferred_element_type=jnp.float32)
            acc = acc + jnp.dot(agg_ref[c] * inv, wn_ref[c],
                                preferred_element_type=jnp.float32)
        if relu:
            acc = jnp.maximum(acc, 0.0)
        if c_out is None:
            out_ref[...] = acc
        else:
            for co in range(c_out):
                out_ref[co] = acc[:, co * 128:(co + 1) * 128]

    if c_out is None:
        out_shape = jax.ShapeDtypeStruct((_NP, H), jnp.float32)
        out_spec = pl.BlockSpec((MB, H), lambda m: (m, 0))
    else:
        out_shape = jax.ShapeDtypeStruct((c_out, _NP, 128), jnp.float32)
        out_spec = pl.BlockSpec((c_out, MB, 128), lambda m: (0, m, 0))

    return pl.pallas_call(
        kern,
        grid=(G,),
        in_specs=[
            pl.BlockSpec((C, MB, 128), lambda m: (0, m, 0)),
            pl.BlockSpec((C, MB, 128), lambda m: (0, m, 0)),
            pl.BlockSpec((_NC, MB, 128), lambda m: (0, m, 0)),
            pl.BlockSpec((C, 128, H), lambda m: (0, 0, 0)),
            pl.BlockSpec((C, 128, H), lambda m: (0, 0, 0)),
            pl.BlockSpec((1, H), lambda m: (0, 0)),
        ],
        out_shape=out_shape,
        out_specs=out_spec,
        compiler_params=pltpu.CompilerParams(
            dimension_semantics=("parallel",)),
    )(x, agg, deg, ws, wn, b)


def _chunk_major_padded(x):
    n, f = x.shape
    cm = x.reshape(n, f // 128, 128).transpose(1, 0, 2)
    return jnp.pad(cm, ((0, 0), (0, _NP - n), (0, 0)))


def kernel(feats, edge_index, W_self0, W_neigh0, b0,
           W_self1, W_neigh1, b1, W_self2, W_neigh2, b2):
    src = edge_index[0]
    dst = edge_index[1]
    cin = feats.shape[1] // 128
    ch = _H // 128

    x0 = _chunk_major_padded(feats)
    deg = _deg_fn()(dst)

    agg0 = _segsum_fn(cin)(x0.reshape(cin * _NP, 128), src, dst)
    h1 = _mm(x0, agg0.reshape(cin, _NP, 128), deg,
             W_self0.reshape(cin, 128, _H), W_neigh0.reshape(cin, 128, _H),
             b0.reshape(1, _H), relu=True, c_out=ch)

    agg1 = _segsum_fn(ch)(h1.reshape(ch * _NP, 128), src, dst)
    h2 = _mm(h1, agg1.reshape(ch, _NP, 128), deg,
             W_self1.reshape(ch, 128, _H), W_neigh1.reshape(ch, 128, _H),
             b1.reshape(1, _H), relu=True, c_out=ch)

    agg2 = _segsum_fn(ch)(h2.reshape(ch * _NP, 128), src, dst)
    out = _mm(h2, agg2.reshape(ch, _NP, 128), deg,
              W_self2.reshape(ch, 128, _H), W_neigh2.reshape(ch, 128, _H),
              b2.reshape(1, _H), relu=False, c_out=None)
    return out[:_N]

# --- scband reference (transcript-rebuilt; emitter-appended) ---
"""Pipeline reference for scband-sageunsupervised-51213190038181 (READ-ONLY COPY).

The authoritative reference and input builder live on the scoring server;
editing this copy changes nothing except your own understanding.
"""

import jax, jax.numpy as jnp
import numpy as np

N = 10000
E = 160000
IN = 256
H = 512


def _init_w(key, fan_in, fan_out):
    return jax.random.normal(key, (fan_in, fan_out), dtype=jnp.float32) * (1.0 / np.sqrt(fan_in))


def setup_inputs(seed: int = 0) -> dict:
    key = jax.random.key(seed)
    ks = jax.random.split(key, 10)
    feats = jax.random.normal(ks[0], (N, IN), dtype=jnp.float32)
    edge_index = jax.random.randint(ks[1], (2, E), 0, N, dtype=jnp.int32)
    return {
        'feats': feats,
        'edge_index': edge_index,
        'W_self0': _init_w(ks[2], IN, H),
        'W_neigh0': _init_w(ks[3], IN, H),
        'b0': jnp.zeros((H,), dtype=jnp.float32),
        'W_self1': _init_w(ks[4], H, H),
        'W_neigh1': _init_w(ks[5], H, H),
        'b1': jnp.zeros((H,), dtype=jnp.float32),
        'W_self2': _init_w(ks[6], H, H),
        'W_neigh2': _init_w(ks[7], H, H),
        'b2': jnp.zeros((H,), dtype=jnp.float32),
    }


def _sage_layer(h, src, dst, W_self, W_neigh, b):
    # DGL SAGEConv with 'mean' aggregator: fc_self(h_dst) + fc_neigh(mean_{u in N(v)} h_u) + b
    msg = jnp.take(h, src, axis=0)
    agg = jnp.zeros((N, h.shape[1]), dtype=h.dtype).at[dst].add(msg)
    deg = jnp.zeros((N,), dtype=h.dtype).at[dst].add(1.0)
    h_neigh = agg / jnp.maximum(deg, 1.0)[:, None]
    return h @ W_self + h_neigh @ W_neigh + b


def reference(feats, edge_index, W_self0, W_neigh0, b0, W_self1, W_neigh1, b1, W_self2, W_neigh2, b2):
    src = edge_index[0]
    dst = edge_index[1]
    h = _sage_layer(feats, src, dst, W_self0, W_neigh0, b0)
    h = jax.nn.relu(h)
    h = _sage_layer(h, src, dst, W_self1, W_neigh1, b1)
    h = jax.nn.relu(h)
    h = _sage_layer(h, src, dst, W_self2, W_neigh2, b2)
    return h

if __name__ == "__main__":
    import jax
    _d = setup_inputs()
    print(jax.jit(kernel)(*tuple(_d.values())))

</pallas_src>

<mosaic_0001>
#map = affine_map<(d0, d1) -> (0)>
#map1 = affine_map<(d0, d1) -> (0, 0, 0)>
module attributes {stable_mosaic.version = 14 : i64} {
  func.func @deg(%arg0: i32, %arg1: i32, %arg2: memref<160000xi32, #tpu.memory_space<hbm>>, %arg3: memref<2x10240x128xf32, #tpu.memory_space<hbm>>, %arg4: memref<1x128xi32, #tpu.memory_space<vmem>>, %arg5: memref<128x128xf32, #tpu.memory_space<vmem>>, %arg6: memref<128x128xf32, #tpu.memory_space<vmem>>, %arg7: memref<10240x128xf32, #tpu.memory_space<vmem_shared>>) attributes {dimension_semantics = [#tpu.dimension_semantics<core_parallel>, #tpu.dimension_semantics<subcore_parallel>], iteration_bounds = array<i64: 2, 16>, scalar_prefetch = 0 : i64, scratch_operands = 4 : i64, tpu.core_type = #tpu.core_type<sc_vector_subcore>, window_params = [{transform_indices = #map}, {transform_indices = #map1}]} {
    %scan3A = arith.constant 0 : i32
    %scan3A_0 = arith.constant 0 : i32
    %scan3A_1 = arith.constant 1024 : i32
    %scan3A_2 = arith.addi %scan3A_0, %scan3A_1 : i32
    %scan3A_3 = arith.constant 1 : i32
    scf.for %scan3A_78 = %scan3A_0 to %scan3A_2 step %scan3A_3  : i32 {
      %jit3A_79 = arith.constant 8 : i32
      %div3A_80 = arith.divsi %scan3A_78, %jit3A_79 : i32
      %sign3A_81 = arith.constant 0 : i32
      %sign3A_82 = arith.cmpi sgt, %scan3A_78, %sign3A_81 : i32
      %sign3A_83 = arith.extui %sign3A_82 : i1 to i32
      %sign3A_84 = arith.constant 0 : i32
      %sign3A_85 = arith.cmpi slt, %scan3A_78, %sign3A_84 : i32
      %sign3A_86 = arith.extui %sign3A_85 : i1 to i32
      %sign3A_87 = arith.subi %sign3A_83, %sign3A_86 : i32
      %sign3A_88 = arith.constant 0 : i32
      %sign3A_89 = arith.cmpi sgt, %jit3A_79, %sign3A_88 : i32
      %sign3A_90 = arith.extui %sign3A_89 : i1 to i32
      %sign3A_91 = arith.constant 0 : i32
      %sign3A_92 = arith.cmpi slt, %jit3A_79, %sign3A_91 : i32
      %sign3A_93 = arith.extui %sign3A_92 : i1 to i32
      %sign3A_94 = arith.subi %sign3A_90, %sign3A_93 : i32
      %ne3A_95 = arith.cmpi ne, %sign3A_87, %sign3A_94 : i32
      %rem3A_96 = arith.remsi %scan3A_78, %jit3A_79 : i32
      %ne3A_97 = arith.constant 0 : i32
      %ne3A_98 = arith.cmpi ne, %rem3A_96, %ne3A_97 : i32
      %and3A_99 = arith.andi %ne3A_95, %ne3A_98 : i1
      %sub3A_100 = arith.constant 1 : i32
      %sub3A_101 = arith.subi %div3A_80, %sub3A_100 : i32
      %select_n3A_102 = arith.select %and3A_99, %sub3A_101, %div3A_80 : i32
      %jit3A_103 = arith.constant 8 : i32
      %eq3A = arith.constant 0 : i32
      %eq3A_104 = arith.cmpi eq, %jit3A_103, %eq3A : i32
      %jit3A_105 = arith.constant 1 : i32
      %select_n3A_106 = arith.select %eq3A_104, %jit3A_105, %jit3A_103 : i32
      %rem3A_107 = arith.remsi %scan3A_78, %select_n3A_106 : i32
      %ne3A_108 = arith.constant 0 : i32
      %ne3A_109 = arith.cmpi ne, %rem3A_107, %ne3A_108 : i32
      %lt3A = arith.constant 0 : i32
      %lt3A_110 = arith.cmpi slt, %rem3A_107, %lt3A : i32
      %lt3A_111 = arith.constant 0 : i32
      %lt3A_112 = arith.cmpi slt, %select_n3A_106, %lt3A_111 : i32
      %ne3A_113 = arith.xori %lt3A_110, %lt3A_112 : i1
      %and3A_114 = arith.andi %ne3A_113, %ne3A_109 : i1
      %add3A_115 = arith.addi %rem3A_107, %select_n3A_106 : i32
      %select_n3A_116 = arith.select %and3A_114, %add3A_115, %rem3A_107 : i32
      %mul3A_117 = arith.constant 16 : i32
      %mul3A_118 = arith.muli %select_n3A_116, %mul3A_117 : i32
      %broadcast_in_dim3A = arith.constant 1.000000e+00 : f32
      %broadcast_in_dim3A_119 = vector.broadcast %broadcast_in_dim3A : f32 to vector<16xf32>
      %swap3A = arith.index_cast %select_n3A_102 : i32 to index
      %swap3A_120 = arith.index_cast %mul3A_118 : i32 to index
      %swap3A_121 = tpu.vector_load %arg5[%swap3A, %swap3A_120] {strides = array<i32>} : memref<128x128xf32, #tpu.memory_space<vmem>>, vector<1x16xf32>,
      %swap3A_122 = vector.shape_cast %swap3A_121 : vector<1x16xf32> to vector<16xf32>
      %swap3A_123 = vector.shape_cast %broadcast_in_dim3A_119 : vector<16xf32> to vector<1x16xf32>
      tpu.vector_store %arg5[%swap3A, %swap3A_120], %swap3A_123 {strides = array<i32>} : memref<128x128xf32, #tpu.memory_space<vmem>>, vector<1x16xf32>,
      %broadcast_in_dim3A_124 = arith.constant 0.000000e+00 : f32
      %broadcast_in_dim3A_125 = vector.broadcast %broadcast_in_dim3A_124 : f32 to vector<16xf32>
      %swap3A_126 = arith.index_cast %select_n3A_102 : i32 to index
      %swap3A_127 = arith.index_cast %mul3A_118 : i32 to index
      %swap3A_128 = tpu.vector_load %arg6[%swap3A_126, %swap3A_127] {strides = array<i32>} : memref<128x128xf32, #tpu.memory_space<vmem>>, vector<1x16xf32>,
      %swap3A_129 = vector.shape_cast %swap3A_128 : vector<1x16xf32> to vector<16xf32>
      %swap3A_130 = vector.shape_cast %broadcast_in_dim3A_125 : vector<16xf32> to vector<1x16xf32>
      tpu.vector_store %arg6[%swap3A_126, %swap3A_127], %swap3A_130 {strides = array<i32>} : memref<128x128xf32, #tpu.memory_space<vmem>>, vector<1x16xf32>,
    }
    %scan3A_4 = arith.constant 1024 : i32
    %mul3A = arith.constant 640 : i32
    %mul3A_5 = arith.muli %arg1, %mul3A : i32
    %add3A = arith.constant 0 : i32
    %add3A_6 = arith.addi %mul3A_5, %add3A : i32
    "tpu.region"() ({
      %run_scoped3A = tpu.sem_alloc : memref<!tpu.dma_semaphore, #tpu.memory_space<semaphore_mem>>
      %dma_start3A = arith.constant 0 : i32
      %dma_start3A_78 = tpu.memref_slice %arg7[%add3A_6, %dma_start3A] : memref<10240x128xf32, #tpu.memory_space<vmem_shared>> -> memref<128x128xf32, #tpu.memory_space<vmem_shared>>
      %dma_start3A_79 = arith.constant 0 : i32
      %dma_start3A_80 = tpu.memref_slice %arg7[%add3A_6, %dma_start3A_79] : memref<10240x128xf32, #tpu.memory_space<vmem_shared>> -> memref<128x128xf32, #tpu.memory_space<vmem_shared>>
      tpu.enqueue_dma source(%arg6 : memref<128x128xf32, #tpu.memory_space<vmem>>) target(%dma_start3A_80 : memref<128x128xf32, #tpu.memory_space<vmem_shared>>) target_semaphore(%run_scoped3A : memref<!tpu.dma_semaphore, #tpu.memory_space<semaphore_mem>>)
      %dma_wait3A = arith.constant 0 : i32
      %dma_wait3A_81 = tpu.memref_slice %arg7[%add3A_6, %dma_wait3A] : memref<10240x128xf32, #tpu.memory_space<vmem_shared>> -> memref<128x128xf32, #tpu.memory_space<vmem_shared>>
      %dma_wait3A_82 = arith.constant 0 : i32
      %dma_wait3A_83 = tpu.memref_slice %arg7[%add3A_6, %dma_wait3A_82] : memref<10240x128xf32, #tpu.memory_space<vmem_shared>> -> memref<128x128xf32, #tpu.memory_space<vmem_shared>>
      tpu.wait_dma2 semaphore(%run_scoped3A : memref<!tpu.dma_semaphore, #tpu.memory_space<semaphore_mem>>) src(%arg6 : memref<128x128xf32, #tpu.memory_space<vmem>>) dst(%dma_wait3A_83 : memref<128x128xf32, #tpu.memory_space<vmem_shared>>)
      tpu.yield
    }) : () -> ()
    %mul3A_7 = arith.constant 640 : i32
    %mul3A_8 = arith.muli %arg1, %mul3A_7 : i32
    %add3A_9 = arith.constant 128 : i32
    %add3A_10 = arith.addi %mul3A_8, %add3A_9 : i32
    "tpu.region"() ({
      %run_scoped3A = tpu.sem_alloc : memref<!tpu.dma_semaphore, #tpu.memory_space<semaphore_mem>>
      %dma_start3A = arith.constant 0 : i32
      %dma_start3A_78 = tpu.memref_slice %arg7[%add3A_10, %dma_start3A] : memref<10240x128xf32, #tpu.memory_space<vmem_shared>> -> memref<128x128xf32, #tpu.memory_space<vmem_shared>>
      %dma_start3A_79 = arith.constant 0 : i32
      %dma_start3A_80 = tpu.memref_slice %arg7[%add3A_10, %dma_start3A_79] : memref<10240x128xf32, #tpu.memory_space<vmem_shared>> -> memref<128x128xf32, #tpu.memory_space<vmem_shared>>
      tpu.enqueue_dma source(%arg6 : memref<128x128xf32, #tpu.memory_space<vmem>>) target(%dma_start3A_80 : memref<128x128xf32, #tpu.memory_space<vmem_shared>>) target_semaphore(%run_scoped3A : memref<!tpu.dma_semaphore, #tpu.memory_space<semaphore_mem>>)
      %dma_wait3A = arith.constant 0 : i32
      %dma_wait3A_81 = tpu.memref_slice %arg7[%add3A_10, %dma_wait3A] : memref<10240x128xf32, #tpu.memory_space<vmem_shared>> -> memref<128x128xf32, #tpu.memory_space<vmem_shared>>
      %dma_wait3A_82 = arith.constant 0 : i32
      %dma_wait3A_83 = tpu.memref_slice %arg7[%add3A_10, %dma_wait3A_82] : memref<10240x128xf32, #tpu.memory_space<vmem_shared>> -> memref<128x128xf32, #tpu.memory_space<vmem_shared>>
      tpu.wait_dma2 semaphore(%run_scoped3A : memref<!tpu.dma_semaphore, #tpu.memory_space<semaphore_mem>>) src(%arg6 : memref<128x128xf32, #tpu.memory_space<vmem>>) dst(%dma_wait3A_83 : memref<128x128xf32, #tpu.memory_space<vmem_shared>>)
      tpu.yield
    }) : () -> ()
    %mul3A_11 = arith.constant 640 : i32
    %mul3A_12 = arith.muli %arg1, %mul3A_11 : i32
    %add3A_13 = arith.constant 256 : i32
    %add3A_14 = arith.addi %mul3A_12, %add3A_13 : i32
    "tpu.region"() ({
      %run_scoped3A = tpu.sem_alloc : memref<!tpu.dma_semaphore, #tpu.memory_space<semaphore_mem>>
      %dma_start3A = arith.constant 0 : i32
      %dma_start3A_78 = tpu.memref_slice %arg7[%add3A_14, %dma_start3A] : memref<10240x128xf32, #tpu.memory_space<vmem_shared>> -> memref<128x128xf32, #tpu.memory_space<vmem_shared>>
      %dma_start3A_79 = arith.constant 0 : i32
      %dma_start3A_80 = tpu.memref_slice %arg7[%add3A_14, %dma_start3A_79] : memref<10240x128xf32, #tpu.memory_space<vmem_shared>> -> memref<128x128xf32, #tpu.memory_space<vmem_shared>>
      tpu.enqueue_dma source(%arg6 : memref<128x128xf32, #tpu.memory_space<vmem>>) target(%dma_start3A_80 : memref<128x128xf32, #tpu.memory_space<vmem_shared>>) target_semaphore(%run_scoped3A : memref<!tpu.dma_semaphore, #tpu.memory_space<semaphore_mem>>)
      %dma_wait3A = arith.constant 0 : i32
      %dma_wait3A_81 = tpu.memref_slice %arg7[%add3A_14, %dma_wait3A] : memref<10240x128xf32, #tpu.memory_space<vmem_shared>> -> memref<128x128xf32, #tpu.memory_space<vmem_shared>>
      %dma_wait3A_82 = arith.constant 0 : i32
      %dma_wait3A_83 = tpu.memref_slice %arg7[%add3A_14, %dma_wait3A_82] : memref<10240x128xf32, #tpu.memory_space<vmem_shared>> -> memref<128x128xf32, #tpu.memory_space<vmem_shared>>
      tpu.wait_dma2 semaphore(%run_scoped3A : memref<!tpu.dma_semaphore, #tpu.memory_space<semaphore_mem>>) src(%arg6 : memref<128x128xf32, #tpu.memory_space<vmem>>) dst(%dma_wait3A_83 : memref<128x128xf32, #tpu.memory_space<vmem_shared>>)
      tpu.yield
    }) : () -> ()
    %mul3A_15 = arith.constant 640 : i32
    %mul3A_16 = arith.muli %arg1, %mul3A_15 : i32
    %add3A_17 = arith.constant 384 : i32
    %add3A_18 = arith.addi %mul3A_16, %add3A_17 : i32
    "tpu.region"() ({
      %run_scoped3A = tpu.sem_alloc : memref<!tpu.dma_semaphore, #tpu.memory_space<semaphore_mem>>
      %dma_start3A = arith.constant 0 : i32
      %dma_start3A_78 = tpu.memref_slice %arg7[%add3A_18, %dma_start3A] : memref<10240x128xf32, #tpu.memory_space<vmem_shared>> -> memref<128x128xf32, #tpu.memory_space<vmem_shared>>
      %dma_start3A_79 = arith.constant 0 : i32
      %dma_start3A_80 = tpu.memref_slice %arg7[%add3A_18, %dma_start3A_79] : memref<10240x128xf32, #tpu.memory_space<vmem_shared>> -> memref<128x128xf32, #tpu.memory_space<vmem_shared>>
      tpu.enqueue_dma source(%arg6 : memref<128x128xf32, #tpu.memory_space<vmem>>) target(%dma_start3A_80 : memref<128x128xf32, #tpu.memory_space<vmem_shared>>) target_semaphore(%run_scoped3A : memref<!tpu.dma_semaphore, #tpu.memory_space<semaphore_mem>>)
      %dma_wait3A = arith.constant 0 : i32
      %dma_wait3A_81 = tpu.memref_slice %arg7[%add3A_18, %dma_wait3A] : memref<10240x128xf32, #tpu.memory_space<vmem_shared>> -> memref<128x128xf32, #tpu.memory_space<vmem_shared>>
      %dma_wait3A_82 = arith.constant 0 : i32
      %dma_wait3A_83 = tpu.memref_slice %arg7[%add3A_18, %dma_wait3A_82] : memref<10240x128xf32, #tpu.memory_space<vmem_shared>> -> memref<128x128xf32, #tpu.memory_space<vmem_shared>>
      tpu.wait_dma2 semaphore(%run_scoped3A : memref<!tpu.dma_semaphore, #tpu.memory_space<semaphore_mem>>) src(%arg6 : memref<128x128xf32, #tpu.memory_space<vmem>>) dst(%dma_wait3A_83 : memref<128x128xf32, #tpu.memory_space<vmem_shared>>)
      tpu.yield
    }) : () -> ()
    %mul3A_19 = arith.constant 640 : i32
    %mul3A_20 = arith.muli %arg1, %mul3A_19 : i32
    %add3A_21 = arith.constant 512 : i32
    %add3A_22 = arith.addi %mul3A_20, %add3A_21 : i32
    "tpu.region"() ({
      %run_scoped3A = tpu.sem_alloc : memref<!tpu.dma_semaphore, #tpu.memory_space<semaphore_mem>>
      %dma_start3A = arith.constant 0 : i32
      %dma_start3A_78 = tpu.memref_slice %arg7[%add3A_22, %dma_start3A] : memref<10240x128xf32, #tpu.memory_space<vmem_shared>> -> memref<128x128xf32, #tpu.memory_space<vmem_shared>>
      %dma_start3A_79 = arith.constant 0 : i32
      %dma_start3A_80 = tpu.memref_slice %arg7[%add3A_22, %dma_start3A_79] : memref<10240x128xf32, #tpu.memory_space<vmem_shared>> -> memref<128x128xf32, #tpu.memory_space<vmem_shared>>
      tpu.enqueue_dma source(%arg6 : memref<128x128xf32, #tpu.memory_space<vmem>>) target(%dma_start3A_80 : memref<128x128xf32, #tpu.memory_space<vmem_shared>>) target_semaphore(%run_scoped3A : memref<!tpu.dma_semaphore, #tpu.memory_space<semaphore_mem>>)
      %dma_wait3A = arith.constant 0 : i32
      %dma_wait3A_81 = tpu.memref_slice %arg7[%add3A_22, %dma_wait3A] : memref<10240x128xf32, #tpu.memory_space<vmem_shared>> -> memref<128x128xf32, #tpu.memory_space<vmem_shared>>
      %dma_wait3A_82 = arith.constant 0 : i32
      %dma_wait3A_83 = tpu.memref_slice %arg7[%add3A_22, %dma_wait3A_82] : memref<10240x128xf32, #tpu.memory_space<vmem_shared>> -> memref<128x128xf32, #tpu.memory_space<vmem_shared>>
      tpu.wait_dma2 semaphore(%run_scoped3A : memref<!tpu.dma_semaphore, #tpu.memory_space<semaphore_mem>>) src(%arg6 : memref<128x128xf32, #tpu.memory_space<vmem>>) dst(%dma_wait3A_83 : memref<128x128xf32, #tpu.memory_space<vmem_shared>>)
      tpu.yield
    }) : () -> ()
    %barrier3A = arith.constant 0 : index
    tpu.barrier barrier_id(%barrier3A)
    %mul3A_23 = arith.constant 2 : i32
    %mul3A_24 = arith.muli %arg1, %mul3A_23 : i32
    %add3A_25 = arith.addi %mul3A_24, %arg0 : i32
    %sub3A = arith.constant 1250 : i32
    %sub3A_26 = arith.subi %sub3A, %add3A_25 : i32
    %add3A_27 = arith.constant 32 : i32
    %add3A_28 = arith.addi %sub3A_26, %add3A_27 : i32
    %sub3A_29 = arith.constant 1 : i32
    %sub3A_30 = arith.subi %add3A_28, %sub3A_29 : i32
    %jit3A = arith.constant 32 : i32
    %div3A = arith.divsi %sub3A_30, %jit3A : i32
    %sign3A = arith.constant 0 : i32
    %sign3A_31 = arith.cmpi sgt, %sub3A_30, %sign3A : i32
    %sign3A_32 = arith.extui %sign3A_31 : i1 to i32
    %sign3A_33 = arith.constant 0 : i32
    %sign3A_34 = arith.cmpi slt, %sub3A_30, %sign3A_33 : i32
    %sign3A_35 = arith.extui %sign3A_34 : i1 to i32
    %sign3A_36 = arith.subi %sign3A_32, %sign3A_35 : i32
    %sign3A_37 = arith.constant 0 : i32
    %sign3A_38 = arith.cmpi sgt, %jit3A, %sign3A_37 : i32
    %sign3A_39 = arith.extui %sign3A_38 : i1 to i32
    %sign3A_40 = arith.constant 0 : i32
    %sign3A_41 = arith.cmpi slt, %jit3A, %sign3A_40 : i32
    %sign3A_42 = arith.extui %sign3A_41 : i1 to i32
    %sign3A_43 = arith.subi %sign3A_39, %sign3A_42 : i32
    %ne3A = arith.cmpi ne, %sign3A_36, %sign3A_43 : i32
    %rem3A = arith.remsi %sub3A_30, %jit3A : i32
    %ne3A_44 = arith.constant 0 : i32
    %ne3A_45 = arith.cmpi ne, %rem3A, %ne3A_44 : i32
    %and3A = arith.andi %ne3A, %ne3A_45 : i1
    %sub3A_46 = arith.constant 1 : i32
    %sub3A_47 = arith.subi %div3A, %sub3A_46 : i32
    %select_n3A = arith.select %and3A, %sub3A_47, %div3A : i32
    %while3A = arith.constant 0 : i32
    %while3A_48 = arith.constant 0 : i32
    %while3A_49 = arith.subi %select_n3A, %while3A_48 : i32
    %while3A_50 = arith.addi %while3A_48, %while3A_49 : i32
    %while3A_51 = arith.constant 1 : i32
    %while3A_52 = arith.divsi %while3A_49, %while3A_51 : i32
    %while3A_53 = arith.muli %while3A_52, %while3A_51 : i32
    %while3A_54 = arith.addi %while3A_48, %while3A_53 : i32
    %while3A_55 = arith.constant 1 : i32
    scf.for %while3A_78 = %while3A_48 to %while3A_54 step %while3A_55  : i32 {
      %mul3A_79 = arith.constant 32 : i32
      %mul3A_80 = arith.muli %while3A_78, %mul3A_79 : i32
      %add3A_81 = arith.addi %add3A_25, %mul3A_80 : i32
      %mul3A_82 = arith.constant 128 : i32
      %mul3A_83 = arith.muli %add3A_81, %mul3A_82 : i32
      %run_scoped3A = arith.constant 0 : i32
      "tpu.region"() ({
        %run_scoped3A_85 = tpu.sem_alloc : memref<!tpu.dma_semaphore, #tpu.memory_space<semaphore_mem>>
        %dma_start3A = arith.constant 0 : i32
        %dma_start3A_86 = tpu.memref_slice %arg4[%run_scoped3A, %dma_start3A] : memref<1x128xi32, #tpu.memory_space<vmem>> -> memref<1x128xi32, #tpu.memory_space<vmem>>
        %dma_start3A_87 = tpu.memref_squeeze %dma_start3A_86 : memref<1x128xi32, #tpu.memory_space<vmem>> -> memref<128xi32, #tpu.memory_space<vmem>>
        %dma_start3A_88 = tpu.memref_slice %arg2[%mul3A_83] : memref<160000xi32, #tpu.memory_space<hbm>> -> memref<128xi32, #tpu.memory_space<hbm>>
        %dma_start3A_89 = arith.constant 0 : i32
        %dma_start3A_90 = tpu.memref_slice %arg4[%run_scoped3A, %dma_start3A_89] : memref<1x128xi32, #tpu.memory_space<vmem>> -> memref<1x128xi32, #tpu.memory_space<vmem>>
        %dma_start3A_91 = tpu.memref_squeeze %dma_start3A_90 : memref<1x128xi32, #tpu.memory_space<vmem>> -> memref<128xi32, #tpu.memory_space<vmem>>
        %dma_start3A_92 = tpu.memref_slice %arg2[%mul3A_83] : memref<160000xi32, #tpu.memory_space<hbm>> -> memref<128xi32, #tpu.memory_space<hbm>>
        tpu.enqueue_dma source(%dma_start3A_92 : memref<128xi32, #tpu.memory_space<hbm>>) target(%dma_start3A_91 : memref<128xi32, #tpu.memory_space<vmem>>) target_semaphore(%run_scoped3A_85 : memref<!tpu.dma_semaphore, #tpu.memory_space<semaphore_mem>>)
        %dma_wait3A = arith.constant 0 : i32
        %dma_wait3A_93 = tpu.memref_slice %arg4[%run_scoped3A, %dma_wait3A] : memref<1x128xi32, #tpu.memory_space<vmem>> -> memref<1x128xi32, #tpu.memory_space<vmem>>
        %dma_wait3A_94 = tpu.memref_squeeze %dma_wait3A_93 : memref<1x128xi32, #tpu.memory_space<vmem>> -> memref<128xi32, #tpu.memory_space<vmem>>
        %dma_wait3A_95 = tpu.memref_slice %arg2[%mul3A_83] : memref<160000xi32, #tpu.memory_space<hbm>> -> memref<128xi32, #tpu.memory_space<hbm>>
        %dma_wait3A_96 = arith.constant 0 : i32
        %dma_wait3A_97 = tpu.memref_slice %arg4[%run_scoped3A, %dma_wait3A_96] : memref<1x128xi32, #tpu.memory_space<vmem>> -> memref<1x128xi32, #tpu.memory_space<vmem>>
        %dma_wait3A_98 = tpu.memref_squeeze %dma_wait3A_97 : memref<1x128xi32, #tpu.memory_space<vmem>> -> memref<128xi32, #tpu.memory_space<vmem>>
        %dma_wait3A_99 = tpu.memref_slice %arg2[%mul3A_83] : memref<160000xi32, #tpu.memory_space<hbm>> -> memref<128xi32, #tpu.memory_space<hbm>>
        tpu.wait_dma2 semaphore(%run_scoped3A_85 : memref<!tpu.dma_semaphore, #tpu.memory_space<semaphore_mem>>) src(%dma_wait3A_99 : memref<128xi32, #tpu.memory_space<hbm>>) dst(%dma_wait3A_98 : memref<128xi32, #tpu.memory_space<vmem>>)
        tpu.yield
      }) : () -> ()
      %run_scoped3A_84 = arith.constant 0 : i32
      "tpu.region"() ({
        %run_scoped3A_85 = tpu.sem_alloc : memref<!tpu.dma_semaphore, #tpu.memory_space<semaphore_mem>>
        %dma_start3A = arith.constant 0 : i32
        %dma_start3A_86 = tpu.memref_slice %arg4[%run_scoped3A_84, %dma_start3A] : memref<1x128xi32, #tpu.memory_space<vmem>> -> memref<1x128xi32, #tpu.memory_space<vmem>>
        %dma_start3A_87 = tpu.memref_squeeze %dma_start3A_86 : memref<1x128xi32, #tpu.memory_space<vmem>> -> memref<128xi32, #tpu.memory_space<vmem>>
        %dma_start3A_88 = arith.constant 0 : i32
        %dma_start3A_89 = arith.constant 0 : i32
        %dma_start3A_90 = tpu.memref_slice %arg7[%dma_start3A_88, %dma_start3A_89] : memref<10240x128xf32, #tpu.memory_space<vmem_shared>> -> memref<10240x128xf32, #tpu.memory_space<vmem_shared>>
        tpu.enqueue_indirect_dma source(%arg5 : memref<128x128xf32, #tpu.memory_space<vmem>>) target(%dma_start3A_90 : memref<10240x128xf32, #tpu.memory_space<vmem_shared>>) offsets(%dma_start3A_87 : memref<128xi32, #tpu.memory_space<vmem>>) semaphore(%run_scoped3A_85 : memref<!tpu.dma_semaphore, #tpu.memory_space<semaphore_mem>>) {add = true}
        %dma_wait3A = arith.constant 0 : i32
        %dma_wait3A_91 = tpu.memref_slice %arg4[%run_scoped3A_84, %dma_wait3A] : memref<1x128xi32, #tpu.memory_space<vmem>> -> memref<1x128xi32, #tpu.memory_space<vmem>>
        %dma_wait3A_92 = tpu.memref_squeeze %dma_wait3A_91 : memref<1x128xi32, #tpu.memory_space<vmem>> -> memref<128xi32, #tpu.memory_space<vmem>>
        %dma_wait3A_93 = arith.constant 0 : i32
        %dma_wait3A_94 = arith.constant 0 : i32
        %dma_wait3A_95 = tpu.memref_slice %arg7[%dma_wait3A_93, %dma_wait3A_94] : memref<10240x128xf32, #tpu.memory_space<vmem_shared>> -> memref<10240x128xf32, #tpu.memory_space<vmem_shared>>
        tpu.wait_indirect_dma semaphore(%run_scoped3A_85 : memref<!tpu.dma_semaphore, #tpu.memory_space<semaphore_mem>>) src(%arg5 : memref<128x128xf32, #tpu.memory_space<vmem>>) dst(%dma_wait3A_95 : memref<10240x128xf32, #tpu.memory_space<vmem_shared>>)
        tpu.yield
      }) : () -> ()
    }
    %while3A_56 = arith.constant 1 : i32
    scf.for %while3A_78 = %while3A_54 to %while3A_50 step %while3A_56  : i32 {
      %mul3A_79 = arith.constant 32 : i32
      %mul3A_80 = arith.muli %while3A_78, %mul3A_79 : i32
      %add3A_81 = arith.addi %add3A_25, %mul3A_80 : i32
      %mul3A_82 = arith.constant 128 : i32
      %mul3A_83 = arith.muli %add3A_81, %mul3A_82 : i32
      %run_scoped3A = arith.constant 0 : i32
      "tpu.region"() ({
        %run_scoped3A_85 = tpu.sem_alloc : memref<!tpu.dma_semaphore, #tpu.memory_space<semaphore_mem>>
        %dma_start3A = arith.constant 0 : i32
        %dma_start3A_86 = tpu.memref_slice %arg4[%run_scoped3A, %dma_start3A] : memref<1x128xi32, #tpu.memory_space<vmem>> -> memref<1x128xi32, #tpu.memory_space<vmem>>
        %dma_start3A_87 = tpu.memref_squeeze %dma_start3A_86 : memref<1x128xi32, #tpu.memory_space<vmem>> -> memref<128xi32, #tpu.memory_space<vmem>>
        %dma_start3A_88 = tpu.memref_slice %arg2[%mul3A_83] : memref<160000xi32, #tpu.memory_space<hbm>> -> memref<128xi32, #tpu.memory_space<hbm>>
        %dma_start3A_89 = arith.constant 0 : i32
        %dma_start3A_90 = tpu.memref_slice %arg4[%run_scoped3A, %dma_start3A_89] : memref<1x128xi32, #tpu.memory_space<vmem>> -> memref<1x128xi32, #tpu.memory_space<vmem>>
        %dma_start3A_91 = tpu.memref_squeeze %dma_start3A_90 : memref<1x128xi32, #tpu.memory_space<vmem>> -> memref<128xi32, #tpu.memory_space<vmem>>
        %dma_start3A_92 = tpu.memref_slice %arg2[%mul3A_83] : memref<160000xi32, #tpu.memory_space<hbm>> -> memref<128xi32, #tpu.memory_space<hbm>>
        tpu.enqueue_dma source(%dma_start3A_92 : memref<128xi32, #tpu.memory_space<hbm>>) target(%dma_start3A_91 : memref<128xi32, #tpu.memory_space<vmem>>) target_semaphore(%run_scoped3A_85 : memref<!tpu.dma_semaphore, #tpu.memory_space<semaphore_mem>>)
        %dma_wait3A = arith.constant 0 : i32
        %dma_wait3A_93 = tpu.memref_slice %arg4[%run_scoped3A, %dma_wait3A] : memref<1x128xi32, #tpu.memory_space<vmem>> -> memref<1x128xi32, #tpu.memory_space<vmem>>
        %dma_wait3A_94 = tpu.memref_squeeze %dma_wait3A_93 : memref<1x128xi32, #tpu.memory_space<vmem>> -> memref<128xi32, #tpu.memory_space<vmem>>
        %dma_wait3A_95 = tpu.memref_slice %arg2[%mul3A_83] : memref<160000xi32, #tpu.memory_space<hbm>> -> memref<128xi32, #tpu.memory_space<hbm>>
        %dma_wait3A_96 = arith.constant 0 : i32
        %dma_wait3A_97 = tpu.memref_slice %arg4[%run_scoped3A, %dma_wait3A_96] : memref<1x128xi32, #tpu.memory_space<vmem>> -> memref<1x128xi32, #tpu.memory_space<vmem>>
        %dma_wait3A_98 = tpu.memref_squeeze %dma_wait3A_97 : memref<1x128xi32, #tpu.memory_space<vmem>> -> memref<128xi32, #tpu.memory_space<vmem>>
        %dma_wait3A_99 = tpu.memref_slice %arg2[%mul3A_83] : memref<160000xi32, #tpu.memory_space<hbm>> -> memref<128xi32, #tpu.memory_space<hbm>>
        tpu.wait_dma2 semaphore(%run_scoped3A_85 : memref<!tpu.dma_semaphore, #tpu.memory_space<semaphore_mem>>) src(%dma_wait3A_99 : memref<128xi32, #tpu.memory_space<hbm>>) dst(%dma_wait3A_98 : memref<128xi32, #tpu.memory_space<vmem>>)
        tpu.yield
      }) : () -> ()
      %run_scoped3A_84 = arith.constant 0 : i32
      "tpu.region"() ({
        %run_scoped3A_85 = tpu.sem_alloc : memref<!tpu.dma_semaphore, #tpu.memory_space<semaphore_mem>>
        %dma_start3A = arith.constant 0 : i32
        %dma_start3A_86 = tpu.memref_slice %arg4[%run_scoped3A_84, %dma_start3A] : memref<1x128xi32, #tpu.memory_space<vmem>> -> memref<1x128xi32, #tpu.memory_space<vmem>>
        %dma_start3A_87 = tpu.memref_squeeze %dma_start3A_86 : memref<1x128xi32, #tpu.memory_space<vmem>> -> memref<128xi32, #tpu.memory_space<vmem>>
        %dma_start3A_88 = arith.constant 0 : i32
        %dma_start3A_89 = arith.constant 0 : i32
        %dma_start3A_90 = tpu.memref_slice %arg7[%dma_start3A_88, %dma_start3A_89] : memref<10240x128xf32, #tpu.memory_space<vmem_shared>> -> memref<10240x128xf32, #tpu.memory_space<vmem_shared>>
        tpu.enqueue_indirect_dma source(%arg5 : memref<128x128xf32, #tpu.memory_space<vmem>>) target(%dma_start3A_90 : memref<10240x128xf32, #tpu.memory_space<vmem_shared>>) offsets(%dma_start3A_87 : memref<128xi32, #tpu.memory_space<vmem>>) semaphore(%run_scoped3A_85 : memref<!tpu.dma_semaphore, #tpu.memory_space<semaphore_mem>>) {add = true}
        %dma_wait3A = arith.constant 0 : i32
        %dma_wait3A_91 = tpu.memref_slice %arg4[%run_scoped3A_84, %dma_wait3A] : memref<1x128xi32, #tpu.memory_space<vmem>> -> memref<1x128xi32, #tpu.memory_space<vmem>>
        %dma_wait3A_92 = tpu.memref_squeeze %dma_wait3A_91 : memref<1x128xi32, #tpu.memory_space<vmem>> -> memref<128xi32, #tpu.memory_space<vmem>>
        %dma_wait3A_93 = arith.constant 0 : i32
        %dma_wait3A_94 = arith.constant 0 : i32
        %dma_wait3A_95 = tpu.memref_slice %arg7[%dma_wait3A_93, %dma_wait3A_94] : memref<10240x128xf32, #tpu.memory_space<vmem_shared>> -> memref<10240x128xf32, #tpu.memory_space<vmem_shared>>
        tpu.wait_indirect_dma semaphore(%run_scoped3A_85 : memref<!tpu.dma_semaphore, #tpu.memory_space<semaphore_mem>>) src(%arg5 : memref<128x128xf32, #tpu.memory_space<vmem>>) dst(%dma_wait3A_95 : memref<10240x128xf32, #tpu.memory_space<vmem_shared>>)
        tpu.yield
      }) : () -> ()
    }
    %barrier3A_57 = arith.constant 0 : index
    tpu.barrier barrier_id(%barrier3A_57)
    %mul3A_58 = arith.constant 640 : i32
    %mul3A_59 = arith.muli %arg1, %mul3A_58 : i32
    %add3A_60 = arith.constant 0 : i32
    %add3A_61 = arith.addi %mul3A_59, %add3A_60 : i32
    "tpu.region"() ({
      %run_scoped3A = tpu.sem_alloc : memref<!tpu.dma_semaphore, #tpu.memory_space<semaphore_mem>>
      %dma_start3A = arith.constant 0 : i32
      %dma_start3A_78 = tpu.memref_slice %arg3[%arg0, %add3A_61, %dma_start3A] : memref<2x10240x128xf32, #tpu.memory_space<hbm>> -> memref<1x128x128xf32, #tpu.memory_space<hbm>>
      %dma_start3A_79 = tpu.memref_squeeze %dma_start3A_78 : memref<1x128x128xf32, #tpu.memory_space<hbm>> -> memref<128x128xf32, #tpu.memory_space<hbm>>
      %dma_start3A_80 = arith.constant 0 : i32
      %dma_start3A_81 = tpu.memref_slice %arg7[%add3A_61, %dma_start3A_80] : memref<10240x128xf32, #tpu.memory_space<vmem_shared>> -> memref<128x128xf32, #tpu.memory_space<vmem_shared>>
      tpu.enqueue_dma source(%dma_start3A_81 : memref<128x128xf32, #tpu.memory_space<vmem_shared>>) target(%dma_start3A_79 : memref<128x128xf32, #tpu.memory_space<hbm>>) target_semaphore(%run_scoped3A : memref<!tpu.dma_semaphore, #tpu.memory_space<semaphore_mem>>)
      %dma_wait3A = arith.constant 0 : i32
      %dma_wait3A_82 = tpu.memref_slice %arg3[%arg0, %add3A_61, %dma_wait3A] : memref<2x10240x128xf32, #tpu.memory_space<hbm>> -> memref<1x128x128xf32, #tpu.memory_space<hbm>>
      %dma_wait3A_83 = tpu.memref_squeeze %dma_wait3A_82 : memref<1x128x128xf32, #tpu.memory_space<hbm>> -> memref<128x128xf32, #tpu.memory_space<hbm>>
      %dma_wait3A_84 = arith.constant 0 : i32
      %dma_wait3A_85 = tpu.memref_slice %arg7[%add3A_61, %dma_wait3A_84] : memref<10240x128xf32, #tpu.memory_space<vmem_shared>> -> memref<128x128xf32, #tpu.memory_space<vmem_shared>>
      tpu.wait_dma2 semaphore(%run_scoped3A : memref<!tpu.dma_semaphore, #tpu.memory_space<semaphore_mem>>) src(%dma_wait3A_85 : memref<128x128xf32, #tpu.memory_space<vmem_shared>>) dst(%dma_wait3A_83 : memref<128x128xf32, #tpu.memory_space<hbm>>)
      tpu.yield
    }) : () -> ()
    %mul3A_62 = arith.constant 640 : i32
    %mul3A_63 = arith.muli %arg1, %mul3A_62 : i32
    %add3A_64 = arith.constant 128 : i32
    %add3A_65 = arith.addi %mul3A_63, %add3A_64 : i32
    "tpu.region"() ({
      %run_scoped3A = tpu.sem_alloc : memref<!tpu.dma_semaphore, #tpu.memory_space<semaphore_mem>>
      %dma_start3A = arith.constant 0 : i32
      %dma_start3A_78 = tpu.memref_slice %arg3[%arg0, %add3A_65, %dma_start3A] : memref<2x10240x128xf32, #tpu.memory_space<hbm>> -> memref<1x128x128xf32, #tpu.memory_space<hbm>>
      %dma_start3A_79 = tpu.memref_squeeze %dma_start3A_78 : memref<1x128x128xf32, #tpu.memory_space<hbm>> -> memref<128x128xf32, #tpu.memory_space<hbm>>
      %dma_start3A_80 = arith.constant 0 : i32
      %dma_start3A_81 = tpu.memref_slice %arg7[%add3A_65, %dma_start3A_80] : memref<10240x128xf32, #tpu.memory_space<vmem_shared>> -> memref<128x128xf32, #tpu.memory_space<vmem_shared>>
      tpu.enqueue_dma source(%dma_start3A_81 : memref<128x128xf32, #tpu.memory_space<vmem_shared>>) target(%dma_start3A_79 : memref<128x128xf32, #tpu.memory_space<hbm>>) target_semaphore(%run_scoped3A : memref<!tpu.dma_semaphore, #tpu.memory_space<semaphore_mem>>)
      %dma_wait3A = arith.constant 0 : i32
      %dma_wait3A_82 = tpu.memref_slice %arg3[%arg0, %add3A_65, %dma_wait3A] : memref<2x10240x128xf32, #tpu.memory_space<hbm>> -> memref<1x128x128xf32, #tpu.memory_space<hbm>>
      %dma_wait3A_83 = tpu.memref_squeeze %dma_wait3A_82 : memref<1x128x128xf32, #tpu.memory_space<hbm>> -> memref<128x128xf32, #tpu.memory_space<hbm>>
      %dma_wait3A_84 = arith.constant 0 : i32
      %dma_wait3A_85 = tpu.memref_slice %arg7[%add3A_65, %dma_wait3A_84] : memref<10240x128xf32, #tpu.memory_space<vmem_shared>> -> memref<128x128xf32, #tpu.memory_space<vmem_shared>>
      tpu.wait_dma2 semaphore(%run_scoped3A : memref<!tpu.dma_semaphore, #tpu.memory_space<semaphore_mem>>) src(%dma_wait3A_85 : memref<128x128xf32, #tpu.memory_space<vmem_shared>>) dst(%dma_wait3A_83 : memref<128x128xf32, #tpu.memory_space<hbm>>)
      tpu.yield
    }) : () -> ()
    %mul3A_66 = arith.constant 640 : i32
    %mul3A_67 = arith.muli %arg1, %mul3A_66 : i32
    %add3A_68 = arith.constant 256 : i32
    %add3A_69 = arith.addi %mul3A_67, %add3A_68 : i32
    "tpu.region"() ({
      %run_scoped3A = tpu.sem_alloc : memref<!tpu.dma_semaphore, #tpu.memory_space<semaphore_mem>>
      %dma_start3A = arith.constant 0 : i32
      %dma_start3A_78 = tpu.memref_slice %arg3[%arg0, %add3A_69, %dma_start3A] : memref<2x10240x128xf32, #tpu.memory_space<hbm>> -> memref<1x128x128xf32, #tpu.memory_space<hbm>>
      %dma_start3A_79 = tpu.memref_squeeze %dma_start3A_78 : memref<1x128x128xf32, #tpu.memory_space<hbm>> -> memref<128x128xf32, #tpu.memory_space<hbm>>
      %dma_start3A_80 = arith.constant 0 : i32
      %dma_start3A_81 = tpu.memref_slice %arg7[%add3A_69, %dma_start3A_80] : memref<10240x128xf32, #tpu.memory_space<vmem_shared>> -> memref<128x128xf32, #tpu.memory_space<vmem_shared>>
      tpu.enqueue_dma source(%dma_start3A_81 : memref<128x128xf32, #tpu.memory_space<vmem_shared>>) target(%dma_start3A_79 : memref<128x128xf32, #tpu.memory_space<hbm>>) target_semaphore(%run_scoped3A : memref<!tpu.dma_semaphore, #tpu.memory_space<semaphore_mem>>)
      %dma_wait3A = arith.constant 0 : i32
      %dma_wait3A_82 = tpu.memref_slice %arg3[%arg0, %add3A_69, %dma_wait3A] : memref<2x10240x128xf32, #tpu.memory_space<hbm>> -> memref<1x128x128xf32, #tpu.memory_space<hbm>>
      %dma_wait3A_83 = tpu.memref_squeeze %dma_wait3A_82 : memref<1x128x128xf32, #tpu.memory_space<hbm>> -> memref<128x128xf32, #tpu.memory_space<hbm>>
      %dma_wait3A_84 = arith.constant 0 : i32
      %dma_wait3A_85 = tpu.memref_slice %arg7[%add3A_69, %dma_wait3A_84] : memref<10240x128xf32, #tpu.memory_space<vmem_shared>> -> memref<128x128xf32, #tpu.memory_space<vmem_shared>>
      tpu.wait_dma2 semaphore(%run_scoped3A : memref<!tpu.dma_semaphore, #tpu.memory_space<semaphore_mem>>) src(%dma_wait3A_85 : memref<128x128xf32, #tpu.memory_space<vmem_shared>>) dst(%dma_wait3A_83 : memref<128x128xf32, #tpu.memory_space<hbm>>)
      tpu.yield
    }) : () -> ()
    %mul3A_70 = arith.constant 640 : i32
    %mul3A_71 = arith.muli %arg1, %mul3A_70 : i32
    %add3A_72 = arith.constant 384 : i32
    %add3A_73 = arith.addi %mul3A_71, %add3A_72 : i32
    "tpu.region"() ({
      %run_scoped3A = tpu.sem_alloc : memref<!tpu.dma_semaphore, #tpu.memory_space<semaphore_mem>>
      %dma_start3A = arith.constant 0 : i32
      %dma_start3A_78 = tpu.memref_slice %arg3[%arg0, %add3A_73, %dma_start3A] : memref<2x10240x128xf32, #tpu.memory_space<hbm>> -> memref<1x128x128xf32, #tpu.memory_space<hbm>>
      %dma_start3A_79 = tpu.memref_squeeze %dma_start3A_78 : memref<1x128x128xf32, #tpu.memory_space<hbm>> -> memref<128x128xf32, #tpu.memory_space<hbm>>
      %dma_start3A_80 = arith.constant 0 : i32
      %dma_start3A_81 = tpu.memref_slice %arg7[%add3A_73, %dma_start3A_80] : memref<10240x128xf32, #tpu.memory_space<vmem_shared>> -> memref<128x128xf32, #tpu.memory_space<vmem_shared>>
      tpu.enqueue_dma source(%dma_start3A_81 : memref<128x128xf32, #tpu.memory_space<vmem_shared>>) target(%dma_start3A_79 : memref<128x128xf32, #tpu.memory_space<hbm>>) target_semaphore(%run_scoped3A : memref<!tpu.dma_semaphore, #tpu.memory_space<semaphore_mem>>)
      %dma_wait3A = arith.constant 0 : i32
      %dma_wait3A_82 = tpu.memref_slice %arg3[%arg0, %add3A_73, %dma_wait3A] : memref<2x10240x128xf32, #tpu.memory_space<hbm>> -> memref<1x128x128xf32, #tpu.memory_space<hbm>>
      %dma_wait3A_83 = tpu.memref_squeeze %dma_wait3A_82 : memref<1x128x128xf32, #tpu.memory_space<hbm>> -> memref<128x128xf32, #tpu.memory_space<hbm>>
      %dma_wait3A_84 = arith.constant 0 : i32
      %dma_wait3A_85 = tpu.memref_slice %arg7[%add3A_73, %dma_wait3A_84] : memref<10240x128xf32, #tpu.memory_space<vmem_shared>> -> memref<128x128xf32, #tpu.memory_space<vmem_shared>>
      tpu.wait_dma2 semaphore(%run_scoped3A : memref<!tpu.dma_semaphore, #tpu.memory_space<semaphore_mem>>) src(%dma_wait3A_85 : memref<128x128xf32, #tpu.memory_space<vmem_shared>>) dst(%dma_wait3A_83 : memref<128x128xf32, #tpu.memory_space<hbm>>)
      tpu.yield
    }) : () -> ()
    %mul3A_74 = arith.constant 640 : i32
    %mul3A_75 = arith.muli %arg1, %mul3A_74 : i32
    %add3A_76 = arith.constant 512 : i32
    %add3A_77 = arith.addi %mul3A_75, %add3A_76 : i32
    "tpu.region"() ({
      %run_scoped3A = tpu.sem_alloc : memref<!tpu.dma_semaphore, #tpu.memory_space<semaphore_mem>>
      %dma_start3A = arith.constant 0 : i32
      %dma_start3A_78 = tpu.memref_slice %arg3[%arg0, %add3A_77, %dma_start3A] : memref<2x10240x128xf32, #tpu.memory_space<hbm>> -> memref<1x128x128xf32, #tpu.memory_space<hbm>>
      %dma_start3A_79 = tpu.memref_squeeze %dma_start3A_78 : memref<1x128x128xf32, #tpu.memory_space<hbm>> -> memref<128x128xf32, #tpu.memory_space<hbm>>
      %dma_start3A_80 = arith.constant 0 : i32
      %dma_start3A_81 = tpu.memref_slice %arg7[%add3A_77, %dma_start3A_80] : memref<10240x128xf32, #tpu.memory_space<vmem_shared>> -> memref<128x128xf32, #tpu.memory_space<vmem_shared>>
      tpu.enqueue_dma source(%dma_start3A_81 : memref<128x128xf32, #tpu.memory_space<vmem_shared>>) target(%dma_start3A_79 : memref<128x128xf32, #tpu.memory_space<hbm>>) target_semaphore(%run_scoped3A : memref<!tpu.dma_semaphore, #tpu.memory_space<semaphore_mem>>)
      %dma_wait3A = arith.constant 0 : i32
      %dma_wait3A_82 = tpu.memref_slice %arg3[%arg0, %add3A_77, %dma_wait3A] : memref<2x10240x128xf32, #tpu.memory_space<hbm>> -> memref<1x128x128xf32, #tpu.memory_space<hbm>>
      %dma_wait3A_83 = tpu.memref_squeeze %dma_wait3A_82 : memref<1x128x128xf32, #tpu.memory_space<hbm>> -> memref<128x128xf32, #tpu.memory_space<hbm>>
      %dma_wait3A_84 = arith.constant 0 : i32
      %dma_wait3A_85 = tpu.memref_slice %arg7[%add3A_77, %dma_wait3A_84] : memref<10240x128xf32, #tpu.memory_space<vmem_shared>> -> memref<128x128xf32, #tpu.memory_space<vmem_shared>>
      tpu.wait_dma2 semaphore(%run_scoped3A : memref<!tpu.dma_semaphore, #tpu.memory_space<semaphore_mem>>) src(%dma_wait3A_85 : memref<128x128xf32, #tpu.memory_space<vmem_shared>>) dst(%dma_wait3A_83 : memref<128x128xf32, #tpu.memory_space<hbm>>)
      tpu.yield
    }) : () -> ()
    return
  }
}

#map = affine_map<(d0, d1) -> (0, 0)>
#map1 = affine_map<(d0, d1) -> (0)>
module attributes {stable_mosaic.version = 14 : i64} {
  func.func @segsum(%arg0: i32, %arg1: i32, %arg2: memref<20480x128xf32, #tpu.memory_space<hbm>>, %arg3: memref<160000xi32, #tpu.memory_space<hbm>>, %arg4: memref<160000xi32, #tpu.memory_space<hbm>>, %arg5: memref<20480x128xf32, #tpu.memory_space<hbm>>, %arg6: memref<1x128xi32, #tpu.memory_space<vmem>>, %arg7: memref<1x128xi32, #tpu.memory_space<vmem>>, %arg8: memref<128x128xf32, #tpu.memory_space<vmem>>, %arg9: memref<128x128xf32, #tpu.memory_space<vmem>>, %arg10: memref<10240x128xf32, #tpu.memory_space<vmem_shared>>) attributes {dimension_semantics = [#tpu.dimension_semantics<core_parallel>, #tpu.dimension_semantics<subcore_parallel>], iteration_bounds = array<i64: 2, 16>, scalar_prefetch = 0 : i64, scratch_operands = 5 : i64, tpu.core_type = #tpu.core_type<sc_vector_subcore>, window_params = [{transform_indices = #map}, {transform_indices = #map1}, {transform_indices = #map1}, {transform_indices = #map}]} {
    %scan3A = arith.constant 0 : i32
    %scan3A_0 = arith.constant 0 : i32
    %scan3A_1 = arith.constant 1024 : i32
    %scan3A_2 = arith.addi %scan3A_0, %scan3A_1 : i32
    %scan3A_3 = arith.constant 1 : i32
    scf.for %scan3A_84 = %scan3A_0 to %scan3A_2 step %scan3A_3  : i32 {
      %jit3A_85 = arith.constant 8 : i32
      %div3A_86 = arith.divsi %scan3A_84, %jit3A_85 : i32
      %sign3A_87 = arith.constant 0 : i32
      %sign3A_88 = arith.cmpi sgt, %scan3A_84, %sign3A_87 : i32
      %sign3A_89 = arith.extui %sign3A_88 : i1 to i32
      %sign3A_90 = arith.constant 0 : i32
      %sign3A_91 = arith.cmpi slt, %scan3A_84, %sign3A_90 : i32
      %sign3A_92 = arith.extui %sign3A_91 : i1 to i32
      %sign3A_93 = arith.subi %sign3A_89, %sign3A_92 : i32
      %sign3A_94 = arith.constant 0 : i32
      %sign3A_95 = arith.cmpi sgt, %jit3A_85, %sign3A_94 : i32
      %sign3A_96 = arith.extui %sign3A_95 : i1 to i32
      %sign3A_97 = arith.constant 0 : i32
      %sign3A_98 = arith.cmpi slt, %jit3A_85, %sign3A_97 : i32
      %sign3A_99 = arith.extui %sign3A_98 : i1 to i32
      %sign3A_100 = arith.subi %sign3A_96, %sign3A_99 : i32
      %ne3A_101 = arith.cmpi ne, %sign3A_93, %sign3A_100 : i32
      %rem3A_102 = arith.remsi %scan3A_84, %jit3A_85 : i32
      %ne3A_103 = arith.constant 0 : i32
      %ne3A_104 = arith.cmpi ne, %rem3A_102, %ne3A_103 : i32
      %and3A_105 = arith.andi %ne3A_101, %ne3A_104 : i1
      %sub3A_106 = arith.constant 1 : i32
      %sub3A_107 = arith.subi %div3A_86, %sub3A_106 : i32
      %select_n3A_108 = arith.select %and3A_105, %sub3A_107, %div3A_86 : i32
      %jit3A_109 = arith.constant 8 : i32
      %eq3A = arith.constant 0 : i32
      %eq3A_110 = arith.cmpi eq, %jit3A_109, %eq3A : i32
      %jit3A_111 = arith.constant 1 : i32
      %select_n3A_112 = arith.select %eq3A_110, %jit3A_111, %jit3A_109 : i32
      %rem3A_113 = arith.remsi %scan3A_84, %select_n3A_112 : i32
      %ne3A_114 = arith.constant 0 : i32
      %ne3A_115 = arith.cmpi ne, %rem3A_113, %ne3A_114 : i32
      %lt3A = arith.constant 0 : i32
      %lt3A_116 = arith.cmpi slt, %rem3A_113, %lt3A : i32
      %lt3A_117 = arith.constant 0 : i32
      %lt3A_118 = arith.cmpi slt, %select_n3A_112, %lt3A_117 : i32
      %ne3A_119 = arith.xori %lt3A_116, %lt3A_118 : i1
      %and3A_120 = arith.andi %ne3A_119, %ne3A_115 : i1
      %add3A_121 = arith.addi %rem3A_113, %select_n3A_112 : i32
      %select_n3A_122 = arith.select %and3A_120, %add3A_121, %rem3A_113 : i32
      %mul3A_123 = arith.constant 16 : i32
      %mul3A_124 = arith.muli %select_n3A_122, %mul3A_123 : i32
      %broadcast_in_dim3A = arith.constant 0.000000e+00 : f32
      %broadcast_in_dim3A_125 = vector.broadcast %broadcast_in_dim3A : f32 to vector<16xf32>
      %swap3A = arith.index_cast %select_n3A_108 : i32 to index
      %swap3A_126 = arith.index_cast %mul3A_124 : i32 to index
      %swap3A_127 = tpu.vector_load %arg9[%swap3A, %swap3A_126] {strides = array<i32>} : memref<128x128xf32, #tpu.memory_space<vmem>>, vector<1x16xf32>,
      %swap3A_128 = vector.shape_cast %swap3A_127 : vector<1x16xf32> to vector<16xf32>
      %swap3A_129 = vector.shape_cast %broadcast_in_dim3A_125 : vector<16xf32> to vector<1x16xf32>
      tpu.vector_store %arg9[%swap3A, %swap3A_126], %swap3A_129 {strides = array<i32>} : memref<128x128xf32, #tpu.memory_space<vmem>>, vector<1x16xf32>,
    }
    %scan3A_4 = arith.constant 1024 : i32
    %add3A = arith.constant 0 : i32
    %add3A_5 = arith.addi %arg0, %add3A : i32
    %mul3A = arith.constant 10240 : i32
    %mul3A_6 = arith.muli %add3A_5, %mul3A : i32
    %mul3A_7 = arith.constant 640 : i32
    %mul3A_8 = arith.muli %arg1, %mul3A_7 : i32
    %add3A_9 = arith.constant 0 : i32
    %add3A_10 = arith.addi %mul3A_8, %add3A_9 : i32
    "tpu.region"() ({
      %run_scoped3A = tpu.sem_alloc : memref<!tpu.dma_semaphore, #tpu.memory_space<semaphore_mem>>
      %dma_start3A = arith.constant 0 : i32
      %dma_start3A_84 = tpu.memref_slice %arg10[%add3A_10, %dma_start3A] : memref<10240x128xf32, #tpu.memory_space<vmem_shared>> -> memref<128x128xf32, #tpu.memory_space<vmem_shared>>
      %dma_start3A_85 = arith.constant 0 : i32
      %dma_start3A_86 = tpu.memref_slice %arg10[%add3A_10, %dma_start3A_85] : memref<10240x128xf32, #tpu.memory_space<vmem_shared>> -> memref<128x128xf32, #tpu.memory_space<vmem_shared>>
      tpu.enqueue_dma source(%arg9 : memref<128x128xf32, #tpu.memory_space<vmem>>) target(%dma_start3A_86 : memref<128x128xf32, #tpu.memory_space<vmem_shared>>) target_semaphore(%run_scoped3A : memref<!tpu.dma_semaphore, #tpu.memory_space<semaphore_mem>>)
      %dma_wait3A = arith.constant 0 : i32
      %dma_wait3A_87 = tpu.memref_slice %arg10[%add3A_10, %dma_wait3A] : memref<10240x128xf32, #tpu.memory_space<vmem_shared>> -> memref<128x128xf32, #tpu.memory_space<vmem_shared>>
      %dma_wait3A_88 = arith.constant 0 : i32
      %dma_wait3A_89 = tpu.memref_slice %arg10[%add3A_10, %dma_wait3A_88] : memref<10240x128xf32, #tpu.memory_space<vmem_shared>> -> memref<128x128xf32, #tpu.memory_space<vmem_shared>>
      tpu.wait_dma2 semaphore(%run_scoped3A : memref<!tpu.dma_semaphore, #tpu.memory_space<semaphore_mem>>) src(%arg9 : memref<128x128xf32, #tpu.memory_space<vmem>>) dst(%dma_wait3A_89 : memref<128x128xf32, #tpu.memory_space<vmem_shared>>)
      tpu.yield
    }) : () -> ()
    %mul3A_11 = arith.constant 640 : i32
    %mul3A_12 = arith.muli %arg1, %mul3A_11 : i32
    %add3A_13 = arith.constant 128 : i32
    %add3A_14 = arith.addi %mul3A_12, %add3A_13 : i32
    "tpu.region"() ({
      %run_scoped3A = tpu.sem_alloc : memref<!tpu.dma_semaphore, #tpu.memory_space<semaphore_mem>>
      %dma_start3A = arith.constant 0 : i32
      %dma_start3A_84 = tpu.memref_slice %arg10[%add3A_14, %dma_start3A] : memref<10240x128xf32, #tpu.memory_space<vmem_shared>> -> memref<128x128xf32, #tpu.memory_space<vmem_shared>>
      %dma_start3A_85 = arith.constant 0 : i32
      %dma_start3A_86 = tpu.memref_slice %arg10[%add3A_14, %dma_start3A_85] : memref<10240x128xf32, #tpu.memory_space<vmem_shared>> -> memref<128x128xf32, #tpu.memory_space<vmem_shared>>
      tpu.enqueue_dma source(%arg9 : memref<128x128xf32, #tpu.memory_space<vmem>>) target(%dma_start3A_86 : memref<128x128xf32, #tpu.memory_space<vmem_shared>>) target_semaphore(%run_scoped3A : memref<!tpu.dma_semaphore, #tpu.memory_space<semaphore_mem>>)
      %dma_wait3A = arith.constant 0 : i32
      %dma_wait3A_87 = tpu.memref_slice %arg10[%add3A_14, %dma_wait3A] : memref<10240x128xf32, #tpu.memory_space<vmem_shared>> -> memref<128x128xf32, #tpu.memory_space<vmem_shared>>
      %dma_wait3A_88 = arith.constant 0 : i32
      %dma_wait3A_89 = tpu.memref_slice %arg10[%add3A_14, %dma_wait3A_88] : memref<10240x128xf32, #tpu.memory_space<vmem_shared>> -> memref<128x128xf32, #tpu.memory_space<vmem_shared>>
      tpu.wait_dma2 semaphore(%run_scoped3A : memref<!tpu.dma_semaphore, #tpu.memory_space<semaphore_mem>>) src(%arg9 : memref<128x128xf32, #tpu.memory_space<vmem>>) dst(%dma_wait3A_89 : memref<128x128xf32, #tpu.memory_space<vmem_shared>>)
      tpu.yield
    }) : () -> ()
    %mul3A_15 = arith.constant 640 : i32
    %mul3A_16 = arith.muli %arg1, %mul3A_15 : i32
    %add3A_17 = arith.constant 256 : i32
    %add3A_18 = arith.addi %mul3A_16, %add3A_17 : i32
    "tpu.region"() ({
      %run_scoped3A = tpu.sem_alloc : memref<!tpu.dma_semaphore, #tpu.memory_space<semaphore_mem>>
      %dma_start3A = arith.constant 0 : i32
      %dma_start3A_84 = tpu.memref_slice %arg10[%add3A_18, %dma_start3A] : memref<10240x128xf32, #tpu.memory_space<vmem_shared>> -> memref<128x128xf32, #tpu.memory_space<vmem_shared>>
      %dma_start3A_85 = arith.constant 0 : i32
      %dma_start3A_86 = tpu.memref_slice %arg10[%add3A_18, %dma_start3A_85] : memref<10240x128xf32, #tpu.memory_space<vmem_shared>> -> memref<128x128xf32, #tpu.memory_space<vmem_shared>>
      tpu.enqueue_dma source(%arg9 : memref<128x128xf32, #tpu.memory_space<vmem>>) target(%dma_start3A_86 : memref<128x128xf32, #tpu.memory_space<vmem_shared>>) target_semaphore(%run_scoped3A : memref<!tpu.dma_semaphore, #tpu.memory_space<semaphore_mem>>)
      %dma_wait3A = arith.constant 0 : i32
      %dma_wait3A_87 = tpu.memref_slice %arg10[%add3A_18, %dma_wait3A] : memref<10240x128xf32, #tpu.memory_space<vmem_shared>> -> memref<128x128xf32, #tpu.memory_space<vmem_shared>>
      %dma_wait3A_88 = arith.constant 0 : i32
      %dma_wait3A_89 = tpu.memref_slice %arg10[%add3A_18, %dma_wait3A_88] : memref<10240x128xf32, #tpu.memory_space<vmem_shared>> -> memref<128x128xf32, #tpu.memory_space<vmem_shared>>
      tpu.wait_dma2 semaphore(%run_scoped3A : memref<!tpu.dma_semaphore, #tpu.memory_space<semaphore_mem>>) src(%arg9 : memref<128x128xf32, #tpu.memory_space<vmem>>) dst(%dma_wait3A_89 : memref<128x128xf32, #tpu.memory_space<vmem_shared>>)
      tpu.yield
    }) : () -> ()
    %mul3A_19 = arith.constant 640 : i32
    %mul3A_20 = arith.muli %arg1, %mul3A_19 : i32
    %add3A_21 = arith.constant 384 : i32
    %add3A_22 = arith.addi %mul3A_20, %add3A_21 : i32
    "tpu.region"() ({
      %run_scoped3A = tpu.sem_alloc : memref<!tpu.dma_semaphore, #tpu.memory_space<semaphore_mem>>
      %dma_start3A = arith.constant 0 : i32
      %dma_start3A_84 = tpu.memref_slice %arg10[%add3A_22, %dma_start3A] : memref<10240x128xf32, #tpu.memory_space<vmem_shared>> -> memref<128x128xf32, #tpu.memory_space<vmem_shared>>
      %dma_start3A_85 = arith.constant 0 : i32
      %dma_start3A_86 = tpu.memref_slice %arg10[%add3A_22, %dma_start3A_85] : memref<10240x128xf32, #tpu.memory_space<vmem_shared>> -> memref<128x128xf32, #tpu.memory_space<vmem_shared>>
      tpu.enqueue_dma source(%arg9 : memref<128x128xf32, #tpu.memory_space<vmem>>) target(%dma_start3A_86 : memref<128x128xf32, #tpu.memory_space<vmem_shared>>) target_semaphore(%run_scoped3A : memref<!tpu.dma_semaphore, #tpu.memory_space<semaphore_mem>>)
      %dma_wait3A = arith.constant 0 : i32
      %dma_wait3A_87 = tpu.memref_slice %arg10[%add3A_22, %dma_wait3A] : memref<10240x128xf32, #tpu.memory_space<vmem_shared>> -> memref<128x128xf32, #tpu.memory_space<vmem_shared>>
      %dma_wait3A_88 = arith.constant 0 : i32
      %dma_wait3A_89 = tpu.memref_slice %arg10[%add3A_22, %dma_wait3A_88] : memref<10240x128xf32, #tpu.memory_space<vmem_shared>> -> memref<128x128xf32, #tpu.memory_space<vmem_shared>>
      tpu.wait_dma2 semaphore(%run_scoped3A : memref<!tpu.dma_semaphore, #tpu.memory_space<semaphore_mem>>) src(%arg9 : memref<128x128xf32, #tpu.memory_space<vmem>>) dst(%dma_wait3A_89 : memref<128x128xf32, #tpu.memory_space<vmem_shared>>)
      tpu.yield
    }) : () -> ()
    %mul3A_23 = arith.constant 640 : i32
    %mul3A_24 = arith.muli %arg1, %mul3A_23 : i32
    %add3A_25 = arith.constant 512 : i32
    %add3A_26 = arith.addi %mul3A_24, %add3A_25 : i32
    "tpu.region"() ({
      %run_scoped3A = tpu.sem_alloc : memref<!tpu.dma_semaphore, #tpu.memory_space<semaphore_mem>>
      %dma_start3A = arith.constant 0 : i32
      %dma_start3A_84 = tpu.memref_slice %arg10[%add3A_26, %dma_start3A] : memref<10240x128xf32, #tpu.memory_space<vmem_shared>> -> memref<128x128xf32, #tpu.memory_space<vmem_shared>>
      %dma_start3A_85 = arith.constant 0 : i32
      %dma_start3A_86 = tpu.memref_slice %arg10[%add3A_26, %dma_start3A_85] : memref<10240x128xf32, #tpu.memory_space<vmem_shared>> -> memref<128x128xf32, #tpu.memory_space<vmem_shared>>
      tpu.enqueue_dma source(%arg9 : memref<128x128xf32, #tpu.memory_space<vmem>>) target(%dma_start3A_86 : memref<128x128xf32, #tpu.memory_space<vmem_shared>>) target_semaphore(%run_scoped3A : memref<!tpu.dma_semaphore, #tpu.memory_space<semaphore_mem>>)
      %dma_wait3A = arith.constant 0 : i32
      %dma_wait3A_87 = tpu.memref_slice %arg10[%add3A_26, %dma_wait3A] : memref<10240x128xf32, #tpu.memory_space<vmem_shared>> -> memref<128x128xf32, #tpu.memory_space<vmem_shared>>
      %dma_wait3A_88 = arith.constant 0 : i32
      %dma_wait3A_89 = tpu.memref_slice %arg10[%add3A_26, %dma_wait3A_88] : memref<10240x128xf32, #tpu.memory_space<vmem_shared>> -> memref<128x128xf32, #tpu.memory_space<vmem_shared>>
      tpu.wait_dma2 semaphore(%run_scoped3A : memref<!tpu.dma_semaphore, #tpu.memory_space<semaphore_mem>>) src(%arg9 : memref<128x128xf32, #tpu.memory_space<vmem>>) dst(%dma_wait3A_89 : memref<128x128xf32, #tpu.memory_space<vmem_shared>>)
      tpu.yield
    }) : () -> ()
    %barrier3A = arith.constant 0 : index
    tpu.barrier barrier_id(%barrier3A)
    %sub3A = arith.constant 1250 : i32
    %sub3A_27 = arith.subi %sub3A, %arg1 : i32
    %add3A_28 = arith.constant 16 : i32
    %add3A_29 = arith.addi %sub3A_27, %add3A_28 : i32
    %sub3A_30 = arith.constant 1 : i32
    %sub3A_31 = arith.subi %add3A_29, %sub3A_30 : i32
    %jit3A = arith.constant 16 : i32
    %div3A = arith.divsi %sub3A_31, %jit3A : i32
    %sign3A = arith.constant 0 : i32
    %sign3A_32 = arith.cmpi sgt, %sub3A_31, %sign3A : i32
    %sign3A_33 = arith.extui %sign3A_32 : i1 to i32
    %sign3A_34 = arith.constant 0 : i32
    %sign3A_35 = arith.cmpi slt, %sub3A_31, %sign3A_34 : i32
    %sign3A_36 = arith.extui %sign3A_35 : i1 to i32
    %sign3A_37 = arith.subi %sign3A_33, %sign3A_36 : i32
    %sign3A_38 = arith.constant 0 : i32
    %sign3A_39 = arith.cmpi sgt, %jit3A, %sign3A_38 : i32
    %sign3A_40 = arith.extui %sign3A_39 : i1 to i32
    %sign3A_41 = arith.constant 0 : i32
    %sign3A_42 = arith.cmpi slt, %jit3A, %sign3A_41 : i32
    %sign3A_43 = arith.extui %sign3A_42 : i1 to i32
    %sign3A_44 = arith.subi %sign3A_40, %sign3A_43 : i32
    %ne3A = arith.cmpi ne, %sign3A_37, %sign3A_44 : i32
    %rem3A = arith.remsi %sub3A_31, %jit3A : i32
    %ne3A_45 = arith.constant 0 : i32
    %ne3A_46 = arith.cmpi ne, %rem3A, %ne3A_45 : i32
    %and3A = arith.andi %ne3A, %ne3A_46 : i1
    %sub3A_47 = arith.constant 1 : i32
    %sub3A_48 = arith.subi %div3A, %sub3A_47 : i32
    %select_n3A = arith.select %and3A, %sub3A_48, %div3A : i32
    %while3A = arith.constant 0 : i32
    %while3A_49 = arith.constant 0 : i32
    %while3A_50 = arith.subi %select_n3A, %while3A_49 : i32
    %while3A_51 = arith.addi %while3A_49, %while3A_50 : i32
    %while3A_52 = arith.constant 1 : i32
    %while3A_53 = arith.divsi %while3A_50, %while3A_52 : i32
    %while3A_54 = arith.muli %while3A_53, %while3A_52 : i32
    %while3A_55 = arith.addi %while3A_49, %while3A_54 : i32
    %while3A_56 = arith.constant 1 : i32
    scf.for %while3A_84 = %while3A_49 to %while3A_55 step %while3A_56  : i32 {
      %mul3A_85 = arith.constant 16 : i32
      %mul3A_86 = arith.muli %while3A_84, %mul3A_85 : i32
      %add3A_87 = arith.addi %arg1, %mul3A_86 : i32
      %mul3A_88 = arith.constant 128 : i32
      %mul3A_89 = arith.muli %add3A_87, %mul3A_88 : i32
      %run_scoped3A = arith.constant 0 : i32
      "tpu.region"() ({
        %run_scoped3A_195 = tpu.sem_alloc : memref<!tpu.dma_semaphore, #tpu.memory_space<semaphore_mem>>
        %dma_start3A = arith.constant 0 : i32
        %dma_start3A_196 = tpu.memref_slice %arg6[%run_scoped3A, %dma_start3A] : memref<1x128xi32, #tpu.memory_space<vmem>> -> memref<1x128xi32, #tpu.memory_space<vmem>>
        %dma_start3A_197 = tpu.memref_squeeze %dma_start3A_196 : memref<1x128xi32, #tpu.memory_space<vmem>> -> memref<128xi32, #tpu.memory_space<vmem>>
        %dma_start3A_198 = tpu.memref_slice %arg3[%mul3A_89] : memref<160000xi32, #tpu.memory_space<hbm>> -> memref<128xi32, #tpu.memory_space<hbm>>
        %dma_start3A_199 = arith.constant 0 : i32
        %dma_start3A_200 = tpu.memref_slice %arg6[%run_scoped3A, %dma_start3A_199] : memref<1x128xi32, #tpu.memory_space<vmem>> -> memref<1x128xi32, #tpu.memory_space<vmem>>
        %dma_start3A_201 = tpu.memref_squeeze %dma_start3A_200 : memref<1x128xi32, #tpu.memory_space<vmem>> -> memref<128xi32, #tpu.memory_space<vmem>>
        %dma_start3A_202 = tpu.memref_slice %arg3[%mul3A_89] : memref<160000xi32, #tpu.memory_space<hbm>> -> memref<128xi32, #tpu.memory_space<hbm>>
        tpu.enqueue_dma source(%dma_start3A_202 : memref<128xi32, #tpu.memory_space<hbm>>) target(%dma_start3A_201 : memref<128xi32, #tpu.memory_space<vmem>>) target_semaphore(%run_scoped3A_195 : memref<!tpu.dma_semaphore, #tpu.memory_space<semaphore_mem>>)
        %dma_wait3A = arith.constant 0 : i32
        %dma_wait3A_203 = tpu.memref_slice %arg6[%run_scoped3A, %dma_wait3A] : memref<1x128xi32, #tpu.memory_space<vmem>> -> memref<1x128xi32, #tpu.memory_space<vmem>>
        %dma_wait3A_204 = tpu.memref_squeeze %dma_wait3A_203 : memref<1x128xi32, #tpu.memory_space<vmem>> -> memref<128xi32, #tpu.memory_space<vmem>>
        %dma_wait3A_205 = tpu.memref_slice %arg3[%mul3A_89] : memref<160000xi32, #tpu.memory_space<hbm>> -> memref<128xi32, #tpu.memory_space<hbm>>
        %dma_wait3A_206 = arith.constant 0 : i32
        %dma_wait3A_207 = tpu.memref_slice %arg6[%run_scoped3A, %dma_wait3A_206] : memref<1x128xi32, #tpu.memory_space<vmem>> -> memref<1x128xi32, #tpu.memory_space<vmem>>
        %dma_wait3A_208 = tpu.memref_squeeze %dma_wait3A_207 : memref<1x128xi32, #tpu.memory_space<vmem>> -> memref<128xi32, #tpu.memory_space<vmem>>
        %dma_wait3A_209 = tpu.memref_slice %arg3[%mul3A_89] : memref<160000xi32, #tpu.memory_space<hbm>> -> memref<128xi32, #tpu.memory_space<hbm>>
        tpu.wait_dma2 semaphore(%run_scoped3A_195 : memref<!tpu.dma_semaphore, #tpu.memory_space<semaphore_mem>>) src(%dma_wait3A_209 : memref<128xi32, #tpu.memory_space<hbm>>) dst(%dma_wait3A_208 : memref<128xi32, #tpu.memory_space<vmem>>)
        tpu.yield
      }) : () -> ()
      %run_scoped3A_90 = arith.constant 0 : i32
      "tpu.region"() ({
        %run_scoped3A_195 = tpu.sem_alloc : memref<!tpu.dma_semaphore, #tpu.memory_space<semaphore_mem>>
        %dma_start3A = arith.constant 0 : i32
        %dma_start3A_196 = tpu.memref_slice %arg7[%run_scoped3A_90, %dma_start3A] : memref<1x128xi32, #tpu.memory_space<vmem>> -> memref<1x128xi32, #tpu.memory_space<vmem>>
        %dma_start3A_197 = tpu.memref_squeeze %dma_start3A_196 : memref<1x128xi32, #tpu.memory_space<vmem>> -> memref<128xi32, #tpu.memory_space<vmem>>
        %dma_start3A_198 = tpu.memref_slice %arg4[%mul3A_89] : memref<160000xi32, #tpu.memory_space<hbm>> -> memref<128xi32, #tpu.memory_space<hbm>>
        %dma_start3A_199 = arith.constant 0 : i32
        %dma_start3A_200 = tpu.memref_slice %arg7[%run_scoped3A_90, %dma_start3A_199] : memref<1x128xi32, #tpu.memory_space<vmem>> -> memref<1x128xi32, #tpu.memory_space<vmem>>
        %dma_start3A_201 = tpu.memref_squeeze %dma_start3A_200 : memref<1x128xi32, #tpu.memory_space<vmem>> -> memref<128xi32, #tpu.memory_space<vmem>>
        %dma_start3A_202 = tpu.memref_slice %arg4[%mul3A_89] : memref<160000xi32, #tpu.memory_space<hbm>> -> memref<128xi32, #tpu.memory_space<hbm>>
        tpu.enqueue_dma source(%dma_start3A_202 : memref<128xi32, #tpu.memory_space<hbm>>) target(%dma_start3A_201 : memref<128xi32, #tpu.memory_space<vmem>>) target_semaphore(%run_scoped3A_195 : memref<!tpu.dma_semaphore, #tpu.memory_space<semaphore_mem>>)
        %dma_wait3A = arith.constant 0 : i32
        %dma_wait3A_203 = tpu.memref_slice %arg7[%run_scoped3A_90, %dma_wait3A] : memref<1x128xi32, #tpu.memory_space<vmem>> -> memref<1x128xi32, #tpu.memory_space<vmem>>
        %dma_wait3A_204 = tpu.memref_squeeze %dma_wait3A_203 : memref<1x128xi32, #tpu.memory_space<vmem>> -> memref<128xi32, #tpu.memory_space<vmem>>
        %dma_wait3A_205 = tpu.memref_slice %arg4[%mul3A_89] : memref<160000xi32, #tpu.memory_space<hbm>> -> memref<128xi32, #tpu.memory_space<hbm>>
        %dma_wait3A_206 = arith.constant 0 : i32
        %dma_wait3A_207 = tpu.memref_slice %arg7[%run_scoped3A_90, %dma_wait3A_206] : memref<1x128xi32, #tpu.memory_space<vmem>> -> memref<1x128xi32, #tpu.memory_space<vmem>>
        %dma_wait3A_208 = tpu.memref_squeeze %dma_wait3A_207 : memref<1x128xi32, #tpu.memory_space<vmem>> -> memref<128xi32, #tpu.memory_space<vmem>>
        %dma_wait3A_209 = tpu.memref_slice %arg4[%mul3A_89] : memref<160000xi32, #tpu.memory_space<hbm>> -> memref<128xi32, #tpu.memory_space<hbm>>
        tpu.wait_dma2 semaphore(%run_scoped3A_195 : memref<!tpu.dma_semaphore, #tpu.memory_space<semaphore_mem>>) src(%dma_wait3A_209 : memref<128xi32, #tpu.memory_space<hbm>>) dst(%dma_wait3A_208 : memref<128xi32, #tpu.memory_space<vmem>>)
        tpu.yield
      }) : () -> ()
      %get3A = arith.constant 0 : i32
      %get3A_91 = arith.index_cast %get3A : i32 to index
      %get3A_92 = arith.constant 0 : index
      %get3A_93 = tpu.vector_load %arg6[%get3A_91, %get3A_92] {strides = array<i32>} : memref<1x128xi32, #tpu.memory_space<vmem>>, vector<1x16xi32>,
      %get3A_94 = vector.shape_cast %get3A_93 : vector<1x16xi32> to vector<16xi32>
      %add3A_95 = vector.broadcast %mul3A_6 : i32 to vector<16xi32>
      %add3A_96 = arith.addi %get3A_94, %add3A_95 : vector<16xi32>
      %swap3A = arith.constant 0 : i32
      %swap3A_97 = arith.index_cast %swap3A : i32 to index
      %swap3A_98 = arith.constant 0 : index
      %swap3A_99 = tpu.vector_load %arg6[%swap3A_97, %swap3A_98] {strides = array<i32>} : memref<1x128xi32, #tpu.memory_space<vmem>>, vector<1x16xi32>,
      %swap3A_100 = vector.shape_cast %swap3A_99 : vector<1x16xi32> to vector<16xi32>
      %swap3A_101 = vector.shape_cast %add3A_96 : vector<16xi32> to vector<1x16xi32>
      tpu.vector_store %arg6[%swap3A_97, %swap3A_98], %swap3A_101 {strides = array<i32>} : memref<1x128xi32, #tpu.memory_space<vmem>>, vector<1x16xi32>,
      %get3A_102 = arith.constant 0 : i32
      %get3A_103 = arith.index_cast %get3A_102 : i32 to index
      %get3A_104 = arith.constant 16 : index
      %get3A_105 = tpu.vector_load %arg6[%get3A_103, %get3A_104] {strides = array<i32>} : memref<1x128xi32, #tpu.memory_space<vmem>>, vector<1x16xi32>,
      %get3A_106 = vector.shape_cast %get3A_105 : vector<1x16xi32> to vector<16xi32>
      %add3A_107 = vector.broadcast %mul3A_6 : i32 to vector<16xi32>
      %add3A_108 = arith.addi %get3A_106, %add3A_107 : vector<16xi32>
      %swap3A_109 = arith.constant 0 : i32
      %swap3A_110 = arith.index_cast %swap3A_109 : i32 to index
      %swap3A_111 = arith.constant 16 : index
      %swap3A_112 = tpu.vector_load %arg6[%swap3A_110, %swap3A_111] {strides = array<i32>} : memref<1x128xi32, #tpu.memory_space<vmem>>, vector<1x16xi32>,
      %swap3A_113 = vector.shape_cast %swap3A_112 : vector<1x16xi32> to vector<16xi32>
      %swap3A_114 = vector.shape_cast %add3A_108 : vector<16xi32> to vector<1x16xi32>
      tpu.vector_store %arg6[%swap3A_110, %swap3A_111], %swap3A_114 {strides = array<i32>} : memref<1x128xi32, #tpu.memory_space<vmem>>, vector<1x16xi32>,
      %get3A_115 = arith.constant 0 : i32
      %get3A_116 = arith.index_cast %get3A_115 : i32 to index
      %get3A_117 = arith.constant 32 : index
      %get3A_118 = tpu.vector_load %arg6[%get3A_116, %get3A_117] {strides = array<i32>} : memref<1x128xi32, #tpu.memory_space<vmem>>, vector<1x16xi32>,
      %get3A_119 = vector.shape_cast %get3A_118 : vector<1x16xi32> to vector<16xi32>
      %add3A_120 = vector.broadcast %mul3A_6 : i32 to vector<16xi32>
      %add3A_121 = arith.addi %get3A_119, %add3A_120 : vector<16xi32>
      %swap3A_122 = arith.constant 0 : i32
      %swap3A_123 = arith.index_cast %swap3A_122 : i32 to index
      %swap3A_124 = arith.constant 32 : index
      %swap3A_125 = tpu.vector_load %arg6[%swap3A_123, %swap3A_124] {strides = array<i32>} : memref<1x128xi32, #tpu.memory_space<vmem>>, vector<1x16xi32>,
      %swap3A_126 = vector.shape_cast %swap3A_125 : vector<1x16xi32> to vector<16xi32>
      %swap3A_127 = vector.shape_cast %add3A_121 : vector<16xi32> to vector<1x16xi32>
      tpu.vector_store %arg6[%swap3A_123, %swap3A_124], %swap3A_127 {strides = array<i32>} : memref<1x128xi32, #tpu.memory_space<vmem>>, vector<1x16xi32>,
      %get3A_128 = arith.constant 0 : i32
      %get3A_129 = arith.index_cast %get3A_128 : i32 to index
      %get3A_130 = arith.constant 48 : index
      %get3A_131 = tpu.vector_load %arg6[%get3A_129, %get3A_130] {strides = array<i32>} : memref<1x128xi32, #tpu.memory_space<vmem>>, vector<1x16xi32>,
      %get3A_132 = vector.shape_cast %get3A_131 : vector<1x16xi32> to vector<16xi32>
      %add3A_133 = vector.broadcast %mul3A_6 : i32 to vector<16xi32>
      %add3A_134 = arith.addi %get3A_132, %add3A_133 : vector<16xi32>
      %swap3A_135 = arith.constant 0 : i32
      %swap3A_136 = arith.index_cast %swap3A_135 : i32 to index
      %swap3A_137 = arith.constant 48 : index
      %swap3A_138 = tpu.vector_load %arg6[%swap3A_136, %swap3A_137] {strides = array<i32>} : memref<1x128xi32, #tpu.memory_space<vmem>>, vector<1x16xi32>,
      %swap3A_139 = vector.shape_cast %swap3A_138 : vector<1x16xi32> to vector<16xi32>
      %swap3A_140 = vector.shape_cast %add3A_134 : vector<16xi32> to vector<1x16xi32>
      tpu.vector_store %arg6[%swap3A_136, %swap3A_137], %swap3A_140 {strides = array<i32>} : memref<1x128xi32, #tpu.memory_space<vmem>>, vector<1x16xi32>,
      %get3A_141 = arith.constant 0 : i32
      %get3A_142 = arith.index_cast %get3A_141 : i32 to index
      %get3A_143 = arith.constant 64 : index
      %get3A_144 = tpu.vector_load %arg6[%get3A_142, %get3A_143] {strides = array<i32>} : memref<1x128xi32, #tpu.memory_space<vmem>>, vector<1x16xi32>,
      %get3A_145 = vector.shape_cast %get3A_144 : vector<1x16xi32> to vector<16xi32>
      %add3A_146 = vector.broadcast %mul3A_6 : i32 to vector<16xi32>
      %add3A_147 = arith.addi %get3A_145, %add3A_146 : vector<16xi32>
      %swap3A_148 = arith.constant 0 : i32
      %swap3A_149 = arith.index_cast %swap3A_148 : i32 to index
      %swap3A_150 = arith.constant 64 : index
      %swap3A_151 = tpu.vector_load %arg6[%swap3A_149, %swap3A_150] {strides = array<i32>} : memref<1x128xi32, #tpu.memory_space<vmem>>, vector<1x16xi32>,
      %swap3A_152 = vector.shape_cast %swap3A_151 : vector<1x16xi32> to vector<16xi32>
      %swap3A_153 = vector.shape_cast %add3A_147 : vector<16xi32> to vector<1x16xi32>
      tpu.vector_store %arg6[%swap3A_149, %swap3A_150], %swap3A_153 {strides = array<i32>} : memref<1x128xi32, #tpu.memory_space<vmem>>, vector<1x16xi32>,
      %get3A_154 = arith.constant 0 : i32
      %get3A_155 = arith.index_cast %get3A_154 : i32 to index
      %get3A_156 = arith.constant 80 : index
      %get3A_157 = tpu.vector_load %arg6[%get3A_155, %get3A_156] {strides = array<i32>} : memref<1x128xi32, #tpu.memory_space<vmem>>, vector<1x16xi32>,
      %get3A_158 = vector.shape_cast %get3A_157 : vector<1x16xi32> to vector<16xi32>
      %add3A_159 = vector.broadcast %mul3A_6 : i32 to vector<16xi32>
      %add3A_160 = arith.addi %get3A_158, %add3A_159 : vector<16xi32>
      %swap3A_161 = arith.constant 0 : i32
      %swap3A_162 = arith.index_cast %swap3A_161 : i32 to index
      %swap3A_163 = arith.constant 80 : index
      %swap3A_164 = tpu.vector_load %arg6[%swap3A_162, %swap3A_163] {strides = array<i32>} : memref<1x128xi32, #tpu.memory_space<vmem>>, vector<1x16xi32>,
      %swap3A_165 = vector.shape_cast %swap3A_164 : vector<1x16xi32> to vector<16xi32>
      %swap3A_166 = vector.shape_cast %add3A_160 : vector<16xi32> to vector<1x16xi32>
      tpu.vector_store %arg6[%swap3A_162, %swap3A_163], %swap3A_166 {strides = array<i32>} : memref<1x128xi32, #tpu.memory_space<vmem>>, vector<1x16xi32>,
      %get3A_167 = arith.constant 0 : i32
      %get3A_168 = arith.index_cast %get3A_167 : i32 to index
      %get3A_169 = arith.constant 96 : index
      %get3A_170 = tpu.vector_load %arg6[%get3A_168, %get3A_169] {strides = array<i32>} : memref<1x128xi32, #tpu.memory_space<vmem>>, vector<1x16xi32>,
      %get3A_171 = vector.shape_cast %get3A_170 : vector<1x16xi32> to vector<16xi32>
      %add3A_172 = vector.broadcast %mul3A_6 : i32 to vector<16xi32>
      %add3A_173 = arith.addi %get3A_171, %add3A_172 : vector<16xi32>
      %swap3A_174 = arith.constant 0 : i32
      %swap3A_175 = arith.index_cast %swap3A_174 : i32 to index
      %swap3A_176 = arith.constant 96 : index
      %swap3A_177 = tpu.vector_load %arg6[%swap3A_175, %swap3A_176] {strides = array<i32>} : memref<1x128xi32, #tpu.memory_space<vmem>>, vector<1x16xi32>,
      %swap3A_178 = vector.shape_cast %swap3A_177 : vector<1x16xi32> to vector<16xi32>
      %swap3A_179 = vector.shape_cast %add3A_173 : vector<16xi32> to vector<1x16xi32>
      tpu.vector_store %arg6[%swap3A_175, %swap3A_176], %swap3A_179 {strides = array<i32>} : memref<1x128xi32, #tpu.memory_space<vmem>>, vector<1x16xi32>,
      %get3A_180 = arith.constant 0 : i32
      %get3A_181 = arith.index_cast %get3A_180 : i32 to index
      %get3A_182 = arith.constant 112 : index
      %get3A_183 = tpu.vector_load %arg6[%get3A_181, %get3A_182] {strides = array<i32>} : memref<1x128xi32, #tpu.memory_space<vmem>>, vector<1x16xi32>,
      %get3A_184 = vector.shape_cast %get3A_183 : vector<1x16xi32> to vector<16xi32>
      %add3A_185 = vector.broadcast %mul3A_6 : i32 to vector<16xi32>
      %add3A_186 = arith.addi %get3A_184, %add3A_185 : vector<16xi32>
      %swap3A_187 = arith.constant 0 : i32
      %swap3A_188 = arith.index_cast %swap3A_187 : i32 to index
      %swap3A_189 = arith.constant 112 : index
      %swap3A_190 = tpu.vector_load %arg6[%swap3A_188, %swap3A_189] {strides = array<i32>} : memref<1x128xi32, #tpu.memory_space<vmem>>, vector<1x16xi32>,
      %swap3A_191 = vector.shape_cast %swap3A_190 : vector<1x16xi32> to vector<16xi32>
      %swap3A_192 = vector.shape_cast %add3A_186 : vector<16xi32> to vector<1x16xi32>
      tpu.vector_store %arg6[%swap3A_188, %swap3A_189], %swap3A_192 {strides = array<i32>} : memref<1x128xi32, #tpu.memory_space<vmem>>, vector<1x16xi32>,
      %run_scoped3A_193 = arith.constant 0 : i32
      "tpu.region"() ({
        %run_scoped3A_195 = tpu.sem_alloc : memref<!tpu.dma_semaphore, #tpu.memory_space<semaphore_mem>>
        %dma_start3A = arith.constant 0 : i32
        %dma_start3A_196 = tpu.memref_slice %arg6[%run_scoped3A_193, %dma_start3A] : memref<1x128xi32, #tpu.memory_space<vmem>> -> memref<1x128xi32, #tpu.memory_space<vmem>>
        %dma_start3A_197 = tpu.memref_squeeze %dma_start3A_196 : memref<1x128xi32, #tpu.memory_space<vmem>> -> memref<128xi32, #tpu.memory_space<vmem>>
        %dma_start3A_198 = arith.constant 0 : i32
        %dma_start3A_199 = arith.constant 0 : i32
        %dma_start3A_200 = tpu.memref_slice %arg2[%dma_start3A_198, %dma_start3A_199] : memref<20480x128xf32, #tpu.memory_space<hbm>> -> memref<20480x128xf32, #tpu.memory_space<hbm>>
        tpu.enqueue_indirect_dma source(%dma_start3A_200 : memref<20480x128xf32, #tpu.memory_space<hbm>>) target(%arg8 : memref<128x128xf32, #tpu.memory_space<vmem>>) offsets(%dma_start3A_197 : memref<128xi32, #tpu.memory_space<vmem>>) semaphore(%run_scoped3A_195 : memref<!tpu.dma_semaphore, #tpu.memory_space<semaphore_mem>>)
        %dma_wait3A = arith.constant 0 : i32
        %dma_wait3A_201 = tpu.memref_slice %arg6[%run_scoped3A_193, %dma_wait3A] : memref<1x128xi32, #tpu.memory_space<vmem>> -> memref<1x128xi32, #tpu.memory_space<vmem>>
        %dma_wait3A_202 = tpu.memref_squeeze %dma_wait3A_201 : memref<1x128xi32, #tpu.memory_space<vmem>> -> memref<128xi32, #tpu.memory_space<vmem>>
        %dma_wait3A_203 = arith.constant 0 : i32
        %dma_wait3A_204 = arith.constant 0 : i32
        %dma_wait3A_205 = tpu.memref_slice %arg2[%dma_wait3A_203, %dma_wait3A_204] : memref<20480x128xf32, #tpu.memory_space<hbm>> -> memref<20480x128xf32, #tpu.memory_space<hbm>>
        tpu.wait_indirect_dma semaphore(%run_scoped3A_195 : memref<!tpu.dma_semaphore, #tpu.memory_space<semaphore_mem>>) src(%dma_wait3A_205 : memref<20480x128xf32, #tpu.memory_space<hbm>>) dst(%arg8 : memref<128x128xf32, #tpu.memory_space<vmem>>)
        tpu.yield
      }) : () -> ()
      %run_scoped3A_194 = arith.constant 0 : i32
      "tpu.region"() ({
        %run_scoped3A_195 = tpu.sem_alloc : memref<!tpu.dma_semaphore, #tpu.memory_space<semaphore_mem>>
        %dma_start3A = arith.constant 0 : i32
        %dma_start3A_196 = tpu.memref_slice %arg7[%run_scoped3A_194, %dma_start3A] : memref<1x128xi32, #tpu.memory_space<vmem>> -> memref<1x128xi32, #tpu.memory_space<vmem>>
        %dma_start3A_197 = tpu.memref_squeeze %dma_start3A_196 : memref<1x128xi32, #tpu.memory_space<vmem>> -> memref<128xi32, #tpu.memory_space<vmem>>
        %dma_start3A_198 = arith.constant 0 : i32
        %dma_start3A_199 = arith.constant 0 : i32
        %dma_start3A_200 = tpu.memref_slice %arg10[%dma_start3A_198, %dma_start3A_199] : memref<10240x128xf32, #tpu.memory_space<vmem_shared>> -> memref<10240x128xf32, #tpu.memory_space<vmem_shared>>
        tpu.enqueue_indirect_dma source(%arg8 : memref<128x128xf32, #tpu.memory_space<vmem>>) target(%dma_start3A_200 : memref<10240x128xf32, #tpu.memory_space<vmem_shared>>) offsets(%dma_start3A_197 : memref<128xi32, #tpu.memory_space<vmem>>) semaphore(%run_scoped3A_195 : memref<!tpu.dma_semaphore, #tpu.memory_space<semaphore_mem>>) {add = true}
        %dma_wait3A = arith.constant 0 : i32
        %dma_wait3A_201 = tpu.memref_slice %arg7[%run_scoped3A_194, %dma_wait3A] : memref<1x128xi32, #tpu.memory_space<vmem>> -> memref<1x128xi32, #tpu.memory_space<vmem>>
        %dma_wait3A_202 = tpu.memref_squeeze %dma_wait3A_201 : memref<1x128xi32, #tpu.memory_space<vmem>> -> memref<128xi32, #tpu.memory_space<vmem>>
        %dma_wait3A_203 = arith.constant 0 : i32
        %dma_wait3A_204 = arith.constant 0 : i32
        %dma_wait3A_205 = tpu.memref_slice %arg10[%dma_wait3A_203, %dma_wait3A_204] : memref<10240x128xf32, #tpu.memory_space<vmem_shared>> -> memref<10240x128xf32, #tpu.memory_space<vmem_shared>>
        tpu.wait_indirect_dma semaphore(%run_scoped3A_195 : memref<!tpu.dma_semaphore, #tpu.memory_space<semaphore_mem>>) src(%arg8 : memref<128x128xf32, #tpu.memory_space<vmem>>) dst(%dma_wait3A_205 : memref<10240x128xf32, #tpu.memory_space<vmem_shared>>)
        tpu.yield
      }) : () -> ()
    }
    %while3A_57 = arith.constant 1 : i32
    scf.for %while3A_84 = %while3A_55 to %while3A_51 step %while3A_57  : i32 {
      %mul3A_85 = arith.constant 16 : i32
      %mul3A_86 = arith.muli %while3A_84, %mul3A_85 : i32
      %add3A_87 = arith.addi %arg1, %mul3A_86 : i32
      %mul3A_88 = arith.constant 128 : i32
      %mul3A_89 = arith.muli %add3A_87, %mul3A_88 : i32
      %run_scoped3A = arith.constant 0 : i32
      "tpu.region"() ({
        %run_scoped3A_195 = tpu.sem_alloc : memref<!tpu.dma_semaphore, #tpu.memory_space<semaphore_mem>>
        %dma_start3A = arith.constant 0 : i32
        %dma_start3A_196 = tpu.memref_slice %arg6[%run_scoped3A, %dma_start3A] : memref<1x128xi32, #tpu.memory_space<vmem>> -> memref<1x128xi32, #tpu.memory_space<vmem>>
        %dma_start3A_197 = tpu.memref_squeeze %dma_start3A_196 : memref<1x128xi32, #tpu.memory_space<vmem>> -> memref<128xi32, #tpu.memory_space<vmem>>
        %dma_start3A_198 = tpu.memref_slice %arg3[%mul3A_89] : memref<160000xi32, #tpu.memory_space<hbm>> -> memref<128xi32, #tpu.memory_space<hbm>>
        %dma_start3A_199 = arith.constant 0 : i32
        %dma_start3A_200 = tpu.memref_slice %arg6[%run_scoped3A, %dma_start3A_199] : memref<1x128xi32, #tpu.memory_space<vmem>> -> memref<1x128xi32, #tpu.memory_space<vmem>>
        %dma_start3A_201 = tpu.memref_squeeze %dma_start3A_200 : memref<1x128xi32, #tpu.memory_space<vmem>> -> memref<128xi32, #tpu.memory_space<vmem>>
        %dma_start3A_202 = tpu.memref_slice %arg3[%mul3A_89] : memref<160000xi32, #tpu.memory_space<hbm>> -> memref<128xi32, #tpu.memory_space<hbm>>
        tpu.enqueue_dma source(%dma_start3A_202 : memref<128xi32, #tpu.memory_space<hbm>>) target(%dma_start3A_201 : memref<128xi32, #tpu.memory_space<vmem>>) target_semaphore(%run_scoped3A_195 : memref<!tpu.dma_semaphore, #tpu.memory_space<semaphore_mem>>)
        %dma_wait3A = arith.constant 0 : i32
        %dma_wait3A_203 = tpu.memref_slice %arg6[%run_scoped3A, %dma_wait3A] : memref<1x128xi32, #tpu.memory_space<vmem>> -> memref<1x128xi32, #tpu.memory_space<vmem>>
        %dma_wait3A_204 = tpu.memref_squeeze %dma_wait3A_203 : memref<1x128xi32, #tpu.memory_space<vmem>> -> memref<128xi32, #tpu.memory_space<vmem>>
        %dma_wait3A_205 = tpu.memref_slice %arg3[%mul3A_89] : memref<160000xi32, #tpu.memory_space<hbm>> -> memref<128xi32, #tpu.memory_space<hbm>>
        %dma_wait3A_206 = arith.constant 0 : i32
        %dma_wait3A_207 = tpu.memref_slice %arg6[%run_scoped3A, %dma_wait3A_206] : memref<1x128xi32, #tpu.memory_space<vmem>> -> memref<1x128xi32, #tpu.memory_space<vmem>>
        %dma_wait3A_208 = tpu.memref_squeeze %dma_wait3A_207 : memref<1x128xi32, #tpu.memory_space<vmem>> -> memref<128xi32, #tpu.memory_space<vmem>>
        %dma_wait3A_209 = tpu.memref_slice %arg3[%mul3A_89] : memref<160000xi32, #tpu.memory_space<hbm>> -> memref<128xi32, #tpu.memory_space<hbm>>
        tpu.wait_dma2 semaphore(%run_scoped3A_195 : memref<!tpu.dma_semaphore, #tpu.memory_space<semaphore_mem>>) src(%dma_wait3A_209 : memref<128xi32, #tpu.memory_space<hbm>>) dst(%dma_wait3A_208 : memref<128xi32, #tpu.memory_space<vmem>>)
        tpu.yield
      }) : () -> ()
      %run_scoped3A_90 = arith.constant 0 : i32
      "tpu.region"() ({
        %run_scoped3A_195 = tpu.sem_alloc : memref<!tpu.dma_semaphore, #tpu.memory_space<semaphore_mem>>
        %dma_start3A = arith.constant 0 : i32
        %dma_start3A_196 = tpu.memref_slice %arg7[%run_scoped3A_90, %dma_start3A] : memref<1x128xi32, #tpu.memory_space<vmem>> -> memref<1x128xi32, #tpu.memory_space<vmem>>
        %dma_start3A_197 = tpu.memref_squeeze %dma_start3A_196 : memref<1x128xi32, #tpu.memory_space<vmem>> -> memref<128xi32, #tpu.memory_space<vmem>>
        %dma_start3A_198 = tpu.memref_slice %arg4[%mul3A_89] : memref<160000xi32, #tpu.memory_space<hbm>> -> memref<128xi32, #tpu.memory_space<hbm>>
        %dma_start3A_199 = arith.constant 0 : i32
        %dma_start3A_200 = tpu.memref_slice %arg7[%run_scoped3A_90, %dma_start3A_199] : memref<1x128xi32, #tpu.memory_space<vmem>> -> memref<1x128xi32, #tpu.memory_space<vmem>>
        %dma_start3A_201 = tpu.memref_squeeze %dma_start3A_200 : memref<1x128xi32, #tpu.memory_space<vmem>> -> memref<128xi32, #tpu.memory_space<vmem>>
        %dma_start3A_202 = tpu.memref_slice %arg4[%mul3A_89] : memref<160000xi32, #tpu.memory_space<hbm>> -> memref<128xi32, #tpu.memory_space<hbm>>
        tpu.enqueue_dma source(%dma_start3A_202 : memref<128xi32, #tpu.memory_space<hbm>>) target(%dma_start3A_201 : memref<128xi32, #tpu.memory_space<vmem>>) target_semaphore(%run_scoped3A_195 : memref<!tpu.dma_semaphore, #tpu.memory_space<semaphore_mem>>)
        %dma_wait3A = arith.constant 0 : i32
        %dma_wait3A_203 = tpu.memref_slice %arg7[%run_scoped3A_90, %dma_wait3A] : memref<1x128xi32, #tpu.memory_space<vmem>> -> memref<1x128xi32, #tpu.memory_space<vmem>>
        %dma_wait3A_204 = tpu.memref_squeeze %dma_wait3A_203 : memref<1x128xi32, #tpu.memory_space<vmem>> -> memref<128xi32, #tpu.memory_space<vmem>>
        %dma_wait3A_205 = tpu.memref_slice %arg4[%mul3A_89] : memref<160000xi32, #tpu.memory_space<hbm>> -> memref<128xi32, #tpu.memory_space<hbm>>
        %dma_wait3A_206 = arith.constant 0 : i32
        %dma_wait3A_207 = tpu.memref_slice %arg7[%run_scoped3A_90, %dma_wait3A_206] : memref<1x128xi32, #tpu.memory_space<vmem>> -> memref<1x128xi32, #tpu.memory_space<vmem>>
        %dma_wait3A_208 = tpu.memref_squeeze %dma_wait3A_207 : memref<1x128xi32, #tpu.memory_space<vmem>> -> memref<128xi32, #tpu.memory_space<vmem>>
        %dma_wait3A_209 = tpu.memref_slice %arg4[%mul3A_89] : memref<160000xi32, #tpu.memory_space<hbm>> -> memref<128xi32, #tpu.memory_space<hbm>>
        tpu.wait_dma2 semaphore(%run_scoped3A_195 : memref<!tpu.dma_semaphore, #tpu.memory_space<semaphore_mem>>) src(%dma_wait3A_209 : memref<128xi32, #tpu.memory_space<hbm>>) dst(%dma_wait3A_208 : memref<128xi32, #tpu.memory_space<vmem>>)
        tpu.yield
      }) : () -> ()
      %get3A = arith.constant 0 : i32
      %get3A_91 = arith.index_cast %get3A : i32 to index
      %get3A_92 = arith.constant 0 : index
      %get3A_93 = tpu.vector_load %arg6[%get3A_91, %get3A_92] {strides = array<i32>} : memref<1x128xi32, #tpu.memory_space<vmem>>, vector<1x16xi32>,
      %get3A_94 = vector.shape_cast %get3A_93 : vector<1x16xi32> to vector<16xi32>
      %add3A_95 = vector.broadcast %mul3A_6 : i32 to vector<16xi32>
      %add3A_96 = arith.addi %get3A_94, %add3A_95 : vector<16xi32>
      %swap3A = arith.constant 0 : i32
      %swap3A_97 = arith.index_cast %swap3A : i32 to index
      %swap3A_98 = arith.constant 0 : index
      %swap3A_99 = tpu.vector_load %arg6[%swap3A_97, %swap3A_98] {strides = array<i32>} : memref<1x128xi32, #tpu.memory_space<vmem>>, vector<1x16xi32>,
      %swap3A_100 = vector.shape_cast %swap3A_99 : vector<1x16xi32> to vector<16xi32>
      %swap3A_101 = vector.shape_cast %add3A_96 : vector<16xi32> to vector<1x16xi32>
      tpu.vector_store %arg6[%swap3A_97, %swap3A_98], %swap3A_101 {strides = array<i32>} : memref<1x128xi32, #tpu.memory_space<vmem>>, vector<1x16xi32>,
      %get3A_102 = arith.constant 0 : i32
      %get3A_103 = arith.index_cast %get3A_102 : i32 to index
      %get3A_104 = arith.constant 16 : index
      %get3A_105 = tpu.vector_load %arg6[%get3A_103, %get3A_104] {strides = array<i32>} : memref<1x128xi32, #tpu.memory_space<vmem>>, vector<1x16xi32>,
      %get3A_106 = vector.shape_cast %get3A_105 : vector<1x16xi32> to vector<16xi32>
      %add3A_107 = vector.broadcast %mul3A_6 : i32 to vector<16xi32>
      %add3A_108 = arith.addi %get3A_106, %add3A_107 : vector<16xi32>
      %swap3A_109 = arith.constant 0 : i32
      %swap3A_110 = arith.index_cast %swap3A_109 : i32 to index
      %swap3A_111 = arith.constant 16 : index
      %swap3A_112 = tpu.vector_load %arg6[%swap3A_110, %swap3A_111] {strides = array<i32>} : memref<1x128xi32, #tpu.memory_space<vmem>>, vector<1x16xi32>,
      %swap3A_113 = vector.shape_cast %swap3A_112 : vector<1x16xi32> to vector<16xi32>
      %swap3A_114 = vector.shape_cast %add3A_108 : vector<16xi32> to vector<1x16xi32>
      tpu.vector_store %arg6[%swap3A_110, %swap3A_111], %swap3A_114 {strides = array<i32>} : memref<1x128xi32, #tpu.memory_space<vmem>>, vector<1x16xi32>,
      %get3A_115 = arith.constant 0 : i32
      %get3A_116 = arith.index_cast %get3A_115 : i32 to index
      %get3A_117 = arith.constant 32 : index
      %get3A_118 = tpu.vector_load %arg6[%get3A_116, %get3A_117] {strides = array<i32>} : memref<1x128xi32, #tpu.memory_space<vmem>>, vector<1x16xi32>,
      %get3A_119 = vector.shape_cast %get3A_118 : vector<1x16xi32> to vector<16xi32>
      %add3A_120 = vector.broadcast %mul3A_6 : i32 to vector<16xi32>
      %add3A_121 = arith.addi %get3A_119, %add3A_120 : vector<16xi32>
      %swap3A_122 = arith.constant 0 : i32
      %swap3A_123 = arith.index_cast %swap3A_122 : i32 to index
      %swap3A_124 = arith.constant 32 : index
      %swap3A_125 = tpu.vector_load %arg6[%swap3A_123, %swap3A_124] {strides = array<i32>} : memref<1x128xi32, #tpu.memory_space<vmem>>, vector<1x16xi32>,
      %swap3A_126 = vector.shape_cast %swap3A_125 : vector<1x16xi32> to vector<16xi32>
      %swap3A_127 = vector.shape_cast %add3A_121 : vector<16xi32> to vector<1x16xi32>
      tpu.vector_store %arg6[%swap3A_123, %swap3A_124], %swap3A_127 {strides = array<i32>} : memref<1x128xi32, #tpu.memory_space<vmem>>, vector<1x16xi32>,
      %get3A_128 = arith.constant 0 : i32
      %get3A_129 = arith.index_cast %get3A_128 : i32 to index
      %get3A_130 = arith.constant 48 : index
      %get3A_131 = tpu.vector_load %arg6[%get3A_129, %get3A_130] {strides = array<i32>} : memref<1x128xi32, #tpu.memory_space<vmem>>, vector<1x16xi32>,
      %get3A_132 = vector.shape_cast %get3A_131 : vector<1x16xi32> to vector<16xi32>
      %add3A_133 = vector.broadcast %mul3A_6 : i32 to vector<16xi32>
      %add3A_134 = arith.addi %get3A_132, %add3A_133 : vector<16xi32>
      %swap3A_135 = arith.constant 0 : i32
      %swap3A_136 = arith.index_cast %swap3A_135 : i32 to index
      %swap3A_137 = arith.constant 48 : index
      %swap3A_138 = tpu.vector_load %arg6[%swap3A_136, %swap3A_137] {strides = array<i32>} : memref<1x128xi32, #tpu.memory_space<vmem>>, vector<1x16xi32>,
      %swap3A_139 = vector.shape_cast %swap3A_138 : vector<1x16xi32> to vector<16xi32>
      %swap3A_140 = vector.shape_cast %add3A_134 : vector<16xi32> to vector<1x16xi32>
      tpu.vector_store %arg6[%swap3A_136, %swap3A_137], %swap3A_140 {strides = array<i32>} : memref<1x128xi32, #tpu.memory_space<vmem>>, vector<1x16xi32>,
      %get3A_141 = arith.constant 0 : i32
      %get3A_142 = arith.index_cast %get3A_141 : i32 to index
      %get3A_143 = arith.constant 64 : index
      %get3A_144 = tpu.vector_load %arg6[%get3A_142, %get3A_143] {strides = array<i32>} : memref<1x128xi32, #tpu.memory_space<vmem>>, vector<1x16xi32>,
      %get3A_145 = vector.shape_cast %get3A_144 : vector<1x16xi32> to vector<16xi32>
      %add3A_146 = vector.broadcast %mul3A_6 : i32 to vector<16xi32>
      %add3A_147 = arith.addi %get3A_145, %add3A_146 : vector<16xi32>
      %swap3A_148 = arith.constant 0 : i32
      %swap3A_149 = arith.index_cast %swap3A_148 : i32 to index
      %swap3A_150 = arith.constant 64 : index
      %swap3A_151 = tpu.vector_load %arg6[%swap3A_149, %swap3A_150] {strides = array<i32>} : memref<1x128xi32, #tpu.memory_space<vmem>>, vector<1x16xi32>,
      %swap3A_152 = vector.shape_cast %swap3A_151 : vector<1x16xi32> to vector<16xi32>
      %swap3A_153 = vector.shape_cast %add3A_147 : vector<16xi32> to vector<1x16xi32>
      tpu.vector_store %arg6[%swap3A_149, %swap3A_150], %swap3A_153 {strides = array<i32>} : memref<1x128xi32, #tpu.memory_space<vmem>>, vector<1x16xi32>,
      %get3A_154 = arith.constant 0 : i32
      %get3A_155 = arith.index_cast %get3A_154 : i32 to index
      %get3A_156 = arith.constant 80 : index
      %get3A_157 = tpu.vector_load %arg6[%get3A_155, %get3A_156] {strides = array<i32>} : memref<1x128xi32, #tpu.memory_space<vmem>>, vector<1x16xi32>,
      %get3A_158 = vector.shape_cast %get3A_157 : vector<1x16xi32> to vector<16xi32>
      %add3A_159 = vector.broadcast %mul3A_6 : i32 to vector<16xi32>
      %add3A_160 = arith.addi %get3A_158, %add3A_159 : vector<16xi32>
      %swap3A_161 = arith.constant 0 : i32
      %swap3A_162 = arith.index_cast %swap3A_161 : i32 to index
      %swap3A_163 = arith.constant 80 : index
      %swap3A_164 = tpu.vector_load %arg6[%swap3A_162, %swap3A_163] {strides = array<i32>} : memref<1x128xi32, #tpu.memory_space<vmem>>, vector<1x16xi32>,
      %swap3A_165 = vector.shape_cast %swap3A_164 : vector<1x16xi32> to vector<16xi32>
      %swap3A_166 = vector.shape_cast %add3A_160 : vector<16xi32> to vector<1x16xi32>
      tpu.vector_store %arg6[%swap3A_162, %swap3A_163], %swap3A_166 {strides = array<i32>} : memref<1x128xi32, #tpu.memory_space<vmem>>, vector<1x16xi32>,
      %get3A_167 = arith.constant 0 : i32
      %get3A_168 = arith.index_cast %get3A_167 : i32 to index
      %get3A_169 = arith.constant 96 : index
      %get3A_170 = tpu.vector_load %arg6[%get3A_168, %get3A_169] {strides = array<i32>} : memref<1x128xi32, #tpu.memory_space<vmem>>, vector<1x16xi32>,
      %get3A_171 = vector.shape_cast %get3A_170 : vector<1x16xi32> to vector<16xi32>
      %add3A_172 = vector.broadcast %mul3A_6 : i32 to vector<16xi32>
      %add3A_173 = arith.addi %get3A_171, %add3A_172 : vector<16xi32>
      %swap3A_174 = arith.constant 0 : i32
      %swap3A_175 = arith.index_cast %swap3A_174 : i32 to index
      %swap3A_176 = arith.constant 96 : index
      %swap3A_177 = tpu.vector_load %arg6[%swap3A_175, %swap3A_176] {strides = array<i32>} : memref<1x128xi32, #tpu.memory_space<vmem>>, vector<1x16xi32>,
      %swap3A_178 = vector.shape_cast %swap3A_177 : vector<1x16xi32> to vector<16xi32>
      %swap3A_179 = vector.shape_cast %add3A_173 : vector<16xi32> to vector<1x16xi32>
      tpu.vector_store %arg6[%swap3A_175, %swap3A_176], %swap3A_179 {strides = array<i32>} : memref<1x128xi32, #tpu.memory_space<vmem>>, vector<1x16xi32>,
      %get3A_180 = arith.constant 0 : i32
      %get3A_181 = arith.index_cast %get3A_180 : i32 to index
      %get3A_182 = arith.constant 112 : index
      %get3A_183 = tpu.vector_load %arg6[%get3A_181, %get3A_182] {strides = array<i32>} : memref<1x128xi32, #tpu.memory_space<vmem>>, vector<1x16xi32>,
      %get3A_184 = vector.shape_cast %get3A_183 : vector<1x16xi32> to vector<16xi32>
      %add3A_185 = vector.broadcast %mul3A_6 : i32 to vector<16xi32>
      %add3A_186 = arith.addi %get3A_184, %add3A_185 : vector<16xi32>
      %swap3A_187 = arith.constant 0 : i32
      %swap3A_188 = arith.index_cast %swap3A_187 : i32 to index
      %swap3A_189 = arith.constant 112 : index
      %swap3A_190 = tpu.vector_load %arg6[%swap3A_188, %swap3A_189] {strides = array<i32>} : memref<1x128xi32, #tpu.memory_space<vmem>>, vector<1x16xi32>,
      %swap3A_191 = vector.shape_cast %swap3A_190 : vector<1x16xi32> to vector<16xi32>
      %swap3A_192 = vector.shape_cast %add3A_186 : vector<16xi32> to vector<1x16xi32>
      tpu.vector_store %arg6[%swap3A_188, %swap3A_189], %swap3A_192 {strides = array<i32>} : memref<1x128xi32, #tpu.memory_space<vmem>>, vector<1x16xi32>,
      %run_scoped3A_193 = arith.constant 0 : i32
      "tpu.region"() ({
        %run_scoped3A_195 = tpu.sem_alloc : memref<!tpu.dma_semaphore, #tpu.memory_space<semaphore_mem>>
        %dma_start3A = arith.constant 0 : i32
        %dma_start3A_196 = tpu.memref_slice %arg6[%run_scoped3A_193, %dma_start3A] : memref<1x128xi32, #tpu.memory_space<vmem>> -> memref<1x128xi32, #tpu.memory_space<vmem>>
        %dma_start3A_197 = tpu.memref_squeeze %dma_start3A_196 : memref<1x128xi32, #tpu.memory_space<vmem>> -> memref<128xi32, #tpu.memory_space<vmem>>
        %dma_start3A_198 = arith.constant 0 : i32
        %dma_start3A_199 = arith.constant 0 : i32
        %dma_start3A_200 = tpu.memref_slice %arg2[%dma_start3A_198, %dma_start3A_199] : memref<20480x128xf32, #tpu.memory_space<hbm>> -> memref<20480x128xf32, #tpu.memory_space<hbm>>
        tpu.enqueue_indirect_dma source(%dma_start3A_200 : memref<20480x128xf32, #tpu.memory_space<hbm>>) target(%arg8 : memref<128x128xf32, #tpu.memory_space<vmem>>) offsets(%dma_start3A_197 : memref<128xi32, #tpu.memory_space<vmem>>) semaphore(%run_scoped3A_195 : memref<!tpu.dma_semaphore, #tpu.memory_space<semaphore_mem>>)
        %dma_wait3A = arith.constant 0 : i32
        %dma_wait3A_201 = tpu.memref_slice %arg6[%run_scoped3A_193, %dma_wait3A] : memref<1x128xi32, #tpu.memory_space<vmem>> -> memref<1x128xi32, #tpu.memory_space<vmem>>
        %dma_wait3A_202 = tpu.memref_squeeze %dma_wait3A_201 : memref<1x128xi32, #tpu.memory_space<vmem>> -> memref<128xi32, #tpu.memory_space<vmem>>
        %dma_wait3A_203 = arith.constant 0 : i32
        %dma_wait3A_204 = arith.constant 0 : i32
        %dma_wait3A_205 = tpu.memref_slice %arg2[%dma_wait3A_203, %dma_wait3A_204] : memref<20480x128xf32, #tpu.memory_space<hbm>> -> memref<20480x128xf32, #tpu.memory_space<hbm>>
        tpu.wait_indirect_dma semaphore(%run_scoped3A_195 : memref<!tpu.dma_semaphore, #tpu.memory_space<semaphore_mem>>) src(%dma_wait3A_205 : memref<20480x128xf32, #tpu.memory_space<hbm>>) dst(%arg8 : memref<128x128xf32, #tpu.memory_space<vmem>>)
        tpu.yield
      }) : () -> ()
      %run_scoped3A_194 = arith.constant 0 : i32
      "tpu.region"() ({
        %run_scoped3A_195 = tpu.sem_alloc : memref<!tpu.dma_semaphore, #tpu.memory_space<semaphore_mem>>
        %dma_start3A = arith.constant 0 : i32
        %dma_start3A_196 = tpu.memref_slice %arg7[%run_scoped3A_194, %dma_start3A] : memref<1x128xi32, #tpu.memory_space<vmem>> -> memref<1x128xi32, #tpu.memory_space<vmem>>
        %dma_start3A_197 = tpu.memref_squeeze %dma_start3A_196 : memref<1x128xi32, #tpu.memory_space<vmem>> -> memref<128xi32, #tpu.memory_space<vmem>>
        %dma_start3A_198 = arith.constant 0 : i32
        %dma_start3A_199 = arith.constant 0 : i32
        %dma_start3A_200 = tpu.memref_slice %arg10[%dma_start3A_198, %dma_start3A_199] : memref<10240x128xf32, #tpu.memory_space<vmem_shared>> -> memref<10240x128xf32, #tpu.memory_space<vmem_shared>>
        tpu.enqueue_indirect_dma source(%arg8 : memref<128x128xf32, #tpu.memory_space<vmem>>) target(%dma_start3A_200 : memref<10240x128xf32, #tpu.memory_space<vmem_shared>>) offsets(%dma_start3A_197 : memref<128xi32, #tpu.memory_space<vmem>>) semaphore(%run_scoped3A_195 : memref<!tpu.dma_semaphore, #tpu.memory_space<semaphore_mem>>) {add = true}
        %dma_wait3A = arith.constant 0 : i32
        %dma_wait3A_201 = tpu.memref_slice %arg7[%run_scoped3A_194, %dma_wait3A] : memref<1x128xi32, #tpu.memory_space<vmem>> -> memref<1x128xi32, #tpu.memory_space<vmem>>
        %dma_wait3A_202 = tpu.memref_squeeze %dma_wait3A_201 : memref<1x128xi32, #tpu.memory_space<vmem>> -> memref<128xi32, #tpu.memory_space<vmem>>
        %dma_wait3A_203 = arith.constant 0 : i32
        %dma_wait3A_204 = arith.constant 0 : i32
        %dma_wait3A_205 = tpu.memref_slice %arg10[%dma_wait3A_203, %dma_wait3A_204] : memref<10240x128xf32, #tpu.memory_space<vmem_shared>> -> memref<10240x128xf32, #tpu.memory_space<vmem_shared>>
        tpu.wait_indirect_dma semaphore(%run_scoped3A_195 : memref<!tpu.dma_semaphore, #tpu.memory_space<semaphore_mem>>) src(%arg8 : memref<128x128xf32, #tpu.memory_space<vmem>>) dst(%dma_wait3A_205 : memref<10240x128xf32, #tpu.memory_space<vmem_shared>>)
        tpu.yield
      }) : () -> ()
    }
    %barrier3A_58 = arith.constant 0 : index
    tpu.barrier barrier_id(%barrier3A_58)
    %mul3A_59 = arith.constant 640 : i32
    %mul3A_60 = arith.muli %arg1, %mul3A_59 : i32
    %add3A_61 = arith.constant 0 : i32
    %add3A_62 = arith.addi %mul3A_60, %add3A_61 : i32
    %add3A_63 = arith.addi %mul3A_6, %add3A_62 : i32
    "tpu.region"() ({
      %run_scoped3A = tpu.sem_alloc : memref<!tpu.dma_semaphore, #tpu.memory_space<semaphore_mem>>
      %dma_start3A = arith.constant 0 : i32
      %dma_start3A_84 = tpu.memref_slice %arg5[%add3A_63, %dma_start3A] : memref<20480x128xf32, #tpu.memory_space<hbm>> -> memref<128x128xf32, #tpu.memory_space<hbm>>
      %dma_start3A_85 = arith.constant 0 : i32
      %dma_start3A_86 = tpu.memref_slice %arg10[%add3A_62, %dma_start3A_85] : memref<10240x128xf32, #tpu.memory_space<vmem_shared>> -> memref<128x128xf32, #tpu.memory_space<vmem_shared>>
      tpu.enqueue_dma source(%dma_start3A_86 : memref<128x128xf32, #tpu.memory_space<vmem_shared>>) target(%dma_start3A_84 : memref<128x128xf32, #tpu.memory_space<hbm>>) target_semaphore(%run_scoped3A : memref<!tpu.dma_semaphore, #tpu.memory_space<semaphore_mem>>)
      %dma_wait3A = arith.constant 0 : i32
      %dma_wait3A_87 = tpu.memref_slice %arg5[%add3A_63, %dma_wait3A] : memref<20480x128xf32, #tpu.memory_space<hbm>> -> memref<128x128xf32, #tpu.memory_space<hbm>>
      %dma_wait3A_88 = arith.constant 0 : i32
      %dma_wait3A_89 = tpu.memref_slice %arg10[%add3A_62, %dma_wait3A_88] : memref<10240x128xf32, #tpu.memory_space<vmem_shared>> -> memref<128x128xf32, #tpu.memory_space<vmem_shared>>
      tpu.wait_dma2 semaphore(%run_scoped3A : memref<!tpu.dma_semaphore, #tpu.memory_space<semaphore_mem>>) src(%dma_wait3A_89 : memref<128x128xf32, #tpu.memory_space<vmem_shared>>) dst(%dma_wait3A_87 : memref<128x128xf32, #tpu.memory_space<hbm>>)
      tpu.yield
    }) : () -> ()
    %mul3A_64 = arith.constant 640 : i32
    %mul3A_65 = arith.muli %arg1, %mul3A_64 : i32
    %add3A_66 = arith.constant 128 : i32
    %add3A_67 = arith.addi %mul3A_65, %add3A_66 : i32
    %add3A_68 = arith.addi %mul3A_6, %add3A_67 : i32
    "tpu.region"() ({
      %run_scoped3A = tpu.sem_alloc : memref<!tpu.dma_semaphore, #tpu.memory_space<semaphore_mem>>
      %dma_start3A = arith.constant 0 : i32
      %dma_start3A_84 = tpu.memref_slice %arg5[%add3A_68, %dma_start3A] : memref<20480x128xf32, #tpu.memory_space<hbm>> -> memref<128x128xf32, #tpu.memory_space<hbm>>
      %dma_start3A_85 = arith.constant 0 : i32
      %dma_start3A_86 = tpu.memref_slice %arg10[%add3A_67, %dma_start3A_85] : memref<10240x128xf32, #tpu.memory_space<vmem_shared>> -> memref<128x128xf32, #tpu.memory_space<vmem_shared>>
      tpu.enqueue_dma source(%dma_start3A_86 : memref<128x128xf32, #tpu.memory_space<vmem_shared>>) target(%dma_start3A_84 : memref<128x128xf32, #tpu.memory_space<hbm>>) target_semaphore(%run_scoped3A : memref<!tpu.dma_semaphore, #tpu.memory_space<semaphore_mem>>)
      %dma_wait3A = arith.constant 0 : i32
      %dma_wait3A_87 = tpu.memref_slice %arg5[%add3A_68, %dma_wait3A] : memref<20480x128xf32, #tpu.memory_space<hbm>> -> memref<128x128xf32, #tpu.memory_space<hbm>>
      %dma_wait3A_88 = arith.constant 0 : i32
      %dma_wait3A_89 = tpu.memref_slice %arg10[%add3A_67, %dma_wait3A_88] : memref<10240x128xf32, #tpu.memory_space<vmem_shared>> -> memref<128x128xf32, #tpu.memory_space<vmem_shared>>
      tpu.wait_dma2 semaphore(%run_scoped3A : memref<!tpu.dma_semaphore, #tpu.memory_space<semaphore_mem>>) src(%dma_wait3A_89 : memref<128x128xf32, #tpu.memory_space<vmem_shared>>) dst(%dma_wait3A_87 : memref<128x128xf32, #tpu.memory_space<hbm>>)
      tpu.yield
    }) : () -> ()
    %mul3A_69 = arith.constant 640 : i32
    %mul3A_70 = arith.muli %arg1, %mul3A_69 : i32
    %add3A_71 = arith.constant 256 : i32
    %add3A_72 = arith.addi %mul3A_70, %add3A_71 : i32
    %add3A_73 = arith.addi %mul3A_6, %add3A_72 : i32
    "tpu.region"() ({
      %run_scoped3A = tpu.sem_alloc : memref<!tpu.dma_semaphore, #tpu.memory_space<semaphore_mem>>
      %dma_start3A = arith.constant 0 : i32
      %dma_start3A_84 = tpu.memref_slice %arg5[%add3A_73, %dma_start3A] : memref<20480x128xf32, #tpu.memory_space<hbm>> -> memref<128x128xf32, #tpu.memory_space<hbm>>
      %dma_start3A_85 = arith.constant 0 : i32
      %dma_start3A_86 = tpu.memref_slice %arg10[%add3A_72, %dma_start3A_85] : memref<10240x128xf32, #tpu.memory_space<vmem_shared>> -> memref<128x128xf32, #tpu.memory_space<vmem_shared>>
      tpu.enqueue_dma source(%dma_start3A_86 : memref<128x128xf32, #tpu.memory_space<vmem_shared>>) target(%dma_start3A_84 : memref<128x128xf32, #tpu.memory_space<hbm>>) target_semaphore(%run_scoped3A : memref<!tpu.dma_semaphore, #tpu.memory_space<semaphore_mem>>)
      %dma_wait3A = arith.constant 0 : i32
      %dma_wait3A_87 = tpu.memref_slice %arg5[%add3A_73, %dma_wait3A] : memref<20480x128xf32, #tpu.memory_space<hbm>> -> memref<128x128xf32, #tpu.memory_space<hbm>>
      %dma_wait3A_88 = arith.constant 0 : i32
      %dma_wait3A_89 = tpu.memref_slice %arg10[%add3A_72, %dma_wait3A_88] : memref<10240x128xf32, #tpu.memory_space<vmem_shared>> -> memref<128x128xf32, #tpu.memory_space<vmem_shared>>
      tpu.wait_dma2 semaphore(%run_scoped3A : memref<!tpu.dma_semaphore, #tpu.memory_space<semaphore_mem>>) src(%dma_wait3A_89 : memref<128x128xf32, #tpu.memory_space<vmem_shared>>) dst(%dma_wait3A_87 : memref<128x128xf32, #tpu.memory_space<hbm>>)
      tpu.yield
    }) : () -> ()
    %mul3A_74 = arith.constant 640 : i32
    %mul3A_75 = arith.muli %arg1, %mul3A_74 : i32
    %add3A_76 = arith.constant 384 : i32
    %add3A_77 = arith.addi %mul3A_75, %add3A_76 : i32
    %add3A_78 = arith.addi %mul3A_6, %add3A_77 : i32
    "tpu.region"() ({
      %run_scoped3A = tpu.sem_alloc : memref<!tpu.dma_semaphore, #tpu.memory_space<semaphore_mem>>
      %dma_start3A = arith.constant 0 : i32
      %dma_start3A_84 = tpu.memref_slice %arg5[%add3A_78, %dma_start3A] : memref<20480x128xf32, #tpu.memory_space<hbm>> -> memref<128x128xf32, #tpu.memory_space<hbm>>
      %dma_start3A_85 = arith.constant 0 : i32
      %dma_start3A_86 = tpu.memref_slice %arg10[%add3A_77, %dma_start3A_85] : memref<10240x128xf32, #tpu.memory_space<vmem_shared>> -> memref<128x128xf32, #tpu.memory_space<vmem_shared>>
      tpu.enqueue_dma source(%dma_start3A_86 : memref<128x128xf32, #tpu.memory_space<vmem_shared>>) target(%dma_start3A_84 : memref<128x128xf32, #tpu.memory_space<hbm>>) target_semaphore(%run_scoped3A : memref<!tpu.dma_semaphore, #tpu.memory_space<semaphore_mem>>)
      %dma_wait3A = arith.constant 0 : i32
      %dma_wait3A_87 = tpu.memref_slice %arg5[%add3A_78, %dma_wait3A] : memref<20480x128xf32, #tpu.memory_space<hbm>> -> memref<128x128xf32, #tpu.memory_space<hbm>>
      %dma_wait3A_88 = arith.constant 0 : i32
      %dma_wait3A_89 = tpu.memref_slice %arg10[%add3A_77, %dma_wait3A_88] : memref<10240x128xf32, #tpu.memory_space<vmem_shared>> -> memref<128x128xf32, #tpu.memory_space<vmem_shared>>
      tpu.wait_dma2 semaphore(%run_scoped3A : memref<!tpu.dma_semaphore, #tpu.memory_space<semaphore_mem>>) src(%dma_wait3A_89 : memref<128x128xf32, #tpu.memory_space<vmem_shared>>) dst(%dma_wait3A_87 : memref<128x128xf32, #tpu.memory_space<hbm>>)
      tpu.yield
    }) : () -> ()
    %mul3A_79 = arith.constant 640 : i32
    %mul3A_80 = arith.muli %arg1, %mul3A_79 : i32
    %add3A_81 = arith.constant 512 : i32
    %add3A_82 = arith.addi %mul3A_80, %add3A_81 : i32
    %add3A_83 = arith.addi %mul3A_6, %add3A_82 : i32
    "tpu.region"() ({
      %run_scoped3A = tpu.sem_alloc : memref<!tpu.dma_semaphore, #tpu.memory_space<semaphore_mem>>
      %dma_start3A = arith.constant 0 : i32
      %dma_start3A_84 = tpu.memref_slice %arg5[%add3A_83, %dma_start3A] : memref<20480x128xf32, #tpu.memory_space<hbm>> -> memref<128x128xf32, #tpu.memory_space<hbm>>
      %dma_start3A_85 = arith.constant 0 : i32
      %dma_start3A_86 = tpu.memref_slice %arg10[%add3A_82, %dma_start3A_85] : memref<10240x128xf32, #tpu.memory_space<vmem_shared>> -> memref<128x128xf32, #tpu.memory_space<vmem_shared>>
      tpu.enqueue_dma source(%dma_start3A_86 : memref<128x128xf32, #tpu.memory_space<vmem_shared>>) target(%dma_start3A_84 : memref<128x128xf32, #tpu.memory_space<hbm>>) target_semaphore(%run_scoped3A : memref<!tpu.dma_semaphore, #tpu.memory_space<semaphore_mem>>)
      %dma_wait3A = arith.constant 0 : i32
      %dma_wait3A_87 = tpu.memref_slice %arg5[%add3A_83, %dma_wait3A] : memref<20480x128xf32, #tpu.memory_space<hbm>> -> memref<128x128xf32, #tpu.memory_space<hbm>>
      %dma_wait3A_88 = arith.constant 0 : i32
      %dma_wait3A_89 = tpu.memref_slice %arg10[%add3A_82, %dma_wait3A_88] : memref<10240x128xf32, #tpu.memory_space<vmem_shared>> -> memref<128x128xf32, #tpu.memory_space<vmem_shared>>
      tpu.wait_dma2 semaphore(%run_scoped3A : memref<!tpu.dma_semaphore, #tpu.memory_space<semaphore_mem>>) src(%dma_wait3A_89 : memref<128x128xf32, #tpu.memory_space<vmem_shared>>) dst(%dma_wait3A_87 : memref<128x128xf32, #tpu.memory_space<hbm>>)
      tpu.yield
    }) : () -> ()
    return
  }
}

#map = affine_map<(d0, d1) -> (0, 0)>
#map1 = affine_map<(d0, d1) -> (0)>
module attributes {stable_mosaic.version = 14 : i64} {
  func.func @segsum(%arg0: i32, %arg1: i32, %arg2: memref<40960x128xf32, #tpu.memory_space<hbm>>, %arg3: memref<160000xi32, #tpu.memory_space<hbm>>, %arg4: memref<160000xi32, #tpu.memory_space<hbm>>, %arg5: memref<40960x128xf32, #tpu.memory_space<hbm>>, %arg6: memref<1x128xi32, #tpu.memory_space<vmem>>, %arg7: memref<1x128xi32, #tpu.memory_space<vmem>>, %arg8: memref<128x128xf32, #tpu.memory_space<vmem>>, %arg9: memref<128x128xf32, #tpu.memory_space<vmem>>, %arg10: memref<10240x128xf32, #tpu.memory_space<vmem_shared>>) attributes {dimension_semantics = [#tpu.dimension_semantics<core_parallel>, #tpu.dimension_semantics<subcore_parallel>], iteration_bounds = array<i64: 2, 16>, scalar_prefetch = 0 : i64, scratch_operands = 5 : i64, tpu.core_type = #tpu.core_type<sc_vector_subcore>, window_params = [{transform_indices = #map}, {transform_indices = #map1}, {transform_indices = #map1}, {transform_indices = #map}]} {
    %scan3A = arith.constant 0 : i32
    %scan3A_0 = arith.constant 0 : i32
    %scan3A_1 = arith.constant 1024 : i32
    %scan3A_2 = arith.addi %scan3A_0, %scan3A_1 : i32
    %scan3A_3 = arith.constant 1 : i32
    scf.for %scan3A_175 = %scan3A_0 to %scan3A_2 step %scan3A_3  : i32 {
      %jit3A_176 = arith.constant 8 : i32
      %div3A_177 = arith.divsi %scan3A_175, %jit3A_176 : i32
      %sign3A_178 = arith.constant 0 : i32
      %sign3A_179 = arith.cmpi sgt, %scan3A_175, %sign3A_178 : i32
      %sign3A_180 = arith.extui %sign3A_179 : i1 to i32
      %sign3A_181 = arith.constant 0 : i32
      %sign3A_182 = arith.cmpi slt, %scan3A_175, %sign3A_181 : i32
      %sign3A_183 = arith.extui %sign3A_182 : i1 to i32
      %sign3A_184 = arith.subi %sign3A_180, %sign3A_183 : i32
      %sign3A_185 = arith.constant 0 : i32
      %sign3A_186 = arith.cmpi sgt, %jit3A_176, %sign3A_185 : i32
      %sign3A_187 = arith.extui %sign3A_186 : i1 to i32
      %sign3A_188 = arith.constant 0 : i32
      %sign3A_189 = arith.cmpi slt, %jit3A_176, %sign3A_188 : i32
      %sign3A_190 = arith.extui %sign3A_189 : i1 to i32
      %sign3A_191 = arith.subi %sign3A_187, %sign3A_190 : i32
      %ne3A_192 = arith.cmpi ne, %sign3A_184, %sign3A_191 : i32
      %rem3A_193 = arith.remsi %scan3A_175, %jit3A_176 : i32
      %ne3A_194 = arith.constant 0 : i32
      %ne3A_195 = arith.cmpi ne, %rem3A_193, %ne3A_194 : i32
      %and3A_196 = arith.andi %ne3A_192, %ne3A_195 : i1
      %sub3A_197 = arith.constant 1 : i32
      %sub3A_198 = arith.subi %div3A_177, %sub3A_197 : i32
      %select_n3A_199 = arith.select %and3A_196, %sub3A_198, %div3A_177 : i32
      %jit3A_200 = arith.constant 8 : i32
      %eq3A = arith.constant 0 : i32
      %eq3A_201 = arith.cmpi eq, %jit3A_200, %eq3A : i32
      %jit3A_202 = arith.constant 1 : i32
      %select_n3A_203 = arith.select %eq3A_201, %jit3A_202, %jit3A_200 : i32
      %rem3A_204 = arith.remsi %scan3A_175, %select_n3A_203 : i32
      %ne3A_205 = arith.constant 0 : i32
      %ne3A_206 = arith.cmpi ne, %rem3A_204, %ne3A_205 : i32
      %lt3A = arith.constant 0 : i32
      %lt3A_207 = arith.cmpi slt, %rem3A_204, %lt3A : i32
      %lt3A_208 = arith.constant 0 : i32
      %lt3A_209 = arith.cmpi slt, %select_n3A_203, %lt3A_208 : i32
      %ne3A_210 = arith.xori %lt3A_207, %lt3A_209 : i1
      %and3A_211 = arith.andi %ne3A_210, %ne3A_206 : i1
      %add3A_212 = arith.addi %rem3A_204, %select_n3A_203 : i32
      %select_n3A_213 = arith.select %and3A_211, %add3A_212, %rem3A_204 : i32
      %mul3A_214 = arith.constant 16 : i32
      %mul3A_215 = arith.muli %select_n3A_213, %mul3A_214 : i32
      %broadcast_in_dim3A = arith.constant 0.000000e+00 : f32
      %broadcast_in_dim3A_216 = vector.broadcast %broadcast_in_dim3A : f32 to vector<16xf32>
      %swap3A = arith.index_cast %select_n3A_199 : i32 to index
      %swap3A_217 = arith.index_cast %mul3A_215 : i32 to index
      %swap3A_218 = tpu.vector_load %arg9[%swap3A, %swap3A_217] {strides = array<i32>} : memref<128x128xf32, #tpu.memory_space<vmem>>, vector<1x16xf32>,
      %swap3A_219 = vector.shape_cast %swap3A_218 : vector<1x16xf32> to vector<16xf32>
      %swap3A_220 = vector.shape_cast %broadcast_in_dim3A_216 : vector<16xf32> to vector<1x16xf32>
      tpu.vector_store %arg9[%swap3A, %swap3A_217], %swap3A_220 {strides = array<i32>} : memref<128x128xf32, #tpu.memory_space<vmem>>, vector<1x16xf32>,
    }
    %scan3A_4 = arith.constant 1024 : i32
    %add3A = arith.constant 0 : i32
    %add3A_5 = arith.addi %arg0, %add3A : i32
    %mul3A = arith.constant 10240 : i32
    %mul3A_6 = arith.muli %add3A_5, %mul3A : i32
    %mul3A_7 = arith.constant 640 : i32
    %mul3A_8 = arith.muli %arg1, %mul3A_7 : i32
    %add3A_9 = arith.constant 0 : i32
    %add3A_10 = arith.addi %mul3A_8, %add3A_9 : i32
    "tpu.region"() ({
      %run_scoped3A = tpu.sem_alloc : memref<!tpu.dma_semaphore, #tpu.memory_space<semaphore_mem>>
      %dma_start3A = arith.constant 0 : i32
      %dma_start3A_175 = tpu.memref_slice %arg10[%add3A_10, %dma_start3A] : memref<10240x128xf32, #tpu.memory_space<vmem_shared>> -> memref<128x128xf32, #tpu.memory_space<vmem_shared>>
      %dma_start3A_176 = arith.constant 0 : i32
      %dma_start3A_177 = tpu.memref_slice %arg10[%add3A_10, %dma_start3A_176] : memref<10240x128xf32, #tpu.memory_space<vmem_shared>> -> memref<128x128xf32, #tpu.memory_space<vmem_shared>>
      tpu.enqueue_dma source(%arg9 : memref<128x128xf32, #tpu.memory_space<vmem>>) target(%dma_start3A_177 : memref<128x128xf32, #tpu.memory_space<vmem_shared>>) target_semaphore(%run_scoped3A : memref<!tpu.dma_semaphore, #tpu.memory_space<semaphore_mem>>)
      %dma_wait3A = arith.constant 0 : i32
      %dma_wait3A_178 = tpu.memref_slice %arg10[%add3A_10, %dma_wait3A] : memref<10240x128xf32, #tpu.memory_space<vmem_shared>> -> memref<128x128xf32, #tpu.memory_space<vmem_shared>>
      %dma_wait3A_179 = arith.constant 0 : i32
      %dma_wait3A_180 = tpu.memref_slice %arg10[%add3A_10, %dma_wait3A_179] : memref<10240x128xf32, #tpu.memory_space<vmem_shared>> -> memref<128x128xf32, #tpu.memory_space<vmem_shared>>
      tpu.wait_dma2 semaphore(%run_scoped3A : memref<!tpu.dma_semaphore, #tpu.memory_space<semaphore_mem>>) src(%arg9 : memref<128x128xf32, #tpu.memory_space<vmem>>) dst(%dma_wait3A_180 : memref<128x128xf32, #tpu.memory_space<vmem_shared>>)
      tpu.yield
    }) : () -> ()
    %mul3A_11 = arith.constant 640 : i32
    %mul3A_12 = arith.muli %arg1, %mul3A_11 : i32
    %add3A_13 = arith.constant 128 : i32
    %add3A_14 = arith.addi %mul3A_12, %add3A_13 : i32
    "tpu.region"() ({
      %run_scoped3A = tpu.sem_alloc : memref<!tpu.dma_semaphore, #tpu.memory_space<semaphore_mem>>
      %dma_start3A = arith.constant 0 : i32
      %dma_start3A_175 = tpu.memref_slice %arg10[%add3A_14, %dma_start3A] : memref<10240x128xf32, #tpu.memory_space<vmem_shared>> -> memref<128x128xf32, #tpu.memory_space<vmem_shared>>
      %dma_start3A_176 = arith.constant 0 : i32
      %dma_start3A_177 = tpu.memref_slice %arg10[%add3A_14, %dma_start3A_176] : memref<10240x128xf32, #tpu.memory_space<vmem_shared>> -> memref<128x128xf32, #tpu.memory_space<vmem_shared>>
      tpu.enqueue_dma source(%arg9 : memref<128x128xf32, #tpu.memory_space<vmem>>) target(%dma_start3A_177 : memref<128x128xf32, #tpu.memory_space<vmem_shared>>) target_semaphore(%run_scoped3A : memref<!tpu.dma_semaphore, #tpu.memory_space<semaphore_mem>>)
      %dma_wait3A = arith.constant 0 : i32
      %dma_wait3A_178 = tpu.memref_slice %arg10[%add3A_14, %dma_wait3A] : memref<10240x128xf32, #tpu.memory_space<vmem_shared>> -> memref<128x128xf32, #tpu.memory_space<vmem_shared>>
      %dma_wait3A_179 = arith.constant 0 : i32
      %dma_wait3A_180 = tpu.memref_slice %arg10[%add3A_14, %dma_wait3A_179] : memref<10240x128xf32, #tpu.memory_space<vmem_shared>> -> memref<128x128xf32, #tpu.memory_space<vmem_shared>>
      tpu.wait_dma2 semaphore(%run_scoped3A : memref<!tpu.dma_semaphore, #tpu.memory_space<semaphore_mem>>) src(%arg9 : memref<128x128xf32, #tpu.memory_space<vmem>>) dst(%dma_wait3A_180 : memref<128x128xf32, #tpu.memory_space<vmem_shared>>)
      tpu.yield
    }) : () -> ()
    %mul3A_15 = arith.constant 640 : i32
    %mul3A_16 = arith.muli %arg1, %mul3A_15 : i32
    %add3A_17 = arith.constant 256 : i32
    %add3A_18 = arith.addi %mul3A_16, %add3A_17 : i32
    "tpu.region"() ({
      %run_scoped3A = tpu.sem_alloc : memref<!tpu.dma_semaphore, #tpu.memory_space<semaphore_mem>>
      %dma_start3A = arith.constant 0 : i32
      %dma_start3A_175 = tpu.memref_slice %arg10[%add3A_18, %dma_start3A] : memref<10240x128xf32, #tpu.memory_space<vmem_shared>> -> memref<128x128xf32, #tpu.memory_space<vmem_shared>>
      %dma_start3A_176 = arith.constant 0 : i32
      %dma_start3A_177 = tpu.memref_slice %arg10[%add3A_18, %dma_start3A_176] : memref<10240x128xf32, #tpu.memory_space<vmem_shared>> -> memref<128x128xf32, #tpu.memory_space<vmem_shared>>
      tpu.enqueue_dma source(%arg9 : memref<128x128xf32, #tpu.memory_space<vmem>>) target(%dma_start3A_177 : memref<128x128xf32, #tpu.memory_space<vmem_shared>>) target_semaphore(%run_scoped3A : memref<!tpu.dma_semaphore, #tpu.memory_space<semaphore_mem>>)
      %dma_wait3A = arith.constant 0 : i32
      %dma_wait3A_178 = tpu.memref_slice %arg10[%add3A_18, %dma_wait3A] : memref<10240x128xf32, #tpu.memory_space<vmem_shared>> -> memref<128x128xf32, #tpu.memory_space<vmem_shared>>
      %dma_wait3A_179 = arith.constant 0 : i32
      %dma_wait3A_180 = tpu.memref_slice %arg10[%add3A_18, %dma_wait3A_179] : memref<10240x128xf32, #tpu.memory_space<vmem_shared>> -> memref<128x128xf32, #tpu.memory_space<vmem_shared>>
      tpu.wait_dma2 semaphore(%run_scoped3A : memref<!tpu.dma_semaphore, #tpu.memory_space<semaphore_mem>>) src(%arg9 : memref<128x128xf32, #tpu.memory_space<vmem>>) dst(%dma_wait3A_180 : memref<128x128xf32, #tpu.memory_space<vmem_shared>>)
      tpu.yield
    }) : () -> ()
    %mul3A_19 = arith.constant 640 : i32
    %mul3A_20 = arith.muli %arg1, %mul3A_19 : i32
    %add3A_21 = arith.constant 384 : i32
    %add3A_22 = arith.addi %mul3A_20, %add3A_21 : i32
    "tpu.region"() ({
      %run_scoped3A = tpu.sem_alloc : memref<!tpu.dma_semaphore, #tpu.memory_space<semaphore_mem>>
      %dma_start3A = arith.constant 0 : i32
      %dma_start3A_175 = tpu.memref_slice %arg10[%add3A_22, %dma_start3A] : memref<10240x128xf32, #tpu.memory_space<vmem_shared>> -> memref<128x128xf32, #tpu.memory_space<vmem_shared>>
      %dma_start3A_176 = arith.constant 0 : i32
      %dma_start3A_177 = tpu.memref_slice %arg10[%add3A_22, %dma_start3A_176] : memref<10240x128xf32, #tpu.memory_space<vmem_shared>> -> memref<128x128xf32, #tpu.memory_space<vmem_shared>>
      tpu.enqueue_dma source(%arg9 : memref<128x128xf32, #tpu.memory_space<vmem>>) target(%dma_start3A_177 : memref<128x128xf32, #tpu.memory_space<vmem_shared>>) target_semaphore(%run_scoped3A : memref<!tpu.dma_semaphore, #tpu.memory_space<semaphore_mem>>)
      %dma_wait3A = arith.constant 0 : i32
      %dma_wait3A_178 = tpu.memref_slice %arg10[%add3A_22, %dma_wait3A] : memref<10240x128xf32, #tpu.memory_space<vmem_shared>> -> memref<128x128xf32, #tpu.memory_space<vmem_shared>>
      %dma_wait3A_179 = arith.constant 0 : i32
      %dma_wait3A_180 = tpu.memref_slice %arg10[%add3A_22, %dma_wait3A_179] : memref<10240x128xf32, #tpu.memory_space<vmem_shared>> -> memref<128x128xf32, #tpu.memory_space<vmem_shared>>
      tpu.wait_dma2 semaphore(%run_scoped3A : memref<!tpu.dma_semaphore, #tpu.memory_space<semaphore_mem>>) src(%arg9 : memref<128x128xf32, #tpu.memory_space<vmem>>) dst(%dma_wait3A_180 : memref<128x128xf32, #tpu.memory_space<vmem_shared>>)
      tpu.yield
    }) : () -> ()
    %mul3A_23 = arith.constant 640 : i32
    %mul3A_24 = arith.muli %arg1, %mul3A_23 : i32
    %add3A_25 = arith.constant 512 : i32
    %add3A_26 = arith.addi %mul3A_24, %add3A_25 : i32
    "tpu.region"() ({
      %run_scoped3A = tpu.sem_alloc : memref<!tpu.dma_semaphore, #tpu.memory_space<semaphore_mem>>
      %dma_start3A = arith.constant 0 : i32
      %dma_start3A_175 = tpu.memref_slice %arg10[%add3A_26, %dma_start3A] : memref<10240x128xf32, #tpu.memory_space<vmem_shared>> -> memref<128x128xf32, #tpu.memory_space<vmem_shared>>
      %dma_start3A_176 = arith.constant 0 : i32
      %dma_start3A_177 = tpu.memref_slice %arg10[%add3A_26, %dma_start3A_176] : memref<10240x128xf32, #tpu.memory_space<vmem_shared>> -> memref<128x128xf32, #tpu.memory_space<vmem_shared>>
      tpu.enqueue_dma source(%arg9 : memref<128x128xf32, #tpu.memory_space<vmem>>) target(%dma_start3A_177 : memref<128x128xf32, #tpu.memory_space<vmem_shared>>) target_semaphore(%run_scoped3A : memref<!tpu.dma_semaphore, #tpu.memory_space<semaphore_mem>>)
      %dma_wait3A = arith.constant 0 : i32
      %dma_wait3A_178 = tpu.memref_slice %arg10[%add3A_26, %dma_wait3A] : memref<10240x128xf32, #tpu.memory_space<vmem_shared>> -> memref<128x128xf32, #tpu.memory_space<vmem_shared>>
      %dma_wait3A_179 = arith.constant 0 : i32
      %dma_wait3A_180 = tpu.memref_slice %arg10[%add3A_26, %dma_wait3A_179] : memref<10240x128xf32, #tpu.memory_space<vmem_shared>> -> memref<128x128xf32, #tpu.memory_space<vmem_shared>>
      tpu.wait_dma2 semaphore(%run_scoped3A : memref<!tpu.dma_semaphore, #tpu.memory_space<semaphore_mem>>) src(%arg9 : memref<128x128xf32, #tpu.memory_space<vmem>>) dst(%dma_wait3A_180 : memref<128x128xf32, #tpu.memory_space<vmem_shared>>)
      tpu.yield
    }) : () -> ()
    %barrier3A = arith.constant 0 : index
    tpu.barrier barrier_id(%barrier3A)
    %sub3A = arith.constant 1250 : i32
    %sub3A_27 = arith.subi %sub3A, %arg1 : i32
    %add3A_28 = arith.constant 16 : i32
    %add3A_29 = arith.addi %sub3A_27, %add3A_28 : i32
    %sub3A_30 = arith.constant 1 : i32
    %sub3A_31 = arith.subi %add3A_29, %sub3A_30 : i32
    %jit3A = arith.constant 16 : i32
    %div3A = arith.divsi %sub3A_31, %jit3A : i32
    %sign3A = arith.constant 0 : i32
    %sign3A_32 = arith.cmpi sgt, %sub3A_31, %sign3A : i32
    %sign3A_33 = arith.extui %sign3A_32 : i1 to i32
    %sign3A_34 = arith.constant 0 : i32
    %sign3A_35 = arith.cmpi slt, %sub3A_31, %sign3A_34 : i32
    %sign3A_36 = arith.extui %sign3A_35 : i1 to i32
    %sign3A_37 = arith.subi %sign3A_33, %sign3A_36 : i32
    %sign3A_38 = arith.constant 0 : i32
    %sign3A_39 = arith.cmpi sgt, %jit3A, %sign3A_38 : i32
    %sign3A_40 = arith.extui %sign3A_39 : i1 to i32
    %sign3A_41 = arith.constant 0 : i32
    %sign3A_42 = arith.cmpi slt, %jit3A, %sign3A_41 : i32
    %sign3A_43 = arith.extui %sign3A_42 : i1 to i32
    %sign3A_44 = arith.subi %sign3A_40, %sign3A_43 : i32
    %ne3A = arith.cmpi ne, %sign3A_37, %sign3A_44 : i32
    %rem3A = arith.remsi %sub3A_31, %jit3A : i32
    %ne3A_45 = arith.constant 0 : i32
    %ne3A_46 = arith.cmpi ne, %rem3A, %ne3A_45 : i32
    %and3A = arith.andi %ne3A, %ne3A_46 : i1
    %sub3A_47 = arith.constant 1 : i32
    %sub3A_48 = arith.subi %div3A, %sub3A_47 : i32
    %select_n3A = arith.select %and3A, %sub3A_48, %div3A : i32
    %while3A = arith.constant 0 : i32
    %while3A_49 = arith.constant 0 : i32
    %while3A_50 = arith.subi %select_n3A, %while3A_49 : i32
    %while3A_51 = arith.addi %while3A_49, %while3A_50 : i32
    %while3A_52 = arith.constant 1 : i32
    %while3A_53 = arith.divsi %while3A_50, %while3A_52 : i32
    %while3A_54 = arith.muli %while3A_53, %while3A_52 : i32
    %while3A_55 = arith.addi %while3A_49, %while3A_54 : i32
    %while3A_56 = arith.constant 1 : i32
    scf.for %while3A_175 = %while3A_49 to %while3A_55 step %while3A_56  : i32 {
      %mul3A_176 = arith.constant 16 : i32
      %mul3A_177 = arith.muli %while3A_175, %mul3A_176 : i32
      %add3A_178 = arith.addi %arg1, %mul3A_177 : i32
      %mul3A_179 = arith.constant 128 : i32
      %mul3A_180 = arith.muli %add3A_178, %mul3A_179 : i32
      %run_scoped3A = arith.constant 0 : i32
      "tpu.region"() ({
        %run_scoped3A_286 = tpu.sem_alloc : memref<!tpu.dma_semaphore, #tpu.memory_space<semaphore_mem>>
        %dma_start3A = arith.constant 0 : i32
        %dma_start3A_287 = tpu.memref_slice %arg6[%run_scoped3A, %dma_start3A] : memref<1x128xi32, #tpu.memory_space<vmem>> -> memref<1x128xi32, #tpu.memory_space<vmem>>
        %dma_start3A_288 = tpu.memref_squeeze %dma_start3A_287 : memref<1x128xi32, #tpu.memory_space<vmem>> -> memref<128xi32, #tpu.memory_space<vmem>>
        %dma_start3A_289 = tpu.memref_slice %arg3[%mul3A_180] : memref<160000xi32, #tpu.memory_space<hbm>> -> memref<128xi32, #tpu.memory_space<hbm>>
        %dma_start3A_290 = arith.constant 0 : i32
        %dma_start3A_291 = tpu.memref_slice %arg6[%run_scoped3A, %dma_start3A_290] : memref<1x128xi32, #tpu.memory_space<vmem>> -> memref<1x128xi32, #tpu.memory_space<vmem>>
        %dma_start3A_292 = tpu.memref_squeeze %dma_start3A_291 : memref<1x128xi32, #tpu.memory_space<vmem>> -> memref<128xi32, #tpu.memory_space<vmem>>
        %dma_start3A_293 = tpu.memref_slice %arg3[%mul3A_180] : memref<160000xi32, #tpu.memory_space<hbm>> -> memref<128xi32, #tpu.memory_space<hbm>>
        tpu.enqueue_dma source(%dma_start3A_293 : memref<128xi32, #tpu.memory_space<hbm>>) target(%dma_start3A_292 : memref<128xi32, #tpu.memory_space<vmem>>) target_semaphore(%run_scoped3A_286 : memref<!tpu.dma_semaphore, #tpu.memory_space<semaphore_mem>>)
        %dma_wait3A = arith.constant 0 : i32
        %dma_wait3A_294 = tpu.memref_slice %arg6[%run_scoped3A, %dma_wait3A] : memref<1x128xi32, #tpu.memory_space<vmem>> -> memref<1x128xi32, #tpu.memory_space<vmem>>
        %dma_wait3A_295 = tpu.memref_squeeze %dma_wait3A_294 : memref<1x128xi32, #tpu.memory_space<vmem>> -> memref<128xi32, #tpu.memory_space<vmem>>
        %dma_wait3A_296 = tpu.memref_slice %arg3[%mul3A_180] : memref<160000xi32, #tpu.memory_space<hbm>> -> memref<128xi32, #tpu.memory_space<hbm>>
        %dma_wait3A_297 = arith.constant 0 : i32
        %dma_wait3A_298 = tpu.memref_slice %arg6[%run_scoped3A, %dma_wait3A_297] : memref<1x128xi32, #tpu.memory_space<vmem>> -> memref<1x128xi32, #tpu.memory_space<vmem>>
        %dma_wait3A_299 = tpu.memref_squeeze %dma_wait3A_298 : memref<1x128xi32, #tpu.memory_space<vmem>> -> memref<128xi32, #tpu.memory_space<vmem>>
        %dma_wait3A_300 = tpu.memref_slice %arg3[%mul3A_180] : memref<160000xi32, #tpu.memory_space<hbm>> -> memref<128xi32, #tpu.memory_space<hbm>>
        tpu.wait_dma2 semaphore(%run_scoped3A_286 : memref<!tpu.dma_semaphore, #tpu.memory_space<semaphore_mem>>) src(%dma_wait3A_300 : memref<128xi32, #tpu.memory_space<hbm>>) dst(%dma_wait3A_299 : memref<128xi32, #tpu.memory_space<vmem>>)
        tpu.yield
      }) : () -> ()
      %run_scoped3A_181 = arith.constant 0 : i32
      "tpu.region"() ({
        %run_scoped3A_286 = tpu.sem_alloc : memref<!tpu.dma_semaphore, #tpu.memory_space<semaphore_mem>>
        %dma_start3A = arith.constant 0 : i32
        %dma_start3A_287 = tpu.memref_slice %arg7[%run_scoped3A_181, %dma_start3A] : memref<1x128xi32, #tpu.memory_space<vmem>> -> memref<1x128xi32, #tpu.memory_space<vmem>>
        %dma_start3A_288 = tpu.memref_squeeze %dma_start3A_287 : memref<1x128xi32, #tpu.memory_space<vmem>> -> memref<128xi32, #tpu.memory_space<vmem>>
        %dma_start3A_289 = tpu.memref_slice %arg4[%mul3A_180] : memref<160000xi32, #tpu.memory_space<hbm>> -> memref<128xi32, #tpu.memory_space<hbm>>
        %dma_start3A_290 = arith.constant 0 : i32
        %dma_start3A_291 = tpu.memref_slice %arg7[%run_scoped3A_181, %dma_start3A_290] : memref<1x128xi32, #tpu.memory_space<vmem>> -> memref<1x128xi32, #tpu.memory_space<vmem>>
        %dma_start3A_292 = tpu.memref_squeeze %dma_start3A_291 : memref<1x128xi32, #tpu.memory_space<vmem>> -> memref<128xi32, #tpu.memory_space<vmem>>
        %dma_start3A_293 = tpu.memref_slice %arg4[%mul3A_180] : memref<160000xi32, #tpu.memory_space<hbm>> -> memref<128xi32, #tpu.memory_space<hbm>>
        tpu.enqueue_dma source(%dma_start3A_293 : memref<128xi32, #tpu.memory_space<hbm>>) target(%dma_start3A_292 : memref<128xi32, #tpu.memory_space<vmem>>) target_semaphore(%run_scoped3A_286 : memref<!tpu.dma_semaphore, #tpu.memory_space<semaphore_mem>>)
        %dma_wait3A = arith.constant 0 : i32
        %dma_wait3A_294 = tpu.memref_slice %arg7[%run_scoped3A_181, %dma_wait3A] : memref<1x128xi32, #tpu.memory_space<vmem>> -> memref<1x128xi32, #tpu.memory_space<vmem>>
        %dma_wait3A_295 = tpu.memref_squeeze %dma_wait3A_294 : memref<1x128xi32, #tpu.memory_space<vmem>> -> memref<128xi32, #tpu.memory_space<vmem>>
        %dma_wait3A_296 = tpu.memref_slice %arg4[%mul3A_180] : memref<160000xi32, #tpu.memory_space<hbm>> -> memref<128xi32, #tpu.memory_space<hbm>>
        %dma_wait3A_297 = arith.constant 0 : i32
        %dma_wait3A_298 = tpu.memref_slice %arg7[%run_scoped3A_181, %dma_wait3A_297] : memref<1x128xi32, #tpu.memory_space<vmem>> -> memref<1x128xi32, #tpu.memory_space<vmem>>
        %dma_wait3A_299 = tpu.memref_squeeze %dma_wait3A_298 : memref<1x128xi32, #tpu.memory_space<vmem>> -> memref<128xi32, #tpu.memory_space<vmem>>
        %dma_wait3A_300 = tpu.memref_slice %arg4[%mul3A_180] : memref<160000xi32, #tpu.memory_space<hbm>> -> memref<128xi32, #tpu.memory_space<hbm>>
        tpu.wait_dma2 semaphore(%run_scoped3A_286 : memref<!tpu.dma_semaphore, #tpu.memory_space<semaphore_mem>>) src(%dma_wait3A_300 : memref<128xi32, #tpu.memory_space<hbm>>) dst(%dma_wait3A_299 : memref<128xi32, #tpu.memory_space<vmem>>)
        tpu.yield
      }) : () -> ()
      %get3A = arith.constant 0 : i32
      %get3A_182 = arith.index_cast %get3A : i32 to index
      %get3A_183 = arith.constant 0 : index
      %get3A_184 = tpu.vector_load %arg6[%get3A_182, %get3A_183] {strides = array<i32>} : memref<1x128xi32, #tpu.memory_space<vmem>>, vector<1x16xi32>,
      %get3A_185 = vector.shape_cast %get3A_184 : vector<1x16xi32> to vector<16xi32>
      %add3A_186 = vector.broadcast %mul3A_6 : i32 to vector<16xi32>
      %add3A_187 = arith.addi %get3A_185, %add3A_186 : vector<16xi32>
      %swap3A = arith.constant 0 : i32
      %swap3A_188 = arith.index_cast %swap3A : i32 to index
      %swap3A_189 = arith.constant 0 : index
      %swap3A_190 = tpu.vector_load %arg6[%swap3A_188, %swap3A_189] {strides = array<i32>} : memref<1x128xi32, #tpu.memory_space<vmem>>, vector<1x16xi32>,
      %swap3A_191 = vector.shape_cast %swap3A_190 : vector<1x16xi32> to vector<16xi32>
      %swap3A_192 = vector.shape_cast %add3A_187 : vector<16xi32> to vector<1x16xi32>
      tpu.vector_store %arg6[%swap3A_188, %swap3A_189], %swap3A_192 {strides = array<i32>} : memref<1x128xi32, #tpu.memory_space<vmem>>, vector<1x16xi32>,
      %get3A_193 = arith.constant 0 : i32
      %get3A_194 = arith.index_cast %get3A_193 : i32 to index
      %get3A_195 = arith.constant 16 : index
      %get3A_196 = tpu.vector_load %arg6[%get3A_194, %get3A_195] {strides = array<i32>} : memref<1x128xi32, #tpu.memory_space<vmem>>, vector<1x16xi32>,
      %get3A_197 = vector.shape_cast %get3A_196 : vector<1x16xi32> to vector<16xi32>
      %add3A_198 = vector.broadcast %mul3A_6 : i32 to vector<16xi32>
      %add3A_199 = arith.addi %get3A_197, %add3A_198 : vector<16xi32>
      %swap3A_200 = arith.constant 0 : i32
      %swap3A_201 = arith.index_cast %swap3A_200 : i32 to index
      %swap3A_202 = arith.constant 16 : index
      %swap3A_203 = tpu.vector_load %arg6[%swap3A_201, %swap3A_202] {strides = array<i32>} : memref<1x128xi32, #tpu.memory_space<vmem>>, vector<1x16xi32>,
      %swap3A_204 = vector.shape_cast %swap3A_203 : vector<1x16xi32> to vector<16xi32>
      %swap3A_205 = vector.shape_cast %add3A_199 : vector<16xi32> to vector<1x16xi32>
      tpu.vector_store %arg6[%swap3A_201, %swap3A_202], %swap3A_205 {strides = array<i32>} : memref<1x128xi32, #tpu.memory_space<vmem>>, vector<1x16xi32>,
      %get3A_206 = arith.constant 0 : i32
      %get3A_207 = arith.index_cast %get3A_206 : i32 to index
      %get3A_208 = arith.constant 32 : index
      %get3A_209 = tpu.vector_load %arg6[%get3A_207, %get3A_208] {strides = array<i32>} : memref<1x128xi32, #tpu.memory_space<vmem>>, vector<1x16xi32>,
      %get3A_210 = vector.shape_cast %get3A_209 : vector<1x16xi32> to vector<16xi32>
      %add3A_211 = vector.broadcast %mul3A_6 : i32 to vector<16xi32>
      %add3A_212 = arith.addi %get3A_210, %add3A_211 : vector<16xi32>
      %swap3A_213 = arith.constant 0 : i32
      %swap3A_214 = arith.index_cast %swap3A_213 : i32 to index
      %swap3A_215 = arith.constant 32 : index
      %swap3A_216 = tpu.vector_load %arg6[%swap3A_214, %swap3A_215] {strides = array<i32>} : memref<1x128xi32, #tpu.memory_space<vmem>>, vector<1x16xi32>,
      %swap3A_217 = vector.shape_cast %swap3A_216 : vector<1x16xi32> to vector<16xi32>
      %swap3A_218 = vector.shape_cast %add3A_212 : vector<16xi32> to vector<1x16xi32>
      tpu.vector_store %arg6[%swap3A_214, %swap3A_215], %swap3A_218 {strides = array<i32>} : memref<1x128xi32, #tpu.memory_space<vmem>>, vector<1x16xi32>,
      %get3A_219 = arith.constant 0 : i32
      %get3A_220 = arith.index_cast %get3A_219 : i32 to index
      %get3A_221 = arith.constant 48 : index
      %get3A_222 = tpu.vector_load %arg6[%get3A_220, %get3A_221] {strides = array<i32>} : memref<1x128xi32, #tpu.memory_space<vmem>>, vector<1x16xi32>,
      %get3A_223 = vector.shape_cast %get3A_222 : vector<1x16xi32> to vector<16xi32>
      %add3A_224 = vector.broadcast %mul3A_6 : i32 to vector<16xi32>
      %add3A_225 = arith.addi %get3A_223, %add3A_224 : vector<16xi32>
      %swap3A_226 = arith.constant 0 : i32
      %swap3A_227 = arith.index_cast %swap3A_226 : i32 to index
      %swap3A_228 = arith.constant 48 : index
      %swap3A_229 = tpu.vector_load %arg6[%swap3A_227, %swap3A_228] {strides = array<i32>} : memref<1x128xi32, #tpu.memory_space<vmem>>, vector<1x16xi32>,
      %swap3A_230 = vector.shape_cast %swap3A_229 : vector<1x16xi32> to vector<16xi32>
      %swap3A_231 = vector.shape_cast %add3A_225 : vector<16xi32> to vector<1x16xi32>
      tpu.vector_store %arg6[%swap3A_227, %swap3A_228], %swap3A_231 {strides = array<i32>} : memref<1x128xi32, #tpu.memory_space<vmem>>, vector<1x16xi32>,
      %get3A_232 = arith.constant 0 : i32
      %get3A_233 = arith.index_cast %get3A_232 : i32 to index
      %get3A_234 = arith.constant 64 : index
      %get3A_235 = tpu.vector_load %arg6[%get3A_233, %get3A_234] {strides = array<i32>} : memref<1x128xi32, #tpu.memory_space<vmem>>, vector<1x16xi32>,
      %get3A_236 = vector.shape_cast %get3A_235 : vector<1x16xi32> to vector<16xi32>
      %add3A_237 = vector.broadcast %mul3A_6 : i32 to vector<16xi32>
      %add3A_238 = arith.addi %get3A_236, %add3A_237 : vector<16xi32>
      %swap3A_239 = arith.constant 0 : i32
      %swap3A_240 = arith.index_cast %swap3A_239 : i32 to index
      %swap3A_241 = arith.constant 64 : index
      %swap3A_242 = tpu.vector_load %arg6[%swap3A_240, %swap3A_241] {strides = array<i32>} : memref<1x128xi32, #tpu.memory_space<vmem>>, vector<1x16xi32>,
      %swap3A_243 = vector.shape_cast %swap3A_242 : vector<1x16xi32> to vector<16xi32>
      %swap3A_244 = vector.shape_cast %add3A_238 : vector<16xi32> to vector<1x16xi32>
      tpu.vector_store %arg6[%swap3A_240, %swap3A_241], %swap3A_244 {strides = array<i32>} : memref<1x128xi32, #tpu.memory_space<vmem>>, vector<1x16xi32>,
      %get3A_245 = arith.constant 0 : i32
      %get3A_246 = arith.index_cast %get3A_245 : i32 to index
      %get3A_247 = arith.constant 80 : index
      %get3A_248 = tpu.vector_load %arg6[%get3A_246, %get3A_247] {strides = array<i32>} : memref<1x128xi32, #tpu.memory_space<vmem>>, vector<1x16xi32>,
      %get3A_249 = vector.shape_cast %get3A_248 : vector<1x16xi32> to vector<16xi32>
      %add3A_250 = vector.broadcast %mul3A_6 : i32 to vector<16xi32>
      %add3A_251 = arith.addi %get3A_249, %add3A_250 : vector<16xi32>
      %swap3A_252 = arith.constant 0 : i32
      %swap3A_253 = arith.index_cast %swap3A_252 : i32 to index
      %swap3A_254 = arith.constant 80 : index
      %swap3A_255 = tpu.vector_load %arg6[%swap3A_253, %swap3A_254] {strides = array<i32>} : memref<1x128xi32, #tpu.memory_space<vmem>>, vector<1x16xi32>,
      %swap3A_256 = vector.shape_cast %swap3A_255 : vector<1x16xi32> to vector<16xi32>
      %swap3A_257 = vector.shape_cast %add3A_251 : vector<16xi32> to vector<1x16xi32>
      tpu.vector_store %arg6[%swap3A_253, %swap3A_254], %swap3A_257 {strides = array<i32>} : memref<1x128xi32, #tpu.memory_space<vmem>>, vector<1x16xi32>,
      %get3A_258 = arith.constant 0 : i32
      %get3A_259 = arith.index_cast %get3A_258 : i32 to index
      %get3A_260 = arith.constant 96 : index
      %get3A_261 = tpu.vector_load %arg6[%get3A_259, %get3A_260] {strides = array<i32>} : memref<1x128xi32, #tpu.memory_space<vmem>>, vector<1x16xi32>,
      %get3A_262 = vector.shape_cast %get3A_261 : vector<1x16xi32> to vector<16xi32>
      %add3A_263 = vector.broadcast %mul3A_6 : i32 to vector<16xi32>
      %add3A_264 = arith.addi %get3A_262, %add3A_263 : vector<16xi32>
      %swap3A_265 = arith.constant 0 : i32
      %swap3A_266 = arith.index_cast %swap3A_265 : i32 to index
      %swap3A_267 = arith.constant 96 : index
      %swap3A_268 = tpu.vector_load %arg6[%swap3A_266, %swap3A_267] {strides = array<i32>} : memref<1x128xi32, #tpu.memory_space<vmem>>, vector<1x16xi32>,
      %swap3A_269 = vector.shape_cast %swap3A_268 : vector<1x16xi32> to vector<16xi32>
      %swap3A_270 = vector.shape_cast %add3A_264 : vector<16xi32> to vector<1x16xi32>
      tpu.vector_store %arg6[%swap3A_266, %swap3A_267], %swap3A_270 {strides = array<i32>} : memref<1x128xi32, #tpu.memory_space<vmem>>, vector<1x16xi32>,
      %get3A_271 = arith.constant 0 : i32
      %get3A_272 = arith.index_cast %get3A_271 : i32 to index
      %get3A_273 = arith.constant 112 : index
      %get3A_274 = tpu.vector_load %arg6[%get3A_272, %get3A_273] {strides = array<i32>} : memref<1x128xi32, #tpu.memory_space<vmem>>, vector<1x16xi32>,
      %get3A_275 = vector.shape_cast %get3A_274 : vector<1x16xi32> to vector<16xi32>
      %add3A_276 = vector.broadcast %mul3A_6 : i32 to vector<16xi32>
      %add3A_277 = arith.addi %get3A_275, %add3A_276 : vector<16xi32>
      %swap3A_278 = arith.constant 0 : i32
      %swap3A_279 = arith.index_cast %swap3A_278 : i32 to index
      %swap3A_280 = arith.constant 112 : index
      %swap3A_281 = tpu.vector_load %arg6[%swap3A_279, %swap3A_280] {strides = array<i32>} : memref<1x128xi32, #tpu.memory_space<vmem>>, vector<1x16xi32>,
      %swap3A_282 = vector.shape_cast %swap3A_281 : vector<1x16xi32> to vector<16xi32>
      %swap3A_283 = vector.shape_cast %add3A_277 : vector<16xi32> to vector<1x16xi32>
      tpu.vector_store %arg6[%swap3A_279, %swap3A_280], %swap3A_283 {strides = array<i32>} : memref<1x128xi32, #tpu.memory_space<vmem>>, vector<1x16xi32>,
      %run_scoped3A_284 = arith.constant 0 : i32
      "tpu.region"() ({
        %run_scoped3A_286 = tpu.sem_alloc : memref<!tpu.dma_semaphore, #tpu.memory_space<semaphore_mem>>
        %dma_start3A = arith.constant 0 : i32
        %dma_start3A_287 = tpu.memref_slice %arg6[%run_scoped3A_284, %dma_start3A] : memref<1x128xi32, #tpu.memory_space<vmem>> -> memref<1x128xi32, #tpu.memory_space<vmem>>
        %dma_start3A_288 = tpu.memref_squeeze %dma_start3A_287 : memref<1x128xi32, #tpu.memory_space<vmem>> -> memref<128xi32, #tpu.memory_space<vmem>>
        %dma_start3A_289 = arith.constant 0 : i32
        %dma_start3A_290 = arith.constant 0 : i32
        %dma_start3A_291 = tpu.memref_slice %arg2[%dma_start3A_289, %dma_start3A_290] : memref<40960x128xf32, #tpu.memory_space<hbm>> -> memref<40960x128xf32, #tpu.memory_space<hbm>>
        tpu.enqueue_indirect_dma source(%dma_start3A_291 : memref<40960x128xf32, #tpu.memory_space<hbm>>) target(%arg8 : memref<128x128xf32, #tpu.memory_space<vmem>>) offsets(%dma_start3A_288 : memref<128xi32, #tpu.memory_space<vmem>>) semaphore(%run_scoped3A_286 : memref<!tpu.dma_semaphore, #tpu.memory_space<semaphore_mem>>)
        %dma_wait3A = arith.constant 0 : i32
        %dma_wait3A_292 = tpu.memref_slice %arg6[%run_scoped3A_284, %dma_wait3A] : memref<1x128xi32, #tpu.memory_space<vmem>> -> memref<1x128xi32, #tpu.memory_space<vmem>>
        %dma_wait3A_293 = tpu.memref_squeeze %dma_wait3A_292 : memref<1x128xi32, #tpu.memory_space<vmem>> -> memref<128xi32, #tpu.memory_space<vmem>>
        %dma_wait3A_294 = arith.constant 0 : i32
        %dma_wait3A_295 = arith.constant 0 : i32
        %dma_wait3A_296 = tpu.memref_slice %arg2[%dma_wait3A_294, %dma_wait3A_295] : memref<40960x128xf32, #tpu.memory_space<hbm>> -> memref<40960x128xf32, #tpu.memory_space<hbm>>
        tpu.wait_indirect_dma semaphore(%run_scoped3A_286 : memref<!tpu.dma_semaphore, #tpu.memory_space<semaphore_mem>>) src(%dma_wait3A_296 : memref<40960x128xf32, #tpu.memory_space<hbm>>) dst(%arg8 : memref<128x128xf32, #tpu.memory_space<vmem>>)
        tpu.yield
      }) : () -> ()
      %run_scoped3A_285 = arith.constant 0 : i32
      "tpu.region"() ({
        %run_scoped3A_286 = tpu.sem_alloc : memref<!tpu.dma_semaphore, #tpu.memory_space<semaphore_mem>>
        %dma_start3A = arith.constant 0 : i32
        %dma_start3A_287 = tpu.memref_slice %arg7[%run_scoped3A_285, %dma_start3A] : memref<1x128xi32, #tpu.memory_space<vmem>> -> memref<1x128xi32, #tpu.memory_space<vmem>>
        %dma_start3A_288 = tpu.memref_squeeze %dma_start3A_287 : memref<1x128xi32, #tpu.memory_space<vmem>> -> memref<128xi32, #tpu.memory_space<vmem>>
        %dma_start3A_289 = arith.constant 0 : i32
        %dma_start3A_290 = arith.constant 0 : i32
        %dma_start3A_291 = tpu.memref_slice %arg10[%dma_start3A_289, %dma_start3A_290] : memref<10240x128xf32, #tpu.memory_space<vmem_shared>> -> memref<10240x128xf32, #tpu.memory_space<vmem_shared>>
        tpu.enqueue_indirect_dma source(%arg8 : memref<128x128xf32, #tpu.memory_space<vmem>>) target(%dma_start3A_291 : memref<10240x128xf32, #tpu.memory_space<vmem_shared>>) offsets(%dma_start3A_288 : memref<128xi32, #tpu.memory_space<vmem>>) semaphore(%run_scoped3A_286 : memref<!tpu.dma_semaphore, #tpu.memory_space<semaphore_mem>>) {add = true}
        %dma_wait3A = arith.constant 0 : i32
        %dma_wait3A_292 = tpu.memref_slice %arg7[%run_scoped3A_285, %dma_wait3A] : memref<1x128xi32, #tpu.memory_space<vmem>> -> memref<1x128xi32, #tpu.memory_space<vmem>>
        %dma_wait3A_293 = tpu.memref_squeeze %dma_wait3A_292 : memref<1x128xi32, #tpu.memory_space<vmem>> -> memref<128xi32, #tpu.memory_space<vmem>>
        %dma_wait3A_294 = arith.constant 0 : i32
        %dma_wait3A_295 = arith.constant 0 : i32
        %dma_wait3A_296 = tpu.memref_slice %arg10[%dma_wait3A_294, %dma_wait3A_295] : memref<10240x128xf32, #tpu.memory_space<vmem_shared>> -> memref<10240x128xf32, #tpu.memory_space<vmem_shared>>
        tpu.wait_indirect_dma semaphore(%run_scoped3A_286 : memref<!tpu.dma_semaphore, #tpu.memory_space<semaphore_mem>>) src(%arg8 : memref<128x128xf32, #tpu.memory_space<vmem>>) dst(%dma_wait3A_296 : memref<10240x128xf32, #tpu.memory_space<vmem_shared>>)
        tpu.yield
      }) : () -> ()
    }
    %while3A_57 = arith.constant 1 : i32
    scf.for %while3A_175 = %while3A_55 to %while3A_51 step %while3A_57  : i32 {
      %mul3A_176 = arith.constant 16 : i32
      %mul3A_177 = arith.muli %while3A_175, %mul3A_176 : i32
      %add3A_178 = arith.addi %arg1, %mul3A_177 : i32
      %mul3A_179 = arith.constant 128 : i32
      %mul3A_180 = arith.muli %add3A_178, %mul3A_179 : i32
      %run_scoped3A = arith.constant 0 : i32
      "tpu.region"() ({
        %run_scoped3A_286 = tpu.sem_alloc : memref<!tpu.dma_semaphore, #tpu.memory_space<semaphore_mem>>
        %dma_start3A = arith.constant 0 : i32
        %dma_start3A_287 = tpu.memref_slice %arg6[%run_scoped3A, %dma_start3A] : memref<1x128xi32, #tpu.memory_space<vmem>> -> memref<1x128xi32, #tpu.memory_space<vmem>>
        %dma_start3A_288 = tpu.memref_squeeze %dma_start3A_287 : memref<1x128xi32, #tpu.memory_space<vmem>> -> memref<128xi32, #tpu.memory_space<vmem>>
        %dma_start3A_289 = tpu.memref_slice %arg3[%mul3A_180] : memref<160000xi32, #tpu.memory_space<hbm>> -> memref<128xi32, #tpu.memory_space<hbm>>
        %dma_start3A_290 = arith.constant 0 : i32
        %dma_start3A_291 = tpu.memref_slice %arg6[%run_scoped3A, %dma_start3A_290] : memref<1x128xi32, #tpu.memory_space<vmem>> -> memref<1x128xi32, #tpu.memory_space<vmem>>
        %dma_start3A_292 = tpu.memref_squeeze %dma_start3A_291 : memref<1x128xi32, #tpu.memory_space<vmem>> -> memref<128xi32, #tpu.memory_space<vmem>>
        %dma_start3A_293 = tpu.memref_slice %arg3[%mul3A_180] : memref<160000xi32, #tpu.memory_space<hbm>> -> memref<128xi32, #tpu.memory_space<hbm>>
        tpu.enqueue_dma source(%dma_start3A_293 : memref<128xi32, #tpu.memory_space<hbm>>) target(%dma_start3A_292 : memref<128xi32, #tpu.memory_space<vmem>>) target_semaphore(%run_scoped3A_286 : memref<!tpu.dma_semaphore, #tpu.memory_space<semaphore_mem>>)
        %dma_wait3A = arith.constant 0 : i32
        %dma_wait3A_294 = tpu.memref_slice %arg6[%run_scoped3A, %dma_wait3A] : memref<1x128xi32, #tpu.memory_space<vmem>> -> memref<1x128xi32, #tpu.memory_space<vmem>>
        %dma_wait3A_295 = tpu.memref_squeeze %dma_wait3A_294 : memref<1x128xi32, #tpu.memory_space<vmem>> -> memref<128xi32, #tpu.memory_space<vmem>>
        %dma_wait3A_296 = tpu.memref_slice %arg3[%mul3A_180] : memref<160000xi32, #tpu.memory_space<hbm>> -> memref<128xi32, #tpu.memory_space<hbm>>
        %dma_wait3A_297 = arith.constant 0 : i32
        %dma_wait3A_298 = tpu.memref_slice %arg6[%run_scoped3A, %dma_wait3A_297] : memref<1x128xi32, #tpu.memory_space<vmem>> -> memref<1x128xi32, #tpu.memory_space<vmem>>
        %dma_wait3A_299 = tpu.memref_squeeze %dma_wait3A_298 : memref<1x128xi32, #tpu.memory_space<vmem>> -> memref<128xi32, #tpu.memory_space<vmem>>
        %dma_wait3A_300 = tpu.memref_slice %arg3[%mul3A_180] : memref<160000xi32, #tpu.memory_space<hbm>> -> memref<128xi32, #tpu.memory_space<hbm>>
        tpu.wait_dma2 semaphore(%run_scoped3A_286 : memref<!tpu.dma_semaphore, #tpu.memory_space<semaphore_mem>>) src(%dma_wait3A_300 : memref<128xi32, #tpu.memory_space<hbm>>) dst(%dma_wait3A_299 : memref<128xi32, #tpu.memory_space<vmem>>)
        tpu.yield
      }) : () -> ()
      %run_scoped3A_181 = arith.constant 0 : i32
      "tpu.region"() ({
        %run_scoped3A_286 = tpu.sem_alloc : memref<!tpu.dma_semaphore, #tpu.memory_space<semaphore_mem>>
        %dma_start3A = arith.constant 0 : i32
        %dma_start3A_287 = tpu.memref_slice %arg7[%run_scoped3A_181, %dma_start3A] : memref<1x128xi32, #tpu.memory_space<vmem>> -> memref<1x128xi32, #tpu.memory_space<vmem>>
        %dma_start3A_288 = tpu.memref_squeeze %dma_start3A_287 : memref<1x128xi32, #tpu.memory_space<vmem>> -> memref<128xi32, #tpu.memory_space<vmem>>
        %dma_start3A_289 = tpu.memref_slice %arg4[%mul3A_180] : memref<160000xi32, #tpu.memory_space<hbm>> -> memref<128xi32, #tpu.memory_space<hbm>>
        %dma_start3A_290 = arith.constant 0 : i32
        %dma_start3A_291 = tpu.memref_slice %arg7[%run_scoped3A_181, %dma_start3A_290] : memref<1x128xi32, #tpu.memory_space<vmem>> -> memref<1x128xi32, #tpu.memory_space<vmem>>
        %dma_start3A_292 = tpu.memref_squeeze %dma_start3A_291 : memref<1x128xi32, #tpu.memory_space<vmem>> -> memref<128xi32, #tpu.memory_space<vmem>>
        %dma_start3A_293 = tpu.memref_slice %arg4[%mul3A_180] : memref<160000xi32, #tpu.memory_space<hbm>> -> memref<128xi32, #tpu.memory_space<hbm>>
        tpu.enqueue_dma source(%dma_start3A_293 : memref<128xi32, #tpu.memory_space<hbm>>) target(%dma_start3A_292 : memref<128xi32, #tpu.memory_space<vmem>>) target_semaphore(%run_scoped3A_286 : memref<!tpu.dma_semaphore, #tpu.memory_space<semaphore_mem>>)
        %dma_wait3A = arith.constant 0 : i32
        %dma_wait3A_294 = tpu.memref_slice %arg7[%run_scoped3A_181, %dma_wait3A] : memref<1x128xi32, #tpu.memory_space<vmem>> -> memref<1x128xi32, #tpu.memory_space<vmem>>
        %dma_wait3A_295 = tpu.memref_squeeze %dma_wait3A_294 : memref<1x128xi32, #tpu.memory_space<vmem>> -> memref<128xi32, #tpu.memory_space<vmem>>
        %dma_wait3A_296 = tpu.memref_slice %arg4[%mul3A_180] : memref<160000xi32, #tpu.memory_space<hbm>> -> memref<128xi32, #tpu.memory_space<hbm>>
        %dma_wait3A_297 = arith.constant 0 : i32
        %dma_wait3A_298 = tpu.memref_slice %arg7[%run_scoped3A_181, %dma_wait3A_297] : memref<1x128xi32, #tpu.memory_space<vmem>> -> memref<1x128xi32, #tpu.memory_space<vmem>>
        %dma_wait3A_299 = tpu.memref_squeeze %dma_wait3A_298 : memref<1x128xi32, #tpu.memory_space<vmem>> -> memref<128xi32, #tpu.memory_space<vmem>>
        %dma_wait3A_300 = tpu.memref_slice %arg4[%mul3A_180] : memref<160000xi32, #tpu.memory_space<hbm>> -> memref<128xi32, #tpu.memory_space<hbm>>
        tpu.wait_dma2 semaphore(%run_scoped3A_286 : memref<!tpu.dma_semaphore, #tpu.memory_space<semaphore_mem>>) src(%dma_wait3A_300 : memref<128xi32, #tpu.memory_space<hbm>>) dst(%dma_wait3A_299 : memref<128xi32, #tpu.memory_space<vmem>>)
        tpu.yield
      }) : () -> ()
      %get3A = arith.constant 0 : i32
      %get3A_182 = arith.index_cast %get3A : i32 to index
      %get3A_183 = arith.constant 0 : index
      %get3A_184 = tpu.vector_load %arg6[%get3A_182, %get3A_183] {strides = array<i32>} : memref<1x128xi32, #tpu.memory_space<vmem>>, vector<1x16xi32>,
      %get3A_185 = vector.shape_cast %get3A_184 : vector<1x16xi32> to vector<16xi32>
      %add3A_186 = vector.broadcast %mul3A_6 : i32 to vector<16xi32>
      %add3A_187 = arith.addi %get3A_185, %add3A_186 : vector<16xi32>
      %swap3A = arith.constant 0 : i32
      %swap3A_188 = arith.index_cast %swap3A : i32 to index
      %swap3A_189 = arith.constant 0 : index
      %swap3A_190 = tpu.vector_load %arg6[%swap3A_188, %swap3A_189] {strides = array<i32>} : memref<1x128xi32, #tpu.memory_space<vmem>>, vector<1x16xi32>,
      %swap3A_191 = vector.shape_cast %swap3A_190 : vector<1x16xi32> to vector<16xi32>
      %swap3A_192 = vector.shape_cast %add3A_187 : vector<16xi32> to vector<1x16xi32>
      tpu.vector_store %arg6[%swap3A_188, %swap3A_189], %swap3A_192 {strides = array<i32>} : memref<1x128xi32, #tpu.memory_space<vmem>>, vector<1x16xi32>,
      %get3A_193 = arith.constant 0 : i32
      %get3A_194 = arith.index_cast %get3A_193 : i32 to index
      %get3A_195 = arith.constant 16 : index
      %get3A_196 = tpu.vector_load %arg6[%get3A_194, %get3A_195] {strides = array<i32>} : memref<1x128xi32, #tpu.memory_space<vmem>>, vector<1x16xi32>,
      %get3A_197 = vector.shape_cast %get3A_196 : vector<1x16xi32> to vector<16xi32>
      %add3A_198 = vector.broadcast %mul3A_6 : i32 to vector<16xi32>
      %add3A_199 = arith.addi %get3A_197, %add3A_198 : vector<16xi32>
      %swap3A_200 = arith.constant 0 : i32
      %swap3A_201 = arith.index_cast %swap3A_200 : i32 to index
      %swap3A_202 = arith.constant 16 : index
      %swap3A_203 = tpu.vector_load %arg6[%swap3A_201, %swap3A_202] {strides = array<i32>} : memref<1x128xi32, #tpu.memory_space<vmem>>, vector<1x16xi32>,
      %swap3A_204 = vector.shape_cast %swap3A_203 : vector<1x16xi32> to vector<16xi32>
      %swap3A_205 = vector.shape_cast %add3A_199 : vector<16xi32> to vector<1x16xi32>
      tpu.vector_store %arg6[%swap3A_201, %swap3A_202], %swap3A_205 {strides = array<i32>} : memref<1x128xi32, #tpu.memory_space<vmem>>, vector<1x16xi32>,
      %get3A_206 = arith.constant 0 : i32
      %get3A_207 = arith.index_cast %get3A_206 : i32 to index
      %get3A_208 = arith.constant 32 : index
      %get3A_209 = tpu.vector_load %arg6[%get3A_207, %get3A_208] {strides = array<i32>} : memref<1x128xi32, #tpu.memory_space<vmem>>, vector<1x16xi32>,
      %get3A_210 = vector.shape_cast %get3A_209 : vector<1x16xi32> to vector<16xi32>
      %add3A_211 = vector.broadcast %mul3A_6 : i32 to vector<16xi32>
      %add3A_212 = arith.addi %get3A_210, %add3A_211 : vector<16xi32>
      %swap3A_213 = arith.constant 0 : i32
      %swap3A_214 = arith.index_cast %swap3A_213 : i32 to index
      %swap3A_215 = arith.constant 32 : index
      %swap3A_216 = tpu.vector_load %arg6[%swap3A_214, %swap3A_215] {strides = array<i32>} : memref<1x128xi32, #tpu.memory_space<vmem>>, vector<1x16xi32>,
      %swap3A_217 = vector.shape_cast %swap3A_216 : vector<1x16xi32> to vector<16xi32>
      %swap3A_218 = vector.shape_cast %add3A_212 : vector<16xi32> to vector<1x16xi32>
      tpu.vector_store %arg6[%swap3A_214, %swap3A_215], %swap3A_218 {strides = array<i32>} : memref<1x128xi32, #tpu.memory_space<vmem>>, vector<1x16xi32>,
      %get3A_219 = arith.constant 0 : i32
      %get3A_220 = arith.index_cast %get3A_219 : i32 to index
      %get3A_221 = arith.constant 48 : index
      %get3A_222 = tpu.vector_load %arg6[%get3A_220, %get3A_221] {strides = array<i32>} : memref<1x128xi32, #tpu.memory_space<vmem>>, vector<1x16xi32>,
      %get3A_223 = vector.shape_cast %get3A_222 : vector<1x16xi32> to vector<16xi32>
      %add3A_224 = vector.broadcast %mul3A_6 : i32 to vector<16xi32>
      %add3A_225 = arith.addi %get3A_223, %add3A_224 : vector<16xi32>
      %swap3A_226 = arith.constant 0 : i32
      %swap3A_227 = arith.index_cast %swap3A_226 : i32 to index
      %swap3A_228 = arith.constant 48 : index
      %swap3A_229 = tpu.vector_load %arg6[%swap3A_227, %swap3A_228] {strides = array<i32>} : memref<1x128xi32, #tpu.memory_space<vmem>>, vector<1x16xi32>,
      %swap3A_230 = vector.shape_cast %swap3A_229 : vector<1x16xi32> to vector<16xi32>
      %swap3A_231 = vector.shape_cast %add3A_225 : vector<16xi32> to vector<1x16xi32>
      tpu.vector_store %arg6[%swap3A_227, %swap3A_228], %swap3A_231 {strides = array<i32>} : memref<1x128xi32, #tpu.memory_space<vmem>>, vector<1x16xi32>,
      %get3A_232 = arith.constant 0 : i32
      %get3A_233 = arith.index_cast %get3A_232 : i32 to index
      %get3A_234 = arith.constant 64 : index
      %get3A_235 = tpu.vector_load %arg6[%get3A_233, %get3A_234] {strides = array<i32>} : memref<1x128xi32, #tpu.memory_space<vmem>>, vector<1x16xi32>,
      %get3A_236 = vector.shape_cast %get3A_235 : vector<1x16xi32> to vector<16xi32>
      %add3A_237 = vector.broadcast %mul3A_6 : i32 to vector<16xi32>
      %add3A_238 = arith.addi %get3A_236, %add3A_237 : vector<16xi32>
      %swap3A_239 = arith.constant 0 : i32
      %swap3A_240 = arith.index_cast %swap3A_239 : i32 to index
      %swap3A_241 = arith.constant 64 : index
      %swap3A_242 = tpu.vector_load %arg6[%swap3A_240, %swap3A_241] {strides = array<i32>} : memref<1x128xi32, #tpu.memory_space<vmem>>, vector<1x16xi32>,
      %swap3A_243 = vector.shape_cast %swap3A_242 : vector<1x16xi32> to vector<16xi32>
      %swap3A_244 = vector.shape_cast %add3A_238 : vector<16xi32> to vector<1x16xi32>
      tpu.vector_store %arg6[%swap3A_240, %swap3A_241], %swap3A_244 {strides = array<i32>} : memref<1x128xi32, #tpu.memory_space<vmem>>, vector<1x16xi32>,
      %get3A_245 = arith.constant 0 : i32
      %get3A_246 = arith.index_cast %get3A_245 : i32 to index
      %get3A_247 = arith.constant 80 : index
      %get3A_248 = tpu.vector_load %arg6[%get3A_246, %get3A_247] {strides = array<i32>} : memref<1x128xi32, #tpu.memory_space<vmem>>, vector<1x16xi32>,
      %get3A_249 = vector.shape_cast %get3A_248 : vector<1x16xi32> to vector<16xi32>
      %add3A_250 = vector.broadcast %mul3A_6 : i32 to vector<16xi32>
      %add3A_251 = arith.addi %get3A_249, %add3A_250 : vector<16xi32>
      %swap3A_252 = arith.constant 0 : i32
      %swap3A_253 = arith.index_cast %swap3A_252 : i32 to index
      %swap3A_254 = arith.constant 80 : index
      %swap3A_255 = tpu.vector_load %arg6[%swap3A_253, %swap3A_254] {strides = array<i32>} : memref<1x128xi32, #tpu.memory_space<vmem>>, vector<1x16xi32>,
      %swap3A_256 = vector.shape_cast %swap3A_255 : vector<1x16xi32> to vector<16xi32>
      %swap3A_257 = vector.shape_cast %add3A_251 : vector<16xi32> to vector<1x16xi32>
      tpu.vector_store %arg6[%swap3A_253, %swap3A_254], %swap3A_257 {strides = array<i32>} : memref<1x128xi32, #tpu.memory_space<vmem>>, vector<1x16xi32>,
      %get3A_258 = arith.constant 0 : i32
      %get3A_259 = arith.index_cast %get3A_258 : i32 to index
      %get3A_260 = arith.constant 96 : index
      %get3A_261 = tpu.vector_load %arg6[%get3A_259, %get3A_260] {strides = array<i32>} : memref<1x128xi32, #tpu.memory_space<vmem>>, vector<1x16xi32>,
      %get3A_262 = vector.shape_cast %get3A_261 : vector<1x16xi32> to vector<16xi32>
      %add3A_263 = vector.broadcast %mul3A_6 : i32 to vector<16xi32>
      %add3A_264 = arith.addi %get3A_262, %add3A_263 : vector<16xi32>
      %swap3A_265 = arith.constant 0 : i32
      %swap3A_266 = arith.index_cast %swap3A_265 : i32 to index
      %swap3A_267 = arith.constant 96 : index
      %swap3A_268 = tpu.vector_load %arg6[%swap3A_266, %swap3A_267] {strides = array<i32>} : memref<1x128xi32, #tpu.memory_space<vmem>>, vector<1x16xi32>,
      %swap3A_269 = vector.shape_cast %swap3A_268 : vector<1x16xi32> to vector<16xi32>
      %swap3A_270 = vector.shape_cast %add3A_264 : vector<16xi32> to vector<1x16xi32>
      tpu.vector_store %arg6[%swap3A_266, %swap3A_267], %swap3A_270 {strides = array<i32>} : memref<1x128xi32, #tpu.memory_space<vmem>>, vector<1x16xi32>,
      %get3A_271 = arith.constant 0 : i32
      %get3A_272 = arith.index_cast %get3A_271 : i32 to index
      %get3A_273 = arith.constant 112 : index
      %get3A_274 = tpu.vector_load %arg6[%get3A_272, %get3A_273] {strides = array<i32>} : memref<1x128xi32, #tpu.memory_space<vmem>>, vector<1x16xi32>,
      %get3A_275 = vector.shape_cast %get3A_274 : vector<1x16xi32> to vector<16xi32>
      %add3A_276 = vector.broadcast %mul3A_6 : i32 to vector<16xi32>
      %add3A_277 = arith.addi %get3A_275, %add3A_276 : vector<16xi32>
      %swap3A_278 = arith.constant 0 : i32
      %swap3A_279 = arith.index_cast %swap3A_278 : i32 to index
      %swap3A_280 = arith.constant 112 : index
      %swap3A_281 = tpu.vector_load %arg6[%swap3A_279, %swap3A_280] {strides = array<i32>} : memref<1x128xi32, #tpu.memory_space<vmem>>, vector<1x16xi32>,
      %swap3A_282 = vector.shape_cast %swap3A_281 : vector<1x16xi32> to vector<16xi32>
      %swap3A_283 = vector.shape_cast %add3A_277 : vector<16xi32> to vector<1x16xi32>
      tpu.vector_store %arg6[%swap3A_279, %swap3A_280], %swap3A_283 {strides = array<i32>} : memref<1x128xi32, #tpu.memory_space<vmem>>, vector<1x16xi32>,
      %run_scoped3A_284 = arith.constant 0 : i32
      "tpu.region"() ({
        %run_scoped3A_286 = tpu.sem_alloc : memref<!tpu.dma_semaphore, #tpu.memory_space<semaphore_mem>>
        %dma_start3A = arith.constant 0 : i32
        %dma_start3A_287 = tpu.memref_slice %arg6[%run_scoped3A_284, %dma_start3A] : memref<1x128xi32, #tpu.memory_space<vmem>> -> memref<1x128xi32, #tpu.memory_space<vmem>>
        %dma_start3A_288 = tpu.memref_squeeze %dma_start3A_287 : memref<1x128xi32, #tpu.memory_space<vmem>> -> memref<128xi32, #tpu.memory_space<vmem>>
        %dma_start3A_289 = arith.constant 0 : i32
        %dma_start3A_290 = arith.constant 0 : i32
        %dma_start3A_291 = tpu.memref_slice %arg2[%dma_start3A_289, %dma_start3A_290] : memref<40960x128xf32, #tpu.memory_space<hbm>> -> memref<40960x128xf32, #tpu.memory_space<hbm>>
        tpu.enqueue_indirect_dma source(%dma_start3A_291 : memref<40960x128xf32, #tpu.memory_space<hbm>>) target(%arg8 : memref<128x128xf32, #tpu.memory_space<vmem>>) offsets(%dma_start3A_288 : memref<128xi32, #tpu.memory_space<vmem>>) semaphore(%run_scoped3A_286 : memref<!tpu.dma_semaphore, #tpu.memory_space<semaphore_mem>>)
        %dma_wait3A = arith.constant 0 : i32
        %dma_wait3A_292 = tpu.memref_slice %arg6[%run_scoped3A_284, %dma_wait3A] : memref<1x128xi32, #tpu.memory_space<vmem>> -> memref<1x128xi32, #tpu.memory_space<vmem>>
        %dma_wait3A_293 = tpu.memref_squeeze %dma_wait3A_292 : memref<1x128xi32, #tpu.memory_space<vmem>> -> memref<128xi32, #tpu.memory_space<vmem>>
        %dma_wait3A_294 = arith.constant 0 : i32
        %dma_wait3A_295 = arith.constant 0 : i32
        %dma_wait3A_296 = tpu.memref_slice %arg2[%dma_wait3A_294, %dma_wait3A_295] : memref<40960x128xf32, #tpu.memory_space<hbm>> -> memref<40960x128xf32, #tpu.memory_space<hbm>>
        tpu.wait_indirect_dma semaphore(%run_scoped3A_286 : memref<!tpu.dma_semaphore, #tpu.memory_space<semaphore_mem>>) src(%dma_wait3A_296 : memref<40960x128xf32, #tpu.memory_space<hbm>>) dst(%arg8 : memref<128x128xf32, #tpu.memory_space<vmem>>)
        tpu.yield
      }) : () -> ()
      %run_scoped3A_285 = arith.constant 0 : i32
      "tpu.region"() ({
        %run_scoped3A_286 = tpu.sem_alloc : memref<!tpu.dma_semaphore, #tpu.memory_space<semaphore_mem>>
        %dma_start3A = arith.constant 0 : i32
        %dma_start3A_287 = tpu.memref_slice %arg7[%run_scoped3A_285, %dma_start3A] : memref<1x128xi32, #tpu.memory_space<vmem>> -> memref<1x128xi32, #tpu.memory_space<vmem>>
        %dma_start3A_288 = tpu.memref_squeeze %dma_start3A_287 : memref<1x128xi32, #tpu.memory_space<vmem>> -> memref<128xi32, #tpu.memory_space<vmem>>
        %dma_start3A_289 = arith.constant 0 : i32
        %dma_start3A_290 = arith.constant 0 : i32
        %dma_start3A_291 = tpu.memref_slice %arg10[%dma_start3A_289, %dma_start3A_290] : memref<10240x128xf32, #tpu.memory_space<vmem_shared>> -> memref<10240x128xf32, #tpu.memory_space<vmem_shared>>
        tpu.enqueue_indirect_dma source(%arg8 : memref<128x128xf32, #tpu.memory_space<vmem>>) target(%dma_start3A_291 : memref<10240x128xf32, #tpu.memory_space<vmem_shared>>) offsets(%dma_start3A_288 : memref<128xi32, #tpu.memory_space<vmem>>) semaphore(%run_scoped3A_286 : memref<!tpu.dma_semaphore, #tpu.memory_space<semaphore_mem>>) {add = true}
        %dma_wait3A = arith.constant 0 : i32
        %dma_wait3A_292 = tpu.memref_slice %arg7[%run_scoped3A_285, %dma_wait3A] : memref<1x128xi32, #tpu.memory_space<vmem>> -> memref<1x128xi32, #tpu.memory_space<vmem>>
        %dma_wait3A_293 = tpu.memref_squeeze %dma_wait3A_292 : memref<1x128xi32, #tpu.memory_space<vmem>> -> memref<128xi32, #tpu.memory_space<vmem>>
        %dma_wait3A_294 = arith.constant 0 : i32
        %dma_wait3A_295 = arith.constant 0 : i32
        %dma_wait3A_296 = tpu.memref_slice %arg10[%dma_wait3A_294, %dma_wait3A_295] : memref<10240x128xf32, #tpu.memory_space<vmem_shared>> -> memref<10240x128xf32, #tpu.memory_space<vmem_shared>>
        tpu.wait_indirect_dma semaphore(%run_scoped3A_286 : memref<!tpu.dma_semaphore, #tpu.memory_space<semaphore_mem>>) src(%arg8 : memref<128x128xf32, #tpu.memory_space<vmem>>) dst(%dma_wait3A_296 : memref<10240x128xf32, #tpu.memory_space<vmem_shared>>)
        tpu.yield
      }) : () -> ()
    }
    %barrier3A_58 = arith.constant 0 : index
    tpu.barrier barrier_id(%barrier3A_58)
    %mul3A_59 = arith.constant 640 : i32
    %mul3A_60 = arith.muli %arg1, %mul3A_59 : i32
    %add3A_61 = arith.constant 0 : i32
    %add3A_62 = arith.addi %mul3A_60, %add3A_61 : i32
    %add3A_63 = arith.addi %mul3A_6, %add3A_62 : i32
    "tpu.region"() ({
      %run_scoped3A = tpu.sem_alloc : memref<!tpu.dma_semaphore, #tpu.memory_space<semaphore_mem>>
      %dma_start3A = arith.constant 0 : i32
      %dma_start3A_175 = tpu.memref_slice %arg5[%add3A_63, %dma_start3A] : memref<40960x128xf32, #tpu.memory_space<hbm>> -> memref<128x128xf32, #tpu.memory_space<hbm>>
      %dma_start3A_176 = arith.constant 0 : i32
      %dma_start3A_177 = tpu.memref_slice %arg10[%add3A_62, %dma_start3A_176] : memref<10240x128xf32, #tpu.memory_space<vmem_shared>> -> memref<128x128xf32, #tpu.memory_space<vmem_shared>>
      tpu.enqueue_dma source(%dma_start3A_177 : memref<128x128xf32, #tpu.memory_space<vmem_shared>>) target(%dma_start3A_175 : memref<128x128xf32, #tpu.memory_space<hbm>>) target_semaphore(%run_scoped3A : memref<!tpu.dma_semaphore, #tpu.memory_space<semaphore_mem>>)
      %dma_wait3A = arith.constant 0 : i32
      %dma_wait3A_178 = tpu.memref_slice %arg5[%add3A_63, %dma_wait3A] : memref<40960x128xf32, #tpu.memory_space<hbm>> -> memref<128x128xf32, #tpu.memory_space<hbm>>
      %dma_wait3A_179 = arith.constant 0 : i32
      %dma_wait3A_180 = tpu.memref_slice %arg10[%add3A_62, %dma_wait3A_179] : memref<10240x128xf32, #tpu.memory_space<vmem_shared>> -> memref<128x128xf32, #tpu.memory_space<vmem_shared>>
      tpu.wait_dma2 semaphore(%run_scoped3A : memref<!tpu.dma_semaphore, #tpu.memory_space<semaphore_mem>>) src(%dma_wait3A_180 : memref<128x128xf32, #tpu.memory_space<vmem_shared>>) dst(%dma_wait3A_178 : memref<128x128xf32, #tpu.memory_space<hbm>>)
      tpu.yield
    }) : () -> ()
    %mul3A_64 = arith.constant 640 : i32
    %mul3A_65 = arith.muli %arg1, %mul3A_64 : i32
    %add3A_66 = arith.constant 128 : i32
    %add3A_67 = arith.addi %mul3A_65, %add3A_66 : i32
    %add3A_68 = arith.addi %mul3A_6, %add3A_67 : i32
    "tpu.region"() ({
      %run_scoped3A = tpu.sem_alloc : memref<!tpu.dma_semaphore, #tpu.memory_space<semaphore_mem>>
      %dma_start3A = arith.constant 0 : i32
      %dma_start3A_175 = tpu.memref_slice %arg5[%add3A_68, %dma_start3A] : memref<40960x128xf32, #tpu.memory_space<hbm>> -> memref<128x128xf32, #tpu.memory_space<hbm>>
      %dma_start3A_176 = arith.constant 0 : i32
      %dma_start3A_177 = tpu.memref_slice %arg10[%add3A_67, %dma_start3A_176] : memref<10240x128xf32, #tpu.memory_space<vmem_shared>> -> memref<128x128xf32, #tpu.memory_space<vmem_shared>>
      tpu.enqueue_dma source(%dma_start3A_177 : memref<128x128xf32, #tpu.memory_space<vmem_shared>>) target(%dma_start3A_175 : memref<128x128xf32, #tpu.memory_space<hbm>>) target_semaphore(%run_scoped3A : memref<!tpu.dma_semaphore, #tpu.memory_space<semaphore_mem>>)
      %dma_wait3A = arith.constant 0 : i32
      %dma_wait3A_178 = tpu.memref_slice %arg5[%add3A_68, %dma_wait3A] : memref<40960x128xf32, #tpu.memory_space<hbm>> -> memref<128x128xf32, #tpu.memory_space<hbm>>
      %dma_wait3A_179 = arith.constant 0 : i32
      %dma_wait3A_180 = tpu.memref_slice %arg10[%add3A_67, %dma_wait3A_179] : memref<10240x128xf32, #tpu.memory_space<vmem_shared>> -> memref<128x128xf32, #tpu.memory_space<vmem_shared>>
      tpu.wait_dma2 semaphore(%run_scoped3A : memref<!tpu.dma_semaphore, #tpu.memory_space<semaphore_mem>>) src(%dma_wait3A_180 : memref<128x128xf32, #tpu.memory_space<vmem_shared>>) dst(%dma_wait3A_178 : memref<128x128xf32, #tpu.memory_space<hbm>>)
      tpu.yield
    }) : () -> ()
    %mul3A_69 = arith.constant 640 : i32
    %mul3A_70 = arith.muli %arg1, %mul3A_69 : i32
    %add3A_71 = arith.constant 256 : i32
    %add3A_72 = arith.addi %mul3A_70, %add3A_71 : i32
    %add3A_73 = arith.addi %mul3A_6, %add3A_72 : i32
    "tpu.region"() ({
      %run_scoped3A = tpu.sem_alloc : memref<!tpu.dma_semaphore, #tpu.memory_space<semaphore_mem>>
      %dma_start3A = arith.constant 0 : i32
      %dma_start3A_175 = tpu.memref_slice %arg5[%add3A_73, %dma_start3A] : memref<40960x128xf32, #tpu.memory_space<hbm>> -> memref<128x128xf32, #tpu.memory_space<hbm>>
      %dma_start3A_176 = arith.constant 0 : i32
      %dma_start3A_177 = tpu.memref_slice %arg10[%add3A_72, %dma_start3A_176] : memref<10240x128xf32, #tpu.memory_space<vmem_shared>> -> memref<128x128xf32, #tpu.memory_space<vmem_shared>>
      tpu.enqueue_dma source(%dma_start3A_177 : memref<128x128xf32, #tpu.memory_space<vmem_shared>>) target(%dma_start3A_175 : memref<128x128xf32, #tpu.memory_space<hbm>>) target_semaphore(%run_scoped3A : memref<!tpu.dma_semaphore, #tpu.memory_space<semaphore_mem>>)
      %dma_wait3A = arith.constant 0 : i32
      %dma_wait3A_178 = tpu.memref_slice %arg5[%add3A_73, %dma_wait3A] : memref<40960x128xf32, #tpu.memory_space<hbm>> -> memref<128x128xf32, #tpu.memory_space<hbm>>
      %dma_wait3A_179 = arith.constant 0 : i32
      %dma_wait3A_180 = tpu.memref_slice %arg10[%add3A_72, %dma_wait3A_179] : memref<10240x128xf32, #tpu.memory_space<vmem_shared>> -> memref<128x128xf32, #tpu.memory_space<vmem_shared>>
      tpu.wait_dma2 semaphore(%run_scoped3A : memref<!tpu.dma_semaphore, #tpu.memory_space<semaphore_mem>>) src(%dma_wait3A_180 : memref<128x128xf32, #tpu.memory_space<vmem_shared>>) dst(%dma_wait3A_178 : memref<128x128xf32, #tpu.memory_space<hbm>>)
      tpu.yield
    }) : () -> ()
    %mul3A_74 = arith.constant 640 : i32
    %mul3A_75 = arith.muli %arg1, %mul3A_74 : i32
    %add3A_76 = arith.constant 384 : i32
    %add3A_77 = arith.addi %mul3A_75, %add3A_76 : i32
    %add3A_78 = arith.addi %mul3A_6, %add3A_77 : i32
    "tpu.region"() ({
      %run_scoped3A = tpu.sem_alloc : memref<!tpu.dma_semaphore, #tpu.memory_space<semaphore_mem>>
      %dma_start3A = arith.constant 0 : i32
      %dma_start3A_175 = tpu.memref_slice %arg5[%add3A_78, %dma_start3A] : memref<40960x128xf32, #tpu.memory_space<hbm>> -> memref<128x128xf32, #tpu.memory_space<hbm>>
      %dma_start3A_176 = arith.constant 0 : i32
      %dma_start3A_177 = tpu.memref_slice %arg10[%add3A_77, %dma_start3A_176] : memref<10240x128xf32, #tpu.memory_space<vmem_shared>> -> memref<128x128xf32, #tpu.memory_space<vmem_shared>>
      tpu.enqueue_dma source(%dma_start3A_177 : memref<128x128xf32, #tpu.memory_space<vmem_shared>>) target(%dma_start3A_175 : memref<128x128xf32, #tpu.memory_space<hbm>>) target_semaphore(%run_scoped3A : memref<!tpu.dma_semaphore, #tpu.memory_space<semaphore_mem>>)
      %dma_wait3A = arith.constant 0 : i32
      %dma_wait3A_178 = tpu.memref_slice %arg5[%add3A_78, %dma_wait3A] : memref<40960x128xf32, #tpu.memory_space<hbm>> -> memref<128x128xf32, #tpu.memory_space<hbm>>
      %dma_wait3A_179 = arith.constant 0 : i32
      %dma_wait3A_180 = tpu.memref_slice %arg10[%add3A_77, %dma_wait3A_179] : memref<10240x128xf32, #tpu.memory_space<vmem_shared>> -> memref<128x128xf32, #tpu.memory_space<vmem_shared>>
      tpu.wait_dma2 semaphore(%run_scoped3A : memref<!tpu.dma_semaphore, #tpu.memory_space<semaphore_mem>>) src(%dma_wait3A_180 : memref<128x128xf32, #tpu.memory_space<vmem_shared>>) dst(%dma_wait3A_178 : memref<128x128xf32, #tpu.memory_space<hbm>>)
      tpu.yield
    }) : () -> ()
    %mul3A_79 = arith.constant 640 : i32
    %mul3A_80 = arith.muli %arg1, %mul3A_79 : i32
    %add3A_81 = arith.constant 512 : i32
    %add3A_82 = arith.addi %mul3A_80, %add3A_81 : i32
    %add3A_83 = arith.addi %mul3A_6, %add3A_82 : i32
    "tpu.region"() ({
      %run_scoped3A = tpu.sem_alloc : memref<!tpu.dma_semaphore, #tpu.memory_space<semaphore_mem>>
      %dma_start3A = arith.constant 0 : i32
      %dma_start3A_175 = tpu.memref_slice %arg5[%add3A_83, %dma_start3A] : memref<40960x128xf32, #tpu.memory_space<hbm>> -> memref<128x128xf32, #tpu.memory_space<hbm>>
      %dma_start3A_176 = arith.constant 0 : i32
      %dma_start3A_177 = tpu.memref_slice %arg10[%add3A_82, %dma_start3A_176] : memref<10240x128xf32, #tpu.memory_space<vmem_shared>> -> memref<128x128xf32, #tpu.memory_space<vmem_shared>>
      tpu.enqueue_dma source(%dma_start3A_177 : memref<128x128xf32, #tpu.memory_space<vmem_shared>>) target(%dma_start3A_175 : memref<128x128xf32, #tpu.memory_space<hbm>>) target_semaphore(%run_scoped3A : memref<!tpu.dma_semaphore, #tpu.memory_space<semaphore_mem>>)
      %dma_wait3A = arith.constant 0 : i32
      %dma_wait3A_178 = tpu.memref_slice %arg5[%add3A_83, %dma_wait3A] : memref<40960x128xf32, #tpu.memory_space<hbm>> -> memref<128x128xf32, #tpu.memory_space<hbm>>
      %dma_wait3A_179 = arith.constant 0 : i32
      %dma_wait3A_180 = tpu.memref_slice %arg10[%add3A_82, %dma_wait3A_179] : memref<10240x128xf32, #tpu.memory_space<vmem_shared>> -> memref<128x128xf32, #tpu.memory_space<vmem_shared>>
      tpu.wait_dma2 semaphore(%run_scoped3A : memref<!tpu.dma_semaphore, #tpu.memory_space<semaphore_mem>>) src(%dma_wait3A_180 : memref<128x128xf32, #tpu.memory_space<vmem_shared>>) dst(%dma_wait3A_178 : memref<128x128xf32, #tpu.memory_space<hbm>>)
      tpu.yield
    }) : () -> ()
    %add3A_84 = arith.constant 2 : i32
    %add3A_85 = arith.addi %arg0, %add3A_84 : i32
    %mul3A_86 = arith.constant 10240 : i32
    %mul3A_87 = arith.muli %add3A_85, %mul3A_86 : i32
    %mul3A_88 = arith.constant 640 : i32
    %mul3A_89 = arith.muli %arg1, %mul3A_88 : i32
    %add3A_90 = arith.constant 0 : i32
    %add3A_91 = arith.addi %mul3A_89, %add3A_90 : i32
    "tpu.region"() ({
      %run_scoped3A = tpu.sem_alloc : memref<!tpu.dma_semaphore, #tpu.memory_space<semaphore_mem>>
      %dma_start3A = arith.constant 0 : i32
      %dma_start3A_175 = tpu.memref_slice %arg10[%add3A_91, %dma_start3A] : memref<10240x128xf32, #tpu.memory_space<vmem_shared>> -> memref<128x128xf32, #tpu.memory_space<vmem_shared>>
      %dma_start3A_176 = arith.constant 0 : i32
      %dma_start3A_177 = tpu.memref_slice %arg10[%add3A_91, %dma_start3A_176] : memref<10240x128xf32, #tpu.memory_space<vmem_shared>> -> memref<128x128xf32, #tpu.memory_space<vmem_shared>>
      tpu.enqueue_dma source(%arg9 : memref<128x128xf32, #tpu.memory_space<vmem>>) target(%dma_start3A_177 : memref<128x128xf32, #tpu.memory_space<vmem_shared>>) target_semaphore(%run_scoped3A : memref<!tpu.dma_semaphore, #tpu.memory_space<semaphore_mem>>)
      %dma_wait3A = arith.constant 0 : i32
      %dma_wait3A_178 = tpu.memref_slice %arg10[%add3A_91, %dma_wait3A] : memref<10240x128xf32, #tpu.memory_space<vmem_shared>> -> memref<128x128xf32, #tpu.memory_space<vmem_shared>>
      %dma_wait3A_179 = arith.constant 0 : i32
      %dma_wait3A_180 = tpu.memref_slice %arg10[%add3A_91, %dma_wait3A_179] : memref<10240x128xf32, #tpu.memory_space<vmem_shared>> -> memref<128x128xf32, #tpu.memory_space<vmem_shared>>
      tpu.wait_dma2 semaphore(%run_scoped3A : memref<!tpu.dma_semaphore, #tpu.memory_space<semaphore_mem>>) src(%arg9 : memref<128x128xf32, #tpu.memory_space<vmem>>) dst(%dma_wait3A_180 : memref<128x128xf32, #tpu.memory_space<vmem_shared>>)
      tpu.yield
    }) : () -> ()
    %mul3A_92 = arith.constant 640 : i32
    %mul3A_93 = arith.muli %arg1, %mul3A_92 : i32
    %add3A_94 = arith.constant 128 : i32
    %add3A_95 = arith.addi %mul3A_93, %add3A_94 : i32
    "tpu.region"() ({
      %run_scoped3A = tpu.sem_alloc : memref<!tpu.dma_semaphore, #tpu.memory_space<semaphore_mem>>
      %dma_start3A = arith.constant 0 : i32
      %dma_start3A_175 = tpu.memref_slice %arg10[%add3A_95, %dma_start3A] : memref<10240x128xf32, #tpu.memory_space<vmem_shared>> -> memref<128x128xf32, #tpu.memory_space<vmem_shared>>
      %dma_start3A_176 = arith.constant 0 : i32
      %dma_start3A_177 = tpu.memref_slice %arg10[%add3A_95, %dma_start3A_176] : memref<10240x128xf32, #tpu.memory_space<vmem_shared>> -> memref<128x128xf32, #tpu.memory_space<vmem_shared>>
      tpu.enqueue_dma source(%arg9 : memref<128x128xf32, #tpu.memory_space<vmem>>) target(%dma_start3A_177 : memref<128x128xf32, #tpu.memory_space<vmem_shared>>) target_semaphore(%run_scoped3A : memref<!tpu.dma_semaphore, #tpu.memory_space<semaphore_mem>>)
      %dma_wait3A = arith.constant 0 : i32
      %dma_wait3A_178 = tpu.memref_slice %arg10[%add3A_95, %dma_wait3A] : memref<10240x128xf32, #tpu.memory_space<vmem_shared>> -> memref<128x128xf32, #tpu.memory_space<vmem_shared>>
      %dma_wait3A_179 = arith.constant 0 : i32
      %dma_wait3A_180 = tpu.memref_slice %arg10[%add3A_95, %dma_wait3A_179] : memref<10240x128xf32, #tpu.memory_space<vmem_shared>> -> memref<128x128xf32, #tpu.memory_space<vmem_shared>>
      tpu.wait_dma2 semaphore(%run_scoped3A : memref<!tpu.dma_semaphore, #tpu.memory_space<semaphore_mem>>) src(%arg9 : memref<128x128xf32, #tpu.memory_space<vmem>>) dst(%dma_wait3A_180 : memref<128x128xf32, #tpu.memory_space<vmem_shared>>)
      tpu.yield
    }) : () -> ()
    %mul3A_96 = arith.constant 640 : i32
    %mul3A_97 = arith.muli %arg1, %mul3A_96 : i32
    %add3A_98 = arith.constant 256 : i32
    %add3A_99 = arith.addi %mul3A_97, %add3A_98 : i32
    "tpu.region"() ({
      %run_scoped3A = tpu.sem_alloc : memref<!tpu.dma_semaphore, #tpu.memory_space<semaphore_mem>>
      %dma_start3A = arith.constant 0 : i32
      %dma_start3A_175 = tpu.memref_slice %arg10[%add3A_99, %dma_start3A] : memref<10240x128xf32, #tpu.memory_space<vmem_shared>> -> memref<128x128xf32, #tpu.memory_space<vmem_shared>>
      %dma_start3A_176 = arith.constant 0 : i32
      %dma_start3A_177 = tpu.memref_slice %arg10[%add3A_99, %dma_start3A_176] : memref<10240x128xf32, #tpu.memory_space<vmem_shared>> -> memref<128x128xf32, #tpu.memory_space<vmem_shared>>
      tpu.enqueue_dma source(%arg9 : memref<128x128xf32, #tpu.memory_space<vmem>>) target(%dma_start3A_177 : memref<128x128xf32, #tpu.memory_space<vmem_shared>>) target_semaphore(%run_scoped3A : memref<!tpu.dma_semaphore, #tpu.memory_space<semaphore_mem>>)
      %dma_wait3A = arith.constant 0 : i32
      %dma_wait3A_178 = tpu.memref_slice %arg10[%add3A_99, %dma_wait3A] : memref<10240x128xf32, #tpu.memory_space<vmem_shared>> -> memref<128x128xf32, #tpu.memory_space<vmem_shared>>
      %dma_wait3A_179 = arith.constant 0 : i32
      %dma_wait3A_180 = tpu.memref_slice %arg10[%add3A_99, %dma_wait3A_179] : memref<10240x128xf32, #tpu.memory_space<vmem_shared>> -> memref<128x128xf32, #tpu.memory_space<vmem_shared>>
      tpu.wait_dma2 semaphore(%run_scoped3A : memref<!tpu.dma_semaphore, #tpu.memory_space<semaphore_mem>>) src(%arg9 : memref<128x128xf32, #tpu.memory_space<vmem>>) dst(%dma_wait3A_180 : memref<128x128xf32, #tpu.memory_space<vmem_shared>>)
      tpu.yield
    }) : () -> ()
    %mul3A_100 = arith.constant 640 : i32
    %mul3A_101 = arith.muli %arg1, %mul3A_100 : i32
    %add3A_102 = arith.constant 384 : i32
    %add3A_103 = arith.addi %mul3A_101, %add3A_102 : i32
    "tpu.region"() ({
      %run_scoped3A = tpu.sem_alloc : memref<!tpu.dma_semaphore, #tpu.memory_space<semaphore_mem>>
      %dma_start3A = arith.constant 0 : i32
      %dma_start3A_175 = tpu.memref_slice %arg10[%add3A_103, %dma_start3A] : memref<10240x128xf32, #tpu.memory_space<vmem_shared>> -> memref<128x128xf32, #tpu.memory_space<vmem_shared>>
      %dma_start3A_176 = arith.constant 0 : i32
      %dma_start3A_177 = tpu.memref_slice %arg10[%add3A_103, %dma_start3A_176] : memref<10240x128xf32, #tpu.memory_space<vmem_shared>> -> memref<128x128xf32, #tpu.memory_space<vmem_shared>>
      tpu.enqueue_dma source(%arg9 : memref<128x128xf32, #tpu.memory_space<vmem>>) target(%dma_start3A_177 : memref<128x128xf32, #tpu.memory_space<vmem_shared>>) target_semaphore(%run_scoped3A : memref<!tpu.dma_semaphore, #tpu.memory_space<semaphore_mem>>)
      %dma_wait3A = arith.constant 0 : i32
      %dma_wait3A_178 = tpu.memref_slice %arg10[%add3A_103, %dma_wait3A] : memref<10240x128xf32, #tpu.memory_space<vmem_shared>> -> memref<128x128xf32, #tpu.memory_space<vmem_shared>>
      %dma_wait3A_179 = arith.constant 0 : i32
      %dma_wait3A_180 = tpu.memref_slice %arg10[%add3A_103, %dma_wait3A_179] : memref<10240x128xf32, #tpu.memory_space<vmem_shared>> -> memref<128x128xf32, #tpu.memory_space<vmem_shared>>
      tpu.wait_dma2 semaphore(%run_scoped3A : memref<!tpu.dma_semaphore, #tpu.memory_space<semaphore_mem>>) src(%arg9 : memref<128x128xf32, #tpu.memory_space<vmem>>) dst(%dma_wait3A_180 : memref<128x128xf32, #tpu.memory_space<vmem_shared>>)
      tpu.yield
    }) : () -> ()
    %mul3A_104 = arith.constant 640 : i32
    %mul3A_105 = arith.muli %arg1, %mul3A_104 : i32
    %add3A_106 = arith.constant 512 : i32
    %add3A_107 = arith.addi %mul3A_105, %add3A_106 : i32
    "tpu.region"() ({
      %run_scoped3A = tpu.sem_alloc : memref<!tpu.dma_semaphore, #tpu.memory_space<semaphore_mem>>
      %dma_start3A = arith.constant 0 : i32
      %dma_start3A_175 = tpu.memref_slice %arg10[%add3A_107, %dma_start3A] : memref<10240x128xf32, #tpu.memory_space<vmem_shared>> -> memref<128x128xf32, #tpu.memory_space<vmem_shared>>
      %dma_start3A_176 = arith.constant 0 : i32
      %dma_start3A_177 = tpu.memref_slice %arg10[%add3A_107, %dma_start3A_176] : memref<10240x128xf32, #tpu.memory_space<vmem_shared>> -> memref<128x128xf32, #tpu.memory_space<vmem_shared>>
      tpu.enqueue_dma source(%arg9 : memref<128x128xf32, #tpu.memory_space<vmem>>) target(%dma_start3A_177 : memref<128x128xf32, #tpu.memory_space<vmem_shared>>) target_semaphore(%run_scoped3A : memref<!tpu.dma_semaphore, #tpu.memory_space<semaphore_mem>>)
      %dma_wait3A = arith.constant 0 : i32
      %dma_wait3A_178 = tpu.memref_slice %arg10[%add3A_107, %dma_wait3A] : memref<10240x128xf32, #tpu.memory_space<vmem_shared>> -> memref<128x128xf32, #tpu.memory_space<vmem_shared>>
      %dma_wait3A_179 = arith.constant 0 : i32
      %dma_wait3A_180 = tpu.memref_slice %arg10[%add3A_107, %dma_wait3A_179] : memref<10240x128xf32, #tpu.memory_space<vmem_shared>> -> memref<128x128xf32, #tpu.memory_space<vmem_shared>>
      tpu.wait_dma2 semaphore(%run_scoped3A : memref<!tpu.dma_semaphore, #tpu.memory_space<semaphore_mem>>) src(%arg9 : memref<128x128xf32, #tpu.memory_space<vmem>>) dst(%dma_wait3A_180 : memref<128x128xf32, #tpu.memory_space<vmem_shared>>)
      tpu.yield
    }) : () -> ()
    %barrier3A_108 = arith.constant 0 : index
    tpu.barrier barrier_id(%barrier3A_108)
    %sub3A_109 = arith.constant 1250 : i32
    %sub3A_110 = arith.subi %sub3A_109, %arg1 : i32
    %add3A_111 = arith.constant 16 : i32
    %add3A_112 = arith.addi %sub3A_110, %add3A_111 : i32
    %sub3A_113 = arith.constant 1 : i32
    %sub3A_114 = arith.subi %add3A_112, %sub3A_113 : i32
    %jit3A_115 = arith.constant 16 : i32
    %div3A_116 = arith.divsi %sub3A_114, %jit3A_115 : i32
    %sign3A_117 = arith.constant 0 : i32
    %sign3A_118 = arith.cmpi sgt, %sub3A_114, %sign3A_117 : i32
    %sign3A_119 = arith.extui %sign3A_118 : i1 to i32
    %sign3A_120 = arith.constant 0 : i32
    %sign3A_121 = arith.cmpi slt, %sub3A_114, %sign3A_120 : i32
    %sign3A_122 = arith.extui %sign3A_121 : i1 to i32
    %sign3A_123 = arith.subi %sign3A_119, %sign3A_122 : i32
    %sign3A_124 = arith.constant 0 : i32
    %sign3A_125 = arith.cmpi sgt, %jit3A_115, %sign3A_124 : i32
    %sign3A_126 = arith.extui %sign3A_125 : i1 to i32
    %sign3A_127 = arith.constant 0 : i32
    %sign3A_128 = arith.cmpi slt, %jit3A_115, %sign3A_127 : i32
    %sign3A_129 = arith.extui %sign3A_128 : i1 to i32
    %sign3A_130 = arith.subi %sign3A_126, %sign3A_129 : i32
    %ne3A_131 = arith.cmpi ne, %sign3A_123, %sign3A_130 : i32
    %rem3A_132 = arith.remsi %sub3A_114, %jit3A_115 : i32
    %ne3A_133 = arith.constant 0 : i32
    %ne3A_134 = arith.cmpi ne, %rem3A_132, %ne3A_133 : i32
    %and3A_135 = arith.andi %ne3A_131, %ne3A_134 : i1
    %sub3A_136 = arith.constant 1 : i32
    %sub3A_137 = arith.subi %div3A_116, %sub3A_136 : i32
    %select_n3A_138 = arith.select %and3A_135, %sub3A_137, %div3A_116 : i32
    %while3A_139 = arith.constant 0 : i32
    %while3A_140 = arith.constant 0 : i32
    %while3A_141 = arith.subi %select_n3A_138, %while3A_140 : i32
    %while3A_142 = arith.addi %while3A_140, %while3A_141 : i32
    %while3A_143 = arith.constant 1 : i32
    %while3A_144 = arith.divsi %while3A_141, %while3A_143 : i32
    %while3A_145 = arith.muli %while3A_144, %while3A_143 : i32
    %while3A_146 = arith.addi %while3A_140, %while3A_145 : i32
    %while3A_147 = arith.constant 1 : i32
    scf.for %while3A_175 = %while3A_140 to %while3A_146 step %while3A_147  : i32 {
      %mul3A_176 = arith.constant 16 : i32
      %mul3A_177 = arith.muli %while3A_175, %mul3A_176 : i32
      %add3A_178 = arith.addi %arg1, %mul3A_177 : i32
      %mul3A_179 = arith.constant 128 : i32
      %mul3A_180 = arith.muli %add3A_178, %mul3A_179 : i32
      %run_scoped3A = arith.constant 0 : i32
      "tpu.region"() ({
        %run_scoped3A_286 = tpu.sem_alloc : memref<!tpu.dma_semaphore, #tpu.memory_space<semaphore_mem>>
        %dma_start3A = arith.constant 0 : i32
        %dma_start3A_287 = tpu.memref_slice %arg6[%run_scoped3A, %dma_start3A] : memref<1x128xi32, #tpu.memory_space<vmem>> -> memref<1x128xi32, #tpu.memory_space<vmem>>
        %dma_start3A_288 = tpu.memref_squeeze %dma_start3A_287 : memref<1x128xi32, #tpu.memory_space<vmem>> -> memref<128xi32, #tpu.memory_space<vmem>>
        %dma_start3A_289 = tpu.memref_slice %arg3[%mul3A_180] : memref<160000xi32, #tpu.memory_space<hbm>> -> memref<128xi32, #tpu.memory_space<hbm>>
        %dma_start3A_290 = arith.constant 0 : i32
        %dma_start3A_291 = tpu.memref_slice %arg6[%run_scoped3A, %dma_start3A_290] : memref<1x128xi32, #tpu.memory_space<vmem>> -> memref<1x128xi32, #tpu.memory_space<vmem>>
        %dma_start3A_292 = tpu.memref_squeeze %dma_start3A_291 : memref<1x128xi32, #tpu.memory_space<vmem>> -> memref<128xi32, #tpu.memory_space<vmem>>
        %dma_start3A_293 = tpu.memref_slice %arg3[%mul3A_180] : memref<160000xi32, #tpu.memory_space<hbm>> -> memref<128xi32, #tpu.memory_space<hbm>>
        tpu.enqueue_dma source(%dma_start3A_293 : memref<128xi32, #tpu.memory_space<hbm>>) target(%dma_start3A_292 : memref<128xi32, #tpu.memory_space<vmem>>) target_semaphore(%run_scoped3A_286 : memref<!tpu.dma_semaphore, #tpu.memory_space<semaphore_mem>>)
        %dma_wait3A = arith.constant 0 : i32
        %dma_wait3A_294 = tpu.memref_slice %arg6[%run_scoped3A, %dma_wait3A] : memref<1x128xi32, #tpu.memory_space<vmem>> -> memref<1x128xi32, #tpu.memory_space<vmem>>
        %dma_wait3A_295 = tpu.memref_squeeze %dma_wait3A_294 : memref<1x128xi32, #tpu.memory_space<vmem>> -> memref<128xi32, #tpu.memory_space<vmem>>
        %dma_wait3A_296 = tpu.memref_slice %arg3[%mul3A_180] : memref<160000xi32, #tpu.memory_space<hbm>> -> memref<128xi32, #tpu.memory_space<hbm>>
        %dma_wait3A_297 = arith.constant 0 : i32
        %dma_wait3A_298 = tpu.memref_slice %arg6[%run_scoped3A, %dma_wait3A_297] : memref<1x128xi32, #tpu.memory_space<vmem>> -> memref<1x128xi32, #tpu.memory_space<vmem>>
        %dma_wait3A_299 = tpu.memref_squeeze %dma_wait3A_298 : memref<1x128xi32, #tpu.memory_space<vmem>> -> memref<128xi32, #tpu.memory_space<vmem>>
        %dma_wait3A_300 = tpu.memref_slice %arg3[%mul3A_180] : memref<160000xi32, #tpu.memory_space<hbm>> -> memref<128xi32, #tpu.memory_space<hbm>>
        tpu.wait_dma2 semaphore(%run_scoped3A_286 : memref<!tpu.dma_semaphore, #tpu.memory_space<semaphore_mem>>) src(%dma_wait3A_300 : memref<128xi32, #tpu.memory_space<hbm>>) dst(%dma_wait3A_299 : memref<128xi32, #tpu.memory_space<vmem>>)
        tpu.yield
      }) : () -> ()
      %run_scoped3A_181 = arith.constant 0 : i32
      "tpu.region"() ({
        %run_scoped3A_286 = tpu.sem_alloc : memref<!tpu.dma_semaphore, #tpu.memory_space<semaphore_mem>>
        %dma_start3A = arith.constant 0 : i32
        %dma_start3A_287 = tpu.memref_slice %arg7[%run_scoped3A_181, %dma_start3A] : memref<1x128xi32, #tpu.memory_space<vmem>> -> memref<1x128xi32, #tpu.memory_space<vmem>>
        %dma_start3A_288 = tpu.memref_squeeze %dma_start3A_287 : memref<1x128xi32, #tpu.memory_space<vmem>> -> memref<128xi32, #tpu.memory_space<vmem>>
        %dma_start3A_289 = tpu.memref_slice %arg4[%mul3A_180] : memref<160000xi32, #tpu.memory_space<hbm>> -> memref<128xi32, #tpu.memory_space<hbm>>
        %dma_start3A_290 = arith.constant 0 : i32
        %dma_start3A_291 = tpu.memref_slice %arg7[%run_scoped3A_181, %dma_start3A_290] : memref<1x128xi32, #tpu.memory_space<vmem>> -> memref<1x128xi32, #tpu.memory_space<vmem>>
        %dma_start3A_292 = tpu.memref_squeeze %dma_start3A_291 : memref<1x128xi32, #tpu.memory_space<vmem>> -> memref<128xi32, #tpu.memory_space<vmem>>
        %dma_start3A_293 = tpu.memref_slice %arg4[%mul3A_180] : memref<160000xi32, #tpu.memory_space<hbm>> -> memref<128xi32, #tpu.memory_space<hbm>>
        tpu.enqueue_dma source(%dma_start3A_293 : memref<128xi32, #tpu.memory_space<hbm>>) target(%dma_start3A_292 : memref<128xi32, #tpu.memory_space<vmem>>) target_semaphore(%run_scoped3A_286 : memref<!tpu.dma_semaphore, #tpu.memory_space<semaphore_mem>>)
        %dma_wait3A = arith.constant 0 : i32
        %dma_wait3A_294 = tpu.memref_slice %arg7[%run_scoped3A_181, %dma_wait3A] : memref<1x128xi32, #tpu.memory_space<vmem>> -> memref<1x128xi32, #tpu.memory_space<vmem>>
        %dma_wait3A_295 = tpu.memref_squeeze %dma_wait3A_294 : memref<1x128xi32, #tpu.memory_space<vmem>> -> memref<128xi32, #tpu.memory_space<vmem>>
        %dma_wait3A_296 = tpu.memref_slice %arg4[%mul3A_180] : memref<160000xi32, #tpu.memory_space<hbm>> -> memref<128xi32, #tpu.memory_space<hbm>>
        %dma_wait3A_297 = arith.constant 0 : i32
        %dma_wait3A_298 = tpu.memref_slice %arg7[%run_scoped3A_181, %dma_wait3A_297] : memref<1x128xi32, #tpu.memory_space<vmem>> -> memref<1x128xi32, #tpu.memory_space<vmem>>
        %dma_wait3A_299 = tpu.memref_squeeze %dma_wait3A_298 : memref<1x128xi32, #tpu.memory_space<vmem>> -> memref<128xi32, #tpu.memory_space<vmem>>
        %dma_wait3A_300 = tpu.memref_slice %arg4[%mul3A_180] : memref<160000xi32, #tpu.memory_space<hbm>> -> memref<128xi32, #tpu.memory_space<hbm>>
        tpu.wait_dma2 semaphore(%run_scoped3A_286 : memref<!tpu.dma_semaphore, #tpu.memory_space<semaphore_mem>>) src(%dma_wait3A_300 : memref<128xi32, #tpu.memory_space<hbm>>) dst(%dma_wait3A_299 : memref<128xi32, #tpu.memory_space<vmem>>)
        tpu.yield
      }) : () -> ()
      %get3A = arith.constant 0 : i32
      %get3A_182 = arith.index_cast %get3A : i32 to index
      %get3A_183 = arith.constant 0 : index
      %get3A_184 = tpu.vector_load %arg6[%get3A_182, %get3A_183] {strides = array<i32>} : memref<1x128xi32, #tpu.memory_space<vmem>>, vector<1x16xi32>,
      %get3A_185 = vector.shape_cast %get3A_184 : vector<1x16xi32> to vector<16xi32>
      %add3A_186 = vector.broadcast %mul3A_87 : i32 to vector<16xi32>
      %add3A_187 = arith.addi %get3A_185, %add3A_186 : vector<16xi32>
      %swap3A = arith.constant 0 : i32
      %swap3A_188 = arith.index_cast %swap3A : i32 to index
      %swap3A_189 = arith.constant 0 : index
      %swap3A_190 = tpu.vector_load %arg6[%swap3A_188, %swap3A_189] {strides = array<i32>} : memref<1x128xi32, #tpu.memory_space<vmem>>, vector<1x16xi32>,
      %swap3A_191 = vector.shape_cast %swap3A_190 : vector<1x16xi32> to vector<16xi32>
      %swap3A_192 = vector.shape_cast %add3A_187 : vector<16xi32> to vector<1x16xi32>
      tpu.vector_store %arg6[%swap3A_188, %swap3A_189], %swap3A_192 {strides = array<i32>} : memref<1x128xi32, #tpu.memory_space<vmem>>, vector<1x16xi32>,
      %get3A_193 = arith.constant 0 : i32
      %get3A_194 = arith.index_cast %get3A_193 : i32 to index
      %get3A_195 = arith.constant 16 : index
      %get3A_196 = tpu.vector_load %arg6[%get3A_194, %get3A_195] {strides = array<i32>} : memref<1x128xi32, #tpu.memory_space<vmem>>, vector<1x16xi32>,
      %get3A_197 = vector.shape_cast %get3A_196 : vector<1x16xi32> to vector<16xi32>
      %add3A_198 = vector.broadcast %mul3A_87 : i32 to vector<16xi32>
      %add3A_199 = arith.addi %get3A_197, %add3A_198 : vector<16xi32>
      %swap3A_200 = arith.constant 0 : i32
      %swap3A_201 = arith.index_cast %swap3A_200 : i32 to index
      %swap3A_202 = arith.constant 16 : index
      %swap3A_203 = tpu.vector_load %arg6[%swap3A_201, %swap3A_202] {strides = array<i32>} : memref<1x128xi32, #tpu.memory_space<vmem>>, vector<1x16xi32>,
      %swap3A_204 = vector.shape_cast %swap3A_203 : vector<1x16xi32> to vector<16xi32>
      %swap3A_205 = vector.shape_cast %add3A_199 : vector<16xi32> to vector<1x16xi32>
      tpu.vector_store %arg6[%swap3A_201, %swap3A_202], %swap3A_205 {strides = array<i32>} : memref<1x128xi32, #tpu.memory_space<vmem>>, vector<1x16xi32>,
      %get3A_206 = arith.constant 0 : i32
      %get3A_207 = arith.index_cast %get3A_206 : i32 to index
      %get3A_208 = arith.constant 32 : index
      %get3A_209 = tpu.vector_load %arg6[%get3A_207, %get3A_208] {strides = array<i32>} : memref<1x128xi32, #tpu.memory_space<vmem>>, vector<1x16xi32>,
      %get3A_210 = vector.shape_cast %get3A_209 : vector<1x16xi32> to vector<16xi32>
      %add3A_211 = vector.broadcast %mul3A_87 : i32 to vector<16xi32>
      %add3A_212 = arith.addi %get3A_210, %add3A_211 : vector<16xi32>
      %swap3A_213 = arith.constant 0 : i32
      %swap3A_214 = arith.index_cast %swap3A_213 : i32 to index
      %swap3A_215 = arith.constant 32 : index
      %swap3A_216 = tpu.vector_load %arg6[%swap3A_214, %swap3A_215] {strides = array<i32>} : memref<1x128xi32, #tpu.memory_space<vmem>>, vector<1x16xi32>,
      %swap3A_217 = vector.shape_cast %swap3A_216 : vector<1x16xi32> to vector<16xi32>
      %swap3A_218 = vector.shape_cast %add3A_212 : vector<16xi32> to vector<1x16xi32>
      tpu.vector_store %arg6[%swap3A_214, %swap3A_215], %swap3A_218 {strides = array<i32>} : memref<1x128xi32, #tpu.memory_space<vmem>>, vector<1x16xi32>,
      %get3A_219 = arith.constant 0 : i32
      %get3A_220 = arith.index_cast %get3A_219 : i32 to index
      %get3A_221 = arith.constant 48 : index
      %get3A_222 = tpu.vector_load %arg6[%get3A_220, %get3A_221] {strides = array<i32>} : memref<1x128xi32, #tpu.memory_space<vmem>>, vector<1x16xi32>,
      %get3A_223 = vector.shape_cast %get3A_222 : vector<1x16xi32> to vector<16xi32>
      %add3A_224 = vector.broadcast %mul3A_87 : i32 to vector<16xi32>
      %add3A_225 = arith.addi %get3A_223, %add3A_224 : vector<16xi32>
      %swap3A_226 = arith.constant 0 : i32
      %swap3A_227 = arith.index_cast %swap3A_226 : i32 to index
      %swap3A_228 = arith.constant 48 : index
      %swap3A_229 = tpu.vector_load %arg6[%swap3A_227, %swap3A_228] {strides = array<i32>} : memref<1x128xi32, #tpu.memory_space<vmem>>, vector<1x16xi32>,
      %swap3A_230 = vector.shape_cast %swap3A_229 : vector<1x16xi32> to vector<16xi32>
      %swap3A_231 = vector.shape_cast %add3A_225 : vector<16xi32> to vector<1x16xi32>
      tpu.vector_store %arg6[%swap3A_227, %swap3A_228], %swap3A_231 {strides = array<i32>} : memref<1x128xi32, #tpu.memory_space<vmem>>, vector<1x16xi32>,
      %get3A_232 = arith.constant 0 : i32
      %get3A_233 = arith.index_cast %get3A_232 : i32 to index
      %get3A_234 = arith.constant 64 : index
      %get3A_235 = tpu.vector_load %arg6[%get3A_233, %get3A_234] {strides = array<i32>} : memref<1x128xi32, #tpu.memory_space<vmem>>, vector<1x16xi32>,
      %get3A_236 = vector.shape_cast %get3A_235 : vector<1x16xi32> to vector<16xi32>
      %add3A_237 = vector.broadcast %mul3A_87 : i32 to vector<16xi32>
      %add3A_238 = arith.addi %get3A_236, %add3A_237 : vector<16xi32>
      %swap3A_239 = arith.constant 0 : i32
      %swap3A_240 = arith.index_cast %swap3A_239 : i32 to index
      %swap3A_241 = arith.constant 64 : index
      %swap3A_242 = tpu.vector_load %arg6[%swap3A_240, %swap3A_241] {strides = array<i32>} : memref<1x128xi32, #tpu.memory_space<vmem>>, vector<1x16xi32>,
      %swap3A_243 = vector.shape_cast %swap3A_242 : vector<1x16xi32> to vector<16xi32>
      %swap3A_244 = vector.shape_cast %add3A_238 : vector<16xi32> to vector<1x16xi32>
      tpu.vector_store %arg6[%swap3A_240, %swap3A_241], %swap3A_244 {strides = array<i32>} : memref<1x128xi32, #tpu.memory_space<vmem>>, vector<1x16xi32>,
      %get3A_245 = arith.constant 0 : i32
      %get3A_246 = arith.index_cast %get3A_245 : i32 to index
      %get3A_247 = arith.constant 80 : index
      %get3A_248 = tpu.vector_load %arg6[%get3A_246, %get3A_247] {strides = array<i32>} : memref<1x128xi32, #tpu.memory_space<vmem>>, vector<1x16xi32>,
      %get3A_249 = vector.shape_cast %get3A_248 : vector<1x16xi32> to vector<16xi32>
      %add3A_250 = vector.broadcast %mul3A_87 : i32 to vector<16xi32>
      %add3A_251 = arith.addi %get3A_249, %add3A_250 : vector<16xi32>
      %swap3A_252 = arith.constant 0 : i32
      %swap3A_253 = arith.index_cast %swap3A_252 : i32 to index
      %swap3A_254 = arith.constant 80 : index
      %swap3A_255 = tpu.vector_load %arg6[%swap3A_253, %swap3A_254] {strides = array<i32>} : memref<1x128xi32, #tpu.memory_space<vmem>>, vector<1x16xi32>,
      %swap3A_256 = vector.shape_cast %swap3A_255 : vector<1x16xi32> to vector<16xi32>
      %swap3A_257 = vector.shape_cast %add3A_251 : vector<16xi32> to vector<1x16xi32>
      tpu.vector_store %arg6[%swap3A_253, %swap3A_254], %swap3A_257 {strides = array<i32>} : memref<1x128xi32, #tpu.memory_space<vmem>>, vector<1x16xi32>,
      %get3A_258 = arith.constant 0 : i32
      %get3A_259 = arith.index_cast %get3A_258 : i32 to index
      %get3A_260 = arith.constant 96 : index
      %get3A_261 = tpu.vector_load %arg6[%get3A_259, %get3A_260] {strides = array<i32>} : memref<1x128xi32, #tpu.memory_space<vmem>>, vector<1x16xi32>,
      %get3A_262 = vector.shape_cast %get3A_261 : vector<1x16xi32> to vector<16xi32>
      %add3A_263 = vector.broadcast %mul3A_87 : i32 to vector<16xi32>
      %add3A_264 = arith.addi %get3A_262, %add3A_263 : vector<16xi32>
      %swap3A_265 = arith.constant 0 : i32
      %swap3A_266 = arith.index_cast %swap3A_265 : i32 to index
      %swap3A_267 = arith.constant 96 : index
      %swap3A_268 = tpu.vector_load %arg6[%swap3A_266, %swap3A_267] {strides = array<i32>} : memref<1x128xi32, #tpu.memory_space<vmem>>, vector<1x16xi32>,
      %swap3A_269 = vector.shape_cast %swap3A_268 : vector<1x16xi32> to vector<16xi32>
      %swap3A_270 = vector.shape_cast %add3A_264 : vector<16xi32> to vector<1x16xi32>
      tpu.vector_store %arg6[%swap3A_266, %swap3A_267], %swap3A_270 {strides = array<i32>} : memref<1x128xi32, #tpu.memory_space<vmem>>, vector<1x16xi32>,
      %get3A_271 = arith.constant 0 : i32
      %get3A_272 = arith.index_cast %get3A_271 : i32 to index
      %get3A_273 = arith.constant 112 : index
      %get3A_274 = tpu.vector_load %arg6[%get3A_272, %get3A_273] {strides = array<i32>} : memref<1x128xi32, #tpu.memory_space<vmem>>, vector<1x16xi32>,
      %get3A_275 = vector.shape_cast %get3A_274 : vector<1x16xi32> to vector<16xi32>
      %add3A_276 = vector.broadcast %mul3A_87 : i32 to vector<16xi32>
      %add3A_277 = arith.addi %get3A_275, %add3A_276 : vector<16xi32>
      %swap3A_278 = arith.constant 0 : i32
      %swap3A_279 = arith.index_cast %swap3A_278 : i32 to index
      %swap3A_280 = arith.constant 112 : index
      %swap3A_281 = tpu.vector_load %arg6[%swap3A_279, %swap3A_280] {strides = array<i32>} : memref<1x128xi32, #tpu.memory_space<vmem>>, vector<1x16xi32>,
      %swap3A_282 = vector.shape_cast %swap3A_281 : vector<1x16xi32> to vector<16xi32>
      %swap3A_283 = vector.shape_cast %add3A_277 : vector<16xi32> to vector<1x16xi32>
      tpu.vector_store %arg6[%swap3A_279, %swap3A_280], %swap3A_283 {strides = array<i32>} : memref<1x128xi32, #tpu.memory_space<vmem>>, vector<1x16xi32>,
      %run_scoped3A_284 = arith.constant 0 : i32
      "tpu.region"() ({
        %run_scoped3A_286 = tpu.sem_alloc : memref<!tpu.dma_semaphore, #tpu.memory_space<semaphore_mem>>
        %dma_start3A = arith.constant 0 : i32
        %dma_start3A_287 = tpu.memref_slice %arg6[%run_scoped3A_284, %dma_start3A] : memref<1x128xi32, #tpu.memory_space<vmem>> -> memref<1x128xi32, #tpu.memory_space<vmem>>
        %dma_start3A_288 = tpu.memref_squeeze %dma_start3A_287 : memref<1x128xi32, #tpu.memory_space<vmem>> -> memref<128xi32, #tpu.memory_space<vmem>>
        %dma_start3A_289 = arith.constant 0 : i32
        %dma_start3A_290 = arith.constant 0 : i32
        %dma_start3A_291 = tpu.memref_slice %arg2[%dma_start3A_289, %dma_start3A_290] : memref<40960x128xf32, #tpu.memory_space<hbm>> -> memref<40960x128xf32, #tpu.memory_space<hbm>>
        tpu.enqueue_indirect_dma source(%dma_start3A_291 : memref<40960x128xf32, #tpu.memory_space<hbm>>) target(%arg8 : memref<128x128xf32, #tpu.memory_space<vmem>>) offsets(%dma_start3A_288 : memref<128xi32, #tpu.memory_space<vmem>>) semaphore(%run_scoped3A_286 : memref<!tpu.dma_semaphore, #tpu.memory_space<semaphore_mem>>)
        %dma_wait3A = arith.constant 0 : i32
        %dma_wait3A_292 = tpu.memref_slice %arg6[%run_scoped3A_284, %dma_wait3A] : memref<1x128xi32, #tpu.memory_space<vmem>> -> memref<1x128xi32, #tpu.memory_space<vmem>>
        %dma_wait3A_293 = tpu.memref_squeeze %dma_wait3A_292 : memref<1x128xi32, #tpu.memory_space<vmem>> -> memref<128xi32, #tpu.memory_space<vmem>>
        %dma_wait3A_294 = arith.constant 0 : i32
        %dma_wait3A_295 = arith.constant 0 : i32
        %dma_wait3A_296 = tpu.memref_slice %arg2[%dma_wait3A_294, %dma_wait3A_295] : memref<40960x128xf32, #tpu.memory_space<hbm>> -> memref<40960x128xf32, #tpu.memory_space<hbm>>
        tpu.wait_indirect_dma semaphore(%run_scoped3A_286 : memref<!tpu.dma_semaphore, #tpu.memory_space<semaphore_mem>>) src(%dma_wait3A_296 : memref<40960x128xf32, #tpu.memory_space<hbm>>) dst(%arg8 : memref<128x128xf32, #tpu.memory_space<vmem>>)
        tpu.yield
      }) : () -> ()
      %run_scoped3A_285 = arith.constant 0 : i32
      "tpu.region"() ({
        %run_scoped3A_286 = tpu.sem_alloc : memref<!tpu.dma_semaphore, #tpu.memory_space<semaphore_mem>>
        %dma_start3A = arith.constant 0 : i32
        %dma_start3A_287 = tpu.memref_slice %arg7[%run_scoped3A_285, %dma_start3A] : memref<1x128xi32, #tpu.memory_space<vmem>> -> memref<1x128xi32, #tpu.memory_space<vmem>>
        %dma_start3A_288 = tpu.memref_squeeze %dma_start3A_287 : memref<1x128xi32, #tpu.memory_space<vmem>> -> memref<128xi32, #tpu.memory_space<vmem>>
        %dma_start3A_289 = arith.constant 0 : i32
        %dma_start3A_290 = arith.constant 0 : i32
        %dma_start3A_291 = tpu.memref_slice %arg10[%dma_start3A_289, %dma_start3A_290] : memref<10240x128xf32, #tpu.memory_space<vmem_shared>> -> memref<10240x128xf32, #tpu.memory_space<vmem_shared>>
        tpu.enqueue_indirect_dma source(%arg8 : memref<128x128xf32, #tpu.memory_space<vmem>>) target(%dma_start3A_291 : memref<10240x128xf32, #tpu.memory_space<vmem_shared>>) offsets(%dma_start3A_288 : memref<128xi32, #tpu.memory_space<vmem>>) semaphore(%run_scoped3A_286 : memref<!tpu.dma_semaphore, #tpu.memory_space<semaphore_mem>>) {add = true}
        %dma_wait3A = arith.constant 0 : i32
        %dma_wait3A_292 = tpu.memref_slice %arg7[%run_scoped3A_285, %dma_wait3A] : memref<1x128xi32, #tpu.memory_space<vmem>> -> memref<1x128xi32, #tpu.memory_space<vmem>>
        %dma_wait3A_293 = tpu.memref_squeeze %dma_wait3A_292 : memref<1x128xi32, #tpu.memory_space<vmem>> -> memref<128xi32, #tpu.memory_space<vmem>>
        %dma_wait3A_294 = arith.constant 0 : i32
        %dma_wait3A_295 = arith.constant 0 : i32
        %dma_wait3A_296 = tpu.memref_slice %arg10[%dma_wait3A_294, %dma_wait3A_295] : memref<10240x128xf32, #tpu.memory_space<vmem_shared>> -> memref<10240x128xf32, #tpu.memory_space<vmem_shared>>
        tpu.wait_indirect_dma semaphore(%run_scoped3A_286 : memref<!tpu.dma_semaphore, #tpu.memory_space<semaphore_mem>>) src(%arg8 : memref<128x128xf32, #tpu.memory_space<vmem>>) dst(%dma_wait3A_296 : memref<10240x128xf32, #tpu.memory_space<vmem_shared>>)
        tpu.yield
      }) : () -> ()
    }
    %while3A_148 = arith.constant 1 : i32
    scf.for %while3A_175 = %while3A_146 to %while3A_142 step %while3A_148  : i32 {
      %mul3A_176 = arith.constant 16 : i32
      %mul3A_177 = arith.muli %while3A_175, %mul3A_176 : i32
      %add3A_178 = arith.addi %arg1, %mul3A_177 : i32
      %mul3A_179 = arith.constant 128 : i32
      %mul3A_180 = arith.muli %add3A_178, %mul3A_179 : i32
      %run_scoped3A = arith.constant 0 : i32
      "tpu.region"() ({
        %run_scoped3A_286 = tpu.sem_alloc : memref<!tpu.dma_semaphore, #tpu.memory_space<semaphore_mem>>
        %dma_start3A = arith.constant 0 : i32
        %dma_start3A_287 = tpu.memref_slice %arg6[%run_scoped3A, %dma_start3A] : memref<1x128xi32, #tpu.memory_space<vmem>> -> memref<1x128xi32, #tpu.memory_space<vmem>>
        %dma_start3A_288 = tpu.memref_squeeze %dma_start3A_287 : memref<1x128xi32, #tpu.memory_space<vmem>> -> memref<128xi32, #tpu.memory_space<vmem>>
        %dma_start3A_289 = tpu.memref_slice %arg3[%mul3A_180] : memref<160000xi32, #tpu.memory_space<hbm>> -> memref<128xi32, #tpu.memory_space<hbm>>
        %dma_start3A_290 = arith.constant 0 : i32
        %dma_start3A_291 = tpu.memref_slice %arg6[%run_scoped3A, %dma_start3A_290] : memref<1x128xi32, #tpu.memory_space<vmem>> -> memref<1x128xi32, #tpu.memory_space<vmem>>
        %dma_start3A_292 = tpu.memref_squeeze %dma_start3A_291 : memref<1x128xi32, #tpu.memory_space<vmem>> -> memref<128xi32, #tpu.memory_space<vmem>>
        %dma_start3A_293 = tpu.memref_slice %arg3[%mul3A_180] : memref<160000xi32, #tpu.memory_space<hbm>> -> memref<128xi32, #tpu.memory_space<hbm>>
        tpu.enqueue_dma source(%dma_start3A_293 : memref<128xi32, #tpu.memory_space<hbm>>) target(%dma_start3A_292 : memref<128xi32, #tpu.memory_space<vmem>>) target_semaphore(%run_scoped3A_286 : memref<!tpu.dma_semaphore, #tpu.memory_space<semaphore_mem>>)
        %dma_wait3A = arith.constant 0 : i32
        %dma_wait3A_294 = tpu.memref_slice %arg6[%run_scoped3A, %dma_wait3A] : memref<1x128xi32, #tpu.memory_space<vmem>> -> memref<1x128xi32, #tpu.memory_space<vmem>>
        %dma_wait3A_295 = tpu.memref_squeeze %dma_wait3A_294 : memref<1x128xi32, #tpu.memory_space<vmem>> -> memref<128xi32, #tpu.memory_space<vmem>>
        %dma_wait3A_296 = tpu.memref_slice %arg3[%mul3A_180] : memref<160000xi32, #tpu.memory_space<hbm>> -> memref<128xi32, #tpu.memory_space<hbm>>
        %dma_wait3A_297 = arith.constant 0 : i32
        %dma_wait3A_298 = tpu.memref_slice %arg6[%run_scoped3A, %dma_wait3A_297] : memref<1x128xi32, #tpu.memory_space<vmem>> -> memref<1x128xi32, #tpu.memory_space<vmem>>
        %dma_wait3A_299 = tpu.memref_squeeze %dma_wait3A_298 : memref<1x128xi32, #tpu.memory_space<vmem>> -> memref<128xi32, #tpu.memory_space<vmem>>
        %dma_wait3A_300 = tpu.memref_slice %arg3[%mul3A_180] : memref<160000xi32, #tpu.memory_space<hbm>> -> memref<128xi32, #tpu.memory_space<hbm>>
        tpu.wait_dma2 semaphore(%run_scoped3A_286 : memref<!tpu.dma_semaphore, #tpu.memory_space<semaphore_mem>>) src(%dma_wait3A_300 : memref<128xi32, #tpu.memory_space<hbm>>) dst(%dma_wait3A_299 : memref<128xi32, #tpu.memory_space<vmem>>)
        tpu.yield
      }) : () -> ()
      %run_scoped3A_181 = arith.constant 0 : i32
      "tpu.region"() ({
        %run_scoped3A_286 = tpu.sem_alloc : memref<!tpu.dma_semaphore, #tpu.memory_space<semaphore_mem>>
        %dma_start3A = arith.constant 0 : i32
        %dma_start3A_287 = tpu.memref_slice %arg7[%run_scoped3A_181, %dma_start3A] : memref<1x128xi32, #tpu.memory_space<vmem>> -> memref<1x128xi32, #tpu.memory_space<vmem>>
        %dma_start3A_288 = tpu.memref_squeeze %dma_start3A_287 : memref<1x128xi32, #tpu.memory_space<vmem>> -> memref<128xi32, #tpu.memory_space<vmem>>
        %dma_start3A_289 = tpu.memref_slice %arg4[%mul3A_180] : memref<160000xi32, #tpu.memory_space<hbm>> -> memref<128xi32, #tpu.memory_space<hbm>>
        %dma_start3A_290 = arith.constant 0 : i32
        %dma_start3A_291 = tpu.memref_slice %arg7[%run_scoped3A_181, %dma_start3A_290] : memref<1x128xi32, #tpu.memory_space<vmem>> -> memref<1x128xi32, #tpu.memory_space<vmem>>
        %dma_start3A_292 = tpu.memref_squeeze %dma_start3A_291 : memref<1x128xi32, #tpu.memory_space<vmem>> -> memref<128xi32, #tpu.memory_space<vmem>>
        %dma_start3A_293 = tpu.memref_slice %arg4[%mul3A_180] : memref<160000xi32, #tpu.memory_space<hbm>> -> memref<128xi32, #tpu.memory_space<hbm>>
        tpu.enqueue_dma source(%dma_start3A_293 : memref<128xi32, #tpu.memory_space<hbm>>) target(%dma_start3A_292 : memref<128xi32, #tpu.memory_space<vmem>>) target_semaphore(%run_scoped3A_286 : memref<!tpu.dma_semaphore, #tpu.memory_space<semaphore_mem>>)
        %dma_wait3A = arith.constant 0 : i32
        %dma_wait3A_294 = tpu.memref_slice %arg7[%run_scoped3A_181, %dma_wait3A] : memref<1x128xi32, #tpu.memory_space<vmem>> -> memref<1x128xi32, #tpu.memory_space<vmem>>
        %dma_wait3A_295 = tpu.memref_squeeze %dma_wait3A_294 : memref<1x128xi32, #tpu.memory_space<vmem>> -> memref<128xi32, #tpu.memory_space<vmem>>
        %dma_wait3A_296 = tpu.memref_slice %arg4[%mul3A_180] : memref<160000xi32, #tpu.memory_space<hbm>> -> memref<128xi32, #tpu.memory_space<hbm>>
        %dma_wait3A_297 = arith.constant 0 : i32
        %dma_wait3A_298 = tpu.memref_slice %arg7[%run_scoped3A_181, %dma_wait3A_297] : memref<1x128xi32, #tpu.memory_space<vmem>> -> memref<1x128xi32, #tpu.memory_space<vmem>>
        %dma_wait3A_299 = tpu.memref_squeeze %dma_wait3A_298 : memref<1x128xi32, #tpu.memory_space<vmem>> -> memref<128xi32, #tpu.memory_space<vmem>>
        %dma_wait3A_300 = tpu.memref_slice %arg4[%mul3A_180] : memref<160000xi32, #tpu.memory_space<hbm>> -> memref<128xi32, #tpu.memory_space<hbm>>
        tpu.wait_dma2 semaphore(%run_scoped3A_286 : memref<!tpu.dma_semaphore, #tpu.memory_space<semaphore_mem>>) src(%dma_wait3A_300 : memref<128xi32, #tpu.memory_space<hbm>>) dst(%dma_wait3A_299 : memref<128xi32, #tpu.memory_space<vmem>>)
        tpu.yield
      }) : () -> ()
      %get3A = arith.constant 0 : i32
      %get3A_182 = arith.index_cast %get3A : i32 to index
      %get3A_183 = arith.constant 0 : index
      %get3A_184 = tpu.vector_load %arg6[%get3A_182, %get3A_183] {strides = array<i32>} : memref<1x128xi32, #tpu.memory_space<vmem>>, vector<1x16xi32>,
      %get3A_185 = vector.shape_cast %get3A_184 : vector<1x16xi32> to vector<16xi32>
      %add3A_186 = vector.broadcast %mul3A_87 : i32 to vector<16xi32>
      %add3A_187 = arith.addi %get3A_185, %add3A_186 : vector<16xi32>
      %swap3A = arith.constant 0 : i32
      %swap3A_188 = arith.index_cast %swap3A : i32 to index
      %swap3A_189 = arith.constant 0 : index
      %swap3A_190 = tpu.vector_load %arg6[%swap3A_188, %swap3A_189] {strides = array<i32>} : memref<1x128xi32, #tpu.memory_space<vmem>>, vector<1x16xi32>,
      %swap3A_191 = vector.shape_cast %swap3A_190 : vector<1x16xi32> to vector<16xi32>
      %swap3A_192 = vector.shape_cast %add3A_187 : vector<16xi32> to vector<1x16xi32>
      tpu.vector_store %arg6[%swap3A_188, %swap3A_189], %swap3A_192 {strides = array<i32>} : memref<1x128xi32, #tpu.memory_space<vmem>>, vector<1x16xi32>,
      %get3A_193 = arith.constant 0 : i32
      %get3A_194 = arith.index_cast %get3A_193 : i32 to index
      %get3A_195 = arith.constant 16 : index
      %get3A_196 = tpu.vector_load %arg6[%get3A_194, %get3A_195] {strides = array<i32>} : memref<1x128xi32, #tpu.memory_space<vmem>>, vector<1x16xi32>,
      %get3A_197 = vector.shape_cast %get3A_196 : vector<1x16xi32> to vector<16xi32>
      %add3A_198 = vector.broadcast %mul3A_87 : i32 to vector<16xi32>
      %add3A_199 = arith.addi %get3A_197, %add3A_198 : vector<16xi32>
      %swap3A_200 = arith.constant 0 : i32
      %swap3A_201 = arith.index_cast %swap3A_200 : i32 to index
      %swap3A_202 = arith.constant 16 : index
      %swap3A_203 = tpu.vector_load %arg6[%swap3A_201, %swap3A_202] {strides = array<i32>} : memref<1x128xi32, #tpu.memory_space<vmem>>, vector<1x16xi32>,
      %swap3A_204 = vector.shape_cast %swap3A_203 : vector<1x16xi32> to vector<16xi32>
      %swap3A_205 = vector.shape_cast %add3A_199 : vector<16xi32> to vector<1x16xi32>
      tpu.vector_store %arg6[%swap3A_201, %swap3A_202], %swap3A_205 {strides = array<i32>} : memref<1x128xi32, #tpu.memory_space<vmem>>, vector<1x16xi32>,
      %get3A_206 = arith.constant 0 : i32
      %get3A_207 = arith.index_cast %get3A_206 : i32 to index
      %get3A_208 = arith.constant 32 : index
      %get3A_209 = tpu.vector_load %arg6[%get3A_207, %get3A_208] {strides = array<i32>} : memref<1x128xi32, #tpu.memory_space<vmem>>, vector<1x16xi32>,
      %get3A_210 = vector.shape_cast %get3A_209 : vector<1x16xi32> to vector<16xi32>
      %add3A_211 = vector.broadcast %mul3A_87 : i32 to vector<16xi32>
      %add3A_212 = arith.addi %get3A_210, %add3A_211 : vector<16xi32>
      %swap3A_213 = arith.constant 0 : i32
      %swap3A_214 = arith.index_cast %swap3A_213 : i32 to index
      %swap3A_215 = arith.constant 32 : index
      %swap3A_216 = tpu.vector_load %arg6[%swap3A_214, %swap3A_215] {strides = array<i32>} : memref<1x128xi32, #tpu.memory_space<vmem>>, vector<1x16xi32>,
      %swap3A_217 = vector.shape_cast %swap3A_216 : vector<1x16xi32> to vector<16xi32>
      %swap3A_218 = vector.shape_cast %add3A_212 : vector<16xi32> to vector<1x16xi32>
      tpu.vector_store %arg6[%swap3A_214, %swap3A_215], %swap3A_218 {strides = array<i32>} : memref<1x128xi32, #tpu.memory_space<vmem>>, vector<1x16xi32>,
      %get3A_219 = arith.constant 0 : i32
      %get3A_220 = arith.index_cast %get3A_219 : i32 to index
      %get3A_221 = arith.constant 48 : index
      %get3A_222 = tpu.vector_load %arg6[%get3A_220, %get3A_221] {strides = array<i32>} : memref<1x128xi32, #tpu.memory_space<vmem>>, vector<1x16xi32>,
      %get3A_223 = vector.shape_cast %get3A_222 : vector<1x16xi32> to vector<16xi32>
      %add3A_224 = vector.broadcast %mul3A_87 : i32 to vector<16xi32>
      %add3A_225 = arith.addi %get3A_223, %add3A_224 : vector<16xi32>
      %swap3A_226 = arith.constant 0 : i32
      %swap3A_227 = arith.index_cast %swap3A_226 : i32 to index
      %swap3A_228 = arith.constant 48 : index
      %swap3A_229 = tpu.vector_load %arg6[%swap3A_227, %swap3A_228] {strides = array<i32>} : memref<1x128xi32, #tpu.memory_space<vmem>>, vector<1x16xi32>,
      %swap3A_230 = vector.shape_cast %swap3A_229 : vector<1x16xi32> to vector<16xi32>
      %swap3A_231 = vector.shape_cast %add3A_225 : vector<16xi32> to vector<1x16xi32>
      tpu.vector_store %arg6[%swap3A_227, %swap3A_228], %swap3A_231 {strides = array<i32>} : memref<1x128xi32, #tpu.memory_space<vmem>>, vector<1x16xi32>,
      %get3A_232 = arith.constant 0 : i32
      %get3A_233 = arith.index_cast %get3A_232 : i32 to index
      %get3A_234 = arith.constant 64 : index
      %get3A_235 = tpu.vector_load %arg6[%get3A_233, %get3A_234] {strides = array<i32>} : memref<1x128xi32, #tpu.memory_space<vmem>>, vector<1x16xi32>,
      %get3A_236 = vector.shape_cast %get3A_235 : vector<1x16xi32> to vector<16xi32>
      %add3A_237 = vector.broadcast %mul3A_87 : i32 to vector<16xi32>
      %add3A_238 = arith.addi %get3A_236, %add3A_237 : vector<16xi32>
      %swap3A_239 = arith.constant 0 : i32
      %swap3A_240 = arith.index_cast %swap3A_239 : i32 to index
      %swap3A_241 = arith.constant 64 : index
      %swap3A_242 = tpu.vector_load %arg6[%swap3A_240, %swap3A_241] {strides = array<i32>} : memref<1x128xi32, #tpu.memory_space<vmem>>, vector<1x16xi32>,
      %swap3A_243 = vector.shape_cast %swap3A_242 : vector<1x16xi32> to vector<16xi32>
      %swap3A_244 = vector.shape_cast %add3A_238 : vector<16xi32> to vector<1x16xi32>
      tpu.vector_store %arg6[%swap3A_240, %swap3A_241], %swap3A_244 {strides = array<i32>} : memref<1x128xi32, #tpu.memory_space<vmem>>, vector<1x16xi32>,
      %get3A_245 = arith.constant 0 : i32
      %get3A_246 = arith.index_cast %get3A_245 : i32 to index
      %get3A_247 = arith.constant 80 : index
      %get3A_248 = tpu.vector_load %arg6[%get3A_246, %get3A_247] {strides = array<i32>} : memref<1x128xi32, #tpu.memory_space<vmem>>, vector<1x16xi32>,
      %get3A_249 = vector.shape_cast %get3A_248 : vector<1x16xi32> to vector<16xi32>
      %add3A_250 = vector.broadcast %mul3A_87 : i32 to vector<16xi32>
      %add3A_251 = arith.addi %get3A_249, %add3A_250 : vector<16xi32>
      %swap3A_252 = arith.constant 0 : i32
      %swap3A_253 = arith.index_cast %swap3A_252 : i32 to index
      %swap3A_254 = arith.constant 80 : index
      %swap3A_255 = tpu.vector_load %arg6[%swap3A_253, %swap3A_254] {strides = array<i32>} : memref<1x128xi32, #tpu.memory_space<vmem>>, vector<1x16xi32>,
      %swap3A_256 = vector.shape_cast %swap3A_255 : vector<1x16xi32> to vector<16xi32>
      %swap3A_257 = vector.shape_cast %add3A_251 : vector<16xi32> to vector<1x16xi32>
      tpu.vector_store %arg6[%swap3A_253, %swap3A_254], %swap3A_257 {strides = array<i32>} : memref<1x128xi32, #tpu.memory_space<vmem>>, vector<1x16xi32>,
      %get3A_258 = arith.constant 0 : i32
      %get3A_259 = arith.index_cast %get3A_258 : i32 to index
      %get3A_260 = arith.constant 96 : index
      %get3A_261 = tpu.vector_load %arg6[%get3A_259, %get3A_260] {strides = array<i32>} : memref<1x128xi32, #tpu.memory_space<vmem>>, vector<1x16xi32>,
      %get3A_262 = vector.shape_cast %get3A_261 : vector<1x16xi32> to vector<16xi32>
      %add3A_263 = vector.broadcast %mul3A_87 : i32 to vector<16xi32>
      %add3A_264 = arith.addi %get3A_262, %add3A_263 : vector<16xi32>
      %swap3A_265 = arith.constant 0 : i32
      %swap3A_266 = arith.index_cast %swap3A_265 : i32 to index
      %swap3A_267 = arith.constant 96 : index
      %swap3A_268 = tpu.vector_load %arg6[%swap3A_266, %swap3A_267] {strides = array<i32>} : memref<1x128xi32, #tpu.memory_space<vmem>>, vector<1x16xi32>,
      %swap3A_269 = vector.shape_cast %swap3A_268 : vector<1x16xi32> to vector<16xi32>
      %swap3A_270 = vector.shape_cast %add3A_264 : vector<16xi32> to vector<1x16xi32>
      tpu.vector_store %arg6[%swap3A_266, %swap3A_267], %swap3A_270 {strides = array<i32>} : memref<1x128xi32, #tpu.memory_space<vmem>>, vector<1x16xi32>,
      %get3A_271 = arith.constant 0 : i32
      %get3A_272 = arith.index_cast %get3A_271 : i32 to index
      %get3A_273 = arith.constant 112 : index
      %get3A_274 = tpu.vector_load %arg6[%get3A_272, %get3A_273] {strides = array<i32>} : memref<1x128xi32, #tpu.memory_space<vmem>>, vector<1x16xi32>,
      %get3A_275 = vector.shape_cast %get3A_274 : vector<1x16xi32> to vector<16xi32>
      %add3A_276 = vector.broadcast %mul3A_87 : i32 to vector<16xi32>
      %add3A_277 = arith.addi %get3A_275, %add3A_276 : vector<16xi32>
      %swap3A_278 = arith.constant 0 : i32
      %swap3A_279 = arith.index_cast %swap3A_278 : i32 to index
      %swap3A_280 = arith.constant 112 : index
      %swap3A_281 = tpu.vector_load %arg6[%swap3A_279, %swap3A_280] {strides = array<i32>} : memref<1x128xi32, #tpu.memory_space<vmem>>, vector<1x16xi32>,
      %swap3A_282 = vector.shape_cast %swap3A_281 : vector<1x16xi32> to vector<16xi32>
      %swap3A_283 = vector.shape_cast %add3A_277 : vector<16xi32> to vector<1x16xi32>
      tpu.vector_store %arg6[%swap3A_279, %swap3A_280], %swap3A_283 {strides = array<i32>} : memref<1x128xi32, #tpu.memory_space<vmem>>, vector<1x16xi32>,
      %run_scoped3A_284 = arith.constant 0 : i32
      "tpu.region"() ({
        %run_scoped3A_286 = tpu.sem_alloc : memref<!tpu.dma_semaphore, #tpu.memory_space<semaphore_mem>>
        %dma_start3A = arith.constant 0 : i32
        %dma_start3A_287 = tpu.memref_slice %arg6[%run_scoped3A_284, %dma_start3A] : memref<1x128xi32, #tpu.memory_space<vmem>> -> memref<1x128xi32, #tpu.memory_space<vmem>>
        %dma_start3A_288 = tpu.memref_squeeze %dma_start3A_287 : memref<1x128xi32, #tpu.memory_space<vmem>> -> memref<128xi32, #tpu.memory_space<vmem>>
        %dma_start3A_289 = arith.constant 0 : i32
        %dma_start3A_290 = arith.constant 0 : i32
        %dma_start3A_291 = tpu.memref_slice %arg2[%dma_start3A_289, %dma_start3A_290] : memref<40960x128xf32, #tpu.memory_space<hbm>> -> memref<40960x128xf32, #tpu.memory_space<hbm>>
        tpu.enqueue_indirect_dma source(%dma_start3A_291 : memref<40960x128xf32, #tpu.memory_space<hbm>>) target(%arg8 : memref<128x128xf32, #tpu.memory_space<vmem>>) offsets(%dma_start3A_288 : memref<128xi32, #tpu.memory_space<vmem>>) semaphore(%run_scoped3A_286 : memref<!tpu.dma_semaphore, #tpu.memory_space<semaphore_mem>>)
        %dma_wait3A = arith.constant 0 : i32
        %dma_wait3A_292 = tpu.memref_slice %arg6[%run_scoped3A_284, %dma_wait3A] : memref<1x128xi32, #tpu.memory_space<vmem>> -> memref<1x128xi32, #tpu.memory_space<vmem>>
        %dma_wait3A_293 = tpu.memref_squeeze %dma_wait3A_292 : memref<1x128xi32, #tpu.memory_space<vmem>> -> memref<128xi32, #tpu.memory_space<vmem>>
        %dma_wait3A_294 = arith.constant 0 : i32
        %dma_wait3A_295 = arith.constant 0 : i32
        %dma_wait3A_296 = tpu.memref_slice %arg2[%dma_wait3A_294, %dma_wait3A_295] : memref<40960x128xf32, #tpu.memory_space<hbm>> -> memref<40960x128xf32, #tpu.memory_space<hbm>>
        tpu.wait_indirect_dma semaphore(%run_scoped3A_286 : memref<!tpu.dma_semaphore, #tpu.memory_space<semaphore_mem>>) src(%dma_wait3A_296 : memref<40960x128xf32, #tpu.memory_space<hbm>>) dst(%arg8 : memref<128x128xf32, #tpu.memory_space<vmem>>)
        tpu.yield
      }) : () -> ()
      %run_scoped3A_285 = arith.constant 0 : i32
      "tpu.region"() ({
        %run_scoped3A_286 = tpu.sem_alloc : memref<!tpu.dma_semaphore, #tpu.memory_space<semaphore_mem>>
        %dma_start3A = arith.constant 0 : i32
        %dma_start3A_287 = tpu.memref_slice %arg7[%run_scoped3A_285, %dma_start3A] : memref<1x128xi32, #tpu.memory_space<vmem>> -> memref<1x128xi32, #tpu.memory_space<vmem>>
        %dma_start3A_288 = tpu.memref_squeeze %dma_start3A_287 : memref<1x128xi32, #tpu.memory_space<vmem>> -> memref<128xi32, #tpu.memory_space<vmem>>
        %dma_start3A_289 = arith.constant 0 : i32
        %dma_start3A_290 = arith.constant 0 : i32
        %dma_start3A_291 = tpu.memref_slice %arg10[%dma_start3A_289, %dma_start3A_290] : memref<10240x128xf32, #tpu.memory_space<vmem_shared>> -> memref<10240x128xf32, #tpu.memory_space<vmem_shared>>
        tpu.enqueue_indirect_dma source(%arg8 : memref<128x128xf32, #tpu.memory_space<vmem>>) target(%dma_start3A_291 : memref<10240x128xf32, #tpu.memory_space<vmem_shared>>) offsets(%dma_start3A_288 : memref<128xi32, #tpu.memory_space<vmem>>) semaphore(%run_scoped3A_286 : memref<!tpu.dma_semaphore, #tpu.memory_space<semaphore_mem>>) {add = true}
        %dma_wait3A = arith.constant 0 : i32
        %dma_wait3A_292 = tpu.memref_slice %arg7[%run_scoped3A_285, %dma_wait3A] : memref<1x128xi32, #tpu.memory_space<vmem>> -> memref<1x128xi32, #tpu.memory_space<vmem>>
        %dma_wait3A_293 = tpu.memref_squeeze %dma_wait3A_292 : memref<1x128xi32, #tpu.memory_space<vmem>> -> memref<128xi32, #tpu.memory_space<vmem>>
        %dma_wait3A_294 = arith.constant 0 : i32
        %dma_wait3A_295 = arith.constant 0 : i32
        %dma_wait3A_296 = tpu.memref_slice %arg10[%dma_wait3A_294, %dma_wait3A_295] : memref<10240x128xf32, #tpu.memory_space<vmem_shared>> -> memref<10240x128xf32, #tpu.memory_space<vmem_shared>>
        tpu.wait_indirect_dma semaphore(%run_scoped3A_286 : memref<!tpu.dma_semaphore, #tpu.memory_space<semaphore_mem>>) src(%arg8 : memref<128x128xf32, #tpu.memory_space<vmem>>) dst(%dma_wait3A_296 : memref<10240x128xf32, #tpu.memory_space<vmem_shared>>)
        tpu.yield
      }) : () -> ()
    }
    %barrier3A_149 = arith.constant 0 : index
    tpu.barrier barrier_id(%barrier3A_149)
    %mul3A_150 = arith.constant 640 : i32
    %mul3A_151 = arith.muli %arg1, %mul3A_150 : i32
    %add3A_152 = arith.constant 0 : i32
    %add3A_153 = arith.addi %mul3A_151, %add3A_152 : i32
    %add3A_154 = arith.addi %mul3A_87, %add3A_153 : i32
    "tpu.region"() ({
      %run_scoped3A = tpu.sem_alloc : memref<!tpu.dma_semaphore, #tpu.memory_space<semaphore_mem>>
      %dma_start3A = arith.constant 0 : i32
      %dma_start3A_175 = tpu.memref_slice %arg5[%add3A_154, %dma_start3A] : memref<40960x128xf32, #tpu.memory_space<hbm>> -> memref<128x128xf32, #tpu.memory_space<hbm>>
      %dma_start3A_176 = arith.constant 0 : i32
      %dma_start3A_177 = tpu.memref_slice %arg10[%add3A_153, %dma_start3A_176] : memref<10240x128xf32, #tpu.memory_space<vmem_shared>> -> memref<128x128xf32, #tpu.memory_space<vmem_shared>>
      tpu.enqueue_dma source(%dma_start3A_177 : memref<128x128xf32, #tpu.memory_space<vmem_shared>>) target(%dma_start3A_175 : memref<128x128xf32, #tpu.memory_space<hbm>>) target_semaphore(%run_scoped3A : memref<!tpu.dma_semaphore, #tpu.memory_space<semaphore_mem>>)
      %dma_wait3A = arith.constant 0 : i32
      %dma_wait3A_178 = tpu.memref_slice %arg5[%add3A_154, %dma_wait3A] : memref<40960x128xf32, #tpu.memory_space<hbm>> -> memref<128x128xf32, #tpu.memory_space<hbm>>
      %dma_wait3A_179 = arith.constant 0 : i32
      %dma_wait3A_180 = tpu.memref_slice %arg10[%add3A_153, %dma_wait3A_179] : memref<10240x128xf32, #tpu.memory_space<vmem_shared>> -> memref<128x128xf32, #tpu.memory_space<vmem_shared>>
      tpu.wait_dma2 semaphore(%run_scoped3A : memref<!tpu.dma_semaphore, #tpu.memory_space<semaphore_mem>>) src(%dma_wait3A_180 : memref<128x128xf32, #tpu.memory_space<vmem_shared>>) dst(%dma_wait3A_178 : memref<128x128xf32, #tpu.memory_space<hbm>>)
      tpu.yield
    }) : () -> ()
    %mul3A_155 = arith.constant 640 : i32
    %mul3A_156 = arith.muli %arg1, %mul3A_155 : i32
    %add3A_157 = arith.constant 128 : i32
    %add3A_158 = arith.addi %mul3A_156, %add3A_157 : i32
    %add3A_159 = arith.addi %mul3A_87, %add3A_158 : i32
    "tpu.region"() ({
      %run_scoped3A = tpu.sem_alloc : memref<!tpu.dma_semaphore, #tpu.memory_space<semaphore_mem>>
      %dma_start3A = arith.constant 0 : i32
      %dma_start3A_175 = tpu.memref_slice %arg5[%add3A_159, %dma_start3A] : memref<40960x128xf32, #tpu.memory_space<hbm>> -> memref<128x128xf32, #tpu.memory_space<hbm>>
      %dma_start3A_176 = arith.constant 0 : i32
      %dma_start3A_177 = tpu.memref_slice %arg10[%add3A_158, %dma_start3A_176] : memref<10240x128xf32, #tpu.memory_space<vmem_shared>> -> memref<128x128xf32, #tpu.memory_space<vmem_shared>>
      tpu.enqueue_dma source(%dma_start3A_177 : memref<128x128xf32, #tpu.memory_space<vmem_shared>>) target(%dma_start3A_175 : memref<128x128xf32, #tpu.memory_space<hbm>>) target_semaphore(%run_scoped3A : memref<!tpu.dma_semaphore, #tpu.memory_space<semaphore_mem>>)
      %dma_wait3A = arith.constant 0 : i32
      %dma_wait3A_178 = tpu.memref_slice %arg5[%add3A_159, %dma_wait3A] : memref<40960x128xf32, #tpu.memory_space<hbm>> -> memref<128x128xf32, #tpu.memory_space<hbm>>
      %dma_wait3A_179 = arith.constant 0 : i32
      %dma_wait3A_180 = tpu.memref_slice %arg10[%add3A_158, %dma_wait3A_179] : memref<10240x128xf32, #tpu.memory_space<vmem_shared>> -> memref<128x128xf32, #tpu.memory_space<vmem_shared>>
      tpu.wait_dma2 semaphore(%run_scoped3A : memref<!tpu.dma_semaphore, #tpu.memory_space<semaphore_mem>>) src(%dma_wait3A_180 : memref<128x128xf32, #tpu.memory_space<vmem_shared>>) dst(%dma_wait3A_178 : memref<128x128xf32, #tpu.memory_space<hbm>>)
      tpu.yield
    }) : () -> ()
    %mul3A_160 = arith.constant 640 : i32
    %mul3A_161 = arith.muli %arg1, %mul3A_160 : i32
    %add3A_162 = arith.constant 256 : i32
    %add3A_163 = arith.addi %mul3A_161, %add3A_162 : i32
    %add3A_164 = arith.addi %mul3A_87, %add3A_163 : i32
    "tpu.region"() ({
      %run_scoped3A = tpu.sem_alloc : memref<!tpu.dma_semaphore, #tpu.memory_space<semaphore_mem>>
      %dma_start3A = arith.constant 0 : i32
      %dma_start3A_175 = tpu.memref_slice %arg5[%add3A_164, %dma_start3A] : memref<40960x128xf32, #tpu.memory_space<hbm>> -> memref<128x128xf32, #tpu.memory_space<hbm>>
      %dma_start3A_176 = arith.constant 0 : i32
      %dma_start3A_177 = tpu.memref_slice %arg10[%add3A_163, %dma_start3A_176] : memref<10240x128xf32, #tpu.memory_space<vmem_shared>> -> memref<128x128xf32, #tpu.memory_space<vmem_shared>>
      tpu.enqueue_dma source(%dma_start3A_177 : memref<128x128xf32, #tpu.memory_space<vmem_shared>>) target(%dma_start3A_175 : memref<128x128xf32, #tpu.memory_space<hbm>>) target_semaphore(%run_scoped3A : memref<!tpu.dma_semaphore, #tpu.memory_space<semaphore_mem>>)
      %dma_wait3A = arith.constant 0 : i32
      %dma_wait3A_178 = tpu.memref_slice %arg5[%add3A_164, %dma_wait3A] : memref<40960x128xf32, #tpu.memory_space<hbm>> -> memref<128x128xf32, #tpu.memory_space<hbm>>
      %dma_wait3A_179 = arith.constant 0 : i32
      %dma_wait3A_180 = tpu.memref_slice %arg10[%add3A_163, %dma_wait3A_179] : memref<10240x128xf32, #tpu.memory_space<vmem_shared>> -> memref<128x128xf32, #tpu.memory_space<vmem_shared>>
      tpu.wait_dma2 semaphore(%run_scoped3A : memref<!tpu.dma_semaphore, #tpu.memory_space<semaphore_mem>>) src(%dma_wait3A_180 : memref<128x128xf32, #tpu.memory_space<vmem_shared>>) dst(%dma_wait3A_178 : memref<128x128xf32, #tpu.memory_space<hbm>>)
      tpu.yield
    }) : () -> ()
    %mul3A_165 = arith.constant 640 : i32
    %mul3A_166 = arith.muli %arg1, %mul3A_165 : i32
    %add3A_167 = arith.constant 384 : i32
    %add3A_168 = arith.addi %mul3A_166, %add3A_167 : i32
    %add3A_169 = arith.addi %mul3A_87, %add3A_168 : i32
    "tpu.region"() ({
      %run_scoped3A = tpu.sem_alloc : memref<!tpu.dma_semaphore, #tpu.memory_space<semaphore_mem>>
      %dma_start3A = arith.constant 0 : i32
      %dma_start3A_175 = tpu.memref_slice %arg5[%add3A_169, %dma_start3A] : memref<40960x128xf32, #tpu.memory_space<hbm>> -> memref<128x128xf32, #tpu.memory_space<hbm>>
      %dma_start3A_176 = arith.constant 0 : i32
      %dma_start3A_177 = tpu.memref_slice %arg10[%add3A_168, %dma_start3A_176] : memref<10240x128xf32, #tpu.memory_space<vmem_shared>> -> memref<128x128xf32, #tpu.memory_space<vmem_shared>>
      tpu.enqueue_dma source(%dma_start3A_177 : memref<128x128xf32, #tpu.memory_space<vmem_shared>>) target(%dma_start3A_175 : memref<128x128xf32, #tpu.memory_space<hbm>>) target_semaphore(%run_scoped3A : memref<!tpu.dma_semaphore, #tpu.memory_space<semaphore_mem>>)
      %dma_wait3A = arith.constant 0 : i32
      %dma_wait3A_178 = tpu.memref_slice %arg5[%add3A_169, %dma_wait3A] : memref<40960x128xf32, #tpu.memory_space<hbm>> -> memref<128x128xf32, #tpu.memory_space<hbm>>
      %dma_wait3A_179 = arith.constant 0 : i32
      %dma_wait3A_180 = tpu.memref_slice %arg10[%add3A_168, %dma_wait3A_179] : memref<10240x128xf32, #tpu.memory_space<vmem_shared>> -> memref<128x128xf32, #tpu.memory_space<vmem_shared>>
      tpu.wait_dma2 semaphore(%run_scoped3A : memref<!tpu.dma_semaphore, #tpu.memory_space<semaphore_mem>>) src(%dma_wait3A_180 : memref<128x128xf32, #tpu.memory_space<vmem_shared>>) dst(%dma_wait3A_178 : memref<128x128xf32, #tpu.memory_space<hbm>>)
      tpu.yield
    }) : () -> ()
    %mul3A_170 = arith.constant 640 : i32
    %mul3A_171 = arith.muli %arg1, %mul3A_170 : i32
    %add3A_172 = arith.constant 512 : i32
    %add3A_173 = arith.addi %mul3A_171, %add3A_172 : i32
    %add3A_174 = arith.addi %mul3A_87, %add3A_173 : i32
    "tpu.region"() ({
      %run_scoped3A = tpu.sem_alloc : memref<!tpu.dma_semaphore, #tpu.memory_space<semaphore_mem>>
      %dma_start3A = arith.constant 0 : i32
      %dma_start3A_175 = tpu.memref_slice %arg5[%add3A_174, %dma_start3A] : memref<40960x128xf32, #tpu.memory_space<hbm>> -> memref<128x128xf32, #tpu.memory_space<hbm>>
      %dma_start3A_176 = arith.constant 0 : i32
      %dma_start3A_177 = tpu.memref_slice %arg10[%add3A_173, %dma_start3A_176] : memref<10240x128xf32, #tpu.memory_space<vmem_shared>> -> memref<128x128xf32, #tpu.memory_space<vmem_shared>>
      tpu.enqueue_dma source(%dma_start3A_177 : memref<128x128xf32, #tpu.memory_space<vmem_shared>>) target(%dma_start3A_175 : memref<128x128xf32, #tpu.memory_space<hbm>>) target_semaphore(%run_scoped3A : memref<!tpu.dma_semaphore, #tpu.memory_space<semaphore_mem>>)
      %dma_wait3A = arith.constant 0 : i32
      %dma_wait3A_178 = tpu.memref_slice %arg5[%add3A_174, %dma_wait3A] : memref<40960x128xf32, #tpu.memory_space<hbm>> -> memref<128x128xf32, #tpu.memory_space<hbm>>
      %dma_wait3A_179 = arith.constant 0 : i32
      %dma_wait3A_180 = tpu.memref_slice %arg10[%add3A_173, %dma_wait3A_179] : memref<10240x128xf32, #tpu.memory_space<vmem_shared>> -> memref<128x128xf32, #tpu.memory_space<vmem_shared>>
      tpu.wait_dma2 semaphore(%run_scoped3A : memref<!tpu.dma_semaphore, #tpu.memory_space<semaphore_mem>>) src(%dma_wait3A_180 : memref<128x128xf32, #tpu.memory_space<vmem_shared>>) dst(%dma_wait3A_178 : memref<128x128xf32, #tpu.memory_space<hbm>>)
      tpu.yield
    }) : () -> ()
    return
  }
}

#map = affine_map<(d0, d1) -> (0, 0)>
#map1 = affine_map<(d0, d1) -> (0)>
module attributes {stable_mosaic.version = 14 : i64} {
  func.func @segsum(%arg0: i32, %arg1: i32, %arg2: memref<40960x128xf32, #tpu.memory_space<hbm>>, %arg3: memref<160000xi32, #tpu.memory_space<hbm>>, %arg4: memref<160000xi32, #tpu.memory_space<hbm>>, %arg5: memref<40960x128xf32, #tpu.memory_space<hbm>>, %arg6: memref<1x128xi32, #tpu.memory_space<vmem>>, %arg7: memref<1x128xi32, #tpu.memory_space<vmem>>, %arg8: memref<128x128xf32, #tpu.memory_space<vmem>>, %arg9: memref<128x128xf32, #tpu.memory_space<vmem>>, %arg10: memref<10240x128xf32, #tpu.memory_space<vmem_shared>>) attributes {dimension_semantics = [#tpu.dimension_semantics<core_parallel>, #tpu.dimension_semantics<subcore_parallel>], iteration_bounds = array<i64: 2, 16>, scalar_prefetch = 0 : i64, scratch_operands = 5 : i64, tpu.core_type = #tpu.core_type<sc_vector_subcore>, window_params = [{transform_indices = #map}, {transform_indices = #map1}, {transform_indices = #map1}, {transform_indices = #map}]} {
    %scan3A = arith.constant 0 : i32
    %scan3A_0 = arith.constant 0 : i32
    %scan3A_1 = arith.constant 1024 : i32
    %scan3A_2 = arith.addi %scan3A_0, %scan3A_1 : i32
    %scan3A_3 = arith.constant 1 : i32
    scf.for %scan3A_175 = %scan3A_0 to %scan3A_2 step %scan3A_3  : i32 {
      %jit3A_176 = arith.constant 8 : i32
      %div3A_177 = arith.divsi %scan3A_175, %jit3A_176 : i32
      %sign3A_178 = arith.constant 0 : i32
      %sign3A_179 = arith.cmpi sgt, %scan3A_175, %sign3A_178 : i32
      %sign3A_180 = arith.extui %sign3A_179 : i1 to i32
      %sign3A_181 = arith.constant 0 : i32
      %sign3A_182 = arith.cmpi slt, %scan3A_175, %sign3A_181 : i32
      %sign3A_183 = arith.extui %sign3A_182 : i1 to i32
      %sign3A_184 = arith.subi %sign3A_180, %sign3A_183 : i32
      %sign3A_185 = arith.constant 0 : i32
      %sign3A_186 = arith.cmpi sgt, %jit3A_176, %sign3A_185 : i32
      %sign3A_187 = arith.extui %sign3A_186 : i1 to i32
      %sign3A_188 = arith.constant 0 : i32
      %sign3A_189 = arith.cmpi slt, %jit3A_176, %sign3A_188 : i32
      %sign3A_190 = arith.extui %sign3A_189 : i1 to i32
      %sign3A_191 = arith.subi %sign3A_187, %sign3A_190 : i32
      %ne3A_192 = arith.cmpi ne, %sign3A_184, %sign3A_191 : i32
      %rem3A_193 = arith.remsi %scan3A_175, %jit3A_176 : i32
      %ne3A_194 = arith.constant 0 : i32
      %ne3A_195 = arith.cmpi ne, %rem3A_193, %ne3A_194 : i32
      %and3A_196 = arith.andi %ne3A_192, %ne3A_195 : i1
      %sub3A_197 = arith.constant 1 : i32
      %sub3A_198 = arith.subi %div3A_177, %sub3A_197 : i32
      %select_n3A_199 = arith.select %and3A_196, %sub3A_198, %div3A_177 : i32
      %jit3A_200 = arith.constant 8 : i32
      %eq3A = arith.constant 0 : i32
      %eq3A_201 = arith.cmpi eq, %jit3A_200, %eq3A : i32
      %jit3A_202 = arith.constant 1 : i32
      %select_n3A_203 = arith.select %eq3A_201, %jit3A_202, %jit3A_200 : i32
      %rem3A_204 = arith.remsi %scan3A_175, %select_n3A_203 : i32
      %ne3A_205 = arith.constant 0 : i32
      %ne3A_206 = arith.cmpi ne, %rem3A_204, %ne3A_205 : i32
      %lt3A = arith.constant 0 : i32
      %lt3A_207 = arith.cmpi slt, %rem3A_204, %lt3A : i32
      %lt3A_208 = arith.constant 0 : i32
      %lt3A_209 = arith.cmpi slt, %select_n3A_203, %lt3A_208 : i32
      %ne3A_210 = arith.xori %lt3A_207, %lt3A_209 : i1
      %and3A_211 = arith.andi %ne3A_210, %ne3A_206 : i1
      %add3A_212 = arith.addi %rem3A_204, %select_n3A_203 : i32
      %select_n3A_213 = arith.select %and3A_211, %add3A_212, %rem3A_204 : i32
      %mul3A_214 = arith.constant 16 : i32
      %mul3A_215 = arith.muli %select_n3A_213, %mul3A_214 : i32
      %broadcast_in_dim3A = arith.constant 0.000000e+00 : f32
      %broadcast_in_dim3A_216 = vector.broadcast %broadcast_in_dim3A : f32 to vector<16xf32>
      %swap3A = arith.index_cast %select_n3A_199 : i32 to index
      %swap3A_217 = arith.index_cast %mul3A_215 : i32 to index
      %swap3A_218 = tpu.vector_load %arg9[%swap3A, %swap3A_217] {strides = array<i32>} : memref<128x128xf32, #tpu.memory_space<vmem>>, vector<1x16xf32>,
      %swap3A_219 = vector.shape_cast %swap3A_218 : vector<1x16xf32> to vector<16xf32>
      %swap3A_220 = vector.shape_cast %broadcast_in_dim3A_216 : vector<16xf32> to vector<1x16xf32>
      tpu.vector_store %arg9[%swap3A, %swap3A_217], %swap3A_220 {strides = array<i32>} : memref<128x128xf32, #tpu.memory_space<vmem>>, vector<1x16xf32>,
    }
    %scan3A_4 = arith.constant 1024 : i32
    %add3A = arith.constant 0 : i32
    %add3A_5 = arith.addi %arg0, %add3A : i32
    %mul3A = arith.constant 10240 : i32
    %mul3A_6 = arith.muli %add3A_5, %mul3A : i32
    %mul3A_7 = arith.constant 640 : i32
    %mul3A_8 = arith.muli %arg1, %mul3A_7 : i32
    %add3A_9 = arith.constant 0 : i32
    %add3A_10 = arith.addi %mul3A_8, %add3A_9 : i32
    "tpu.region"() ({
      %run_scoped3A = tpu.sem_alloc : memref<!tpu.dma_semaphore, #tpu.memory_space<semaphore_mem>>
      %dma_start3A = arith.constant 0 : i32
      %dma_start3A_175 = tpu.memref_slice %arg10[%add3A_10, %dma_start3A] : memref<10240x128xf32, #tpu.memory_space<vmem_shared>> -> memref<128x128xf32, #tpu.memory_space<vmem_shared>>
      %dma_start3A_176 = arith.constant 0 : i32
      %dma_start3A_177 = tpu.memref_slice %arg10[%add3A_10, %dma_start3A_176] : memref<10240x128xf32, #tpu.memory_space<vmem_shared>> -> memref<128x128xf32, #tpu.memory_space<vmem_shared>>
      tpu.enqueue_dma source(%arg9 : memref<128x128xf32, #tpu.memory_space<vmem>>) target(%dma_start3A_177 : memref<128x128xf32, #tpu.memory_space<vmem_shared>>) target_semaphore(%run_scoped3A : memref<!tpu.dma_semaphore, #tpu.memory_space<semaphore_mem>>)
      %dma_wait3A = arith.constant 0 : i32
      %dma_wait3A_178 = tpu.memref_slice %arg10[%add3A_10, %dma_wait3A] : memref<10240x128xf32, #tpu.memory_space<vmem_shared>> -> memref<128x128xf32, #tpu.memory_space<vmem_shared>>
      %dma_wait3A_179 = arith.constant 0 : i32
      %dma_wait3A_180 = tpu.memref_slice %arg10[%add3A_10, %dma_wait3A_179] : memref<10240x128xf32, #tpu.memory_space<vmem_shared>> -> memref<128x128xf32, #tpu.memory_space<vmem_shared>>
      tpu.wait_dma2 semaphore(%run_scoped3A : memref<!tpu.dma_semaphore, #tpu.memory_space<semaphore_mem>>) src(%arg9 : memref<128x128xf32, #tpu.memory_space<vmem>>) dst(%dma_wait3A_180 : memref<128x128xf32, #tpu.memory_space<vmem_shared>>)
      tpu.yield
    }) : () -> ()
    %mul3A_11 = arith.constant 640 : i32
    %mul3A_12 = arith.muli %arg1, %mul3A_11 : i32
    %add3A_13 = arith.constant 128 : i32
    %add3A_14 = arith.addi %mul3A_12, %add3A_13 : i32
    "tpu.region"() ({
      %run_scoped3A = tpu.sem_alloc : memref<!tpu.dma_semaphore, #tpu.memory_space<semaphore_mem>>
      %dma_start3A = arith.constant 0 : i32
      %dma_start3A_175 = tpu.memref_slice %arg10[%add3A_14, %dma_start3A] : memref<10240x128xf32, #tpu.memory_space<vmem_shared>> -> memref<128x128xf32, #tpu.memory_space<vmem_shared>>
      %dma_start3A_176 = arith.constant 0 : i32
      %dma_start3A_177 = tpu.memref_slice %arg10[%add3A_14, %dma_start3A_176] : memref<10240x128xf32, #tpu.memory_space<vmem_shared>> -> memref<128x128xf32, #tpu.memory_space<vmem_shared>>
      tpu.enqueue_dma source(%arg9 : memref<128x128xf32, #tpu.memory_space<vmem>>) target(%dma_start3A_177 : memref<128x128xf32, #tpu.memory_space<vmem_shared>>) target_semaphore(%run_scoped3A : memref<!tpu.dma_semaphore, #tpu.memory_space<semaphore_mem>>)
      %dma_wait3A = arith.constant 0 : i32
      %dma_wait3A_178 = tpu.memref_slice %arg10[%add3A_14, %dma_wait3A] : memref<10240x128xf32, #tpu.memory_space<vmem_shared>> -> memref<128x128xf32, #tpu.memory_space<vmem_shared>>
      %dma_wait3A_179 = arith.constant 0 : i32
      %dma_wait3A_180 = tpu.memref_slice %arg10[%add3A_14, %dma_wait3A_179] : memref<10240x128xf32, #tpu.memory_space<vmem_shared>> -> memref<128x128xf32, #tpu.memory_space<vmem_shared>>
      tpu.wait_dma2 semaphore(%run_scoped3A : memref<!tpu.dma_semaphore, #tpu.memory_space<semaphore_mem>>) src(%arg9 : memref<128x128xf32, #tpu.memory_space<vmem>>) dst(%dma_wait3A_180 : memref<128x128xf32, #tpu.memory_space<vmem_shared>>)
      tpu.yield
    }) : () -> ()
    %mul3A_15 = arith.constant 640 : i32
    %mul3A_16 = arith.muli %arg1, %mul3A_15 : i32
    %add3A_17 = arith.constant 256 : i32
    %add3A_18 = arith.addi %mul3A_16, %add3A_17 : i32
    "tpu.region"() ({
      %run_scoped3A = tpu.sem_alloc : memref<!tpu.dma_semaphore, #tpu.memory_space<semaphore_mem>>
      %dma_start3A = arith.constant 0 : i32
      %dma_start3A_175 = tpu.memref_slice %arg10[%add3A_18, %dma_start3A] : memref<10240x128xf32, #tpu.memory_space<vmem_shared>> -> memref<128x128xf32, #tpu.memory_space<vmem_shared>>
      %dma_start3A_176 = arith.constant 0 : i32
      %dma_start3A_177 = tpu.memref_slice %arg10[%add3A_18, %dma_start3A_176] : memref<10240x128xf32, #tpu.memory_space<vmem_shared>> -> memref<128x128xf32, #tpu.memory_space<vmem_shared>>
      tpu.enqueue_dma source(%arg9 : memref<128x128xf32, #tpu.memory_space<vmem>>) target(%dma_start3A_177 : memref<128x128xf32, #tpu.memory_space<vmem_shared>>) target_semaphore(%run_scoped3A : memref<!tpu.dma_semaphore, #tpu.memory_space<semaphore_mem>>)
      %dma_wait3A = arith.constant 0 : i32
      %dma_wait3A_178 = tpu.memref_slice %arg10[%add3A_18, %dma_wait3A] : memref<10240x128xf32, #tpu.memory_space<vmem_shared>> -> memref<128x128xf32, #tpu.memory_space<vmem_shared>>
      %dma_wait3A_179 = arith.constant 0 : i32
      %dma_wait3A_180 = tpu.memref_slice %arg10[%add3A_18, %dma_wait3A_179] : memref<10240x128xf32, #tpu.memory_space<vmem_shared>> -> memref<128x128xf32, #tpu.memory_space<vmem_shared>>
      tpu.wait_dma2 semaphore(%run_scoped3A : memref<!tpu.dma_semaphore, #tpu.memory_space<semaphore_mem>>) src(%arg9 : memref<128x128xf32, #tpu.memory_space<vmem>>) dst(%dma_wait3A_180 : memref<128x128xf32, #tpu.memory_space<vmem_shared>>)
      tpu.yield
    }) : () -> ()
    %mul3A_19 = arith.constant 640 : i32
    %mul3A_20 = arith.muli %arg1, %mul3A_19 : i32
    %add3A_21 = arith.constant 384 : i32
    %add3A_22 = arith.addi %mul3A_20, %add3A_21 : i32
    "tpu.region"() ({
      %run_scoped3A = tpu.sem_alloc : memref<!tpu.dma_semaphore, #tpu.memory_space<semaphore_mem>>
      %dma_start3A = arith.constant 0 : i32
      %dma_start3A_175 = tpu.memref_slice %arg10[%add3A_22, %dma_start3A] : memref<10240x128xf32, #tpu.memory_space<vmem_shared>> -> memref<128x128xf32, #tpu.memory_space<vmem_shared>>
      %dma_start3A_176 = arith.constant 0 : i32
      %dma_start3A_177 = tpu.memref_slice %arg10[%add3A_22, %dma_start3A_176] : memref<10240x128xf32, #tpu.memory_space<vmem_shared>> -> memref<128x128xf32, #tpu.memory_space<vmem_shared>>
      tpu.enqueue_dma source(%arg9 : memref<128x128xf32, #tpu.memory_space<vmem>>) target(%dma_start3A_177 : memref<128x128xf32, #tpu.memory_space<vmem_shared>>) target_semaphore(%run_scoped3A : memref<!tpu.dma_semaphore, #tpu.memory_space<semaphore_mem>>)
      %dma_wait3A = arith.constant 0 : i32
      %dma_wait3A_178 = tpu.memref_slice %arg10[%add3A_22, %dma_wait3A] : memref<10240x128xf32, #tpu.memory_space<vmem_shared>> -> memref<128x128xf32, #tpu.memory_space<vmem_shared>>
      %dma_wait3A_179 = arith.constant 0 : i32
      %dma_wait3A_180 = tpu.memref_slice %arg10[%add3A_22, %dma_wait3A_179] : memref<10240x128xf32, #tpu.memory_space<vmem_shared>> -> memref<128x128xf32, #tpu.memory_space<vmem_shared>>
      tpu.wait_dma2 semaphore(%run_scoped3A : memref<!tpu.dma_semaphore, #tpu.memory_space<semaphore_mem>>) src(%arg9 : memref<128x128xf32, #tpu.memory_space<vmem>>) dst(%dma_wait3A_180 : memref<128x128xf32, #tpu.memory_space<vmem_shared>>)
      tpu.yield
    }) : () -> ()
    %mul3A_23 = arith.constant 640 : i32
    %mul3A_24 = arith.muli %arg1, %mul3A_23 : i32
    %add3A_25 = arith.constant 512 : i32
    %add3A_26 = arith.addi %mul3A_24, %add3A_25 : i32
    "tpu.region"() ({
      %run_scoped3A = tpu.sem_alloc : memref<!tpu.dma_semaphore, #tpu.memory_space<semaphore_mem>>
      %dma_start3A = arith.constant 0 : i32
      %dma_start3A_175 = tpu.memref_slice %arg10[%add3A_26, %dma_start3A] : memref<10240x128xf32, #tpu.memory_space<vmem_shared>> -> memref<128x128xf32, #tpu.memory_space<vmem_shared>>
      %dma_start3A_176 = arith.constant 0 : i32
      %dma_start3A_177 = tpu.memref_slice %arg10[%add3A_26, %dma_start3A_176] : memref<10240x128xf32, #tpu.memory_space<vmem_shared>> -> memref<128x128xf32, #tpu.memory_space<vmem_shared>>
      tpu.enqueue_dma source(%arg9 : memref<128x128xf32, #tpu.memory_space<vmem>>) target(%dma_start3A_177 : memref<128x128xf32, #tpu.memory_space<vmem_shared>>) target_semaphore(%run_scoped3A : memref<!tpu.dma_semaphore, #tpu.memory_space<semaphore_mem>>)
      %dma_wait3A = arith.constant 0 : i32
      %dma_wait3A_178 = tpu.memref_slice %arg10[%add3A_26, %dma_wait3A] : memref<10240x128xf32, #tpu.memory_space<vmem_shared>> -> memref<128x128xf32, #tpu.memory_space<vmem_shared>>
      %dma_wait3A_179 = arith.constant 0 : i32
      %dma_wait3A_180 = tpu.memref_slice %arg10[%add3A_26, %dma_wait3A_179] : memref<10240x128xf32, #tpu.memory_space<vmem_shared>> -> memref<128x128xf32, #tpu.memory_space<vmem_shared>>
      tpu.wait_dma2 semaphore(%run_scoped3A : memref<!tpu.dma_semaphore, #tpu.memory_space<semaphore_mem>>) src(%arg9 : memref<128x128xf32, #tpu.memory_space<vmem>>) dst(%dma_wait3A_180 : memref<128x128xf32, #tpu.memory_space<vmem_shared>>)
      tpu.yield
    }) : () -> ()
    %barrier3A = arith.constant 0 : index
    tpu.barrier barrier_id(%barrier3A)
    %sub3A = arith.constant 1250 : i32
    %sub3A_27 = arith.subi %sub3A, %arg1 : i32
    %add3A_28 = arith.constant 16 : i32
    %add3A_29 = arith.addi %sub3A_27, %add3A_28 : i32
    %sub3A_30 = arith.constant 1 : i32
    %sub3A_31 = arith.subi %add3A_29, %sub3A_30 : i32
    %jit3A = arith.constant 16 : i32
    %div3A = arith.divsi %sub3A_31, %jit3A : i32
    %sign3A = arith.constant 0 : i32
    %sign3A_32 = arith.cmpi sgt, %sub3A_31, %sign3A : i32
    %sign3A_33 = arith.extui %sign3A_32 : i1 to i32
    %sign3A_34 = arith.constant 0 : i32
    %sign3A_35 = arith.cmpi slt, %sub3A_31, %sign3A_34 : i32
    %sign3A_36 = arith.extui %sign3A_35 : i1 to i32
    %sign3A_37 = arith.subi %sign3A_33, %sign3A_36 : i32
    %sign3A_38 = arith.constant 0 : i32
    %sign3A_39 = arith.cmpi sgt, %jit3A, %sign3A_38 : i32
    %sign3A_40 = arith.extui %sign3A_39 : i1 to i32
    %sign3A_41 = arith.constant 0 : i32
    %sign3A_42 = arith.cmpi slt, %jit3A, %sign3A_41 : i32
    %sign3A_43 = arith.extui %sign3A_42 : i1 to i32
    %sign3A_44 = arith.subi %sign3A_40, %sign3A_43 : i32
    %ne3A = arith.cmpi ne, %sign3A_37, %sign3A_44 : i32
    %rem3A = arith.remsi %sub3A_31, %jit3A : i32
    %ne3A_45 = arith.constant 0 : i32
    %ne3A_46 = arith.cmpi ne, %rem3A, %ne3A_45 : i32
    %and3A = arith.andi %ne3A, %ne3A_46 : i1
    %sub3A_47 = arith.constant 1 : i32
    %sub3A_48 = arith.subi %div3A, %sub3A_47 : i32
    %select_n3A = arith.select %and3A, %sub3A_48, %div3A : i32
    %while3A = arith.constant 0 : i32
    %while3A_49 = arith.constant 0 : i32
    %while3A_50 = arith.subi %select_n3A, %while3A_49 : i32
    %while3A_51 = arith.addi %while3A_49, %while3A_50 : i32
    %while3A_52 = arith.constant 1 : i32
    %while3A_53 = arith.divsi %while3A_50, %while3A_52 : i32
    %while3A_54 = arith.muli %while3A_53, %while3A_52 : i32
    %while3A_55 = arith.addi %while3A_49, %while3A_54 : i32
    %while3A_56 = arith.constant 1 : i32
    scf.for %while3A_175 = %while3A_49 to %while3A_55 step %while3A_56  : i32 {
      %mul3A_176 = arith.constant 16 : i32
      %mul3A_177 = arith.muli %while3A_175, %mul3A_176 : i32
      %add3A_178 = arith.addi %arg1, %mul3A_177 : i32
      %mul3A_179 = arith.constant 128 : i32
      %mul3A_180 = arith.muli %add3A_178, %mul3A_179 : i32
      %run_scoped3A = arith.constant 0 : i32
      "tpu.region"() ({
        %run_scoped3A_286 = tpu.sem_alloc : memref<!tpu.dma_semaphore, #tpu.memory_space<semaphore_mem>>
        %dma_start3A = arith.constant 0 : i32
        %dma_start3A_287 = tpu.memref_slice %arg6[%run_scoped3A, %dma_start3A] : memref<1x128xi32, #tpu.memory_space<vmem>> -> memref<1x128xi32, #tpu.memory_space<vmem>>
        %dma_start3A_288 = tpu.memref_squeeze %dma_start3A_287 : memref<1x128xi32, #tpu.memory_space<vmem>> -> memref<128xi32, #tpu.memory_space<vmem>>
        %dma_start3A_289 = tpu.memref_slice %arg3[%mul3A_180] : memref<160000xi32, #tpu.memory_space<hbm>> -> memref<128xi32, #tpu.memory_space<hbm>>
        %dma_start3A_290 = arith.constant 0 : i32
        %dma_start3A_291 = tpu.memref_slice %arg6[%run_scoped3A, %dma_start3A_290] : memref<1x128xi32, #tpu.memory_space<vmem>> -> memref<1x128xi32, #tpu.memory_space<vmem>>
        %dma_start3A_292 = tpu.memref_squeeze %dma_start3A_291 : memref<1x128xi32, #tpu.memory_space<vmem>> -> memref<128xi32, #tpu.memory_space<vmem>>
        %dma_start3A_293 = tpu.memref_slice %arg3[%mul3A_180] : memref<160000xi32, #tpu.memory_space<hbm>> -> memref<128xi32, #tpu.memory_space<hbm>>
        tpu.enqueue_dma source(%dma_start3A_293 : memref<128xi32, #tpu.memory_space<hbm>>) target(%dma_start3A_292 : memref<128xi32, #tpu.memory_space<vmem>>) target_semaphore(%run_scoped3A_286 : memref<!tpu.dma_semaphore, #tpu.memory_space<semaphore_mem>>)
        %dma_wait3A = arith.constant 0 : i32
        %dma_wait3A_294 = tpu.memref_slice %arg6[%run_scoped3A, %dma_wait3A] : memref<1x128xi32, #tpu.memory_space<vmem>> -> memref<1x128xi32, #tpu.memory_space<vmem>>
        %dma_wait3A_295 = tpu.memref_squeeze %dma_wait3A_294 : memref<1x128xi32, #tpu.memory_space<vmem>> -> memref<128xi32, #tpu.memory_space<vmem>>
        %dma_wait3A_296 = tpu.memref_slice %arg3[%mul3A_180] : memref<160000xi32, #tpu.memory_space<hbm>> -> memref<128xi32, #tpu.memory_space<hbm>>
        %dma_wait3A_297 = arith.constant 0 : i32
        %dma_wait3A_298 = tpu.memref_slice %arg6[%run_scoped3A, %dma_wait3A_297] : memref<1x128xi32, #tpu.memory_space<vmem>> -> memref<1x128xi32, #tpu.memory_space<vmem>>
        %dma_wait3A_299 = tpu.memref_squeeze %dma_wait3A_298 : memref<1x128xi32, #tpu.memory_space<vmem>> -> memref<128xi32, #tpu.memory_space<vmem>>
        %dma_wait3A_300 = tpu.memref_slice %arg3[%mul3A_180] : memref<160000xi32, #tpu.memory_space<hbm>> -> memref<128xi32, #tpu.memory_space<hbm>>
        tpu.wait_dma2 semaphore(%run_scoped3A_286 : memref<!tpu.dma_semaphore, #tpu.memory_space<semaphore_mem>>) src(%dma_wait3A_300 : memref<128xi32, #tpu.memory_space<hbm>>) dst(%dma_wait3A_299 : memref<128xi32, #tpu.memory_space<vmem>>)
        tpu.yield
      }) : () -> ()
      %run_scoped3A_181 = arith.constant 0 : i32
      "tpu.region"() ({
        %run_scoped3A_286 = tpu.sem_alloc : memref<!tpu.dma_semaphore, #tpu.memory_space<semaphore_mem>>
        %dma_start3A = arith.constant 0 : i32
        %dma_start3A_287 = tpu.memref_slice %arg7[%run_scoped3A_181, %dma_start3A] : memref<1x128xi32, #tpu.memory_space<vmem>> -> memref<1x128xi32, #tpu.memory_space<vmem>>
        %dma_start3A_288 = tpu.memref_squeeze %dma_start3A_287 : memref<1x128xi32, #tpu.memory_space<vmem>> -> memref<128xi32, #tpu.memory_space<vmem>>
        %dma_start3A_289 = tpu.memref_slice %arg4[%mul3A_180] : memref<160000xi32, #tpu.memory_space<hbm>> -> memref<128xi32, #tpu.memory_space<hbm>>
        %dma_start3A_290 = arith.constant 0 : i32
        %dma_start3A_291 = tpu.memref_slice %arg7[%run_scoped3A_181, %dma_start3A_290] : memref<1x128xi32, #tpu.memory_space<vmem>> -> memref<1x128xi32, #tpu.memory_space<vmem>>
        %dma_start3A_292 = tpu.memref_squeeze %dma_start3A_291 : memref<1x128xi32, #tpu.memory_space<vmem>> -> memref<128xi32, #tpu.memory_space<vmem>>
        %dma_start3A_293 = tpu.memref_slice %arg4[%mul3A_180] : memref<160000xi32, #tpu.memory_space<hbm>> -> memref<128xi32, #tpu.memory_space<hbm>>
        tpu.enqueue_dma source(%dma_start3A_293 : memref<128xi32, #tpu.memory_space<hbm>>) target(%dma_start3A_292 : memref<128xi32, #tpu.memory_space<vmem>>) target_semaphore(%run_scoped3A_286 : memref<!tpu.dma_semaphore, #tpu.memory_space<semaphore_mem>>)
        %dma_wait3A = arith.constant 0 : i32
        %dma_wait3A_294 = tpu.memref_slice %arg7[%run_scoped3A_181, %dma_wait3A] : memref<1x128xi32, #tpu.memory_space<vmem>> -> memref<1x128xi32, #tpu.memory_space<vmem>>
        %dma_wait3A_295 = tpu.memref_squeeze %dma_wait3A_294 : memref<1x128xi32, #tpu.memory_space<vmem>> -> memref<128xi32, #tpu.memory_space<vmem>>
        %dma_wait3A_296 = tpu.memref_slice %arg4[%mul3A_180] : memref<160000xi32, #tpu.memory_space<hbm>> -> memref<128xi32, #tpu.memory_space<hbm>>
        %dma_wait3A_297 = arith.constant 0 : i32
        %dma_wait3A_298 = tpu.memref_slice %arg7[%run_scoped3A_181, %dma_wait3A_297] : memref<1x128xi32, #tpu.memory_space<vmem>> -> memref<1x128xi32, #tpu.memory_space<vmem>>
        %dma_wait3A_299 = tpu.memref_squeeze %dma_wait3A_298 : memref<1x128xi32, #tpu.memory_space<vmem>> -> memref<128xi32, #tpu.memory_space<vmem>>
        %dma_wait3A_300 = tpu.memref_slice %arg4[%mul3A_180] : memref<160000xi32, #tpu.memory_space<hbm>> -> memref<128xi32, #tpu.memory_space<hbm>>
        tpu.wait_dma2 semaphore(%run_scoped3A_286 : memref<!tpu.dma_semaphore, #tpu.memory_space<semaphore_mem>>) src(%dma_wait3A_300 : memref<128xi32, #tpu.memory_space<hbm>>) dst(%dma_wait3A_299 : memref<128xi32, #tpu.memory_space<vmem>>)
        tpu.yield
      }) : () -> ()
      %get3A = arith.constant 0 : i32
      %get3A_182 = arith.index_cast %get3A : i32 to index
      %get3A_183 = arith.constant 0 : index
      %get3A_184 = tpu.vector_load %arg6[%get3A_182, %get3A_183] {strides = array<i32>} : memref<1x128xi32, #tpu.memory_space<vmem>>, vector<1x16xi32>,
      %get3A_185 = vector.shape_cast %get3A_184 : vector<1x16xi32> to vector<16xi32>
      %add3A_186 = vector.broadcast %mul3A_6 : i32 to vector<16xi32>
      %add3A_187 = arith.addi %get3A_185, %add3A_186 : vector<16xi32>
      %swap3A = arith.constant 0 : i32
      %swap3A_188 = arith.index_cast %swap3A : i32 to index
      %swap3A_189 = arith.constant 0 : index
      %swap3A_190 = tpu.vector_load %arg6[%swap3A_188, %swap3A_189] {strides = array<i32>} : memref<1x128xi32, #tpu.memory_space<vmem>>, vector<1x16xi32>,
      %swap3A_191 = vector.shape_cast %swap3A_190 : vector<1x16xi32> to vector<16xi32>
      %swap3A_192 = vector.shape_cast %add3A_187 : vector<16xi32> to vector<1x16xi32>
      tpu.vector_store %arg6[%swap3A_188, %swap3A_189], %swap3A_192 {strides = array<i32>} : memref<1x128xi32, #tpu.memory_space<vmem>>, vector<1x16xi32>,
      %get3A_193 = arith.constant 0 : i32
      %get3A_194 = arith.index_cast %get3A_193 : i32 to index
      %get3A_195 = arith.constant 16 : index
      %get3A_196 = tpu.vector_load %arg6[%get3A_194, %get3A_195] {strides = array<i32>} : memref<1x128xi32, #tpu.memory_space<vmem>>, vector<1x16xi32>,
      %get3A_197 = vector.shape_cast %get3A_196 : vector<1x16xi32> to vector<16xi32>
      %add3A_198 = vector.broadcast %mul3A_6 : i32 to vector<16xi32>
      %add3A_199 = arith.addi %get3A_197, %add3A_198 : vector<16xi32>
      %swap3A_200 = arith.constant 0 : i32
      %swap3A_201 = arith.index_cast %swap3A_200 : i32 to index
      %swap3A_202 = arith.constant 16 : index
      %swap3A_203 = tpu.vector_load %arg6[%swap3A_201, %swap3A_202] {strides = array<i32>} : memref<1x128xi32, #tpu.memory_space<vmem>>, vector<1x16xi32>,
      %swap3A_204 = vector.shape_cast %swap3A_203 : vector<1x16xi32> to vector<16xi32>
      %swap3A_205 = vector.shape_cast %add3A_199 : vector<16xi32> to vector<1x16xi32>
      tpu.vector_store %arg6[%swap3A_201, %swap3A_202], %swap3A_205 {strides = array<i32>} : memref<1x128xi32, #tpu.memory_space<vmem>>, vector<1x16xi32>,
      %get3A_206 = arith.constant 0 : i32
      %get3A_207 = arith.index_cast %get3A_206 : i32 to index
      %get3A_208 = arith.constant 32 : index
      %get3A_209 = tpu.vector_load %arg6[%get3A_207, %get3A_208] {strides = array<i32>} : memref<1x128xi32, #tpu.memory_space<vmem>>, vector<1x16xi32>,
      %get3A_210 = vector.shape_cast %get3A_209 : vector<1x16xi32> to vector<16xi32>
      %add3A_211 = vector.broadcast %mul3A_6 : i32 to vector<16xi32>
      %add3A_212 = arith.addi %get3A_210, %add3A_211 : vector<16xi32>
      %swap3A_213 = arith.constant 0 : i32
      %swap3A_214 = arith.index_cast %swap3A_213 : i32 to index
      %swap3A_215 = arith.constant 32 : index
      %swap3A_216 = tpu.vector_load %arg6[%swap3A_214, %swap3A_215] {strides = array<i32>} : memref<1x128xi32, #tpu.memory_space<vmem>>, vector<1x16xi32>,
      %swap3A_217 = vector.shape_cast %swap3A_216 : vector<1x16xi32> to vector<16xi32>
      %swap3A_218 = vector.shape_cast %add3A_212 : vector<16xi32> to vector<1x16xi32>
      tpu.vector_store %arg6[%swap3A_214, %swap3A_215], %swap3A_218 {strides = array<i32>} : memref<1x128xi32, #tpu.memory_space<vmem>>, vector<1x16xi32>,
      %get3A_219 = arith.constant 0 : i32
      %get3A_220 = arith.index_cast %get3A_219 : i32 to index
      %get3A_221 = arith.constant 48 : index
      %get3A_222 = tpu.vector_load %arg6[%get3A_220, %get3A_221] {strides = array<i32>} : memref<1x128xi32, #tpu.memory_space<vmem>>, vector<1x16xi32>,
      %get3A_223 = vector.shape_cast %get3A_222 : vector<1x16xi32> to vector<16xi32>
      %add3A_224 = vector.broadcast %mul3A_6 : i32 to vector<16xi32>
      %add3A_225 = arith.addi %get3A_223, %add3A_224 : vector<16xi32>
      %swap3A_226 = arith.constant 0 : i32
      %swap3A_227 = arith.index_cast %swap3A_226 : i32 to index
      %swap3A_228 = arith.constant 48 : index
      %swap3A_229 = tpu.vector_load %arg6[%swap3A_227, %swap3A_228] {strides = array<i32>} : memref<1x128xi32, #tpu.memory_space<vmem>>, vector<1x16xi32>,
      %swap3A_230 = vector.shape_cast %swap3A_229 : vector<1x16xi32> to vector<16xi32>
      %swap3A_231 = vector.shape_cast %add3A_225 : vector<16xi32> to vector<1x16xi32>
      tpu.vector_store %arg6[%swap3A_227, %swap3A_228], %swap3A_231 {strides = array<i32>} : memref<1x128xi32, #tpu.memory_space<vmem>>, vector<1x16xi32>,
      %get3A_232 = arith.constant 0 : i32
      %get3A_233 = arith.index_cast %get3A_232 : i32 to index
      %get3A_234 = arith.constant 64 : index
      %get3A_235 = tpu.vector_load %arg6[%get3A_233, %get3A_234] {strides = array<i32>} : memref<1x128xi32, #tpu.memory_space<vmem>>, vector<1x16xi32>,
      %get3A_236 = vector.shape_cast %get3A_235 : vector<1x16xi32> to vector<16xi32>
      %add3A_237 = vector.broadcast %mul3A_6 : i32 to vector<16xi32>
      %add3A_238 = arith.addi %get3A_236, %add3A_237 : vector<16xi32>
      %swap3A_239 = arith.constant 0 : i32
      %swap3A_240 = arith.index_cast %swap3A_239 : i32 to index
      %swap3A_241 = arith.constant 64 : index
      %swap3A_242 = tpu.vector_load %arg6[%swap3A_240, %swap3A_241] {strides = array<i32>} : memref<1x128xi32, #tpu.memory_space<vmem>>, vector<1x16xi32>,
      %swap3A_243 = vector.shape_cast %swap3A_242 : vector<1x16xi32> to vector<16xi32>
      %swap3A_244 = vector.shape_cast %add3A_238 : vector<16xi32> to vector<1x16xi32>
      tpu.vector_store %arg6[%swap3A_240, %swap3A_241], %swap3A_244 {strides = array<i32>} : memref<1x128xi32, #tpu.memory_space<vmem>>, vector<1x16xi32>,
      %get3A_245 = arith.constant 0 : i32
      %get3A_246 = arith.index_cast %get3A_245 : i32 to index
      %get3A_247 = arith.constant 80 : index
      %get3A_248 = tpu.vector_load %arg6[%get3A_246, %get3A_247] {strides = array<i32>} : memref<1x128xi32, #tpu.memory_space<vmem>>, vector<1x16xi32>,
      %get3A_249 = vector.shape_cast %get3A_248 : vector<1x16xi32> to vector<16xi32>
      %add3A_250 = vector.broadcast %mul3A_6 : i32 to vector<16xi32>
      %add3A_251 = arith.addi %get3A_249, %add3A_250 : vector<16xi32>
      %swap3A_252 = arith.constant 0 : i32
      %swap3A_253 = arith.index_cast %swap3A_252 : i32 to index
      %swap3A_254 = arith.constant 80 : index
      %swap3A_255 = tpu.vector_load %arg6[%swap3A_253, %swap3A_254] {strides = array<i32>} : memref<1x128xi32, #tpu.memory_space<vmem>>, vector<1x16xi32>,
      %swap3A_256 = vector.shape_cast %swap3A_255 : vector<1x16xi32> to vector<16xi32>
      %swap3A_257 = vector.shape_cast %add3A_251 : vector<16xi32> to vector<1x16xi32>
      tpu.vector_store %arg6[%swap3A_253, %swap3A_254], %swap3A_257 {strides = array<i32>} : memref<1x128xi32, #tpu.memory_space<vmem>>, vector<1x16xi32>,
      %get3A_258 = arith.constant 0 : i32
      %get3A_259 = arith.index_cast %get3A_258 : i32 to index
      %get3A_260 = arith.constant 96 : index
      %get3A_261 = tpu.vector_load %arg6[%get3A_259, %get3A_260] {strides = array<i32>} : memref<1x128xi32, #tpu.memory_space<vmem>>, vector<1x16xi32>,
      %get3A_262 = vector.shape_cast %get3A_261 : vector<1x16xi32> to vector<16xi32>
      %add3A_263 = vector.broadcast %mul3A_6 : i32 to vector<16xi32>
      %add3A_264 = arith.addi %get3A_262, %add3A_263 : vector<16xi32>
      %swap3A_265 = arith.constant 0 : i32
      %swap3A_266 = arith.index_cast %swap3A_265 : i32 to index
      %swap3A_267 = arith.constant 96 : index
      %swap3A_268 = tpu.vector_load %arg6[%swap3A_266, %swap3A_267] {strides = array<i32>} : memref<1x128xi32, #tpu.memory_space<vmem>>, vector<1x16xi32>,
      %swap3A_269 = vector.shape_cast %swap3A_268 : vector<1x16xi32> to vector<16xi32>
      %swap3A_270 = vector.shape_cast %add3A_264 : vector<16xi32> to vector<1x16xi32>
      tpu.vector_store %arg6[%swap3A_266, %swap3A_267], %swap3A_270 {strides = array<i32>} : memref<1x128xi32, #tpu.memory_space<vmem>>, vector<1x16xi32>,
      %get3A_271 = arith.constant 0 : i32
      %get3A_272 = arith.index_cast %get3A_271 : i32 to index
      %get3A_273 = arith.constant 112 : index
      %get3A_274 = tpu.vector_load %arg6[%get3A_272, %get3A_273] {strides = array<i32>} : memref<1x128xi32, #tpu.memory_space<vmem>>, vector<1x16xi32>,
      %get3A_275 = vector.shape_cast %get3A_274 : vector<1x16xi32> to vector<16xi32>
      %add3A_276 = vector.broadcast %mul3A_6 : i32 to vector<16xi32>
      %add3A_277 = arith.addi %get3A_275, %add3A_276 : vector<16xi32>
      %swap3A_278 = arith.constant 0 : i32
      %swap3A_279 = arith.index_cast %swap3A_278 : i32 to index
      %swap3A_280 = arith.constant 112 : index
      %swap3A_281 = tpu.vector_load %arg6[%swap3A_279, %swap3A_280] {strides = array<i32>} : memref<1x128xi32, #tpu.memory_space<vmem>>, vector<1x16xi32>,
      %swap3A_282 = vector.shape_cast %swap3A_281 : vector<1x16xi32> to vector<16xi32>
      %swap3A_283 = vector.shape_cast %add3A_277 : vector<16xi32> to vector<1x16xi32>
      tpu.vector_store %arg6[%swap3A_279, %swap3A_280], %swap3A_283 {strides = array<i32>} : memref<1x128xi32, #tpu.memory_space<vmem>>, vector<1x16xi32>,
      %run_scoped3A_284 = arith.constant 0 : i32
      "tpu.region"() ({
        %run_scoped3A_286 = tpu.sem_alloc : memref<!tpu.dma_semaphore, #tpu.memory_space<semaphore_mem>>
        %dma_start3A = arith.constant 0 : i32
        %dma_start3A_287 = tpu.memref_slice %arg6[%run_scoped3A_284, %dma_start3A] : memref<1x128xi32, #tpu.memory_space<vmem>> -> memref<1x128xi32, #tpu.memory_space<vmem>>
        %dma_start3A_288 = tpu.memref_squeeze %dma_start3A_287 : memref<1x128xi32, #tpu.memory_space<vmem>> -> memref<128xi32, #tpu.memory_space<vmem>>
        %dma_start3A_289 = arith.constant 0 : i32
        %dma_start3A_290 = arith.constant 0 : i32
        %dma_start3A_291 = tpu.memref_slice %arg2[%dma_start3A_289, %dma_start3A_290] : memref<40960x128xf32, #tpu.memory_space<hbm>> -> memref<40960x128xf32, #tpu.memory_space<hbm>>
        tpu.enqueue_indirect_dma source(%dma_start3A_291 : memref<40960x128xf32, #tpu.memory_space<hbm>>) target(%arg8 : memref<128x128xf32, #tpu.memory_space<vmem>>) offsets(%dma_start3A_288 : memref<128xi32, #tpu.memory_space<vmem>>) semaphore(%run_scoped3A_286 : memref<!tpu.dma_semaphore, #tpu.memory_space<semaphore_mem>>)
        %dma_wait3A = arith.constant 0 : i32
        %dma_wait3A_292 = tpu.memref_slice %arg6[%run_scoped3A_284, %dma_wait3A] : memref<1x128xi32, #tpu.memory_space<vmem>> -> memref<1x128xi32, #tpu.memory_space<vmem>>
        %dma_wait3A_293 = tpu.memref_squeeze %dma_wait3A_292 : memref<1x128xi32, #tpu.memory_space<vmem>> -> memref<128xi32, #tpu.memory_space<vmem>>
        %dma_wait3A_294 = arith.constant 0 : i32
        %dma_wait3A_295 = arith.constant 0 : i32
        %dma_wait3A_296 = tpu.memref_slice %arg2[%dma_wait3A_294, %dma_wait3A_295] : memref<40960x128xf32, #tpu.memory_space<hbm>> -> memref<40960x128xf32, #tpu.memory_space<hbm>>
        tpu.wait_indirect_dma semaphore(%run_scoped3A_286 : memref<!tpu.dma_semaphore, #tpu.memory_space<semaphore_mem>>) src(%dma_wait3A_296 : memref<40960x128xf32, #tpu.memory_space<hbm>>) dst(%arg8 : memref<128x128xf32, #tpu.memory_space<vmem>>)
        tpu.yield
      }) : () -> ()
      %run_scoped3A_285 = arith.constant 0 : i32
      "tpu.region"() ({
        %run_scoped3A_286 = tpu.sem_alloc : memref<!tpu.dma_semaphore, #tpu.memory_space<semaphore_mem>>
        %dma_start3A = arith.constant 0 : i32
        %dma_start3A_287 = tpu.memref_slice %arg7[%run_scoped3A_285, %dma_start3A] : memref<1x128xi32, #tpu.memory_space<vmem>> -> memref<1x128xi32, #tpu.memory_space<vmem>>
        %dma_start3A_288 = tpu.memref_squeeze %dma_start3A_287 : memref<1x128xi32, #tpu.memory_space<vmem>> -> memref<128xi32, #tpu.memory_space<vmem>>
        %dma_start3A_289 = arith.constant 0 : i32
        %dma_start3A_290 = arith.constant 0 : i32
        %dma_start3A_291 = tpu.memref_slice %arg10[%dma_start3A_289, %dma_start3A_290] : memref<10240x128xf32, #tpu.memory_space<vmem_shared>> -> memref<10240x128xf32, #tpu.memory_space<vmem_shared>>
        tpu.enqueue_indirect_dma source(%arg8 : memref<128x128xf32, #tpu.memory_space<vmem>>) target(%dma_start3A_291 : memref<10240x128xf32, #tpu.memory_space<vmem_shared>>) offsets(%dma_start3A_288 : memref<128xi32, #tpu.memory_space<vmem>>) semaphore(%run_scoped3A_286 : memref<!tpu.dma_semaphore, #tpu.memory_space<semaphore_mem>>) {add = true}
        %dma_wait3A = arith.constant 0 : i32
        %dma_wait3A_292 = tpu.memref_slice %arg7[%run_scoped3A_285, %dma_wait3A] : memref<1x128xi32, #tpu.memory_space<vmem>> -> memref<1x128xi32, #tpu.memory_space<vmem>>
        %dma_wait3A_293 = tpu.memref_squeeze %dma_wait3A_292 : memref<1x128xi32, #tpu.memory_space<vmem>> -> memref<128xi32, #tpu.memory_space<vmem>>
        %dma_wait3A_294 = arith.constant 0 : i32
        %dma_wait3A_295 = arith.constant 0 : i32
        %dma_wait3A_296 = tpu.memref_slice %arg10[%dma_wait3A_294, %dma_wait3A_295] : memref<10240x128xf32, #tpu.memory_space<vmem_shared>> -> memref<10240x128xf32, #tpu.memory_space<vmem_shared>>
        tpu.wait_indirect_dma semaphore(%run_scoped3A_286 : memref<!tpu.dma_semaphore, #tpu.memory_space<semaphore_mem>>) src(%arg8 : memref<128x128xf32, #tpu.memory_space<vmem>>) dst(%dma_wait3A_296 : memref<10240x128xf32, #tpu.memory_space<vmem_shared>>)
        tpu.yield
      }) : () -> ()
    }
    %while3A_57 = arith.constant 1 : i32
    scf.for %while3A_175 = %while3A_55 to %while3A_51 step %while3A_57  : i32 {
      %mul3A_176 = arith.constant 16 : i32
      %mul3A_177 = arith.muli %while3A_175, %mul3A_176 : i32
      %add3A_178 = arith.addi %arg1, %mul3A_177 : i32
      %mul3A_179 = arith.constant 128 : i32
      %mul3A_180 = arith.muli %add3A_178, %mul3A_179 : i32
      %run_scoped3A = arith.constant 0 : i32
      "tpu.region"() ({
        %run_scoped3A_286 = tpu.sem_alloc : memref<!tpu.dma_semaphore, #tpu.memory_space<semaphore_mem>>
        %dma_start3A = arith.constant 0 : i32
        %dma_start3A_287 = tpu.memref_slice %arg6[%run_scoped3A, %dma_start3A] : memref<1x128xi32, #tpu.memory_space<vmem>> -> memref<1x128xi32, #tpu.memory_space<vmem>>
        %dma_start3A_288 = tpu.memref_squeeze %dma_start3A_287 : memref<1x128xi32, #tpu.memory_space<vmem>> -> memref<128xi32, #tpu.memory_space<vmem>>
        %dma_start3A_289 = tpu.memref_slice %arg3[%mul3A_180] : memref<160000xi32, #tpu.memory_space<hbm>> -> memref<128xi32, #tpu.memory_space<hbm>>
        %dma_start3A_290 = arith.constant 0 : i32
        %dma_start3A_291 = tpu.memref_slice %arg6[%run_scoped3A, %dma_start3A_290] : memref<1x128xi32, #tpu.memory_space<vmem>> -> memref<1x128xi32, #tpu.memory_space<vmem>>
        %dma_start3A_292 = tpu.memref_squeeze %dma_start3A_291 : memref<1x128xi32, #tpu.memory_space<vmem>> -> memref<128xi32, #tpu.memory_space<vmem>>
        %dma_start3A_293 = tpu.memref_slice %arg3[%mul3A_180] : memref<160000xi32, #tpu.memory_space<hbm>> -> memref<128xi32, #tpu.memory_space<hbm>>
        tpu.enqueue_dma source(%dma_start3A_293 : memref<128xi32, #tpu.memory_space<hbm>>) target(%dma_start3A_292 : memref<128xi32, #tpu.memory_space<vmem>>) target_semaphore(%run_scoped3A_286 : memref<!tpu.dma_semaphore, #tpu.memory_space<semaphore_mem>>)
        %dma_wait3A = arith.constant 0 : i32
        %dma_wait3A_294 = tpu.memref_slice %arg6[%run_scoped3A, %dma_wait3A] : memref<1x128xi32, #tpu.memory_space<vmem>> -> memref<1x128xi32, #tpu.memory_space<vmem>>
        %dma_wait3A_295 = tpu.memref_squeeze %dma_wait3A_294 : memref<1x128xi32, #tpu.memory_space<vmem>> -> memref<128xi32, #tpu.memory_space<vmem>>
        %dma_wait3A_296 = tpu.memref_slice %arg3[%mul3A_180] : memref<160000xi32, #tpu.memory_space<hbm>> -> memref<128xi32, #tpu.memory_space<hbm>>
        %dma_wait3A_297 = arith.constant 0 : i32
        %dma_wait3A_298 = tpu.memref_slice %arg6[%run_scoped3A, %dma_wait3A_297] : memref<1x128xi32, #tpu.memory_space<vmem>> -> memref<1x128xi32, #tpu.memory_space<vmem>>
        %dma_wait3A_299 = tpu.memref_squeeze %dma_wait3A_298 : memref<1x128xi32, #tpu.memory_space<vmem>> -> memref<128xi32, #tpu.memory_space<vmem>>
        %dma_wait3A_300 = tpu.memref_slice %arg3[%mul3A_180] : memref<160000xi32, #tpu.memory_space<hbm>> -> memref<128xi32, #tpu.memory_space<hbm>>
        tpu.wait_dma2 semaphore(%run_scoped3A_286 : memref<!tpu.dma_semaphore, #tpu.memory_space<semaphore_mem>>) src(%dma_wait3A_300 : memref<128xi32, #tpu.memory_space<hbm>>) dst(%dma_wait3A_299 : memref<128xi32, #tpu.memory_space<vmem>>)
        tpu.yield
      }) : () -> ()
      %run_scoped3A_181 = arith.constant 0 : i32
      "tpu.region"() ({
        %run_scoped3A_286 = tpu.sem_alloc : memref<!tpu.dma_semaphore, #tpu.memory_space<semaphore_mem>>
        %dma_start3A = arith.constant 0 : i32
        %dma_start3A_287 = tpu.memref_slice %arg7[%run_scoped3A_181, %dma_start3A] : memref<1x128xi32, #tpu.memory_space<vmem>> -> memref<1x128xi32, #tpu.memory_space<vmem>>
        %dma_start3A_288 = tpu.memref_squeeze %dma_start3A_287 : memref<1x128xi32, #tpu.memory_space<vmem>> -> memref<128xi32, #tpu.memory_space<vmem>>
        %dma_start3A_289 = tpu.memref_slice %arg4[%mul3A_180] : memref<160000xi32, #tpu.memory_space<hbm>> -> memref<128xi32, #tpu.memory_space<hbm>>
        %dma_start3A_290 = arith.constant 0 : i32
        %dma_start3A_291 = tpu.memref_slice %arg7[%run_scoped3A_181, %dma_start3A_290] : memref<1x128xi32, #tpu.memory_space<vmem>> -> memref<1x128xi32, #tpu.memory_space<vmem>>
        %dma_start3A_292 = tpu.memref_squeeze %dma_start3A_291 : memref<1x128xi32, #tpu.memory_space<vmem>> -> memref<128xi32, #tpu.memory_space<vmem>>
        %dma_start3A_293 = tpu.memref_slice %arg4[%mul3A_180] : memref<160000xi32, #tpu.memory_space<hbm>> -> memref<128xi32, #tpu.memory_space<hbm>>
        tpu.enqueue_dma source(%dma_start3A_293 : memref<128xi32, #tpu.memory_space<hbm>>) target(%dma_start3A_292 : memref<128xi32, #tpu.memory_space<vmem>>) target_semaphore(%run_scoped3A_286 : memref<!tpu.dma_semaphore, #tpu.memory_space<semaphore_mem>>)
        %dma_wait3A = arith.constant 0 : i32
        %dma_wait3A_294 = tpu.memref_slice %arg7[%run_scoped3A_181, %dma_wait3A] : memref<1x128xi32, #tpu.memory_space<vmem>> -> memref<1x128xi32, #tpu.memory_space<vmem>>
        %dma_wait3A_295 = tpu.memref_squeeze %dma_wait3A_294 : memref<1x128xi32, #tpu.memory_space<vmem>> -> memref<128xi32, #tpu.memory_space<vmem>>
        %dma_wait3A_296 = tpu.memref_slice %arg4[%mul3A_180] : memref<160000xi32, #tpu.memory_space<hbm>> -> memref<128xi32, #tpu.memory_space<hbm>>
        %dma_wait3A_297 = arith.constant 0 : i32
        %dma_wait3A_298 = tpu.memref_slice %arg7[%run_scoped3A_181, %dma_wait3A_297] : memref<1x128xi32, #tpu.memory_space<vmem>> -> memref<1x128xi32, #tpu.memory_space<vmem>>
        %dma_wait3A_299 = tpu.memref_squeeze %dma_wait3A_298 : memref<1x128xi32, #tpu.memory_space<vmem>> -> memref<128xi32, #tpu.memory_space<vmem>>
        %dma_wait3A_300 = tpu.memref_slice %arg4[%mul3A_180] : memref<160000xi32, #tpu.memory_space<hbm>> -> memref<128xi32, #tpu.memory_space<hbm>>
        tpu.wait_dma2 semaphore(%run_scoped3A_286 : memref<!tpu.dma_semaphore, #tpu.memory_space<semaphore_mem>>) src(%dma_wait3A_300 : memref<128xi32, #tpu.memory_space<hbm>>) dst(%dma_wait3A_299 : memref<128xi32, #tpu.memory_space<vmem>>)
        tpu.yield
      }) : () -> ()
      %get3A = arith.constant 0 : i32
      %get3A_182 = arith.index_cast %get3A : i32 to index
      %get3A_183 = arith.constant 0 : index
      %get3A_184 = tpu.vector_load %arg6[%get3A_182, %get3A_183] {strides = array<i32>} : memref<1x128xi32, #tpu.memory_space<vmem>>, vector<1x16xi32>,
      %get3A_185 = vector.shape_cast %get3A_184 : vector<1x16xi32> to vector<16xi32>
      %add3A_186 = vector.broadcast %mul3A_6 : i32 to vector<16xi32>
      %add3A_187 = arith.addi %get3A_185, %add3A_186 : vector<16xi32>
      %swap3A = arith.constant 0 : i32
      %swap3A_188 = arith.index_cast %swap3A : i32 to index
      %swap3A_189 = arith.constant 0 : index
      %swap3A_190 = tpu.vector_load %arg6[%swap3A_188, %swap3A_189] {strides = array<i32>} : memref<1x128xi32, #tpu.memory_space<vmem>>, vector<1x16xi32>,
      %swap3A_191 = vector.shape_cast %swap3A_190 : vector<1x16xi32> to vector<16xi32>
      %swap3A_192 = vector.shape_cast %add3A_187 : vector<16xi32> to vector<1x16xi32>
      tpu.vector_store %arg6[%swap3A_188, %swap3A_189], %swap3A_192 {strides = array<i32>} : memref<1x128xi32, #tpu.memory_space<vmem>>, vector<1x16xi32>,
      %get3A_193 = arith.constant 0 : i32
      %get3A_194 = arith.index_cast %get3A_193 : i32 to index
      %get3A_195 = arith.constant 16 : index
      %get3A_196 = tpu.vector_load %arg6[%get3A_194, %get3A_195] {strides = array<i32>} : memref<1x128xi32, #tpu.memory_space<vmem>>, vector<1x16xi32>,
      %get3A_197 = vector.shape_cast %get3A_196 : vector<1x16xi32> to vector<16xi32>
      %add3A_198 = vector.broadcast %mul3A_6 : i32 to vector<16xi32>
      %add3A_199 = arith.addi %get3A_197, %add3A_198 : vector<16xi32>
      %swap3A_200 = arith.constant 0 : i32
      %swap3A_201 = arith.index_cast %swap3A_200 : i32 to index
      %swap3A_202 = arith.constant 16 : index
      %swap3A_203 = tpu.vector_load %arg6[%swap3A_201, %swap3A_202] {strides = array<i32>} : memref<1x128xi32, #tpu.memory_space<vmem>>, vector<1x16xi32>,
      %swap3A_204 = vector.shape_cast %swap3A_203 : vector<1x16xi32> to vector<16xi32>
      %swap3A_205 = vector.shape_cast %add3A_199 : vector<16xi32> to vector<1x16xi32>
      tpu.vector_store %arg6[%swap3A_201, %swap3A_202], %swap3A_205 {strides = array<i32>} : memref<1x128xi32, #tpu.memory_space<vmem>>, vector<1x16xi32>,
      %get3A_206 = arith.constant 0 : i32
      %get3A_207 = arith.index_cast %get3A_206 : i32 to index
      %get3A_208 = arith.constant 32 : index
      %get3A_209 = tpu.vector_load %arg6[%get3A_207, %get3A_208] {strides = array<i32>} : memref<1x128xi32, #tpu.memory_space<vmem>>, vector<1x16xi32>,
      %get3A_210 = vector.shape_cast %get3A_209 : vector<1x16xi32> to vector<16xi32>
      %add3A_211 = vector.broadcast %mul3A_6 : i32 to vector<16xi32>
      %add3A_212 = arith.addi %get3A_210, %add3A_211 : vector<16xi32>
      %swap3A_213 = arith.constant 0 : i32
      %swap3A_214 = arith.index_cast %swap3A_213 : i32 to index
      %swap3A_215 = arith.constant 32 : index
      %swap3A_216 = tpu.vector_load %arg6[%swap3A_214, %swap3A_215] {strides = array<i32>} : memref<1x128xi32, #tpu.memory_space<vmem>>, vector<1x16xi32>,
      %swap3A_217 = vector.shape_cast %swap3A_216 : vector<1x16xi32> to vector<16xi32>
      %swap3A_218 = vector.shape_cast %add3A_212 : vector<16xi32> to vector<1x16xi32>
      tpu.vector_store %arg6[%swap3A_214, %swap3A_215], %swap3A_218 {strides = array<i32>} : memref<1x128xi32, #tpu.memory_space<vmem>>, vector<1x16xi32>,
      %get3A_219 = arith.constant 0 : i32
      %get3A_220 = arith.index_cast %get3A_219 : i32 to index
      %get3A_221 = arith.constant 48 : index
      %get3A_222 = tpu.vector_load %arg6[%get3A_220, %get3A_221] {strides = array<i32>} : memref<1x128xi32, #tpu.memory_space<vmem>>, vector<1x16xi32>,
      %get3A_223 = vector.shape_cast %get3A_222 : vector<1x16xi32> to vector<16xi32>
      %add3A_224 = vector.broadcast %mul3A_6 : i32 to vector<16xi32>
      %add3A_225 = arith.addi %get3A_223, %add3A_224 : vector<16xi32>
      %swap3A_226 = arith.constant 0 : i32
      %swap3A_227 = arith.index_cast %swap3A_226 : i32 to index
      %swap3A_228 = arith.constant 48 : index
      %swap3A_229 = tpu.vector_load %arg6[%swap3A_227, %swap3A_228] {strides = array<i32>} : memref<1x128xi32, #tpu.memory_space<vmem>>, vector<1x16xi32>,
      %swap3A_230 = vector.shape_cast %swap3A_229 : vector<1x16xi32> to vector<16xi32>
      %swap3A_231 = vector.shape_cast %add3A_225 : vector<16xi32> to vector<1x16xi32>
      tpu.vector_store %arg6[%swap3A_227, %swap3A_228], %swap3A_231 {strides = array<i32>} : memref<1x128xi32, #tpu.memory_space<vmem>>, vector<1x16xi32>,
      %get3A_232 = arith.constant 0 : i32
      %get3A_233 = arith.index_cast %get3A_232 : i32 to index
      %get3A_234 = arith.constant 64 : index
      %get3A_235 = tpu.vector_load %arg6[%get3A_233, %get3A_234] {strides = array<i32>} : memref<1x128xi32, #tpu.memory_space<vmem>>, vector<1x16xi32>,
      %get3A_236 = vector.shape_cast %get3A_235 : vector<1x16xi32> to vector<16xi32>
      %add3A_237 = vector.broadcast %mul3A_6 : i32 to vector<16xi32>
      %add3A_238 = arith.addi %get3A_236, %add3A_237 : vector<16xi32>
      %swap3A_239 = arith.constant 0 : i32
      %swap3A_240 = arith.index_cast %swap3A_239 : i32 to index
      %swap3A_241 = arith.constant 64 : index
      %swap3A_242 = tpu.vector_load %arg6[%swap3A_240, %swap3A_241] {strides = array<i32>} : memref<1x128xi32, #tpu.memory_space<vmem>>, vector<1x16xi32>,
      %swap3A_243 = vector.shape_cast %swap3A_242 : vector<1x16xi32> to vector<16xi32>
      %swap3A_244 = vector.shape_cast %add3A_238 : vector<16xi32> to vector<1x16xi32>
      tpu.vector_store %arg6[%swap3A_240, %swap3A_241], %swap3A_244 {strides = array<i32>} : memref<1x128xi32, #tpu.memory_space<vmem>>, vector<1x16xi32>,
      %get3A_245 = arith.constant 0 : i32
      %get3A_246 = arith.index_cast %get3A_245 : i32 to index
      %get3A_247 = arith.constant 80 : index
      %get3A_248 = tpu.vector_load %arg6[%get3A_246, %get3A_247] {strides = array<i32>} : memref<1x128xi32, #tpu.memory_space<vmem>>, vector<1x16xi32>,
      %get3A_249 = vector.shape_cast %get3A_248 : vector<1x16xi32> to vector<16xi32>
      %add3A_250 = vector.broadcast %mul3A_6 : i32 to vector<16xi32>
      %add3A_251 = arith.addi %get3A_249, %add3A_250 : vector<16xi32>
      %swap3A_252 = arith.constant 0 : i32
      %swap3A_253 = arith.index_cast %swap3A_252 : i32 to index
      %swap3A_254 = arith.constant 80 : index
      %swap3A_255 = tpu.vector_load %arg6[%swap3A_253, %swap3A_254] {strides = array<i32>} : memref<1x128xi32, #tpu.memory_space<vmem>>, vector<1x16xi32>,
      %swap3A_256 = vector.shape_cast %swap3A_255 : vector<1x16xi32> to vector<16xi32>
      %swap3A_257 = vector.shape_cast %add3A_251 : vector<16xi32> to vector<1x16xi32>
      tpu.vector_store %arg6[%swap3A_253, %swap3A_254], %swap3A_257 {strides = array<i32>} : memref<1x128xi32, #tpu.memory_space<vmem>>, vector<1x16xi32>,
      %get3A_258 = arith.constant 0 : i32
      %get3A_259 = arith.index_cast %get3A_258 : i32 to index
      %get3A_260 = arith.constant 96 : index
      %get3A_261 = tpu.vector_load %arg6[%get3A_259, %get3A_260] {strides = array<i32>} : memref<1x128xi32, #tpu.memory_space<vmem>>, vector<1x16xi32>,
      %get3A_262 = vector.shape_cast %get3A_261 : vector<1x16xi32> to vector<16xi32>
      %add3A_263 = vector.broadcast %mul3A_6 : i32 to vector<16xi32>
      %add3A_264 = arith.addi %get3A_262, %add3A_263 : vector<16xi32>
      %swap3A_265 = arith.constant 0 : i32
      %swap3A_266 = arith.index_cast %swap3A_265 : i32 to index
      %swap3A_267 = arith.constant 96 : index
      %swap3A_268 = tpu.vector_load %arg6[%swap3A_266, %swap3A_267] {strides = array<i32>} : memref<1x128xi32, #tpu.memory_space<vmem>>, vector<1x16xi32>,
      %swap3A_269 = vector.shape_cast %swap3A_268 : vector<1x16xi32> to vector<16xi32>
      %swap3A_270 = vector.shape_cast %add3A_264 : vector<16xi32> to vector<1x16xi32>
      tpu.vector_store %arg6[%swap3A_266, %swap3A_267], %swap3A_270 {strides = array<i32>} : memref<1x128xi32, #tpu.memory_space<vmem>>, vector<1x16xi32>,
      %get3A_271 = arith.constant 0 : i32
      %get3A_272 = arith.index_cast %get3A_271 : i32 to index
      %get3A_273 = arith.constant 112 : index
      %get3A_274 = tpu.vector_load %arg6[%get3A_272, %get3A_273] {strides = array<i32>} : memref<1x128xi32, #tpu.memory_space<vmem>>, vector<1x16xi32>,
      %get3A_275 = vector.shape_cast %get3A_274 : vector<1x16xi32> to vector<16xi32>
      %add3A_276 = vector.broadcast %mul3A_6 : i32 to vector<16xi32>
      %add3A_277 = arith.addi %get3A_275, %add3A_276 : vector<16xi32>
      %swap3A_278 = arith.constant 0 : i32
      %swap3A_279 = arith.index_cast %swap3A_278 : i32 to index
      %swap3A_280 = arith.constant 112 : index
      %swap3A_281 = tpu.vector_load %arg6[%swap3A_279, %swap3A_280] {strides = array<i32>} : memref<1x128xi32, #tpu.memory_space<vmem>>, vector<1x16xi32>,
      %swap3A_282 = vector.shape_cast %swap3A_281 : vector<1x16xi32> to vector<16xi32>
      %swap3A_283 = vector.shape_cast %add3A_277 : vector<16xi32> to vector<1x16xi32>
      tpu.vector_store %arg6[%swap3A_279, %swap3A_280], %swap3A_283 {strides = array<i32>} : memref<1x128xi32, #tpu.memory_space<vmem>>, vector<1x16xi32>,
      %run_scoped3A_284 = arith.constant 0 : i32
      "tpu.region"() ({
        %run_scoped3A_286 = tpu.sem_alloc : memref<!tpu.dma_semaphore, #tpu.memory_space<semaphore_mem>>
        %dma_start3A = arith.constant 0 : i32
        %dma_start3A_287 = tpu.memref_slice %arg6[%run_scoped3A_284, %dma_start3A] : memref<1x128xi32, #tpu.memory_space<vmem>> -> memref<1x128xi32, #tpu.memory_space<vmem>>
        %dma_start3A_288 = tpu.memref_squeeze %dma_start3A_287 : memref<1x128xi32, #tpu.memory_space<vmem>> -> memref<128xi32, #tpu.memory_space<vmem>>
        %dma_start3A_289 = arith.constant 0 : i32
        %dma_start3A_290 = arith.constant 0 : i32
        %dma_start3A_291 = tpu.memref_slice %arg2[%dma_start3A_289, %dma_start3A_290] : memref<40960x128xf32, #tpu.memory_space<hbm>> -> memref<40960x128xf32, #tpu.memory_space<hbm>>
        tpu.enqueue_indirect_dma source(%dma_start3A_291 : memref<40960x128xf32, #tpu.memory_space<hbm>>) target(%arg8 : memref<128x128xf32, #tpu.memory_space<vmem>>) offsets(%dma_start3A_288 : memref<128xi32, #tpu.memory_space<vmem>>) semaphore(%run_scoped3A_286 : memref<!tpu.dma_semaphore, #tpu.memory_space<semaphore_mem>>)
        %dma_wait3A = arith.constant 0 : i32
        %dma_wait3A_292 = tpu.memref_slice %arg6[%run_scoped3A_284, %dma_wait3A] : memref<1x128xi32, #tpu.memory_space<vmem>> -> memref<1x128xi32, #tpu.memory_space<vmem>>
        %dma_wait3A_293 = tpu.memref_squeeze %dma_wait3A_292 : memref<1x128xi32, #tpu.memory_space<vmem>> -> memref<128xi32, #tpu.memory_space<vmem>>
        %dma_wait3A_294 = arith.constant 0 : i32
        %dma_wait3A_295 = arith.constant 0 : i32
        %dma_wait3A_296 = tpu.memref_slice %arg2[%dma_wait3A_294, %dma_wait3A_295] : memref<40960x128xf32, #tpu.memory_space<hbm>> -> memref<40960x128xf32, #tpu.memory_space<hbm>>
        tpu.wait_indirect_dma semaphore(%run_scoped3A_286 : memref<!tpu.dma_semaphore, #tpu.memory_space<semaphore_mem>>) src(%dma_wait3A_296 : memref<40960x128xf32, #tpu.memory_space<hbm>>) dst(%arg8 : memref<128x128xf32, #tpu.memory_space<vmem>>)
        tpu.yield
      }) : () -> ()
      %run_scoped3A_285 = arith.constant 0 : i32
      "tpu.region"() ({
        %run_scoped3A_286 = tpu.sem_alloc : memref<!tpu.dma_semaphore, #tpu.memory_space<semaphore_mem>>
        %dma_start3A = arith.constant 0 : i32
        %dma_start3A_287 = tpu.memref_slice %arg7[%run_scoped3A_285, %dma_start3A] : memref<1x128xi32, #tpu.memory_space<vmem>> -> memref<1x128xi32, #tpu.memory_space<vmem>>
        %dma_start3A_288 = tpu.memref_squeeze %dma_start3A_287 : memref<1x128xi32, #tpu.memory_space<vmem>> -> memref<128xi32, #tpu.memory_space<vmem>>
        %dma_start3A_289 = arith.constant 0 : i32
        %dma_start3A_290 = arith.constant 0 : i32
        %dma_start3A_291 = tpu.memref_slice %arg10[%dma_start3A_289, %dma_start3A_290] : memref<10240x128xf32, #tpu.memory_space<vmem_shared>> -> memref<10240x128xf32, #tpu.memory_space<vmem_shared>>
        tpu.enqueue_indirect_dma source(%arg8 : memref<128x128xf32, #tpu.memory_space<vmem>>) target(%dma_start3A_291 : memref<10240x128xf32, #tpu.memory_space<vmem_shared>>) offsets(%dma_start3A_288 : memref<128xi32, #tpu.memory_space<vmem>>) semaphore(%run_scoped3A_286 : memref<!tpu.dma_semaphore, #tpu.memory_space<semaphore_mem>>) {add = true}
        %dma_wait3A = arith.constant 0 : i32
        %dma_wait3A_292 = tpu.memref_slice %arg7[%run_scoped3A_285, %dma_wait3A] : memref<1x128xi32, #tpu.memory_space<vmem>> -> memref<1x128xi32, #tpu.memory_space<vmem>>
        %dma_wait3A_293 = tpu.memref_squeeze %dma_wait3A_292 : memref<1x128xi32, #tpu.memory_space<vmem>> -> memref<128xi32, #tpu.memory_space<vmem>>
        %dma_wait3A_294 = arith.constant 0 : i32
        %dma_wait3A_295 = arith.constant 0 : i32
        %dma_wait3A_296 = tpu.memref_slice %arg10[%dma_wait3A_294, %dma_wait3A_295] : memref<10240x128xf32, #tpu.memory_space<vmem_shared>> -> memref<10240x128xf32, #tpu.memory_space<vmem_shared>>
        tpu.wait_indirect_dma semaphore(%run_scoped3A_286 : memref<!tpu.dma_semaphore, #tpu.memory_space<semaphore_mem>>) src(%arg8 : memref<128x128xf32, #tpu.memory_space<vmem>>) dst(%dma_wait3A_296 : memref<10240x128xf32, #tpu.memory_space<vmem_shared>>)
        tpu.yield
      }) : () -> ()
    }
    %barrier3A_58 = arith.constant 0 : index
    tpu.barrier barrier_id(%barrier3A_58)
    %mul3A_59 = arith.constant 640 : i32
    %mul3A_60 = arith.muli %arg1, %mul3A_59 : i32
    %add3A_61 = arith.constant 0 : i32
    %add3A_62 = arith.addi %mul3A_60, %add3A_61 : i32
    %add3A_63 = arith.addi %mul3A_6, %add3A_62 : i32
    "tpu.region"() ({
      %run_scoped3A = tpu.sem_alloc : memref<!tpu.dma_semaphore, #tpu.memory_space<semaphore_mem>>
      %dma_start3A = arith.constant 0 : i32
      %dma_start3A_175 = tpu.memref_slice %arg5[%add3A_63, %dma_start3A] : memref<40960x128xf32, #tpu.memory_space<hbm>> -> memref<128x128xf32, #tpu.memory_space<hbm>>
      %dma_start3A_176 = arith.constant 0 : i32
      %dma_start3A_177 = tpu.memref_slice %arg10[%add3A_62, %dma_start3A_176] : memref<10240x128xf32, #tpu.memory_space<vmem_shared>> -> memref<128x128xf32, #tpu.memory_space<vmem_shared>>
      tpu.enqueue_dma source(%dma_start3A_177 : memref<128x128xf32, #tpu.memory_space<vmem_shared>>) target(%dma_start3A_175 : memref<128x128xf32, #tpu.memory_space<hbm>>) target_semaphore(%run_scoped3A : memref<!tpu.dma_semaphore, #tpu.memory_space<semaphore_mem>>)
      %dma_wait3A = arith.constant 0 : i32
      %dma_wait3A_178 = tpu.memref_slice %arg5[%add3A_63, %dma_wait3A] : memref<40960x128xf32, #tpu.memory_space<hbm>> -> memref<128x128xf32, #tpu.memory_space<hbm>>
      %dma_wait3A_179 = arith.constant 0 : i32
      %dma_wait3A_180 = tpu.memref_slice %arg10[%add3A_62, %dma_wait3A_179] : memref<10240x128xf32, #tpu.memory_space<vmem_shared>> -> memref<128x128xf32, #tpu.memory_space<vmem_shared>>
      tpu.wait_dma2 semaphore(%run_scoped3A : memref<!tpu.dma_semaphore, #tpu.memory_space<semaphore_mem>>) src(%dma_wait3A_180 : memref<128x128xf32, #tpu.memory_space<vmem_shared>>) dst(%dma_wait3A_178 : memref<128x128xf32, #tpu.memory_space<hbm>>)
      tpu.yield
    }) : () -> ()
    %mul3A_64 = arith.constant 640 : i32
    %mul3A_65 = arith.muli %arg1, %mul3A_64 : i32
    %add3A_66 = arith.constant 128 : i32
    %add3A_67 = arith.addi %mul3A_65, %add3A_66 : i32
    %add3A_68 = arith.addi %mul3A_6, %add3A_67 : i32
    "tpu.region"() ({
      %run_scoped3A = tpu.sem_alloc : memref<!tpu.dma_semaphore, #tpu.memory_space<semaphore_mem>>
      %dma_start3A = arith.constant 0 : i32
      %dma_start3A_175 = tpu.memref_slice %arg5[%add3A_68, %dma_start3A] : memref<40960x128xf32, #tpu.memory_space<hbm>> -> memref<128x128xf32, #tpu.memory_space<hbm>>
      %dma_start3A_176 = arith.constant 0 : i32
      %dma_start3A_177 = tpu.memref_slice %arg10[%add3A_67, %dma_start3A_176] : memref<10240x128xf32, #tpu.memory_space<vmem_shared>> -> memref<128x128xf32, #tpu.memory_space<vmem_shared>>
      tpu.enqueue_dma source(%dma_start3A_177 : memref<128x128xf32, #tpu.memory_space<vmem_shared>>) target(%dma_start3A_175 : memref<128x128xf32, #tpu.memory_space<hbm>>) target_semaphore(%run_scoped3A : memref<!tpu.dma_semaphore, #tpu.memory_space<semaphore_mem>>)
      %dma_wait3A = arith.constant 0 : i32
      %dma_wait3A_178 = tpu.memref_slice %arg5[%add3A_68, %dma_wait3A] : memref<40960x128xf32, #tpu.memory_space<hbm>> -> memref<128x128xf32, #tpu.memory_space<hbm>>
      %dma_wait3A_179 = arith.constant 0 : i32
      %dma_wait3A_180 = tpu.memref_slice %arg10[%add3A_67, %dma_wait3A_179] : memref<10240x128xf32, #tpu.memory_space<vmem_shared>> -> memref<128x128xf32, #tpu.memory_space<vmem_shared>>
      tpu.wait_dma2 semaphore(%run_scoped3A : memref<!tpu.dma_semaphore, #tpu.memory_space<semaphore_mem>>) src(%dma_wait3A_180 : memref<128x128xf32, #tpu.memory_space<vmem_shared>>) dst(%dma_wait3A_178 : memref<128x128xf32, #tpu.memory_space<hbm>>)
      tpu.yield
    }) : () -> ()
    %mul3A_69 = arith.constant 640 : i32
    %mul3A_70 = arith.muli %arg1, %mul3A_69 : i32
    %add3A_71 = arith.constant 256 : i32
    %add3A_72 = arith.addi %mul3A_70, %add3A_71 : i32
    %add3A_73 = arith.addi %mul3A_6, %add3A_72 : i32
    "tpu.region"() ({
      %run_scoped3A = tpu.sem_alloc : memref<!tpu.dma_semaphore, #tpu.memory_space<semaphore_mem>>
      %dma_start3A = arith.constant 0 : i32
      %dma_start3A_175 = tpu.memref_slice %arg5[%add3A_73, %dma_start3A] : memref<40960x128xf32, #tpu.memory_space<hbm>> -> memref<128x128xf32, #tpu.memory_space<hbm>>
      %dma_start3A_176 = arith.constant 0 : i32
      %dma_start3A_177 = tpu.memref_slice %arg10[%add3A_72, %dma_start3A_176] : memref<10240x128xf32, #tpu.memory_space<vmem_shared>> -> memref<128x128xf32, #tpu.memory_space<vmem_shared>>
      tpu.enqueue_dma source(%dma_start3A_177 : memref<128x128xf32, #tpu.memory_space<vmem_shared>>) target(%dma_start3A_175 : memref<128x128xf32, #tpu.memory_space<hbm>>) target_semaphore(%run_scoped3A : memref<!tpu.dma_semaphore, #tpu.memory_space<semaphore_mem>>)
      %dma_wait3A = arith.constant 0 : i32
      %dma_wait3A_178 = tpu.memref_slice %arg5[%add3A_73, %dma_wait3A] : memref<40960x128xf32, #tpu.memory_space<hbm>> -> memref<128x128xf32, #tpu.memory_space<hbm>>
      %dma_wait3A_179 = arith.constant 0 : i32
      %dma_wait3A_180 = tpu.memref_slice %arg10[%add3A_72, %dma_wait3A_179] : memref<10240x128xf32, #tpu.memory_space<vmem_shared>> -> memref<128x128xf32, #tpu.memory_space<vmem_shared>>
      tpu.wait_dma2 semaphore(%run_scoped3A : memref<!tpu.dma_semaphore, #tpu.memory_space<semaphore_mem>>) src(%dma_wait3A_180 : memref<128x128xf32, #tpu.memory_space<vmem_shared>>) dst(%dma_wait3A_178 : memref<128x128xf32, #tpu.memory_space<hbm>>)
      tpu.yield
    }) : () -> ()
    %mul3A_74 = arith.constant 640 : i32
    %mul3A_75 = arith.muli %arg1, %mul3A_74 : i32
    %add3A_76 = arith.constant 384 : i32
    %add3A_77 = arith.addi %mul3A_75, %add3A_76 : i32
    %add3A_78 = arith.addi %mul3A_6, %add3A_77 : i32
    "tpu.region"() ({
      %run_scoped3A = tpu.sem_alloc : memref<!tpu.dma_semaphore, #tpu.memory_space<semaphore_mem>>
      %dma_start3A = arith.constant 0 : i32
      %dma_start3A_175 = tpu.memref_slice %arg5[%add3A_78, %dma_start3A] : memref<40960x128xf32, #tpu.memory_space<hbm>> -> memref<128x128xf32, #tpu.memory_space<hbm>>
      %dma_start3A_176 = arith.constant 0 : i32
      %dma_start3A_177 = tpu.memref_slice %arg10[%add3A_77, %dma_start3A_176] : memref<10240x128xf32, #tpu.memory_space<vmem_shared>> -> memref<128x128xf32, #tpu.memory_space<vmem_shared>>
      tpu.enqueue_dma source(%dma_start3A_177 : memref<128x128xf32, #tpu.memory_space<vmem_shared>>) target(%dma_start3A_175 : memref<128x128xf32, #tpu.memory_space<hbm>>) target_semaphore(%run_scoped3A : memref<!tpu.dma_semaphore, #tpu.memory_space<semaphore_mem>>)
      %dma_wait3A = arith.constant 0 : i32
      %dma_wait3A_178 = tpu.memref_slice %arg5[%add3A_78, %dma_wait3A] : memref<40960x128xf32, #tpu.memory_space<hbm>> -> memref<128x128xf32, #tpu.memory_space<hbm>>
      %dma_wait3A_179 = arith.constant 0 : i32
      %dma_wait3A_180 = tpu.memref_slice %arg10[%add3A_77, %dma_wait3A_179] : memref<10240x128xf32, #tpu.memory_space<vmem_shared>> -> memref<128x128xf32, #tpu.memory_space<vmem_shared>>
      tpu.wait_dma2 semaphore(%run_scoped3A : memref<!tpu.dma_semaphore, #tpu.memory_space<semaphore_mem>>) src(%dma_wait3A_180 : memref<128x128xf32, #tpu.memory_space<vmem_shared>>) dst(%dma_wait3A_178 : memref<128x128xf32, #tpu.memory_space<hbm>>)
      tpu.yield
    }) : () -> ()
    %mul3A_79 = arith.constant 640 : i32
    %mul3A_80 = arith.muli %arg1, %mul3A_79 : i32
    %add3A_81 = arith.constant 512 : i32
    %add3A_82 = arith.addi %mul3A_80, %add3A_81 : i32
    %add3A_83 = arith.addi %mul3A_6, %add3A_82 : i32
    "tpu.region"() ({
      %run_scoped3A = tpu.sem_alloc : memref<!tpu.dma_semaphore, #tpu.memory_space<semaphore_mem>>
      %dma_start3A = arith.constant 0 : i32
      %dma_start3A_175 = tpu.memref_slice %arg5[%add3A_83, %dma_start3A] : memref<40960x128xf32, #tpu.memory_space<hbm>> -> memref<128x128xf32, #tpu.memory_space<hbm>>
      %dma_start3A_176 = arith.constant 0 : i32
      %dma_start3A_177 = tpu.memref_slice %arg10[%add3A_82, %dma_start3A_176] : memref<10240x128xf32, #tpu.memory_space<vmem_shared>> -> memref<128x128xf32, #tpu.memory_space<vmem_shared>>
      tpu.enqueue_dma source(%dma_start3A_177 : memref<128x128xf32, #tpu.memory_space<vmem_shared>>) target(%dma_start3A_175 : memref<128x128xf32, #tpu.memory_space<hbm>>) target_semaphore(%run_scoped3A : memref<!tpu.dma_semaphore, #tpu.memory_space<semaphore_mem>>)
      %dma_wait3A = arith.constant 0 : i32
      %dma_wait3A_178 = tpu.memref_slice %arg5[%add3A_83, %dma_wait3A] : memref<40960x128xf32, #tpu.memory_space<hbm>> -> memref<128x128xf32, #tpu.memory_space<hbm>>
      %dma_wait3A_179 = arith.constant 0 : i32
      %dma_wait3A_180 = tpu.memref_slice %arg10[%add3A_82, %dma_wait3A_179] : memref<10240x128xf32, #tpu.memory_space<vmem_shared>> -> memref<128x128xf32, #tpu.memory_space<vmem_shared>>
      tpu.wait_dma2 semaphore(%run_scoped3A : memref<!tpu.dma_semaphore, #tpu.memory_space<semaphore_mem>>) src(%dma_wait3A_180 : memref<128x128xf32, #tpu.memory_space<vmem_shared>>) dst(%dma_wait3A_178 : memref<128x128xf32, #tpu.memory_space<hbm>>)
      tpu.yield
    }) : () -> ()
    %add3A_84 = arith.constant 2 : i32
    %add3A_85 = arith.addi %arg0, %add3A_84 : i32
    %mul3A_86 = arith.constant 10240 : i32
    %mul3A_87 = arith.muli %add3A_85, %mul3A_86 : i32
    %mul3A_88 = arith.constant 640 : i32
    %mul3A_89 = arith.muli %arg1, %mul3A_88 : i32
    %add3A_90 = arith.constant 0 : i32
    %add3A_91 = arith.addi %mul3A_89, %add3A_90 : i32
    "tpu.region"() ({
      %run_scoped3A = tpu.sem_alloc : memref<!tpu.dma_semaphore, #tpu.memory_space<semaphore_mem>>
      %dma_start3A = arith.constant 0 : i32
      %dma_start3A_175 = tpu.memref_slice %arg10[%add3A_91, %dma_start3A] : memref<10240x128xf32, #tpu.memory_space<vmem_shared>> -> memref<128x128xf32, #tpu.memory_space<vmem_shared>>
      %dma_start3A_176 = arith.constant 0 : i32
      %dma_start3A_177 = tpu.memref_slice %arg10[%add3A_91, %dma_start3A_176] : memref<10240x128xf32, #tpu.memory_space<vmem_shared>> -> memref<128x128xf32, #tpu.memory_space<vmem_shared>>
      tpu.enqueue_dma source(%arg9 : memref<128x128xf32, #tpu.memory_space<vmem>>) target(%dma_start3A_177 : memref<128x128xf32, #tpu.memory_space<vmem_shared>>) target_semaphore(%run_scoped3A : memref<!tpu.dma_semaphore, #tpu.memory_space<semaphore_mem>>)
      %dma_wait3A = arith.constant 0 : i32
      %dma_wait3A_178 = tpu.memref_slice %arg10[%add3A_91, %dma_wait3A] : memref<10240x128xf32, #tpu.memory_space<vmem_shared>> -> memref<128x128xf32, #tpu.memory_space<vmem_shared>>
      %dma_wait3A_179 = arith.constant 0 : i32
      %dma_wait3A_180 = tpu.memref_slice %arg10[%add3A_91, %dma_wait3A_179] : memref<10240x128xf32, #tpu.memory_space<vmem_shared>> -> memref<128x128xf32, #tpu.memory_space<vmem_shared>>
      tpu.wait_dma2 semaphore(%run_scoped3A : memref<!tpu.dma_semaphore, #tpu.memory_space<semaphore_mem>>) src(%arg9 : memref<128x128xf32, #tpu.memory_space<vmem>>) dst(%dma_wait3A_180 : memref<128x128xf32, #tpu.memory_space<vmem_shared>>)
      tpu.yield
    }) : () -> ()
    %mul3A_92 = arith.constant 640 : i32
    %mul3A_93 = arith.muli %arg1, %mul3A_92 : i32
    %add3A_94 = arith.constant 128 : i32
    %add3A_95 = arith.addi %mul3A_93, %add3A_94 : i32
    "tpu.region"() ({
      %run_scoped3A = tpu.sem_alloc : memref<!tpu.dma_semaphore, #tpu.memory_space<semaphore_mem>>
      %dma_start3A = arith.constant 0 : i32
      %dma_start3A_175 = tpu.memref_slice %arg10[%add3A_95, %dma_start3A] : memref<10240x128xf32, #tpu.memory_space<vmem_shared>> -> memref<128x128xf32, #tpu.memory_space<vmem_shared>>
      %dma_start3A_176 = arith.constant 0 : i32
      %dma_start3A_177 = tpu.memref_slice %arg10[%add3A_95, %dma_start3A_176] : memref<10240x128xf32, #tpu.memory_space<vmem_shared>> -> memref<128x128xf32, #tpu.memory_space<vmem_shared>>
      tpu.enqueue_dma source(%arg9 : memref<128x128xf32, #tpu.memory_space<vmem>>) target(%dma_start3A_177 : memref<128x128xf32, #tpu.memory_space<vmem_shared>>) target_semaphore(%run_scoped3A : memref<!tpu.dma_semaphore, #tpu.memory_space<semaphore_mem>>)
      %dma_wait3A = arith.constant 0 : i32
      %dma_wait3A_178 = tpu.memref_slice %arg10[%add3A_95, %dma_wait3A] : memref<10240x128xf32, #tpu.memory_space<vmem_shared>> -> memref<128x128xf32, #tpu.memory_space<vmem_shared>>
      %dma_wait3A_179 = arith.constant 0 : i32
      %dma_wait3A_180 = tpu.memref_slice %arg10[%add3A_95, %dma_wait3A_179] : memref<10240x128xf32, #tpu.memory_space<vmem_shared>> -> memref<128x128xf32, #tpu.memory_space<vmem_shared>>
      tpu.wait_dma2 semaphore(%run_scoped3A : memref<!tpu.dma_semaphore, #tpu.memory_space<semaphore_mem>>) src(%arg9 : memref<128x128xf32, #tpu.memory_space<vmem>>) dst(%dma_wait3A_180 : memref<128x128xf32, #tpu.memory_space<vmem_shared>>)
      tpu.yield
    }) : () -> ()
    %mul3A_96 = arith.constant 640 : i32
    %mul3A_97 = arith.muli %arg1, %mul3A_96 : i32
    %add3A_98 = arith.constant 256 : i32
    %add3A_99 = arith.addi %mul3A_97, %add3A_98 : i32
    "tpu.region"() ({
      %run_scoped3A = tpu.sem_alloc : memref<!tpu.dma_semaphore, #tpu.memory_space<semaphore_mem>>
      %dma_start3A = arith.constant 0 : i32
      %dma_start3A_175 = tpu.memref_slice %arg10[%add3A_99, %dma_start3A] : memref<10240x128xf32, #tpu.memory_space<vmem_shared>> -> memref<128x128xf32, #tpu.memory_space<vmem_shared>>
      %dma_start3A_176 = arith.constant 0 : i32
      %dma_start3A_177 = tpu.memref_slice %arg10[%add3A_99, %dma_start3A_176] : memref<10240x128xf32, #tpu.memory_space<vmem_shared>> -> memref<128x128xf32, #tpu.memory_space<vmem_shared>>
      tpu.enqueue_dma source(%arg9 : memref<128x128xf32, #tpu.memory_space<vmem>>) target(%dma_start3A_177 : memref<128x128xf32, #tpu.memory_space<vmem_shared>>) target_semaphore(%run_scoped3A : memref<!tpu.dma_semaphore, #tpu.memory_space<semaphore_mem>>)
      %dma_wait3A = arith.constant 0 : i32
      %dma_wait3A_178 = tpu.memref_slice %arg10[%add3A_99, %dma_wait3A] : memref<10240x128xf32, #tpu.memory_space<vmem_shared>> -> memref<128x128xf32, #tpu.memory_space<vmem_shared>>
      %dma_wait3A_179 = arith.constant 0 : i32
      %dma_wait3A_180 = tpu.memref_slice %arg10[%add3A_99, %dma_wait3A_179] : memref<10240x128xf32, #tpu.memory_space<vmem_shared>> -> memref<128x128xf32, #tpu.memory_space<vmem_shared>>
      tpu.wait_dma2 semaphore(%run_scoped3A : memref<!tpu.dma_semaphore, #tpu.memory_space<semaphore_mem>>) src(%arg9 : memref<128x128xf32, #tpu.memory_space<vmem>>) dst(%dma_wait3A_180 : memref<128x128xf32, #tpu.memory_space<vmem_shared>>)
      tpu.yield
    }) : () -> ()
    %mul3A_100 = arith.constant 640 : i32
    %mul3A_101 = arith.muli %arg1, %mul3A_100 : i32
    %add3A_102 = arith.constant 384 : i32
    %add3A_103 = arith.addi %mul3A_101, %add3A_102 : i32
    "tpu.region"() ({
      %run_scoped3A = tpu.sem_alloc : memref<!tpu.dma_semaphore, #tpu.memory_space<semaphore_mem>>
      %dma_start3A = arith.constant 0 : i32
      %dma_start3A_175 = tpu.memref_slice %arg10[%add3A_103, %dma_start3A] : memref<10240x128xf32, #tpu.memory_space<vmem_shared>> -> memref<128x128xf32, #tpu.memory_space<vmem_shared>>
      %dma_start3A_176 = arith.constant 0 : i32
      %dma_start3A_177 = tpu.memref_slice %arg10[%add3A_103, %dma_start3A_176] : memref<10240x128xf32, #tpu.memory_space<vmem_shared>> -> memref<128x128xf32, #tpu.memory_space<vmem_shared>>
      tpu.enqueue_dma source(%arg9 : memref<128x128xf32, #tpu.memory_space<vmem>>) target(%dma_start3A_177 : memref<128x128xf32, #tpu.memory_space<vmem_shared>>) target_semaphore(%run_scoped3A : memref<!tpu.dma_semaphore, #tpu.memory_space<semaphore_mem>>)
      %dma_wait3A = arith.constant 0 : i32
      %dma_wait3A_178 = tpu.memref_slice %arg10[%add3A_103, %dma_wait3A] : memref<10240x128xf32, #tpu.memory_space<vmem_shared>> -> memref<128x128xf32, #tpu.memory_space<vmem_shared>>
      %dma_wait3A_179 = arith.constant 0 : i32
      %dma_wait3A_180 = tpu.memref_slice %arg10[%add3A_103, %dma_wait3A_179] : memref<10240x128xf32, #tpu.memory_space<vmem_shared>> -> memref<128x128xf32, #tpu.memory_space<vmem_shared>>
      tpu.wait_dma2 semaphore(%run_scoped3A : memref<!tpu.dma_semaphore, #tpu.memory_space<semaphore_mem>>) src(%arg9 : memref<128x128xf32, #tpu.memory_space<vmem>>) dst(%dma_wait3A_180 : memref<128x128xf32, #tpu.memory_space<vmem_shared>>)
      tpu.yield
    }) : () -> ()
    %mul3A_104 = arith.constant 640 : i32
    %mul3A_105 = arith.muli %arg1, %mul3A_104 : i32
    %add3A_106 = arith.constant 512 : i32
    %add3A_107 = arith.addi %mul3A_105, %add3A_106 : i32
    "tpu.region"() ({
      %run_scoped3A = tpu.sem_alloc : memref<!tpu.dma_semaphore, #tpu.memory_space<semaphore_mem>>
      %dma_start3A = arith.constant 0 : i32
      %dma_start3A_175 = tpu.memref_slice %arg10[%add3A_107, %dma_start3A] : memref<10240x128xf32, #tpu.memory_space<vmem_shared>> -> memref<128x128xf32, #tpu.memory_space<vmem_shared>>
      %dma_start3A_176 = arith.constant 0 : i32
      %dma_start3A_177 = tpu.memref_slice %arg10[%add3A_107, %dma_start3A_176] : memref<10240x128xf32, #tpu.memory_space<vmem_shared>> -> memref<128x128xf32, #tpu.memory_space<vmem_shared>>
      tpu.enqueue_dma source(%arg9 : memref<128x128xf32, #tpu.memory_space<vmem>>) target(%dma_start3A_177 : memref<128x128xf32, #tpu.memory_space<vmem_shared>>) target_semaphore(%run_scoped3A : memref<!tpu.dma_semaphore, #tpu.memory_space<semaphore_mem>>)
      %dma_wait3A = arith.constant 0 : i32
      %dma_wait3A_178 = tpu.memref_slice %arg10[%add3A_107, %dma_wait3A] : memref<10240x128xf32, #tpu.memory_space<vmem_shared>> -> memref<128x128xf32, #tpu.memory_space<vmem_shared>>
      %dma_wait3A_179 = arith.constant 0 : i32
      %dma_wait3A_180 = tpu.memref_slice %arg10[%add3A_107, %dma_wait3A_179] : memref<10240x128xf32, #tpu.memory_space<vmem_shared>> -> memref<128x128xf32, #tpu.memory_space<vmem_shared>>
      tpu.wait_dma2 semaphore(%run_scoped3A : memref<!tpu.dma_semaphore, #tpu.memory_space<semaphore_mem>>) src(%arg9 : memref<128x128xf32, #tpu.memory_space<vmem>>) dst(%dma_wait3A_180 : memref<128x128xf32, #tpu.memory_space<vmem_shared>>)
      tpu.yield
    }) : () -> ()
    %barrier3A_108 = arith.constant 0 : index
    tpu.barrier barrier_id(%barrier3A_108)
    %sub3A_109 = arith.constant 1250 : i32
    %sub3A_110 = arith.subi %sub3A_109, %arg1 : i32
    %add3A_111 = arith.constant 16 : i32
    %add3A_112 = arith.addi %sub3A_110, %add3A_111 : i32
    %sub3A_113 = arith.constant 1 : i32
    %sub3A_114 = arith.subi %add3A_112, %sub3A_113 : i32
    %jit3A_115 = arith.constant 16 : i32
    %div3A_116 = arith.divsi %sub3A_114, %jit3A_115 : i32
    %sign3A_117 = arith.constant 0 : i32
    %sign3A_118 = arith.cmpi sgt, %sub3A_114, %sign3A_117 : i32
    %sign3A_119 = arith.extui %sign3A_118 : i1 to i32
    %sign3A_120 = arith.constant 0 : i32
    %sign3A_121 = arith.cmpi slt, %sub3A_114, %sign3A_120 : i32
    %sign3A_122 = arith.extui %sign3A_121 : i1 to i32
    %sign3A_123 = arith.subi %sign3A_119, %sign3A_122 : i32
    %sign3A_124 = arith.constant 0 : i32
    %sign3A_125 = arith.cmpi sgt, %jit3A_115, %sign3A_124 : i32
    %sign3A_126 = arith.extui %sign3A_125 : i1 to i32
    %sign3A_127 = arith.constant 0 : i32
    %sign3A_128 = arith.cmpi slt, %jit3A_115, %sign3A_127 : i32
    %sign3A_129 = arith.extui %sign3A_128 : i1 to i32
    %sign3A_130 = arith.subi %sign3A_126, %sign3A_129 : i32
    %ne3A_131 = arith.cmpi ne, %sign3A_123, %sign3A_130 : i32
    %rem3A_132 = arith.remsi %sub3A_114, %jit3A_115 : i32
    %ne3A_133 = arith.constant 0 : i32
    %ne3A_134 = arith.cmpi ne, %rem3A_132, %ne3A_133 : i32
    %and3A_135 = arith.andi %ne3A_131, %ne3A_134 : i1
    %sub3A_136 = arith.constant 1 : i32
    %sub3A_137 = arith.subi %div3A_116, %sub3A_136 : i32
    %select_n3A_138 = arith.select %and3A_135, %sub3A_137, %div3A_116 : i32
    %while3A_139 = arith.constant 0 : i32
    %while3A_140 = arith.constant 0 : i32
    %while3A_141 = arith.subi %select_n3A_138, %while3A_140 : i32
    %while3A_142 = arith.addi %while3A_140, %while3A_141 : i32
    %while3A_143 = arith.constant 1 : i32
    %while3A_144 = arith.divsi %while3A_141, %while3A_143 : i32
    %while3A_145 = arith.muli %while3A_144, %while3A_143 : i32
    %while3A_146 = arith.addi %while3A_140, %while3A_145 : i32
    %while3A_147 = arith.constant 1 : i32
    scf.for %while3A_175 = %while3A_140 to %while3A_146 step %while3A_147  : i32 {
      %mul3A_176 = arith.constant 16 : i32
      %mul3A_177 = arith.muli %while3A_175, %mul3A_176 : i32
      %add3A_178 = arith.addi %arg1, %mul3A_177 : i32
      %mul3A_179 = arith.constant 128 : i32
      %mul3A_180 = arith.muli %add3A_178, %mul3A_179 : i32
      %run_scoped3A = arith.constant 0 : i32
      "tpu.region"() ({
        %run_scoped3A_286 = tpu.sem_alloc : memref<!tpu.dma_semaphore, #tpu.memory_space<semaphore_mem>>
        %dma_start3A = arith.constant 0 : i32
        %dma_start3A_287 = tpu.memref_slice %arg6[%run_scoped3A, %dma_start3A] : memref<1x128xi32, #tpu.memory_space<vmem>> -> memref<1x128xi32, #tpu.memory_space<vmem>>
        %dma_start3A_288 = tpu.memref_squeeze %dma_start3A_287 : memref<1x128xi32, #tpu.memory_space<vmem>> -> memref<128xi32, #tpu.memory_space<vmem>>
        %dma_start3A_289 = tpu.memref_slice %arg3[%mul3A_180] : memref<160000xi32, #tpu.memory_space<hbm>> -> memref<128xi32, #tpu.memory_space<hbm>>
        %dma_start3A_290 = arith.constant 0 : i32
        %dma_start3A_291 = tpu.memref_slice %arg6[%run_scoped3A, %dma_start3A_290] : memref<1x128xi32, #tpu.memory_space<vmem>> -> memref<1x128xi32, #tpu.memory_space<vmem>>
        %dma_start3A_292 = tpu.memref_squeeze %dma_start3A_291 : memref<1x128xi32, #tpu.memory_space<vmem>> -> memref<128xi32, #tpu.memory_space<vmem>>
        %dma_start3A_293 = tpu.memref_slice %arg3[%mul3A_180] : memref<160000xi32, #tpu.memory_space<hbm>> -> memref<128xi32, #tpu.memory_space<hbm>>
        tpu.enqueue_dma source(%dma_start3A_293 : memref<128xi32, #tpu.memory_space<hbm>>) target(%dma_start3A_292 : memref<128xi32, #tpu.memory_space<vmem>>) target_semaphore(%run_scoped3A_286 : memref<!tpu.dma_semaphore, #tpu.memory_space<semaphore_mem>>)
        %dma_wait3A = arith.constant 0 : i32
        %dma_wait3A_294 = tpu.memref_slice %arg6[%run_scoped3A, %dma_wait3A] : memref<1x128xi32, #tpu.memory_space<vmem>> -> memref<1x128xi32, #tpu.memory_space<vmem>>
        %dma_wait3A_295 = tpu.memref_squeeze %dma_wait3A_294 : memref<1x128xi32, #tpu.memory_space<vmem>> -> memref<128xi32, #tpu.memory_space<vmem>>
        %dma_wait3A_296 = tpu.memref_slice %arg3[%mul3A_180] : memref<160000xi32, #tpu.memory_space<hbm>> -> memref<128xi32, #tpu.memory_space<hbm>>
        %dma_wait3A_297 = arith.constant 0 : i32
        %dma_wait3A_298 = tpu.memref_slice %arg6[%run_scoped3A, %dma_wait3A_297] : memref<1x128xi32, #tpu.memory_space<vmem>> -> memref<1x128xi32, #tpu.memory_space<vmem>>
        %dma_wait3A_299 = tpu.memref_squeeze %dma_wait3A_298 : memref<1x128xi32, #tpu.memory_space<vmem>> -> memref<128xi32, #tpu.memory_space<vmem>>
        %dma_wait3A_300 = tpu.memref_slice %arg3[%mul3A_180] : memref<160000xi32, #tpu.memory_space<hbm>> -> memref<128xi32, #tpu.memory_space<hbm>>
        tpu.wait_dma2 semaphore(%run_scoped3A_286 : memref<!tpu.dma_semaphore, #tpu.memory_space<semaphore_mem>>) src(%dma_wait3A_300 : memref<128xi32, #tpu.memory_space<hbm>>) dst(%dma_wait3A_299 : memref<128xi32, #tpu.memory_space<vmem>>)
        tpu.yield
      }) : () -> ()
      %run_scoped3A_181 = arith.constant 0 : i32
      "tpu.region"() ({
        %run_scoped3A_286 = tpu.sem_alloc : memref<!tpu.dma_semaphore, #tpu.memory_space<semaphore_mem>>
        %dma_start3A = arith.constant 0 : i32
        %dma_start3A_287 = tpu.memref_slice %arg7[%run_scoped3A_181, %dma_start3A] : memref<1x128xi32, #tpu.memory_space<vmem>> -> memref<1x128xi32, #tpu.memory_space<vmem>>
        %dma_start3A_288 = tpu.memref_squeeze %dma_start3A_287 : memref<1x128xi32, #tpu.memory_space<vmem>> -> memref<128xi32, #tpu.memory_space<vmem>>
        %dma_start3A_289 = tpu.memref_slice %arg4[%mul3A_180] : memref<160000xi32, #tpu.memory_space<hbm>> -> memref<128xi32, #tpu.memory_space<hbm>>
        %dma_start3A_290 = arith.constant 0 : i32
        %dma_start3A_291 = tpu.memref_slice %arg7[%run_scoped3A_181, %dma_start3A_290] : memref<1x128xi32, #tpu.memory_space<vmem>> -> memref<1x128xi32, #tpu.memory_space<vmem>>
        %dma_start3A_292 = tpu.memref_squeeze %dma_start3A_291 : memref<1x128xi32, #tpu.memory_space<vmem>> -> memref<128xi32, #tpu.memory_space<vmem>>
        %dma_start3A_293 = tpu.memref_slice %arg4[%mul3A_180] : memref<160000xi32, #tpu.memory_space<hbm>> -> memref<128xi32, #tpu.memory_space<hbm>>
        tpu.enqueue_dma source(%dma_start3A_293 : memref<128xi32, #tpu.memory_space<hbm>>) target(%dma_start3A_292 : memref<128xi32, #tpu.memory_space<vmem>>) target_semaphore(%run_scoped3A_286 : memref<!tpu.dma_semaphore, #tpu.memory_space<semaphore_mem>>)
        %dma_wait3A = arith.constant 0 : i32
        %dma_wait3A_294 = tpu.memref_slice %arg7[%run_scoped3A_181, %dma_wait3A] : memref<1x128xi32, #tpu.memory_space<vmem>> -> memref<1x128xi32, #tpu.memory_space<vmem>>
        %dma_wait3A_295 = tpu.memref_squeeze %dma_wait3A_294 : memref<1x128xi32, #tpu.memory_space<vmem>> -> memref<128xi32, #tpu.memory_space<vmem>>
        %dma_wait3A_296 = tpu.memref_slice %arg4[%mul3A_180] : memref<160000xi32, #tpu.memory_space<hbm>> -> memref<128xi32, #tpu.memory_space<hbm>>
        %dma_wait3A_297 = arith.constant 0 : i32
        %dma_wait3A_298 = tpu.memref_slice %arg7[%run_scoped3A_181, %dma_wait3A_297] : memref<1x128xi32, #tpu.memory_space<vmem>> -> memref<1x128xi32, #tpu.memory_space<vmem>>
        %dma_wait3A_299 = tpu.memref_squeeze %dma_wait3A_298 : memref<1x128xi32, #tpu.memory_space<vmem>> -> memref<128xi32, #tpu.memory_space<vmem>>
        %dma_wait3A_300 = tpu.memref_slice %arg4[%mul3A_180] : memref<160000xi32, #tpu.memory_space<hbm>> -> memref<128xi32, #tpu.memory_space<hbm>>
        tpu.wait_dma2 semaphore(%run_scoped3A_286 : memref<!tpu.dma_semaphore, #tpu.memory_space<semaphore_mem>>) src(%dma_wait3A_300 : memref<128xi32, #tpu.memory_space<hbm>>) dst(%dma_wait3A_299 : memref<128xi32, #tpu.memory_space<vmem>>)
        tpu.yield
      }) : () -> ()
      %get3A = arith.constant 0 : i32
      %get3A_182 = arith.index_cast %get3A : i32 to index
      %get3A_183 = arith.constant 0 : index
      %get3A_184 = tpu.vector_load %arg6[%get3A_182, %get3A_183] {strides = array<i32>} : memref<1x128xi32, #tpu.memory_space<vmem>>, vector<1x16xi32>,
      %get3A_185 = vector.shape_cast %get3A_184 : vector<1x16xi32> to vector<16xi32>
      %add3A_186 = vector.broadcast %mul3A_87 : i32 to vector<16xi32>
      %add3A_187 = arith.addi %get3A_185, %add3A_186 : vector<16xi32>
      %swap3A = arith.constant 0 : i32
      %swap3A_188 = arith.index_cast %swap3A : i32 to index
      %swap3A_189 = arith.constant 0 : index
      %swap3A_190 = tpu.vector_load %arg6[%swap3A_188, %swap3A_189] {strides = array<i32>} : memref<1x128xi32, #tpu.memory_space<vmem>>, vector<1x16xi32>,
      %swap3A_191 = vector.shape_cast %swap3A_190 : vector<1x16xi32> to vector<16xi32>
      %swap3A_192 = vector.shape_cast %add3A_187 : vector<16xi32> to vector<1x16xi32>
      tpu.vector_store %arg6[%swap3A_188, %swap3A_189], %swap3A_192 {strides = array<i32>} : memref<1x128xi32, #tpu.memory_space<vmem>>, vector<1x16xi32>,
      %get3A_193 = arith.constant 0 : i32
      %get3A_194 = arith.index_cast %get3A_193 : i32 to index
      %get3A_195 = arith.constant 16 : index
      %get3A_196 = tpu.vector_load %arg6[%get3A_194, %get3A_195] {strides = array<i32>} : memref<1x128xi32, #tpu.memory_space<vmem>>, vector<1x16xi32>,
      %get3A_197 = vector.shape_cast %get3A_196 : vector<1x16xi32> to vector<16xi32>
      %add3A_198 = vector.broadcast %mul3A_87 : i32 to vector<16xi32>
      %add3A_199 = arith.addi %get3A_197, %add3A_198 : vector<16xi32>
      %swap3A_200 = arith.constant 0 : i32
      %swap3A_201 = arith.index_cast %swap3A_200 : i32 to index
      %swap3A_202 = arith.constant 16 : index
      %swap3A_203 = tpu.vector_load %arg6[%swap3A_201, %swap3A_202] {strides = array<i32>} : memref<1x128xi32, #tpu.memory_space<vmem>>, vector<1x16xi32>,
      %swap3A_204 = vector.shape_cast %swap3A_203 : vector<1x16xi32> to vector<16xi32>
      %swap3A_205 = vector.shape_cast %add3A_199 : vector<16xi32> to vector<1x16xi32>
      tpu.vector_store %arg6[%swap3A_201, %swap3A_202], %swap3A_205 {strides = array<i32>} : memref<1x128xi32, #tpu.memory_space<vmem>>, vector<1x16xi32>,
      %get3A_206 = arith.constant 0 : i32
      %get3A_207 = arith.index_cast %get3A_206 : i32 to index
      %get3A_208 = arith.constant 32 : index
      %get3A_209 = tpu.vector_load %arg6[%get3A_207, %get3A_208] {strides = array<i32>} : memref<1x128xi32, #tpu.memory_space<vmem>>, vector<1x16xi32>,
      %get3A_210 = vector.shape_cast %get3A_209 : vector<1x16xi32> to vector<16xi32>
      %add3A_211 = vector.broadcast %mul3A_87 : i32 to vector<16xi32>
      %add3A_212 = arith.addi %get3A_210, %add3A_211 : vector<16xi32>
      %swap3A_213 = arith.constant 0 : i32
      %swap3A_214 = arith.index_cast %swap3A_213 : i32 to index
      %swap3A_215 = arith.constant 32 : index
      %swap3A_216 = tpu.vector_load %arg6[%swap3A_214, %swap3A_215] {strides = array<i32>} : memref<1x128xi32, #tpu.memory_space<vmem>>, vector<1x16xi32>,
      %swap3A_217 = vector.shape_cast %swap3A_216 : vector<1x16xi32> to vector<16xi32>
      %swap3A_218 = vector.shape_cast %add3A_212 : vector<16xi32> to vector<1x16xi32>
      tpu.vector_store %arg6[%swap3A_214, %swap3A_215], %swap3A_218 {strides = array<i32>} : memref<1x128xi32, #tpu.memory_space<vmem>>, vector<1x16xi32>,
      %get3A_219 = arith.constant 0 : i32
      %get3A_220 = arith.index_cast %get3A_219 : i32 to index
      %get3A_221 = arith.constant 48 : index
      %get3A_222 = tpu.vector_load %arg6[%get3A_220, %get3A_221] {strides = array<i32>} : memref<1x128xi32, #tpu.memory_space<vmem>>, vector<1x16xi32>,
      %get3A_223 = vector.shape_cast %get3A_222 : vector<1x16xi32> to vector<16xi32>
      %add3A_224 = vector.broadcast %mul3A_87 : i32 to vector<16xi32>
      %add3A_225 = arith.addi %get3A_223, %add3A_224 : vector<16xi32>
      %swap3A_226 = arith.constant 0 : i32
      %swap3A_227 = arith.index_cast %swap3A_226 : i32 to index
      %swap3A_228 = arith.constant 48 : index
      %swap3A_229 = tpu.vector_load %arg6[%swap3A_227, %swap3A_228] {strides = array<i32>} : memref<1x128xi32, #tpu.memory_space<vmem>>, vector<1x16xi32>,
      %swap3A_230 = vector.shape_cast %swap3A_229 : vector<1x16xi32> to vector<16xi32>
      %swap3A_231 = vector.shape_cast %add3A_225 : vector<16xi32> to vector<1x16xi32>
      tpu.vector_store %arg6[%swap3A_227, %swap3A_228], %swap3A_231 {strides = array<i32>} : memref<1x128xi32, #tpu.memory_space<vmem>>, vector<1x16xi32>,
      %get3A_232 = arith.constant 0 : i32
      %get3A_233 = arith.index_cast %get3A_232 : i32 to index
      %get3A_234 = arith.constant 64 : index
      %get3A_235 = tpu.vector_load %arg6[%get3A_233, %get3A_234] {strides = array<i32>} : memref<1x128xi32, #tpu.memory_space<vmem>>, vector<1x16xi32>,
      %get3A_236 = vector.shape_cast %get3A_235 : vector<1x16xi32> to vector<16xi32>
      %add3A_237 = vector.broadcast %mul3A_87 : i32 to vector<16xi32>
      %add3A_238 = arith.addi %get3A_236, %add3A_237 : vector<16xi32>
      %swap3A_239 = arith.constant 0 : i32
      %swap3A_240 = arith.index_cast %swap3A_239 : i32 to index
      %swap3A_241 = arith.constant 64 : index
      %swap3A_242 = tpu.vector_load %arg6[%swap3A_240, %swap3A_241] {strides = array<i32>} : memref<1x128xi32, #tpu.memory_space<vmem>>, vector<1x16xi32>,
      %swap3A_243 = vector.shape_cast %swap3A_242 : vector<1x16xi32> to vector<16xi32>
      %swap3A_244 = vector.shape_cast %add3A_238 : vector<16xi32> to vector<1x16xi32>
      tpu.vector_store %arg6[%swap3A_240, %swap3A_241], %swap3A_244 {strides = array<i32>} : memref<1x128xi32, #tpu.memory_space<vmem>>, vector<1x16xi32>,
      %get3A_245 = arith.constant 0 : i32
      %get3A_246 = arith.index_cast %get3A_245 : i32 to index
      %get3A_247 = arith.constant 80 : index
      %get3A_248 = tpu.vector_load %arg6[%get3A_246, %get3A_247] {strides = array<i32>} : memref<1x128xi32, #tpu.memory_space<vmem>>, vector<1x16xi32>,
      %get3A_249 = vector.shape_cast %get3A_248 : vector<1x16xi32> to vector<16xi32>
      %add3A_250 = vector.broadcast %mul3A_87 : i32 to vector<16xi32>
      %add3A_251 = arith.addi %get3A_249, %add3A_250 : vector<16xi32>
      %swap3A_252 = arith.constant 0 : i32
      %swap3A_253 = arith.index_cast %swap3A_252 : i32 to index
      %swap3A_254 = arith.constant 80 : index
      %swap3A_255 = tpu.vector_load %arg6[%swap3A_253, %swap3A_254] {strides = array<i32>} : memref<1x128xi32, #tpu.memory_space<vmem>>, vector<1x16xi32>,
      %swap3A_256 = vector.shape_cast %swap3A_255 : vector<1x16xi32> to vector<16xi32>
      %swap3A_257 = vector.shape_cast %add3A_251 : vector<16xi32> to vector<1x16xi32>
      tpu.vector_store %arg6[%swap3A_253, %swap3A_254], %swap3A_257 {strides = array<i32>} : memref<1x128xi32, #tpu.memory_space<vmem>>, vector<1x16xi32>,
      %get3A_258 = arith.constant 0 : i32
      %get3A_259 = arith.index_cast %get3A_258 : i32 to index
      %get3A_260 = arith.constant 96 : index
      %get3A_261 = tpu.vector_load %arg6[%get3A_259, %get3A_260] {strides = array<i32>} : memref<1x128xi32, #tpu.memory_space<vmem>>, vector<1x16xi32>,
      %get3A_262 = vector.shape_cast %get3A_261 : vector<1x16xi32> to vector<16xi32>
      %add3A_263 = vector.broadcast %mul3A_87 : i32 to vector<16xi32>
      %add3A_264 = arith.addi %get3A_262, %add3A_263 : vector<16xi32>
      %swap3A_265 = arith.constant 0 : i32
      %swap3A_266 = arith.index_cast %swap3A_265 : i32 to index
      %swap3A_267 = arith.constant 96 : index
      %swap3A_268 = tpu.vector_load %arg6[%swap3A_266, %swap3A_267] {strides = array<i32>} : memref<1x128xi32, #tpu.memory_space<vmem>>, vector<1x16xi32>,
      %swap3A_269 = vector.shape_cast %swap3A_268 : vector<1x16xi32> to vector<16xi32>
      %swap3A_270 = vector.shape_cast %add3A_264 : vector<16xi32> to vector<1x16xi32>
      tpu.vector_store %arg6[%swap3A_266, %swap3A_267], %swap3A_270 {strides = array<i32>} : memref<1x128xi32, #tpu.memory_space<vmem>>, vector<1x16xi32>,
      %get3A_271 = arith.constant 0 : i32
      %get3A_272 = arith.index_cast %get3A_271 : i32 to index
      %get3A_273 = arith.constant 112 : index
      %get3A_274 = tpu.vector_load %arg6[%get3A_272, %get3A_273] {strides = array<i32>} : memref<1x128xi32, #tpu.memory_space<vmem>>, vector<1x16xi32>,
      %get3A_275 = vector.shape_cast %get3A_274 : vector<1x16xi32> to vector<16xi32>
      %add3A_276 = vector.broadcast %mul3A_87 : i32 to vector<16xi32>
      %add3A_277 = arith.addi %get3A_275, %add3A_276 : vector<16xi32>
      %swap3A_278 = arith.constant 0 : i32
      %swap3A_279 = arith.index_cast %swap3A_278 : i32 to index
      %swap3A_280 = arith.constant 112 : index
      %swap3A_281 = tpu.vector_load %arg6[%swap3A_279, %swap3A_280] {strides = array<i32>} : memref<1x128xi32, #tpu.memory_space<vmem>>, vector<1x16xi32>,
      %swap3A_282 = vector.shape_cast %swap3A_281 : vector<1x16xi32> to vector<16xi32>
      %swap3A_283 = vector.shape_cast %add3A_277 : vector<16xi32> to vector<1x16xi32>
      tpu.vector_store %arg6[%swap3A_279, %swap3A_280], %swap3A_283 {strides = array<i32>} : memref<1x128xi32, #tpu.memory_space<vmem>>, vector<1x16xi32>,
      %run_scoped3A_284 = arith.constant 0 : i32
      "tpu.region"() ({
        %run_scoped3A_286 = tpu.sem_alloc : memref<!tpu.dma_semaphore, #tpu.memory_space<semaphore_mem>>
        %dma_start3A = arith.constant 0 : i32
        %dma_start3A_287 = tpu.memref_slice %arg6[%run_scoped3A_284, %dma_start3A] : memref<1x128xi32, #tpu.memory_space<vmem>> -> memref<1x128xi32, #tpu.memory_space<vmem>>
        %dma_start3A_288 = tpu.memref_squeeze %dma_start3A_287 : memref<1x128xi32, #tpu.memory_space<vmem>> -> memref<128xi32, #tpu.memory_space<vmem>>
        %dma_start3A_289 = arith.constant 0 : i32
        %dma_start3A_290 = arith.constant 0 : i32
        %dma_start3A_291 = tpu.memref_slice %arg2[%dma_start3A_289, %dma_start3A_290] : memref<40960x128xf32, #tpu.memory_space<hbm>> -> memref<40960x128xf32, #tpu.memory_space<hbm>>
        tpu.enqueue_indirect_dma source(%dma_start3A_291 : memref<40960x128xf32, #tpu.memory_space<hbm>>) target(%arg8 : memref<128x128xf32, #tpu.memory_space<vmem>>) offsets(%dma_start3A_288 : memref<128xi32, #tpu.memory_space<vmem>>) semaphore(%run_scoped3A_286 : memref<!tpu.dma_semaphore, #tpu.memory_space<semaphore_mem>>)
        %dma_wait3A = arith.constant 0 : i32
        %dma_wait3A_292 = tpu.memref_slice %arg6[%run_scoped3A_284, %dma_wait3A] : memref<1x128xi32, #tpu.memory_space<vmem>> -> memref<1x128xi32, #tpu.memory_space<vmem>>
        %dma_wait3A_293 = tpu.memref_squeeze %dma_wait3A_292 : memref<1x128xi32, #tpu.memory_space<vmem>> -> memref<128xi32, #tpu.memory_space<vmem>>
        %dma_wait3A_294 = arith.constant 0 : i32
        %dma_wait3A_295 = arith.constant 0 : i32
        %dma_wait3A_296 = tpu.memref_slice %arg2[%dma_wait3A_294, %dma_wait3A_295] : memref<40960x128xf32, #tpu.memory_space<hbm>> -> memref<40960x128xf32, #tpu.memory_space<hbm>>
        tpu.wait_indirect_dma semaphore(%run_scoped3A_286 : memref<!tpu.dma_semaphore, #tpu.memory_space<semaphore_mem>>) src(%dma_wait3A_296 : memref<40960x128xf32, #tpu.memory_space<hbm>>) dst(%arg8 : memref<128x128xf32, #tpu.memory_space<vmem>>)
        tpu.yield
      }) : () -> ()
      %run_scoped3A_285 = arith.constant 0 : i32
      "tpu.region"() ({
        %run_scoped3A_286 = tpu.sem_alloc : memref<!tpu.dma_semaphore, #tpu.memory_space<semaphore_mem>>
        %dma_start3A = arith.constant 0 : i32
        %dma_start3A_287 = tpu.memref_slice %arg7[%run_scoped3A_285, %dma_start3A] : memref<1x128xi32, #tpu.memory_space<vmem>> -> memref<1x128xi32, #tpu.memory_space<vmem>>
        %dma_start3A_288 = tpu.memref_squeeze %dma_start3A_287 : memref<1x128xi32, #tpu.memory_space<vmem>> -> memref<128xi32, #tpu.memory_space<vmem>>
        %dma_start3A_289 = arith.constant 0 : i32
        %dma_start3A_290 = arith.constant 0 : i32
        %dma_start3A_291 = tpu.memref_slice %arg10[%dma_start3A_289, %dma_start3A_290] : memref<10240x128xf32, #tpu.memory_space<vmem_shared>> -> memref<10240x128xf32, #tpu.memory_space<vmem_shared>>
        tpu.enqueue_indirect_dma source(%arg8 : memref<128x128xf32, #tpu.memory_space<vmem>>) target(%dma_start3A_291 : memref<10240x128xf32, #tpu.memory_space<vmem_shared>>) offsets(%dma_start3A_288 : memref<128xi32, #tpu.memory_space<vmem>>) semaphore(%run_scoped3A_286 : memref<!tpu.dma_semaphore, #tpu.memory_space<semaphore_mem>>) {add = true}
        %dma_wait3A = arith.constant 0 : i32
        %dma_wait3A_292 = tpu.memref_slice %arg7[%run_scoped3A_285, %dma_wait3A] : memref<1x128xi32, #tpu.memory_space<vmem>> -> memref<1x128xi32, #tpu.memory_space<vmem>>
        %dma_wait3A_293 = tpu.memref_squeeze %dma_wait3A_292 : memref<1x128xi32, #tpu.memory_space<vmem>> -> memref<128xi32, #tpu.memory_space<vmem>>
        %dma_wait3A_294 = arith.constant 0 : i32
        %dma_wait3A_295 = arith.constant 0 : i32
        %dma_wait3A_296 = tpu.memref_slice %arg10[%dma_wait3A_294, %dma_wait3A_295] : memref<10240x128xf32, #tpu.memory_space<vmem_shared>> -> memref<10240x128xf32, #tpu.memory_space<vmem_shared>>
        tpu.wait_indirect_dma semaphore(%run_scoped3A_286 : memref<!tpu.dma_semaphore, #tpu.memory_space<semaphore_mem>>) src(%arg8 : memref<128x128xf32, #tpu.memory_space<vmem>>) dst(%dma_wait3A_296 : memref<10240x128xf32, #tpu.memory_space<vmem_shared>>)
        tpu.yield
      }) : () -> ()
    }
    %while3A_148 = arith.constant 1 : i32
    scf.for %while3A_175 = %while3A_146 to %while3A_142 step %while3A_148  : i32 {
      %mul3A_176 = arith.constant 16 : i32
      %mul3A_177 = arith.muli %while3A_175, %mul3A_176 : i32
      %add3A_178 = arith.addi %arg1, %mul3A_177 : i32
      %mul3A_179 = arith.constant 128 : i32
      %mul3A_180 = arith.muli %add3A_178, %mul3A_179 : i32
      %run_scoped3A = arith.constant 0 : i32
      "tpu.region"() ({
        %run_scoped3A_286 = tpu.sem_alloc : memref<!tpu.dma_semaphore, #tpu.memory_space<semaphore_mem>>
        %dma_start3A = arith.constant 0 : i32
        %dma_start3A_287 = tpu.memref_slice %arg6[%run_scoped3A, %dma_start3A] : memref<1x128xi32, #tpu.memory_space<vmem>> -> memref<1x128xi32, #tpu.memory_space<vmem>>
        %dma_start3A_288 = tpu.memref_squeeze %dma_start3A_287 : memref<1x128xi32, #tpu.memory_space<vmem>> -> memref<128xi32, #tpu.memory_space<vmem>>
        %dma_start3A_289 = tpu.memref_slice %arg3[%mul3A_180] : memref<160000xi32, #tpu.memory_space<hbm>> -> memref<128xi32, #tpu.memory_space<hbm>>
        %dma_start3A_290 = arith.constant 0 : i32
        %dma_start3A_291 = tpu.memref_slice %arg6[%run_scoped3A, %dma_start3A_290] : memref<1x128xi32, #tpu.memory_space<vmem>> -> memref<1x128xi32, #tpu.memory_space<vmem>>
        %dma_start3A_292 = tpu.memref_squeeze %dma_start3A_291 : memref<1x128xi32, #tpu.memory_space<vmem>> -> memref<128xi32, #tpu.memory_space<vmem>>
        %dma_start3A_293 = tpu.memref_slice %arg3[%mul3A_180] : memref<160000xi32, #tpu.memory_space<hbm>> -> memref<128xi32, #tpu.memory_space<hbm>>
        tpu.enqueue_dma source(%dma_start3A_293 : memref<128xi32, #tpu.memory_space<hbm>>) target(%dma_start3A_292 : memref<128xi32, #tpu.memory_space<vmem>>) target_semaphore(%run_scoped3A_286 : memref<!tpu.dma_semaphore, #tpu.memory_space<semaphore_mem>>)
        %dma_wait3A = arith.constant 0 : i32
        %dma_wait3A_294 = tpu.memref_slice %arg6[%run_scoped3A, %dma_wait3A] : memref<1x128xi32, #tpu.memory_space<vmem>> -> memref<1x128xi32, #tpu.memory_space<vmem>>
        %dma_wait3A_295 = tpu.memref_squeeze %dma_wait3A_294 : memref<1x128xi32, #tpu.memory_space<vmem>> -> memref<128xi32, #tpu.memory_space<vmem>>
        %dma_wait3A_296 = tpu.memref_slice %arg3[%mul3A_180] : memref<160000xi32, #tpu.memory_space<hbm>> -> memref<128xi32, #tpu.memory_space<hbm>>
        %dma_wait3A_297 = arith.constant 0 : i32
        %dma_wait3A_298 = tpu.memref_slice %arg6[%run_scoped3A, %dma_wait3A_297] : memref<1x128xi32, #tpu.memory_space<vmem>> -> memref<1x128xi32, #tpu.memory_space<vmem>>
        %dma_wait3A_299 = tpu.memref_squeeze %dma_wait3A_298 : memref<1x128xi32, #tpu.memory_space<vmem>> -> memref<128xi32, #tpu.memory_space<vmem>>
        %dma_wait3A_300 = tpu.memref_slice %arg3[%mul3A_180] : memref<160000xi32, #tpu.memory_space<hbm>> -> memref<128xi32, #tpu.memory_space<hbm>>
        tpu.wait_dma2 semaphore(%run_scoped3A_286 : memref<!tpu.dma_semaphore, #tpu.memory_space<semaphore_mem>>) src(%dma_wait3A_300 : memref<128xi32, #tpu.memory_space<hbm>>) dst(%dma_wait3A_299 : memref<128xi32, #tpu.memory_space<vmem>>)
        tpu.yield
      }) : () -> ()
      %run_scoped3A_181 = arith.constant 0 : i32
      "tpu.region"() ({
        %run_scoped3A_286 = tpu.sem_alloc : memref<!tpu.dma_semaphore, #tpu.memory_space<semaphore_mem>>
        %dma_start3A = arith.constant 0 : i32
        %dma_start3A_287 = tpu.memref_slice %arg7[%run_scoped3A_181, %dma_start3A] : memref<1x128xi32, #tpu.memory_space<vmem>> -> memref<1x128xi32, #tpu.memory_space<vmem>>
        %dma_start3A_288 = tpu.memref_squeeze %dma_start3A_287 : memref<1x128xi32, #tpu.memory_space<vmem>> -> memref<128xi32, #tpu.memory_space<vmem>>
        %dma_start3A_289 = tpu.memref_slice %arg4[%mul3A_180] : memref<160000xi32, #tpu.memory_space<hbm>> -> memref<128xi32, #tpu.memory_space<hbm>>
        %dma_start3A_290 = arith.constant 0 : i32
        %dma_start3A_291 = tpu.memref_slice %arg7[%run_scoped3A_181, %dma_start3A_290] : memref<1x128xi32, #tpu.memory_space<vmem>> -> memref<1x128xi32, #tpu.memory_space<vmem>>
        %dma_start3A_292 = tpu.memref_squeeze %dma_start3A_291 : memref<1x128xi32, #tpu.memory_space<vmem>> -> memref<128xi32, #tpu.memory_space<vmem>>
        %dma_start3A_293 = tpu.memref_slice %arg4[%mul3A_180] : memref<160000xi32, #tpu.memory_space<hbm>> -> memref<128xi32, #tpu.memory_space<hbm>>
        tpu.enqueue_dma source(%dma_start3A_293 : memref<128xi32, #tpu.memory_space<hbm>>) target(%dma_start3A_292 : memref<128xi32, #tpu.memory_space<vmem>>) target_semaphore(%run_scoped3A_286 : memref<!tpu.dma_semaphore, #tpu.memory_space<semaphore_mem>>)
        %dma_wait3A = arith.constant 0 : i32
        %dma_wait3A_294 = tpu.memref_slice %arg7[%run_scoped3A_181, %dma_wait3A] : memref<1x128xi32, #tpu.memory_space<vmem>> -> memref<1x128xi32, #tpu.memory_space<vmem>>
        %dma_wait3A_295 = tpu.memref_squeeze %dma_wait3A_294 : memref<1x128xi32, #tpu.memory_space<vmem>> -> memref<128xi32, #tpu.memory_space<vmem>>
        %dma_wait3A_296 = tpu.memref_slice %arg4[%mul3A_180] : memref<160000xi32, #tpu.memory_space<hbm>> -> memref<128xi32, #tpu.memory_space<hbm>>
        %dma_wait3A_297 = arith.constant 0 : i32
        %dma_wait3A_298 = tpu.memref_slice %arg7[%run_scoped3A_181, %dma_wait3A_297] : memref<1x128xi32, #tpu.memory_space<vmem>> -> memref<1x128xi32, #tpu.memory_space<vmem>>
        %dma_wait3A_299 = tpu.memref_squeeze %dma_wait3A_298 : memref<1x128xi32, #tpu.memory_space<vmem>> -> memref<128xi32, #tpu.memory_space<vmem>>
        %dma_wait3A_300 = tpu.memref_slice %arg4[%mul3A_180] : memref<160000xi32, #tpu.memory_space<hbm>> -> memref<128xi32, #tpu.memory_space<hbm>>
        tpu.wait_dma2 semaphore(%run_scoped3A_286 : memref<!tpu.dma_semaphore, #tpu.memory_space<semaphore_mem>>) src(%dma_wait3A_300 : memref<128xi32, #tpu.memory_space<hbm>>) dst(%dma_wait3A_299 : memref<128xi32, #tpu.memory_space<vmem>>)
        tpu.yield
      }) : () -> ()
      %get3A = arith.constant 0 : i32
      %get3A_182 = arith.index_cast %get3A : i32 to index
      %get3A_183 = arith.constant 0 : index
      %get3A_184 = tpu.vector_load %arg6[%get3A_182, %get3A_183] {strides = array<i32>} : memref<1x128xi32, #tpu.memory_space<vmem>>, vector<1x16xi32>,
      %get3A_185 = vector.shape_cast %get3A_184 : vector<1x16xi32> to vector<16xi32>
      %add3A_186 = vector.broadcast %mul3A_87 : i32 to vector<16xi32>
      %add3A_187 = arith.addi %get3A_185, %add3A_186 : vector<16xi32>
      %swap3A = arith.constant 0 : i32
      %swap3A_188 = arith.index_cast %swap3A : i32 to index
      %swap3A_189 = arith.constant 0 : index
      %swap3A_190 = tpu.vector_load %arg6[%swap3A_188, %swap3A_189] {strides = array<i32>} : memref<1x128xi32, #tpu.memory_space<vmem>>, vector<1x16xi32>,
      %swap3A_191 = vector.shape_cast %swap3A_190 : vector<1x16xi32> to vector<16xi32>
      %swap3A_192 = vector.shape_cast %add3A_187 : vector<16xi32> to vector<1x16xi32>
      tpu.vector_store %arg6[%swap3A_188, %swap3A_189], %swap3A_192 {strides = array<i32>} : memref<1x128xi32, #tpu.memory_space<vmem>>, vector<1x16xi32>,
      %get3A_193 = arith.constant 0 : i32
      %get3A_194 = arith.index_cast %get3A_193 : i32 to index
      %get3A_195 = arith.constant 16 : index
      %get3A_196 = tpu.vector_load %arg6[%get3A_194, %get3A_195] {strides = array<i32>} : memref<1x128xi32, #tpu.memory_space<vmem>>, vector<1x16xi32>,
      %get3A_197 = vector.shape_cast %get3A_196 : vector<1x16xi32> to vector<16xi32>
      %add3A_198 = vector.broadcast %mul3A_87 : i32 to vector<16xi32>
      %add3A_199 = arith.addi %get3A_197, %add3A_198 : vector<16xi32>
      %swap3A_200 = arith.constant 0 : i32
      %swap3A_201 = arith.index_cast %swap3A_200 : i32 to index
      %swap3A_202 = arith.constant 16 : index
      %swap3A_203 = tpu.vector_load %arg6[%swap3A_201, %swap3A_202] {strides = array<i32>} : memref<1x128xi32, #tpu.memory_space<vmem>>, vector<1x16xi32>,
      %swap3A_204 = vector.shape_cast %swap3A_203 : vector<1x16xi32> to vector<16xi32>
      %swap3A_205 = vector.shape_cast %add3A_199 : vector<16xi32> to vector<1x16xi32>
      tpu.vector_store %arg6[%swap3A_201, %swap3A_202], %swap3A_205 {strides = array<i32>} : memref<1x128xi32, #tpu.memory_space<vmem>>, vector<1x16xi32>,
      %get3A_206 = arith.constant 0 : i32
      %get3A_207 = arith.index_cast %get3A_206 : i32 to index
      %get3A_208 = arith.constant 32 : index
      %get3A_209 = tpu.vector_load %arg6[%get3A_207, %get3A_208] {strides = array<i32>} : memref<1x128xi32, #tpu.memory_space<vmem>>, vector<1x16xi32>,
      %get3A_210 = vector.shape_cast %get3A_209 : vector<1x16xi32> to vector<16xi32>
      %add3A_211 = vector.broadcast %mul3A_87 : i32 to vector<16xi32>
      %add3A_212 = arith.addi %get3A_210, %add3A_211 : vector<16xi32>
      %swap3A_213 = arith.constant 0 : i32
      %swap3A_214 = arith.index_cast %swap3A_213 : i32 to index
      %swap3A_215 = arith.constant 32 : index
      %swap3A_216 = tpu.vector_load %arg6[%swap3A_214, %swap3A_215] {strides = array<i32>} : memref<1x128xi32, #tpu.memory_space<vmem>>, vector<1x16xi32>,
      %swap3A_217 = vector.shape_cast %swap3A_216 : vector<1x16xi32> to vector<16xi32>
      %swap3A_218 = vector.shape_cast %add3A_212 : vector<16xi32> to vector<1x16xi32>
      tpu.vector_store %arg6[%swap3A_214, %swap3A_215], %swap3A_218 {strides = array<i32>} : memref<1x128xi32, #tpu.memory_space<vmem>>, vector<1x16xi32>,
      %get3A_219 = arith.constant 0 : i32
      %get3A_220 = arith.index_cast %get3A_219 : i32 to index
      %get3A_221 = arith.constant 48 : index
      %get3A_222 = tpu.vector_load %arg6[%get3A_220, %get3A_221] {strides = array<i32>} : memref<1x128xi32, #tpu.memory_space<vmem>>, vector<1x16xi32>,
      %get3A_223 = vector.shape_cast %get3A_222 : vector<1x16xi32> to vector<16xi32>
      %add3A_224 = vector.broadcast %mul3A_87 : i32 to vector<16xi32>
      %add3A_225 = arith.addi %get3A_223, %add3A_224 : vector<16xi32>
      %swap3A_226 = arith.constant 0 : i32
      %swap3A_227 = arith.index_cast %swap3A_226 : i32 to index
      %swap3A_228 = arith.constant 48 : index
      %swap3A_229 = tpu.vector_load %arg6[%swap3A_227, %swap3A_228] {strides = array<i32>} : memref<1x128xi32, #tpu.memory_space<vmem>>, vector<1x16xi32>,
      %swap3A_230 = vector.shape_cast %swap3A_229 : vector<1x16xi32> to vector<16xi32>
      %swap3A_231 = vector.shape_cast %add3A_225 : vector<16xi32> to vector<1x16xi32>
      tpu.vector_store %arg6[%swap3A_227, %swap3A_228], %swap3A_231 {strides = array<i32>} : memref<1x128xi32, #tpu.memory_space<vmem>>, vector<1x16xi32>,
      %get3A_232 = arith.constant 0 : i32
      %get3A_233 = arith.index_cast %get3A_232 : i32 to index
      %get3A_234 = arith.constant 64 : index
      %get3A_235 = tpu.vector_load %arg6[%get3A_233, %get3A_234] {strides = array<i32>} : memref<1x128xi32, #tpu.memory_space<vmem>>, vector<1x16xi32>,
      %get3A_236 = vector.shape_cast %get3A_235 : vector<1x16xi32> to vector<16xi32>
      %add3A_237 = vector.broadcast %mul3A_87 : i32 to vector<16xi32>
      %add3A_238 = arith.addi %get3A_236, %add3A_237 : vector<16xi32>
      %swap3A_239 = arith.constant 0 : i32
      %swap3A_240 = arith.index_cast %swap3A_239 : i32 to index
      %swap3A_241 = arith.constant 64 : index
      %swap3A_242 = tpu.vector_load %arg6[%swap3A_240, %swap3A_241] {strides = array<i32>} : memref<1x128xi32, #tpu.memory_space<vmem>>, vector<1x16xi32>,
      %swap3A_243 = vector.shape_cast %swap3A_242 : vector<1x16xi32> to vector<16xi32>
      %swap3A_244 = vector.shape_cast %add3A_238 : vector<16xi32> to vector<1x16xi32>
      tpu.vector_store %arg6[%swap3A_240, %swap3A_241], %swap3A_244 {strides = array<i32>} : memref<1x128xi32, #tpu.memory_space<vmem>>, vector<1x16xi32>,
      %get3A_245 = arith.constant 0 : i32
      %get3A_246 = arith.index_cast %get3A_245 : i32 to index
      %get3A_247 = arith.constant 80 : index
      %get3A_248 = tpu.vector_load %arg6[%get3A_246, %get3A_247] {strides = array<i32>} : memref<1x128xi32, #tpu.memory_space<vmem>>, vector<1x16xi32>,
      %get3A_249 = vector.shape_cast %get3A_248 : vector<1x16xi32> to vector<16xi32>
      %add3A_250 = vector.broadcast %mul3A_87 : i32 to vector<16xi32>
      %add3A_251 = arith.addi %get3A_249, %add3A_250 : vector<16xi32>
      %swap3A_252 = arith.constant 0 : i32
      %swap3A_253 = arith.index_cast %swap3A_252 : i32 to index
      %swap3A_254 = arith.constant 80 : index
      %swap3A_255 = tpu.vector_load %arg6[%swap3A_253, %swap3A_254] {strides = array<i32>} : memref<1x128xi32, #tpu.memory_space<vmem>>, vector<1x16xi32>,
      %swap3A_256 = vector.shape_cast %swap3A_255 : vector<1x16xi32> to vector<16xi32>
      %swap3A_257 = vector.shape_cast %add3A_251 : vector<16xi32> to vector<1x16xi32>
      tpu.vector_store %arg6[%swap3A_253, %swap3A_254], %swap3A_257 {strides = array<i32>} : memref<1x128xi32, #tpu.memory_space<vmem>>, vector<1x16xi32>,
      %get3A_258 = arith.constant 0 : i32
      %get3A_259 = arith.index_cast %get3A_258 : i32 to index
      %get3A_260 = arith.constant 96 : index
      %get3A_261 = tpu.vector_load %arg6[%get3A_259, %get3A_260] {strides = array<i32>} : memref<1x128xi32, #tpu.memory_space<vmem>>, vector<1x16xi32>,
      %get3A_262 = vector.shape_cast %get3A_261 : vector<1x16xi32> to vector<16xi32>
      %add3A_263 = vector.broadcast %mul3A_87 : i32 to vector<16xi32>
      %add3A_264 = arith.addi %get3A_262, %add3A_263 : vector<16xi32>
      %swap3A_265 = arith.constant 0 : i32
      %swap3A_266 = arith.index_cast %swap3A_265 : i32 to index
      %swap3A_267 = arith.constant 96 : index
      %swap3A_268 = tpu.vector_load %arg6[%swap3A_266, %swap3A_267] {strides = array<i32>} : memref<1x128xi32, #tpu.memory_space<vmem>>, vector<1x16xi32>,
      %swap3A_269 = vector.shape_cast %swap3A_268 : vector<1x16xi32> to vector<16xi32>
      %swap3A_270 = vector.shape_cast %add3A_264 : vector<16xi32> to vector<1x16xi32>
      tpu.vector_store %arg6[%swap3A_266, %swap3A_267], %swap3A_270 {strides = array<i32>} : memref<1x128xi32, #tpu.memory_space<vmem>>, vector<1x16xi32>,
      %get3A_271 = arith.constant 0 : i32
      %get3A_272 = arith.index_cast %get3A_271 : i32 to index
      %get3A_273 = arith.constant 112 : index
      %get3A_274 = tpu.vector_load %arg6[%get3A_272, %get3A_273] {strides = array<i32>} : memref<1x128xi32, #tpu.memory_space<vmem>>, vector<1x16xi32>,
      %get3A_275 = vector.shape_cast %get3A_274 : vector<1x16xi32> to vector<16xi32>
      %add3A_276 = vector.broadcast %mul3A_87 : i32 to vector<16xi32>
      %add3A_277 = arith.addi %get3A_275, %add3A_276 : vector<16xi32>
      %swap3A_278 = arith.constant 0 : i32
      %swap3A_279 = arith.index_cast %swap3A_278 : i32 to index
      %swap3A_280 = arith.constant 112 : index
      %swap3A_281 = tpu.vector_load %arg6[%swap3A_279, %swap3A_280] {strides = array<i32>} : memref<1x128xi32, #tpu.memory_space<vmem>>, vector<1x16xi32>,
      %swap3A_282 = vector.shape_cast %swap3A_281 : vector<1x16xi32> to vector<16xi32>
      %swap3A_283 = vector.shape_cast %add3A_277 : vector<16xi32> to vector<1x16xi32>
      tpu.vector_store %arg6[%swap3A_279, %swap3A_280], %swap3A_283 {strides = array<i32>} : memref<1x128xi32, #tpu.memory_space<vmem>>, vector<1x16xi32>,
      %run_scoped3A_284 = arith.constant 0 : i32
      "tpu.region"() ({
        %run_scoped3A_286 = tpu.sem_alloc : memref<!tpu.dma_semaphore, #tpu.memory_space<semaphore_mem>>
        %dma_start3A = arith.constant 0 : i32
        %dma_start3A_287 = tpu.memref_slice %arg6[%run_scoped3A_284, %dma_start3A] : memref<1x128xi32, #tpu.memory_space<vmem>> -> memref<1x128xi32, #tpu.memory_space<vmem>>
        %dma_start3A_288 = tpu.memref_squeeze %dma_start3A_287 : memref<1x128xi32, #tpu.memory_space<vmem>> -> memref<128xi32, #tpu.memory_space<vmem>>
        %dma_start3A_289 = arith.constant 0 : i32
        %dma_start3A_290 = arith.constant 0 : i32
        %dma_start3A_291 = tpu.memref_slice %arg2[%dma_start3A_289, %dma_start3A_290] : memref<40960x128xf32, #tpu.memory_space<hbm>> -> memref<40960x128xf32, #tpu.memory_space<hbm>>
        tpu.enqueue_indirect_dma source(%dma_start3A_291 : memref<40960x128xf32, #tpu.memory_space<hbm>>) target(%arg8 : memref<128x128xf32, #tpu.memory_space<vmem>>) offsets(%dma_start3A_288 : memref<128xi32, #tpu.memory_space<vmem>>) semaphore(%run_scoped3A_286 : memref<!tpu.dma_semaphore, #tpu.memory_space<semaphore_mem>>)
        %dma_wait3A = arith.constant 0 : i32
        %dma_wait3A_292 = tpu.memref_slice %arg6[%run_scoped3A_284, %dma_wait3A] : memref<1x128xi32, #tpu.memory_space<vmem>> -> memref<1x128xi32, #tpu.memory_space<vmem>>
        %dma_wait3A_293 = tpu.memref_squeeze %dma_wait3A_292 : memref<1x128xi32, #tpu.memory_space<vmem>> -> memref<128xi32, #tpu.memory_space<vmem>>
        %dma_wait3A_294 = arith.constant 0 : i32
        %dma_wait3A_295 = arith.constant 0 : i32
        %dma_wait3A_296 = tpu.memref_slice %arg2[%dma_wait3A_294, %dma_wait3A_295] : memref<40960x128xf32, #tpu.memory_space<hbm>> -> memref<40960x128xf32, #tpu.memory_space<hbm>>
        tpu.wait_indirect_dma semaphore(%run_scoped3A_286 : memref<!tpu.dma_semaphore, #tpu.memory_space<semaphore_mem>>) src(%dma_wait3A_296 : memref<40960x128xf32, #tpu.memory_space<hbm>>) dst(%arg8 : memref<128x128xf32, #tpu.memory_space<vmem>>)
        tpu.yield
      }) : () -> ()
      %run_scoped3A_285 = arith.constant 0 : i32
      "tpu.region"() ({
        %run_scoped3A_286 = tpu.sem_alloc : memref<!tpu.dma_semaphore, #tpu.memory_space<semaphore_mem>>
        %dma_start3A = arith.constant 0 : i32
        %dma_start3A_287 = tpu.memref_slice %arg7[%run_scoped3A_285, %dma_start3A] : memref<1x128xi32, #tpu.memory_space<vmem>> -> memref<1x128xi32, #tpu.memory_space<vmem>>
        %dma_start3A_288 = tpu.memref_squeeze %dma_start3A_287 : memref<1x128xi32, #tpu.memory_space<vmem>> -> memref<128xi32, #tpu.memory_space<vmem>>
        %dma_start3A_289 = arith.constant 0 : i32
        %dma_start3A_290 = arith.constant 0 : i32
        %dma_start3A_291 = tpu.memref_slice %arg10[%dma_start3A_289, %dma_start3A_290] : memref<10240x128xf32, #tpu.memory_space<vmem_shared>> -> memref<10240x128xf32, #tpu.memory_space<vmem_shared>>
        tpu.enqueue_indirect_dma source(%arg8 : memref<128x128xf32, #tpu.memory_space<vmem>>) target(%dma_start3A_291 : memref<10240x128xf32, #tpu.memory_space<vmem_shared>>) offsets(%dma_start3A_288 : memref<128xi32, #tpu.memory_space<vmem>>) semaphore(%run_scoped3A_286 : memref<!tpu.dma_semaphore, #tpu.memory_space<semaphore_mem>>) {add = true}
        %dma_wait3A = arith.constant 0 : i32
        %dma_wait3A_292 = tpu.memref_slice %arg7[%run_scoped3A_285, %dma_wait3A] : memref<1x128xi32, #tpu.memory_space<vmem>> -> memref<1x128xi32, #tpu.memory_space<vmem>>
        %dma_wait3A_293 = tpu.memref_squeeze %dma_wait3A_292 : memref<1x128xi32, #tpu.memory_space<vmem>> -> memref<128xi32, #tpu.memory_space<vmem>>
        %dma_wait3A_294 = arith.constant 0 : i32
        %dma_wait3A_295 = arith.constant 0 : i32
        %dma_wait3A_296 = tpu.memref_slice %arg10[%dma_wait3A_294, %dma_wait3A_295] : memref<10240x128xf32, #tpu.memory_space<vmem_shared>> -> memref<10240x128xf32, #tpu.memory_space<vmem_shared>>
        tpu.wait_indirect_dma semaphore(%run_scoped3A_286 : memref<!tpu.dma_semaphore, #tpu.memory_space<semaphore_mem>>) src(%arg8 : memref<128x128xf32, #tpu.memory_space<vmem>>) dst(%dma_wait3A_296 : memref<10240x128xf32, #tpu.memory_space<vmem_shared>>)
        tpu.yield
      }) : () -> ()
    }
    %barrier3A_149 = arith.constant 0 : index
    tpu.barrier barrier_id(%barrier3A_149)
    %mul3A_150 = arith.constant 640 : i32
    %mul3A_151 = arith.muli %arg1, %mul3A_150 : i32
    %add3A_152 = arith.constant 0 : i32
    %add3A_153 = arith.addi %mul3A_151, %add3A_152 : i32
    %add3A_154 = arith.addi %mul3A_87, %add3A_153 : i32
    "tpu.region"() ({
      %run_scoped3A = tpu.sem_alloc : memref<!tpu.dma_semaphore, #tpu.memory_space<semaphore_mem>>
      %dma_start3A = arith.constant 0 : i32
      %dma_start3A_175 = tpu.memref_slice %arg5[%add3A_154, %dma_start3A] : memref<40960x128xf32, #tpu.memory_space<hbm>> -> memref<128x128xf32, #tpu.memory_space<hbm>>
      %dma_start3A_176 = arith.constant 0 : i32
      %dma_start3A_177 = tpu.memref_slice %arg10[%add3A_153, %dma_start3A_176] : memref<10240x128xf32, #tpu.memory_space<vmem_shared>> -> memref<128x128xf32, #tpu.memory_space<vmem_shared>>
      tpu.enqueue_dma source(%dma_start3A_177 : memref<128x128xf32, #tpu.memory_space<vmem_shared>>) target(%dma_start3A_175 : memref<128x128xf32, #tpu.memory_space<hbm>>) target_semaphore(%run_scoped3A : memref<!tpu.dma_semaphore, #tpu.memory_space<semaphore_mem>>)
      %dma_wait3A = arith.constant 0 : i32
      %dma_wait3A_178 = tpu.memref_slice %arg5[%add3A_154, %dma_wait3A] : memref<40960x128xf32, #tpu.memory_space<hbm>> -> memref<128x128xf32, #tpu.memory_space<hbm>>
      %dma_wait3A_179 = arith.constant 0 : i32
      %dma_wait3A_180 = tpu.memref_slice %arg10[%add3A_153, %dma_wait3A_179] : memref<10240x128xf32, #tpu.memory_space<vmem_shared>> -> memref<128x128xf32, #tpu.memory_space<vmem_shared>>
      tpu.wait_dma2 semaphore(%run_scoped3A : memref<!tpu.dma_semaphore, #tpu.memory_space<semaphore_mem>>) src(%dma_wait3A_180 : memref<128x128xf32, #tpu.memory_space<vmem_shared>>) dst(%dma_wait3A_178 : memref<128x128xf32, #tpu.memory_space<hbm>>)
      tpu.yield
    }) : () -> ()
    %mul3A_155 = arith.constant 640 : i32
    %mul3A_156 = arith.muli %arg1, %mul3A_155 : i32
    %add3A_157 = arith.constant 128 : i32
    %add3A_158 = arith.addi %mul3A_156, %add3A_157 : i32
    %add3A_159 = arith.addi %mul3A_87, %add3A_158 : i32
    "tpu.region"() ({
      %run_scoped3A = tpu.sem_alloc : memref<!tpu.dma_semaphore, #tpu.memory_space<semaphore_mem>>
      %dma_start3A = arith.constant 0 : i32
      %dma_start3A_175 = tpu.memref_slice %arg5[%add3A_159, %dma_start3A] : memref<40960x128xf32, #tpu.memory_space<hbm>> -> memref<128x128xf32, #tpu.memory_space<hbm>>
      %dma_start3A_176 = arith.constant 0 : i32
      %dma_start3A_177 = tpu.memref_slice %arg10[%add3A_158, %dma_start3A_176] : memref<10240x128xf32, #tpu.memory_space<vmem_shared>> -> memref<128x128xf32, #tpu.memory_space<vmem_shared>>
      tpu.enqueue_dma source(%dma_start3A_177 : memref<128x128xf32, #tpu.memory_space<vmem_shared>>) target(%dma_start3A_175 : memref<128x128xf32, #tpu.memory_space<hbm>>) target_semaphore(%run_scoped3A : memref<!tpu.dma_semaphore, #tpu.memory_space<semaphore_mem>>)
      %dma_wait3A = arith.constant 0 : i32
      %dma_wait3A_178 = tpu.memref_slice %arg5[%add3A_159, %dma_wait3A] : memref<40960x128xf32, #tpu.memory_space<hbm>> -> memref<128x128xf32, #tpu.memory_space<hbm>>
      %dma_wait3A_179 = arith.constant 0 : i32
      %dma_wait3A_180 = tpu.memref_slice %arg10[%add3A_158, %dma_wait3A_179] : memref<10240x128xf32, #tpu.memory_space<vmem_shared>> -> memref<128x128xf32, #tpu.memory_space<vmem_shared>>
      tpu.wait_dma2 semaphore(%run_scoped3A : memref<!tpu.dma_semaphore, #tpu.memory_space<semaphore_mem>>) src(%dma_wait3A_180 : memref<128x128xf32, #tpu.memory_space<vmem_shared>>) dst(%dma_wait3A_178 : memref<128x128xf32, #tpu.memory_space<hbm>>)
      tpu.yield
    }) : () -> ()
    %mul3A_160 = arith.constant 640 : i32
    %mul3A_161 = arith.muli %arg1, %mul3A_160 : i32
    %add3A_162 = arith.constant 256 : i32
    %add3A_163 = arith.addi %mul3A_161, %add3A_162 : i32
    %add3A_164 = arith.addi %mul3A_87, %add3A_163 : i32
    "tpu.region"() ({
      %run_scoped3A = tpu.sem_alloc : memref<!tpu.dma_semaphore, #tpu.memory_space<semaphore_mem>>
      %dma_start3A = arith.constant 0 : i32
      %dma_start3A_175 = tpu.memref_slice %arg5[%add3A_164, %dma_start3A] : memref<40960x128xf32, #tpu.memory_space<hbm>> -> memref<128x128xf32, #tpu.memory_space<hbm>>
      %dma_start3A_176 = arith.constant 0 : i32
      %dma_start3A_177 = tpu.memref_slice %arg10[%add3A_163, %dma_start3A_176] : memref<10240x128xf32, #tpu.memory_space<vmem_shared>> -> memref<128x128xf32, #tpu.memory_space<vmem_shared>>
      tpu.enqueue_dma source(%dma_start3A_177 : memref<128x128xf32, #tpu.memory_space<vmem_shared>>) target(%dma_start3A_175 : memref<128x128xf32, #tpu.memory_space<hbm>>) target_semaphore(%run_scoped3A : memref<!tpu.dma_semaphore, #tpu.memory_space<semaphore_mem>>)
      %dma_wait3A = arith.constant 0 : i32
      %dma_wait3A_178 = tpu.memref_slice %arg5[%add3A_164, %dma_wait3A] : memref<40960x128xf32, #tpu.memory_space<hbm>> -> memref<128x128xf32, #tpu.memory_space<hbm>>
      %dma_wait3A_179 = arith.constant 0 : i32
      %dma_wait3A_180 = tpu.memref_slice %arg10[%add3A_163, %dma_wait3A_179] : memref<10240x128xf32, #tpu.memory_space<vmem_shared>> -> memref<128x128xf32, #tpu.memory_space<vmem_shared>>
      tpu.wait_dma2 semaphore(%run_scoped3A : memref<!tpu.dma_semaphore, #tpu.memory_space<semaphore_mem>>) src(%dma_wait3A_180 : memref<128x128xf32, #tpu.memory_space<vmem_shared>>) dst(%dma_wait3A_178 : memref<128x128xf32, #tpu.memory_space<hbm>>)
      tpu.yield
    }) : () -> ()
    %mul3A_165 = arith.constant 640 : i32
    %mul3A_166 = arith.muli %arg1, %mul3A_165 : i32
    %add3A_167 = arith.constant 384 : i32
    %add3A_168 = arith.addi %mul3A_166, %add3A_167 : i32
    %add3A_169 = arith.addi %mul3A_87, %add3A_168 : i32
    "tpu.region"() ({
      %run_scoped3A = tpu.sem_alloc : memref<!tpu.dma_semaphore, #tpu.memory_space<semaphore_mem>>
      %dma_start3A = arith.constant 0 : i32
      %dma_start3A_175 = tpu.memref_slice %arg5[%add3A_169, %dma_start3A] : memref<40960x128xf32, #tpu.memory_space<hbm>> -> memref<128x128xf32, #tpu.memory_space<hbm>>
      %dma_start3A_176 = arith.constant 0 : i32
      %dma_start3A_177 = tpu.memref_slice %arg10[%add3A_168, %dma_start3A_176] : memref<10240x128xf32, #tpu.memory_space<vmem_shared>> -> memref<128x128xf32, #tpu.memory_space<vmem_shared>>
      tpu.enqueue_dma source(%dma_start3A_177 : memref<128x128xf32, #tpu.memory_space<vmem_shared>>) target(%dma_start3A_175 : memref<128x128xf32, #tpu.memory_space<hbm>>) target_semaphore(%run_scoped3A : memref<!tpu.dma_semaphore, #tpu.memory_space<semaphore_mem>>)
      %dma_wait3A = arith.constant 0 : i32
      %dma_wait3A_178 = tpu.memref_slice %arg5[%add3A_169, %dma_wait3A] : memref<40960x128xf32, #tpu.memory_space<hbm>> -> memref<128x128xf32, #tpu.memory_space<hbm>>
      %dma_wait3A_179 = arith.constant 0 : i32
      %dma_wait3A_180 = tpu.memref_slice %arg10[%add3A_168, %dma_wait3A_179] : memref<10240x128xf32, #tpu.memory_space<vmem_shared>> -> memref<128x128xf32, #tpu.memory_space<vmem_shared>>
      tpu.wait_dma2 semaphore(%run_scoped3A : memref<!tpu.dma_semaphore, #tpu.memory_space<semaphore_mem>>) src(%dma_wait3A_180 : memref<128x128xf32, #tpu.memory_space<vmem_shared>>) dst(%dma_wait3A_178 : memref<128x128xf32, #tpu.memory_space<hbm>>)
      tpu.yield
    }) : () -> ()
    %mul3A_170 = arith.constant 640 : i32
    %mul3A_171 = arith.muli %arg1, %mul3A_170 : i32
    %add3A_172 = arith.constant 512 : i32
    %add3A_173 = arith.addi %mul3A_171, %add3A_172 : i32
    %add3A_174 = arith.addi %mul3A_87, %add3A_173 : i32
    "tpu.region"() ({
      %run_scoped3A = tpu.sem_alloc : memref<!tpu.dma_semaphore, #tpu.memory_space<semaphore_mem>>
      %dma_start3A = arith.constant 0 : i32
      %dma_start3A_175 = tpu.memref_slice %arg5[%add3A_174, %dma_start3A] : memref<40960x128xf32, #tpu.memory_space<hbm>> -> memref<128x128xf32, #tpu.memory_space<hbm>>
      %dma_start3A_176 = arith.constant 0 : i32
      %dma_start3A_177 = tpu.memref_slice %arg10[%add3A_173, %dma_start3A_176] : memref<10240x128xf32, #tpu.memory_space<vmem_shared>> -> memref<128x128xf32, #tpu.memory_space<vmem_shared>>
      tpu.enqueue_dma source(%dma_start3A_177 : memref<128x128xf32, #tpu.memory_space<vmem_shared>>) target(%dma_start3A_175 : memref<128x128xf32, #tpu.memory_space<hbm>>) target_semaphore(%run_scoped3A : memref<!tpu.dma_semaphore, #tpu.memory_space<semaphore_mem>>)
      %dma_wait3A = arith.constant 0 : i32
      %dma_wait3A_178 = tpu.memref_slice %arg5[%add3A_174, %dma_wait3A] : memref<40960x128xf32, #tpu.memory_space<hbm>> -> memref<128x128xf32, #tpu.memory_space<hbm>>
      %dma_wait3A_179 = arith.constant 0 : i32
      %dma_wait3A_180 = tpu.memref_slice %arg10[%add3A_173, %dma_wait3A_179] : memref<10240x128xf32, #tpu.memory_space<vmem_shared>> -> memref<128x128xf32, #tpu.memory_space<vmem_shared>>
      tpu.wait_dma2 semaphore(%run_scoped3A : memref<!tpu.dma_semaphore, #tpu.memory_space<semaphore_mem>>) src(%dma_wait3A_180 : memref<128x128xf32, #tpu.memory_space<vmem_shared>>) dst(%dma_wait3A_178 : memref<128x128xf32, #tpu.memory_space<hbm>>)
      tpu.yield
    }) : () -> ()
    return
  }
}

module attributes {stable_mosaic.version = 14 : i64} {
  func.func @kern(%arg0: i32, %arg1: memref<2x1024x128xf32, #tpu.memory_space<vmem>>, %arg2: memref<2x1024x128xf32, #tpu.memory_space<vmem>>, %arg3: memref<2x1024x128xf32, #tpu.memory_space<vmem>>, %arg4: memref<2x128x512xf32, #tpu.memory_space<vmem>>, %arg5: memref<2x128x512xf32, #tpu.memory_space<vmem>>, %arg6: memref<1x512xf32, #tpu.memory_space<vmem>>, %arg7: memref<4x1024x128xf32, #tpu.memory_space<vmem>>) attributes {dimension_semantics = [#tpu.dimension_semantics<parallel>], iteration_bounds = array<i64: 10>, scalar_prefetch = 0 : i64, scratch_operands = 0 : i64, tpu.core_type = #tpu.core_type<tc>, window_params = [{transform_indices = @transform_0, window_bounds = array<i64: 2, 1024, 128>}, {transform_indices = @transform_1, window_bounds = array<i64: 2, 1024, 128>}, {transform_indices = @transform_2, window_bounds = array<i64: 2, 1024, 128>}, {pipeline_mode = #tpu.pipeline_mode<synchronous>, transform_indices = @transform_3, window_bounds = array<i64: 2, 128, 512>}, {pipeline_mode = #tpu.pipeline_mode<synchronous>, transform_indices = @transform_4, window_bounds = array<i64: 2, 128, 512>}, {pipeline_mode = #tpu.pipeline_mode<synchronous>, transform_indices = @transform_5, window_bounds = array<i64: 1, 512>}, {transform_indices = @transform_6, window_bounds = array<i64: 4, 1024, 128>}]} {
    %get3A = arith.constant 0 : index
    %get3A_0 = arith.constant 0 : index
    %get3A_1 = arith.constant 0 : index
    %get3A_2 = vector.load %arg3[%get3A, %get3A_0, %get3A_1] : memref<2x1024x128xf32, #tpu.memory_space<vmem>>, vector<1x1024x1xf32>
    %get3A_3 = vector.shape_cast %get3A_2 : vector<1x1024x1xf32> to vector<1024x1xf32>
    %get3A_4 = arith.constant 1 : index
    %get3A_5 = arith.constant 0 : index
    %get3A_6 = arith.constant 0 : index
    %get3A_7 = vector.load %arg3[%get3A_4, %get3A_5, %get3A_6] : memref<2x1024x128xf32, #tpu.memory_space<vmem>>, vector<1x1024x1xf32>
    %get3A_8 = vector.shape_cast %get3A_7 : vector<1x1024x1xf32> to vector<1024x1xf32>
    %add3A = arith.addf %get3A_3, %get3A_8 : vector<1024x1xf32>
    %max3A = arith.constant 1.000000e+00 : f32
    %max3A_9 = vector.broadcast %max3A : f32 to vector<1024x1xf32>
    %max3A_10 = arith.maximumf %add3A, %max3A_9 : vector<1024x1xf32>
    %div3A = arith.constant 1.000000e+00 : f32
    %div3A_11 = vector.broadcast %div3A : f32 to vector<1024x1xf32>
    %div3A_12 = arith.divf %div3A_11, %max3A_10 : vector<1024x1xf32>
    %get3A_13 = arith.constant 0 : index
    %get3A_14 = arith.constant 0 : index
    %get3A_15 = vector.load %arg6[%get3A_13, %get3A_14] : memref<1x512xf32, #tpu.memory_space<vmem>>, vector<1x512xf32>
    %broadcast_in_dim3A = vector.shape_cast %get3A_15 : vector<1x512xf32> to vector<1x512xf32>
    %broadcast_in_dim3A_16 = vector.broadcast %broadcast_in_dim3A : vector<1x512xf32> to vector<1024x512xf32>
    %get3A_17 = arith.constant 0 : index
    %get3A_18 = arith.constant 0 : index
    %get3A_19 = arith.constant 0 : index
    %get3A_20 = vector.load %arg1[%get3A_17, %get3A_18, %get3A_19] : memref<2x1024x128xf32, #tpu.memory_space<vmem>>, vector<1x1024x128xf32>
    %get3A_21 = vector.shape_cast %get3A_20 : vector<1x1024x128xf32> to vector<1024x128xf32>
    %get3A_22 = arith.constant 0 : index
    %get3A_23 = arith.constant 0 : index
    %get3A_24 = arith.constant 0 : index
    %get3A_25 = vector.load %arg4[%get3A_22, %get3A_23, %get3A_24] : memref<2x128x512xf32, #tpu.memory_space<vmem>>, vector<1x128x512xf32>
    %get3A_26 = vector.shape_cast %get3A_25 : vector<1x128x512xf32> to vector<128x512xf32>
    %dot_general3A = arith.constant dense<0.000000e+00> : vector<1024x512xf32>
    %dot_general3A_27 = tpu.matmul %get3A_21, %get3A_26, %dot_general3A {dimension_numbers = #tpu.dot_dimension_numbers<[1], [0], [0], [1], [0, 0, 1, 1], [], []>, transpose_lhs_hint = false} : vector<1024x128xf32>, vector<128x512xf32>, vector<1024x512xf32> -> vector<1024x512xf32>
    %add3A_28 = arith.addf %broadcast_in_dim3A_16, %dot_general3A_27 : vector<1024x512xf32>
    %get3A_29 = arith.constant 0 : index
    %get3A_30 = arith.constant 0 : index
    %get3A_31 = arith.constant 0 : index
    %get3A_32 = vector.load %arg2[%get3A_29, %get3A_30, %get3A_31] : memref<2x1024x128xf32, #tpu.memory_space<vmem>>, vector<1x1024x128xf32>
    %get3A_33 = vector.shape_cast %get3A_32 : vector<1x1024x128xf32> to vector<1024x128xf32>
    %mul3A = vector.broadcast %div3A_12 : vector<1024x1xf32> to vector<1024x128xf32>
    %mul3A_34 = arith.mulf %get3A_33, %mul3A : vector<1024x128xf32>
    %get3A_35 = arith.constant 0 : index
    %get3A_36 = arith.constant 0 : index
    %get3A_37 = arith.constant 0 : index
    %get3A_38 = vector.load %arg5[%get3A_35, %get3A_36, %get3A_37] : memref<2x128x512xf32, #tpu.memory_space<vmem>>, vector<1x128x512xf32>
    %get3A_39 = vector.shape_cast %get3A_38 : vector<1x128x512xf32> to vector<128x512xf32>
    %dot_general3A_40 = arith.constant dense<0.000000e+00> : vector<1024x512xf32>
    %dot_general3A_41 = tpu.matmul %mul3A_34, %get3A_39, %dot_general3A_40 {dimension_numbers = #tpu.dot_dimension_numbers<[1], [0], [0], [1], [0, 0, 1, 1], [], []>, transpose_lhs_hint = false} : vector<1024x128xf32>, vector<128x512xf32>, vector<1024x512xf32> -> vector<1024x512xf32>
    %add3A_42 = arith.addf %add3A_28, %dot_general3A_41 : vector<1024x512xf32>
    %get3A_43 = arith.constant 1 : index
    %get3A_44 = arith.constant 0 : index
    %get3A_45 = arith.constant 0 : index
    %get3A_46 = vector.load %arg1[%get3A_43, %get3A_44, %get3A_45] : memref<2x1024x128xf32, #tpu.memory_space<vmem>>, vector<1x1024x128xf32>
    %get3A_47 = vector.shape_cast %get3A_46 : vector<1x1024x128xf32> to vector<1024x128xf32>
    %get3A_48 = arith.constant 1 : index
    %get3A_49 = arith.constant 0 : index
    %get3A_50 = arith.constant 0 : index
    %get3A_51 = vector.load %arg4[%get3A_48, %get3A_49, %get3A_50] : memref<2x128x512xf32, #tpu.memory_space<vmem>>, vector<1x128x512xf32>
    %get3A_52 = vector.shape_cast %get3A_51 : vector<1x128x512xf32> to vector<128x512xf32>
    %dot_general3A_53 = arith.constant dense<0.000000e+00> : vector<1024x512xf32>
    %dot_general3A_54 = tpu.matmul %get3A_47, %get3A_52, %dot_general3A_53 {dimension_numbers = #tpu.dot_dimension_numbers<[1], [0], [0], [1], [0, 0, 1, 1], [], []>, transpose_lhs_hint = false} : vector<1024x128xf32>, vector<128x512xf32>, vector<1024x512xf32> -> vector<1024x512xf32>
    %add3A_55 = arith.addf %add3A_42, %dot_general3A_54 : vector<1024x512xf32>
    %get3A_56 = arith.constant 1 : index
    %get3A_57 = arith.constant 0 : index
    %get3A_58 = arith.constant 0 : index
    %get3A_59 = vector.load %arg2[%get3A_56, %get3A_57, %get3A_58] : memref<2x1024x128xf32, #tpu.memory_space<vmem>>, vector<1x1024x128xf32>
    %get3A_60 = vector.shape_cast %get3A_59 : vector<1x1024x128xf32> to vector<1024x128xf32>
    %mul3A_61 = vector.broadcast %div3A_12 : vector<1024x1xf32> to vector<1024x128xf32>
    %mul3A_62 = arith.mulf %get3A_60, %mul3A_61 : vector<1024x128xf32>
    %get3A_63 = arith.constant 1 : index
    %get3A_64 = arith.constant 0 : index
    %get3A_65 = arith.constant 0 : index
    %get3A_66 = vector.load %arg5[%get3A_63, %get3A_64, %get3A_65] : memref<2x128x512xf32, #tpu.memory_space<vmem>>, vector<1x128x512xf32>
    %get3A_67 = vector.shape_cast %get3A_66 : vector<1x128x512xf32> to vector<128x512xf32>
    %dot_general3A_68 = arith.constant dense<0.000000e+00> : vector<1024x512xf32>
    %dot_general3A_69 = tpu.matmul %mul3A_62, %get3A_67, %dot_general3A_68 {dimension_numbers = #tpu.dot_dimension_numbers<[1], [0], [0], [1], [0, 0, 1, 1], [], []>, transpose_lhs_hint = false} : vector<1024x128xf32>, vector<128x512xf32>, vector<1024x512xf32> -> vector<1024x512xf32>
    %add3A_70 = arith.addf %add3A_55, %dot_general3A_69 : vector<1024x512xf32>
    %max3A_71 = arith.constant 0.000000e+00 : f32
    %max3A_72 = vector.broadcast %max3A_71 : f32 to vector<1024x512xf32>
    %max3A_73 = arith.maximumf %add3A_70, %max3A_72 : vector<1024x512xf32>
    %slice3A = vector.extract_strided_slice %max3A_73 {offsets = [0, 0], sizes = [1024, 128], strides = [1, 1]} : vector<1024x512xf32> to vector<1024x128xf32>
    %swap3A = arith.constant 0 : index
    %swap3A_74 = arith.constant 0 : index
    %swap3A_75 = arith.constant 0 : index
    %swap3A_76 = vector.load %arg7[%swap3A, %swap3A_74, %swap3A_75] : memref<4x1024x128xf32, #tpu.memory_space<vmem>>, vector<1x1024x128xf32>
    %swap3A_77 = vector.shape_cast %swap3A_76 : vector<1x1024x128xf32> to vector<1024x128xf32>
    %swap3A_78 = vector.shape_cast %slice3A : vector<1024x128xf32> to vector<1x1024x128xf32>
    tpu.vector_store %arg7[%swap3A, %swap3A_74, %swap3A_75], %swap3A_78 {strides = array<i32>} : memref<4x1024x128xf32, #tpu.memory_space<vmem>>, vector<1x1024x128xf32>,
    %slice3A_79 = vector.extract_strided_slice %max3A_73 {offsets = [0, 128], sizes = [1024, 128], strides = [1, 1]} : vector<1024x512xf32> to vector<1024x128xf32>
    %swap3A_80 = arith.constant 1 : index
    %swap3A_81 = arith.constant 0 : index
    %swap3A_82 = arith.constant 0 : index
    %swap3A_83 = vector.load %arg7[%swap3A_80, %swap3A_81, %swap3A_82] : memref<4x1024x128xf32, #tpu.memory_space<vmem>>, vector<1x1024x128xf32>
    %swap3A_84 = vector.shape_cast %swap3A_83 : vector<1x1024x128xf32> to vector<1024x128xf32>
    %swap3A_85 = vector.shape_cast %slice3A_79 : vector<1024x128xf32> to vector<1x1024x128xf32>
    tpu.vector_store %arg7[%swap3A_80, %swap3A_81, %swap3A_82], %swap3A_85 {strides = array<i32>} : memref<4x1024x128xf32, #tpu.memory_space<vmem>>, vector<1x1024x128xf32>,
    %slice3A_86 = vector.extract_strided_slice %max3A_73 {offsets = [0, 256], sizes = [1024, 128], strides = [1, 1]} : vector<1024x512xf32> to vector<1024x128xf32>
    %swap3A_87 = arith.constant 2 : index
    %swap3A_88 = arith.constant 0 : index
    %swap3A_89 = arith.constant 0 : index
    %swap3A_90 = vector.load %arg7[%swap3A_87, %swap3A_88, %swap3A_89] : memref<4x1024x128xf32, #tpu.memory_space<vmem>>, vector<1x1024x128xf32>
    %swap3A_91 = vector.shape_cast %swap3A_90 : vector<1x1024x128xf32> to vector<1024x128xf32>
    %swap3A_92 = vector.shape_cast %slice3A_86 : vector<1024x128xf32> to vector<1x1024x128xf32>
    tpu.vector_store %arg7[%swap3A_87, %swap3A_88, %swap3A_89], %swap3A_92 {strides = array<i32>} : memref<4x1024x128xf32, #tpu.memory_space<vmem>>, vector<1x1024x128xf32>,
    %slice3A_93 = vector.extract_strided_slice %max3A_73 {offsets = [0, 384], sizes = [1024, 128], strides = [1, 1]} : vector<1024x512xf32> to vector<1024x128xf32>
    %swap3A_94 = arith.constant 3 : index
    %swap3A_95 = arith.constant 0 : index
    %swap3A_96 = arith.constant 0 : index
    %swap3A_97 = vector.load %arg7[%swap3A_94, %swap3A_95, %swap3A_96] : memref<4x1024x128xf32, #tpu.memory_space<vmem>>, vector<1x1024x128xf32>
    %swap3A_98 = vector.shape_cast %swap3A_97 : vector<1x1024x128xf32> to vector<1024x128xf32>
    %swap3A_99 = vector.shape_cast %slice3A_93 : vector<1024x128xf32> to vector<1x1024x128xf32>
    tpu.vector_store %arg7[%swap3A_94, %swap3A_95, %swap3A_96], %swap3A_99 {strides = array<i32>} : memref<4x1024x128xf32, #tpu.memory_space<vmem>>, vector<1x1024x128xf32>,
    return
  }
  func.func @transform_0(%arg0: i32) -> (i32, i32, i32) {
    %c0_i32 = arith.constant 0 : i32
    %c0_i32_0 = arith.constant 0 : i32
    %c0_i32_1 = arith.constant 0 : i32
    return %c0_i32, %arg0, %c0_i32_0 : i32, i32, i32
  }
  func.func @transform_1(%arg0: i32) -> (i32, i32, i32) {
    %c0_i32 = arith.constant 0 : i32
    %c0_i32_0 = arith.constant 0 : i32
    %c0_i32_1 = arith.constant 0 : i32
    return %c0_i32, %arg0, %c0_i32_0 : i32, i32, i32
  }
  func.func @transform_2(%arg0: i32) -> (i32, i32, i32) {
    %c0_i32 = arith.constant 0 : i32
    %c0_i32_0 = arith.constant 0 : i32
    %c0_i32_1 = arith.constant 0 : i32
    return %c0_i32, %arg0, %c0_i32_0 : i32, i32, i32
  }
  func.func @transform_3(%arg0: i32) -> (i32, i32, i32) {
    %c0_i32 = arith.constant 0 : i32
    %c0_i32_0 = arith.constant 0 : i32
    %c0_i32_1 = arith.constant 0 : i32
    %c0_i32_2 = arith.constant 0 : i32
    return %c0_i32, %c0_i32_0, %c0_i32_1 : i32, i32, i32
  }
  func.func @transform_4(%arg0: i32) -> (i32, i32, i32) {
    %c0_i32 = arith.constant 0 : i32
    %c0_i32_0 = arith.constant 0 : i32
    %c0_i32_1 = arith.constant 0 : i32
    %c0_i32_2 = arith.constant 0 : i32
    return %c0_i32, %c0_i32_0, %c0_i32_1 : i32, i32, i32
  }
  func.func @transform_5(%arg0: i32) -> (i32, i32) {
    %c0_i32 = arith.constant 0 : i32
    %c0_i32_0 = arith.constant 0 : i32
    %c0_i32_1 = arith.constant 0 : i32
    return %c0_i32, %c0_i32_0 : i32, i32
  }
  func.func @transform_6(%arg0: i32) -> (i32, i32, i32) {
    %c0_i32 = arith.constant 0 : i32
    %c0_i32_0 = arith.constant 0 : i32
    %c0_i32_1 = arith.constant 0 : i32
    return %c0_i32, %arg0, %c0_i32_0 : i32, i32, i32
  }
}

module attributes {stable_mosaic.version = 14 : i64} {
  func.func @kern(%arg0: i32, %arg1: memref<4x1024x128xf32, #tpu.memory_space<vmem>>, %arg2: memref<4x1024x128xf32, #tpu.memory_space<vmem>>, %arg3: memref<2x1024x128xf32, #tpu.memory_space<vmem>>, %arg4: memref<4x128x512xf32, #tpu.memory_space<vmem>>, %arg5: memref<4x128x512xf32, #tpu.memory_space<vmem>>, %arg6: memref<1x512xf32, #tpu.memory_space<vmem>>, %arg7: memref<4x1024x128xf32, #tpu.memory_space<vmem>>) attributes {dimension_semantics = [#tpu.dimension_semantics<parallel>], iteration_bounds = array<i64: 10>, scalar_prefetch = 0 : i64, scratch_operands = 0 : i64, tpu.core_type = #tpu.core_type<tc>, window_params = [{transform_indices = @transform_0, window_bounds = array<i64: 4, 1024, 128>}, {transform_indices = @transform_1, window_bounds = array<i64: 4, 1024, 128>}, {transform_indices = @transform_2, window_bounds = array<i64: 2, 1024, 128>}, {pipeline_mode = #tpu.pipeline_mode<synchronous>, transform_indices = @transform_3, window_bounds = array<i64: 4, 128, 512>}, {pipeline_mode = #tpu.pipeline_mode<synchronous>, transform_indices = @transform_4, window_bounds = array<i64: 4, 128, 512>}, {pipeline_mode = #tpu.pipeline_mode<synchronous>, transform_indices = @transform_5, window_bounds = array<i64: 1, 512>}, {transform_indices = @transform_6, window_bounds = array<i64: 4, 1024, 128>}]} {
    %get3A = arith.constant 0 : index
    %get3A_0 = arith.constant 0 : index
    %get3A_1 = arith.constant 0 : index
    %get3A_2 = vector.load %arg3[%get3A, %get3A_0, %get3A_1] : memref<2x1024x128xf32, #tpu.memory_space<vmem>>, vector<1x1024x1xf32>
    %get3A_3 = vector.shape_cast %get3A_2 : vector<1x1024x1xf32> to vector<1024x1xf32>
    %get3A_4 = arith.constant 1 : index
    %get3A_5 = arith.constant 0 : index
    %get3A_6 = arith.constant 0 : index
    %get3A_7 = vector.load %arg3[%get3A_4, %get3A_5, %get3A_6] : memref<2x1024x128xf32, #tpu.memory_space<vmem>>, vector<1x1024x1xf32>
    %get3A_8 = vector.shape_cast %get3A_7 : vector<1x1024x1xf32> to vector<1024x1xf32>
    %add3A = arith.addf %get3A_3, %get3A_8 : vector<1024x1xf32>
    %max3A = arith.constant 1.000000e+00 : f32
    %max3A_9 = vector.broadcast %max3A : f32 to vector<1024x1xf32>
    %max3A_10 = arith.maximumf %add3A, %max3A_9 : vector<1024x1xf32>
    %div3A = arith.constant 1.000000e+00 : f32
    %div3A_11 = vector.broadcast %div3A : f32 to vector<1024x1xf32>
    %div3A_12 = arith.divf %div3A_11, %max3A_10 : vector<1024x1xf32>
    %get3A_13 = arith.constant 0 : index
    %get3A_14 = arith.constant 0 : index
    %get3A_15 = vector.load %arg6[%get3A_13, %get3A_14] : memref<1x512xf32, #tpu.memory_space<vmem>>, vector<1x512xf32>
    %broadcast_in_dim3A = vector.shape_cast %get3A_15 : vector<1x512xf32> to vector<1x512xf32>
    %broadcast_in_dim3A_16 = vector.broadcast %broadcast_in_dim3A : vector<1x512xf32> to vector<1024x512xf32>
    %get3A_17 = arith.constant 0 : index
    %get3A_18 = arith.constant 0 : index
    %get3A_19 = arith.constant 0 : index
    %get3A_20 = vector.load %arg1[%get3A_17, %get3A_18, %get3A_19] : memref<4x1024x128xf32, #tpu.memory_space<vmem>>, vector<1x1024x128xf32>
    %get3A_21 = vector.shape_cast %get3A_20 : vector<1x1024x128xf32> to vector<1024x128xf32>
    %get3A_22 = arith.constant 0 : index
    %get3A_23 = arith.constant 0 : index
    %get3A_24 = arith.constant 0 : index
    %get3A_25 = vector.load %arg4[%get3A_22, %get3A_23, %get3A_24] : memref<4x128x512xf32, #tpu.memory_space<vmem>>, vector<1x128x512xf32>
    %get3A_26 = vector.shape_cast %get3A_25 : vector<1x128x512xf32> to vector<128x512xf32>
    %dot_general3A = arith.constant dense<0.000000e+00> : vector<1024x512xf32>
    %dot_general3A_27 = tpu.matmul %get3A_21, %get3A_26, %dot_general3A {dimension_numbers = #tpu.dot_dimension_numbers<[1], [0], [0], [1], [0, 0, 1, 1], [], []>, transpose_lhs_hint = false} : vector<1024x128xf32>, vector<128x512xf32>, vector<1024x512xf32> -> vector<1024x512xf32>
    %add3A_28 = arith.addf %broadcast_in_dim3A_16, %dot_general3A_27 : vector<1024x512xf32>
    %get3A_29 = arith.constant 0 : index
    %get3A_30 = arith.constant 0 : index
    %get3A_31 = arith.constant 0 : index
    %get3A_32 = vector.load %arg2[%get3A_29, %get3A_30, %get3A_31] : memref<4x1024x128xf32, #tpu.memory_space<vmem>>, vector<1x1024x128xf32>
    %get3A_33 = vector.shape_cast %get3A_32 : vector<1x1024x128xf32> to vector<1024x128xf32>
    %mul3A = vector.broadcast %div3A_12 : vector<1024x1xf32> to vector<1024x128xf32>
    %mul3A_34 = arith.mulf %get3A_33, %mul3A : vector<1024x128xf32>
    %get3A_35 = arith.constant 0 : index
    %get3A_36 = arith.constant 0 : index
    %get3A_37 = arith.constant 0 : index
    %get3A_38 = vector.load %arg5[%get3A_35, %get3A_36, %get3A_37] : memref<4x128x512xf32, #tpu.memory_space<vmem>>, vector<1x128x512xf32>
    %get3A_39 = vector.shape_cast %get3A_38 : vector<1x128x512xf32> to vector<128x512xf32>
    %dot_general3A_40 = arith.constant dense<0.000000e+00> : vector<1024x512xf32>
    %dot_general3A_41 = tpu.matmul %mul3A_34, %get3A_39, %dot_general3A_40 {dimension_numbers = #tpu.dot_dimension_numbers<[1], [0], [0], [1], [0, 0, 1, 1], [], []>, transpose_lhs_hint = false} : vector<1024x128xf32>, vector<128x512xf32>, vector<1024x512xf32> -> vector<1024x512xf32>
    %add3A_42 = arith.addf %add3A_28, %dot_general3A_41 : vector<1024x512xf32>
    %get3A_43 = arith.constant 1 : index
    %get3A_44 = arith.constant 0 : index
    %get3A_45 = arith.constant 0 : index
    %get3A_46 = vector.load %arg1[%get3A_43, %get3A_44, %get3A_45] : memref<4x1024x128xf32, #tpu.memory_space<vmem>>, vector<1x1024x128xf32>
    %get3A_47 = vector.shape_cast %get3A_46 : vector<1x1024x128xf32> to vector<1024x128xf32>
    %get3A_48 = arith.constant 1 : index
    %get3A_49 = arith.constant 0 : index
    %get3A_50 = arith.constant 0 : index
    %get3A_51 = vector.load %arg4[%get3A_48, %get3A_49, %get3A_50] : memref<4x128x512xf32, #tpu.memory_space<vmem>>, vector<1x128x512xf32>
    %get3A_52 = vector.shape_cast %get3A_51 : vector<1x128x512xf32> to vector<128x512xf32>
    %dot_general3A_53 = arith.constant dense<0.000000e+00> : vector<1024x512xf32>
    %dot_general3A_54 = tpu.matmul %get3A_47, %get3A_52, %dot_general3A_53 {dimension_numbers = #tpu.dot_dimension_numbers<[1], [0], [0], [1], [0, 0, 1, 1], [], []>, transpose_lhs_hint = false} : vector<1024x128xf32>, vector<128x512xf32>, vector<1024x512xf32> -> vector<1024x512xf32>
    %add3A_55 = arith.addf %add3A_42, %dot_general3A_54 : vector<1024x512xf32>
    %get3A_56 = arith.constant 1 : index
    %get3A_57 = arith.constant 0 : index
    %get3A_58 = arith.constant 0 : index
    %get3A_59 = vector.load %arg2[%get3A_56, %get3A_57, %get3A_58] : memref<4x1024x128xf32, #tpu.memory_space<vmem>>, vector<1x1024x128xf32>
    %get3A_60 = vector.shape_cast %get3A_59 : vector<1x1024x128xf32> to vector<1024x128xf32>
    %mul3A_61 = vector.broadcast %div3A_12 : vector<1024x1xf32> to vector<1024x128xf32>
    %mul3A_62 = arith.mulf %get3A_60, %mul3A_61 : vector<1024x128xf32>
    %get3A_63 = arith.constant 1 : index
    %get3A_64 = arith.constant 0 : index
    %get3A_65 = arith.constant 0 : index
    %get3A_66 = vector.load %arg5[%get3A_63, %get3A_64, %get3A_65] : memref<4x128x512xf32, #tpu.memory_space<vmem>>, vector<1x128x512xf32>
    %get3A_67 = vector.shape_cast %get3A_66 : vector<1x128x512xf32> to vector<128x512xf32>
    %dot_general3A_68 = arith.constant dense<0.000000e+00> : vector<1024x512xf32>
    %dot_general3A_69 = tpu.matmul %mul3A_62, %get3A_67, %dot_general3A_68 {dimension_numbers = #tpu.dot_dimension_numbers<[1], [0], [0], [1], [0, 0, 1, 1], [], []>, transpose_lhs_hint = false} : vector<1024x128xf32>, vector<128x512xf32>, vector<1024x512xf32> -> vector<1024x512xf32>
    %add3A_70 = arith.addf %add3A_55, %dot_general3A_69 : vector<1024x512xf32>
    %get3A_71 = arith.constant 2 : index
    %get3A_72 = arith.constant 0 : index
    %get3A_73 = arith.constant 0 : index
    %get3A_74 = vector.load %arg1[%get3A_71, %get3A_72, %get3A_73] : memref<4x1024x128xf32, #tpu.memory_space<vmem>>, vector<1x1024x128xf32>
    %get3A_75 = vector.shape_cast %get3A_74 : vector<1x1024x128xf32> to vector<1024x128xf32>
    %get3A_76 = arith.constant 2 : index
    %get3A_77 = arith.constant 0 : index
    %get3A_78 = arith.constant 0 : index
    %get3A_79 = vector.load %arg4[%get3A_76, %get3A_77, %get3A_78] : memref<4x128x512xf32, #tpu.memory_space<vmem>>, vector<1x128x512xf32>
    %get3A_80 = vector.shape_cast %get3A_79 : vector<1x128x512xf32> to vector<128x512xf32>
    %dot_general3A_81 = arith.constant dense<0.000000e+00> : vector<1024x512xf32>
    %dot_general3A_82 = tpu.matmul %get3A_75, %get3A_80, %dot_general3A_81 {dimension_numbers = #tpu.dot_dimension_numbers<[1], [0], [0], [1], [0, 0, 1, 1], [], []>, transpose_lhs_hint = false} : vector<1024x128xf32>, vector<128x512xf32>, vector<1024x512xf32> -> vector<1024x512xf32>
    %add3A_83 = arith.addf %add3A_70, %dot_general3A_82 : vector<1024x512xf32>
    %get3A_84 = arith.constant 2 : index
    %get3A_85 = arith.constant 0 : index
    %get3A_86 = arith.constant 0 : index
    %get3A_87 = vector.load %arg2[%get3A_84, %get3A_85, %get3A_86] : memref<4x1024x128xf32, #tpu.memory_space<vmem>>, vector<1x1024x128xf32>
    %get3A_88 = vector.shape_cast %get3A_87 : vector<1x1024x128xf32> to vector<1024x128xf32>
    %mul3A_89 = vector.broadcast %div3A_12 : vector<1024x1xf32> to vector<1024x128xf32>
    %mul3A_90 = arith.mulf %get3A_88, %mul3A_89 : vector<1024x128xf32>
    %get3A_91 = arith.constant 2 : index
    %get3A_92 = arith.constant 0 : index
    %get3A_93 = arith.constant 0 : index
    %get3A_94 = vector.load %arg5[%get3A_91, %get3A_92, %get3A_93] : memref<4x128x512xf32, #tpu.memory_space<vmem>>, vector<1x128x512xf32>
    %get3A_95 = vector.shape_cast %get3A_94 : vector<1x128x512xf32> to vector<128x512xf32>
    %dot_general3A_96 = arith.constant dense<0.000000e+00> : vector<1024x512xf32>
    %dot_general3A_97 = tpu.matmul %mul3A_90, %get3A_95, %dot_general3A_96 {dimension_numbers = #tpu.dot_dimension_numbers<[1], [0], [0], [1], [0, 0, 1, 1], [], []>, transpose_lhs_hint = false} : vector<1024x128xf32>, vector<128x512xf32>, vector<1024x512xf32> -> vector<1024x512xf32>
    %add3A_98 = arith.addf %add3A_83, %dot_general3A_97 : vector<1024x512xf32>
    %get3A_99 = arith.constant 3 : index
    %get3A_100 = arith.constant 0 : index
    %get3A_101 = arith.constant 0 : index
    %get3A_102 = vector.load %arg1[%get3A_99, %get3A_100, %get3A_101] : memref<4x1024x128xf32, #tpu.memory_space<vmem>>, vector<1x1024x128xf32>
    %get3A_103 = vector.shape_cast %get3A_102 : vector<1x1024x128xf32> to vector<1024x128xf32>
    %get3A_104 = arith.constant 3 : index
    %get3A_105 = arith.constant 0 : index
    %get3A_106 = arith.constant 0 : index
    %get3A_107 = vector.load %arg4[%get3A_104, %get3A_105, %get3A_106] : memref<4x128x512xf32, #tpu.memory_space<vmem>>, vector<1x128x512xf32>
    %get3A_108 = vector.shape_cast %get3A_107 : vector<1x128x512xf32> to vector<128x512xf32>
    %dot_general3A_109 = arith.constant dense<0.000000e+00> : vector<1024x512xf32>
    %dot_general3A_110 = tpu.matmul %get3A_103, %get3A_108, %dot_general3A_109 {dimension_numbers = #tpu.dot_dimension_numbers<[1], [0], [0], [1], [0, 0, 1, 1], [], []>, transpose_lhs_hint = false} : vector<1024x128xf32>, vector<128x512xf32>, vector<1024x512xf32> -> vector<1024x512xf32>
    %add3A_111 = arith.addf %add3A_98, %dot_general3A_110 : vector<1024x512xf32>
    %get3A_112 = arith.constant 3 : index
    %get3A_113 = arith.constant 0 : index
    %get3A_114 = arith.constant 0 : index
    %get3A_115 = vector.load %arg2[%get3A_112, %get3A_113, %get3A_114] : memref<4x1024x128xf32, #tpu.memory_space<vmem>>, vector<1x1024x128xf32>
    %get3A_116 = vector.shape_cast %get3A_115 : vector<1x1024x128xf32> to vector<1024x128xf32>
    %mul3A_117 = vector.broadcast %div3A_12 : vector<1024x1xf32> to vector<1024x128xf32>
    %mul3A_118 = arith.mulf %get3A_116, %mul3A_117 : vector<1024x128xf32>
    %get3A_119 = arith.constant 3 : index
    %get3A_120 = arith.constant 0 : index
    %get3A_121 = arith.constant 0 : index
    %get3A_122 = vector.load %arg5[%get3A_119, %get3A_120, %get3A_121] : memref<4x128x512xf32, #tpu.memory_space<vmem>>, vector<1x128x512xf32>
    %get3A_123 = vector.shape_cast %get3A_122 : vector<1x128x512xf32> to vector<128x512xf32>
    %dot_general3A_124 = arith.constant dense<0.000000e+00> : vector<1024x512xf32>
    %dot_general3A_125 = tpu.matmul %mul3A_118, %get3A_123, %dot_general3A_124 {dimension_numbers = #tpu.dot_dimension_numbers<[1], [0], [0], [1], [0, 0, 1, 1], [], []>, transpose_lhs_hint = false} : vector<1024x128xf32>, vector<128x512xf32>, vector<1024x512xf32> -> vector<1024x512xf32>
    %add3A_126 = arith.addf %add3A_111, %dot_general3A_125 : vector<1024x512xf32>
    %max3A_127 = arith.constant 0.000000e+00 : f32
    %max3A_128 = vector.broadcast %max3A_127 : f32 to vector<1024x512xf32>
    %max3A_129 = arith.maximumf %add3A_126, %max3A_128 : vector<1024x512xf32>
    %slice3A = vector.extract_strided_slice %max3A_129 {offsets = [0, 0], sizes = [1024, 128], strides = [1, 1]} : vector<1024x512xf32> to vector<1024x128xf32>
    %swap3A = arith.constant 0 : index
    %swap3A_130 = arith.constant 0 : index
    %swap3A_131 = arith.constant 0 : index
    %swap3A_132 = vector.load %arg7[%swap3A, %swap3A_130, %swap3A_131] : memref<4x1024x128xf32, #tpu.memory_space<vmem>>, vector<1x1024x128xf32>
    %swap3A_133 = vector.shape_cast %swap3A_132 : vector<1x1024x128xf32> to vector<1024x128xf32>
    %swap3A_134 = vector.shape_cast %slice3A : vector<1024x128xf32> to vector<1x1024x128xf32>
    tpu.vector_store %arg7[%swap3A, %swap3A_130, %swap3A_131], %swap3A_134 {strides = array<i32>} : memref<4x1024x128xf32, #tpu.memory_space<vmem>>, vector<1x1024x128xf32>,
    %slice3A_135 = vector.extract_strided_slice %max3A_129 {offsets = [0, 128], sizes = [1024, 128], strides = [1, 1]} : vector<1024x512xf32> to vector<1024x128xf32>
    %swap3A_136 = arith.constant 1 : index
    %swap3A_137 = arith.constant 0 : index
    %swap3A_138 = arith.constant 0 : index
    %swap3A_139 = vector.load %arg7[%swap3A_136, %swap3A_137, %swap3A_138] : memref<4x1024x128xf32, #tpu.memory_space<vmem>>, vector<1x1024x128xf32>
    %swap3A_140 = vector.shape_cast %swap3A_139 : vector<1x1024x128xf32> to vector<1024x128xf32>
    %swap3A_141 = vector.shape_cast %slice3A_135 : vector<1024x128xf32> to vector<1x1024x128xf32>
    tpu.vector_store %arg7[%swap3A_136, %swap3A_137, %swap3A_138], %swap3A_141 {strides = array<i32>} : memref<4x1024x128xf32, #tpu.memory_space<vmem>>, vector<1x1024x128xf32>,
    %slice3A_142 = vector.extract_strided_slice %max3A_129 {offsets = [0, 256], sizes = [1024, 128], strides = [1, 1]} : vector<1024x512xf32> to vector<1024x128xf32>
    %swap3A_143 = arith.constant 2 : index
    %swap3A_144 = arith.constant 0 : index
    %swap3A_145 = arith.constant 0 : index
    %swap3A_146 = vector.load %arg7[%swap3A_143, %swap3A_144, %swap3A_145] : memref<4x1024x128xf32, #tpu.memory_space<vmem>>, vector<1x1024x128xf32>
    %swap3A_147 = vector.shape_cast %swap3A_146 : vector<1x1024x128xf32> to vector<1024x128xf32>
    %swap3A_148 = vector.shape_cast %slice3A_142 : vector<1024x128xf32> to vector<1x1024x128xf32>
    tpu.vector_store %arg7[%swap3A_143, %swap3A_144, %swap3A_145], %swap3A_148 {strides = array<i32>} : memref<4x1024x128xf32, #tpu.memory_space<vmem>>, vector<1x1024x128xf32>,
    %slice3A_149 = vector.extract_strided_slice %max3A_129 {offsets = [0, 384], sizes = [1024, 128], strides = [1, 1]} : vector<1024x512xf32> to vector<1024x128xf32>
    %swap3A_150 = arith.constant 3 : index
    %swap3A_151 = arith.constant 0 : index
    %swap3A_152 = arith.constant 0 : index
    %swap3A_153 = vector.load %arg7[%swap3A_150, %swap3A_151, %swap3A_152] : memref<4x1024x128xf32, #tpu.memory_space<vmem>>, vector<1x1024x128xf32>
    %swap3A_154 = vector.shape_cast %swap3A_153 : vector<1x1024x128xf32> to vector<1024x128xf32>
    %swap3A_155 = vector.shape_cast %slice3A_149 : vector<1024x128xf32> to vector<1x1024x128xf32>
    tpu.vector_store %arg7[%swap3A_150, %swap3A_151, %swap3A_152], %swap3A_155 {strides = array<i32>} : memref<4x1024x128xf32, #tpu.memory_space<vmem>>, vector<1x1024x128xf32>,
    return
  }
  func.func @transform_0(%arg0: i32) -> (i32, i32, i32) {
    %c0_i32 = arith.constant 0 : i32
    %c0_i32_0 = arith.constant 0 : i32
    %c0_i32_1 = arith.constant 0 : i32
    return %c0_i32, %arg0, %c0_i32_0 : i32, i32, i32
  }
  func.func @transform_1(%arg0: i32) -> (i32, i32, i32) {
    %c0_i32 = arith.constant 0 : i32
    %c0_i32_0 = arith.constant 0 : i32
    %c0_i32_1 = arith.constant 0 : i32
    return %c0_i32, %arg0, %c0_i32_0 : i32, i32, i32
  }
  func.func @transform_2(%arg0: i32) -> (i32, i32, i32) {
    %c0_i32 = arith.constant 0 : i32
    %c0_i32_0 = arith.constant 0 : i32
    %c0_i32_1 = arith.constant 0 : i32
    return %c0_i32, %arg0, %c0_i32_0 : i32, i32, i32
  }
  func.func @transform_3(%arg0: i32) -> (i32, i32, i32) {
    %c0_i32 = arith.constant 0 : i32
    %c0_i32_0 = arith.constant 0 : i32
    %c0_i32_1 = arith.constant 0 : i32
    %c0_i32_2 = arith.constant 0 : i32
    return %c0_i32, %c0_i32_0, %c0_i32_1 : i32, i32, i32
  }
  func.func @transform_4(%arg0: i32) -> (i32, i32, i32) {
    %c0_i32 = arith.constant 0 : i32
    %c0_i32_0 = arith.constant 0 : i32
    %c0_i32_1 = arith.constant 0 : i32
    %c0_i32_2 = arith.constant 0 : i32
    return %c0_i32, %c0_i32_0, %c0_i32_1 : i32, i32, i32
  }
  func.func @transform_5(%arg0: i32) -> (i32, i32) {
    %c0_i32 = arith.constant 0 : i32
    %c0_i32_0 = arith.constant 0 : i32
    %c0_i32_1 = arith.constant 0 : i32
    return %c0_i32, %c0_i32_0 : i32, i32
  }
  func.func @transform_6(%arg0: i32) -> (i32, i32, i32) {
    %c0_i32 = arith.constant 0 : i32
    %c0_i32_0 = arith.constant 0 : i32
    %c0_i32_1 = arith.constant 0 : i32
    return %c0_i32, %arg0, %c0_i32_0 : i32, i32, i32
  }
}

module attributes {stable_mosaic.version = 14 : i64} {
  func.func @kern(%arg0: i32, %arg1: memref<4x1024x128xf32, #tpu.memory_space<vmem>>, %arg2: memref<4x1024x128xf32, #tpu.memory_space<vmem>>, %arg3: memref<2x1024x128xf32, #tpu.memory_space<vmem>>, %arg4: memref<4x128x512xf32, #tpu.memory_space<vmem>>, %arg5: memref<4x128x512xf32, #tpu.memory_space<vmem>>, %arg6: memref<1x512xf32, #tpu.memory_space<vmem>>, %arg7: memref<1024x512xf32, #tpu.memory_space<vmem>>) attributes {dimension_semantics = [#tpu.dimension_semantics<parallel>], iteration_bounds = array<i64: 10>, scalar_prefetch = 0 : i64, scratch_operands = 0 : i64, tpu.core_type = #tpu.core_type<tc>, window_params = [{transform_indices = @transform_0, window_bounds = array<i64: 4, 1024, 128>}, {transform_indices = @transform_1, window_bounds = array<i64: 4, 1024, 128>}, {transform_indices = @transform_2, window_bounds = array<i64: 2, 1024, 128>}, {pipeline_mode = #tpu.pipeline_mode<synchronous>, transform_indices = @transform_3, window_bounds = array<i64: 4, 128, 512>}, {pipeline_mode = #tpu.pipeline_mode<synchronous>, transform_indices = @transform_4, window_bounds = array<i64: 4, 128, 512>}, {pipeline_mode = #tpu.pipeline_mode<synchronous>, transform_indices = @transform_5, window_bounds = array<i64: 1, 512>}, {transform_indices = @transform_6, window_bounds = array<i64: 1024, 512>}]} {
    %get3A = arith.constant 0 : index
    %get3A_0 = arith.constant 0 : index
    %get3A_1 = arith.constant 0 : index
    %get3A_2 = vector.load %arg3[%get3A, %get3A_0, %get3A_1] : memref<2x1024x128xf32, #tpu.memory_space<vmem>>, vector<1x1024x1xf32>
    %get3A_3 = vector.shape_cast %get3A_2 : vector<1x1024x1xf32> to vector<1024x1xf32>
    %get3A_4 = arith.constant 1 : index
    %get3A_5 = arith.constant 0 : index
    %get3A_6 = arith.constant 0 : index
    %get3A_7 = vector.load %arg3[%get3A_4, %get3A_5, %get3A_6] : memref<2x1024x128xf32, #tpu.memory_space<vmem>>, vector<1x1024x1xf32>
    %get3A_8 = vector.shape_cast %get3A_7 : vector<1x1024x1xf32> to vector<1024x1xf32>
    %add3A = arith.addf %get3A_3, %get3A_8 : vector<1024x1xf32>
    %max3A = arith.constant 1.000000e+00 : f32
    %max3A_9 = vector.broadcast %max3A : f32 to vector<1024x1xf32>
    %max3A_10 = arith.maximumf %add3A, %max3A_9 : vector<1024x1xf32>
    %div3A = arith.constant 1.000000e+00 : f32
    %div3A_11 = vector.broadcast %div3A : f32 to vector<1024x1xf32>
    %div3A_12 = arith.divf %div3A_11, %max3A_10 : vector<1024x1xf32>
    %get3A_13 = arith.constant 0 : index
    %get3A_14 = arith.constant 0 : index
    %get3A_15 = vector.load %arg6[%get3A_13, %get3A_14] : memref<1x512xf32, #tpu.memory_space<vmem>>, vector<1x512xf32>
    %broadcast_in_dim3A = vector.shape_cast %get3A_15 : vector<1x512xf32> to vector<1x512xf32>
    %broadcast_in_dim3A_16 = vector.broadcast %broadcast_in_dim3A : vector<1x512xf32> to vector<1024x512xf32>
    %get3A_17 = arith.constant 0 : index
    %get3A_18 = arith.constant 0 : index
    %get3A_19 = arith.constant 0 : index
    %get3A_20 = vector.load %arg1[%get3A_17, %get3A_18, %get3A_19] : memref<4x1024x128xf32, #tpu.memory_space<vmem>>, vector<1x1024x128xf32>
    %get3A_21 = vector.shape_cast %get3A_20 : vector<1x1024x128xf32> to vector<1024x128xf32>
    %get3A_22 = arith.constant 0 : index
    %get3A_23 = arith.constant 0 : index
    %get3A_24 = arith.constant 0 : index
    %get3A_25 = vector.load %arg4[%get3A_22, %get3A_23, %get3A_24] : memref<4x128x512xf32, #tpu.memory_space<vmem>>, vector<1x128x512xf32>
    %get3A_26 = vector.shape_cast %get3A_25 : vector<1x128x512xf32> to vector<128x512xf32>
    %dot_general3A = arith.constant dense<0.000000e+00> : vector<1024x512xf32>
    %dot_general3A_27 = tpu.matmul %get3A_21, %get3A_26, %dot_general3A {dimension_numbers = #tpu.dot_dimension_numbers<[1], [0], [0], [1], [0, 0, 1, 1], [], []>, transpose_lhs_hint = false} : vector<1024x128xf32>, vector<128x512xf32>, vector<1024x512xf32> -> vector<1024x512xf32>
    %add3A_28 = arith.addf %broadcast_in_dim3A_16, %dot_general3A_27 : vector<1024x512xf32>
    %get3A_29 = arith.constant 0 : index
    %get3A_30 = arith.constant 0 : index
    %get3A_31 = arith.constant 0 : index
    %get3A_32 = vector.load %arg2[%get3A_29, %get3A_30, %get3A_31] : memref<4x1024x128xf32, #tpu.memory_space<vmem>>, vector<1x1024x128xf32>
    %get3A_33 = vector.shape_cast %get3A_32 : vector<1x1024x128xf32> to vector<1024x128xf32>
    %mul3A = vector.broadcast %div3A_12 : vector<1024x1xf32> to vector<1024x128xf32>
    %mul3A_34 = arith.mulf %get3A_33, %mul3A : vector<1024x128xf32>
    %get3A_35 = arith.constant 0 : index
    %get3A_36 = arith.constant 0 : index
    %get3A_37 = arith.constant 0 : index
    %get3A_38 = vector.load %arg5[%get3A_35, %get3A_36, %get3A_37] : memref<4x128x512xf32, #tpu.memory_space<vmem>>, vector<1x128x512xf32>
    %get3A_39 = vector.shape_cast %get3A_38 : vector<1x128x512xf32> to vector<128x512xf32>
    %dot_general3A_40 = arith.constant dense<0.000000e+00> : vector<1024x512xf32>
    %dot_general3A_41 = tpu.matmul %mul3A_34, %get3A_39, %dot_general3A_40 {dimension_numbers = #tpu.dot_dimension_numbers<[1], [0], [0], [1], [0, 0, 1, 1], [], []>, transpose_lhs_hint = false} : vector<1024x128xf32>, vector<128x512xf32>, vector<1024x512xf32> -> vector<1024x512xf32>
    %add3A_42 = arith.addf %add3A_28, %dot_general3A_41 : vector<1024x512xf32>
    %get3A_43 = arith.constant 1 : index
    %get3A_44 = arith.constant 0 : index
    %get3A_45 = arith.constant 0 : index
    %get3A_46 = vector.load %arg1[%get3A_43, %get3A_44, %get3A_45] : memref<4x1024x128xf32, #tpu.memory_space<vmem>>, vector<1x1024x128xf32>
    %get3A_47 = vector.shape_cast %get3A_46 : vector<1x1024x128xf32> to vector<1024x128xf32>
    %get3A_48 = arith.constant 1 : index
    %get3A_49 = arith.constant 0 : index
    %get3A_50 = arith.constant 0 : index
    %get3A_51 = vector.load %arg4[%get3A_48, %get3A_49, %get3A_50] : memref<4x128x512xf32, #tpu.memory_space<vmem>>, vector<1x128x512xf32>
    %get3A_52 = vector.shape_cast %get3A_51 : vector<1x128x512xf32> to vector<128x512xf32>
    %dot_general3A_53 = arith.constant dense<0.000000e+00> : vector<1024x512xf32>
    %dot_general3A_54 = tpu.matmul %get3A_47, %get3A_52, %dot_general3A_53 {dimension_numbers = #tpu.dot_dimension_numbers<[1], [0], [0], [1], [0, 0, 1, 1], [], []>, transpose_lhs_hint = false} : vector<1024x128xf32>, vector<128x512xf32>, vector<1024x512xf32> -> vector<1024x512xf32>
    %add3A_55 = arith.addf %add3A_42, %dot_general3A_54 : vector<1024x512xf32>
    %get3A_56 = arith.constant 1 : index
    %get3A_57 = arith.constant 0 : index
    %get3A_58 = arith.constant 0 : index
    %get3A_59 = vector.load %arg2[%get3A_56, %get3A_57, %get3A_58] : memref<4x1024x128xf32, #tpu.memory_space<vmem>>, vector<1x1024x128xf32>
    %get3A_60 = vector.shape_cast %get3A_59 : vector<1x1024x128xf32> to vector<1024x128xf32>
    %mul3A_61 = vector.broadcast %div3A_12 : vector<1024x1xf32> to vector<1024x128xf32>
    %mul3A_62 = arith.mulf %get3A_60, %mul3A_61 : vector<1024x128xf32>
    %get3A_63 = arith.constant 1 : index
    %get3A_64 = arith.constant 0 : index
    %get3A_65 = arith.constant 0 : index
    %get3A_66 = vector.load %arg5[%get3A_63, %get3A_64, %get3A_65] : memref<4x128x512xf32, #tpu.memory_space<vmem>>, vector<1x128x512xf32>
    %get3A_67 = vector.shape_cast %get3A_66 : vector<1x128x512xf32> to vector<128x512xf32>
    %dot_general3A_68 = arith.constant dense<0.000000e+00> : vector<1024x512xf32>
    %dot_general3A_69 = tpu.matmul %mul3A_62, %get3A_67, %dot_general3A_68 {dimension_numbers = #tpu.dot_dimension_numbers<[1], [0], [0], [1], [0, 0, 1, 1], [], []>, transpose_lhs_hint = false} : vector<1024x128xf32>, vector<128x512xf32>, vector<1024x512xf32> -> vector<1024x512xf32>
    %add3A_70 = arith.addf %add3A_55, %dot_general3A_69 : vector<1024x512xf32>
    %get3A_71 = arith.constant 2 : index
    %get3A_72 = arith.constant 0 : index
    %get3A_73 = arith.constant 0 : index
    %get3A_74 = vector.load %arg1[%get3A_71, %get3A_72, %get3A_73] : memref<4x1024x128xf32, #tpu.memory_space<vmem>>, vector<1x1024x128xf32>
    %get3A_75 = vector.shape_cast %get3A_74 : vector<1x1024x128xf32> to vector<1024x128xf32>
    %get3A_76 = arith.constant 2 : index
    %get3A_77 = arith.constant 0 : index
    %get3A_78 = arith.constant 0 : index
    %get3A_79 = vector.load %arg4[%get3A_76, %get3A_77, %get3A_78] : memref<4x128x512xf32, #tpu.memory_space<vmem>>, vector<1x128x512xf32>
    %get3A_80 = vector.shape_cast %get3A_79 : vector<1x128x512xf32> to vector<128x512xf32>
    %dot_general3A_81 = arith.constant dense<0.000000e+00> : vector<1024x512xf32>
    %dot_general3A_82 = tpu.matmul %get3A_75, %get3A_80, %dot_general3A_81 {dimension_numbers = #tpu.dot_dimension_numbers<[1], [0], [0], [1], [0, 0, 1, 1], [], []>, transpose_lhs_hint = false} : vector<1024x128xf32>, vector<128x512xf32>, vector<1024x512xf32> -> vector<1024x512xf32>
    %add3A_83 = arith.addf %add3A_70, %dot_general3A_82 : vector<1024x512xf32>
    %get3A_84 = arith.constant 2 : index
    %get3A_85 = arith.constant 0 : index
    %get3A_86 = arith.constant 0 : index
    %get3A_87 = vector.load %arg2[%get3A_84, %get3A_85, %get3A_86] : memref<4x1024x128xf32, #tpu.memory_space<vmem>>, vector<1x1024x128xf32>
    %get3A_88 = vector.shape_cast %get3A_87 : vector<1x1024x128xf32> to vector<1024x128xf32>
    %mul3A_89 = vector.broadcast %div3A_12 : vector<1024x1xf32> to vector<1024x128xf32>
    %mul3A_90 = arith.mulf %get3A_88, %mul3A_89 : vector<1024x128xf32>
    %get3A_91 = arith.constant 2 : index
    %get3A_92 = arith.constant 0 : index
    %get3A_93 = arith.constant 0 : index
    %get3A_94 = vector.load %arg5[%get3A_91, %get3A_92, %get3A_93] : memref<4x128x512xf32, #tpu.memory_space<vmem>>, vector<1x128x512xf32>
    %get3A_95 = vector.shape_cast %get3A_94 : vector<1x128x512xf32> to vector<128x512xf32>
    %dot_general3A_96 = arith.constant dense<0.000000e+00> : vector<1024x512xf32>
    %dot_general3A_97 = tpu.matmul %mul3A_90, %get3A_95, %dot_general3A_96 {dimension_numbers = #tpu.dot_dimension_numbers<[1], [0], [0], [1], [0, 0, 1, 1], [], []>, transpose_lhs_hint = false} : vector<1024x128xf32>, vector<128x512xf32>, vector<1024x512xf32> -> vector<1024x512xf32>
    %add3A_98 = arith.addf %add3A_83, %dot_general3A_97 : vector<1024x512xf32>
    %get3A_99 = arith.constant 3 : index
    %get3A_100 = arith.constant 0 : index
    %get3A_101 = arith.constant 0 : index
    %get3A_102 = vector.load %arg1[%get3A_99, %get3A_100, %get3A_101] : memref<4x1024x128xf32, #tpu.memory_space<vmem>>, vector<1x1024x128xf32>
    %get3A_103 = vector.shape_cast %get3A_102 : vector<1x1024x128xf32> to vector<1024x128xf32>
    %get3A_104 = arith.constant 3 : index
    %get3A_105 = arith.constant 0 : index
    %get3A_106 = arith.constant 0 : index
    %get3A_107 = vector.load %arg4[%get3A_104, %get3A_105, %get3A_106] : memref<4x128x512xf32, #tpu.memory_space<vmem>>, vector<1x128x512xf32>
    %get3A_108 = vector.shape_cast %get3A_107 : vector<1x128x512xf32> to vector<128x512xf32>
    %dot_general3A_109 = arith.constant dense<0.000000e+00> : vector<1024x512xf32>
    %dot_general3A_110 = tpu.matmul %get3A_103, %get3A_108, %dot_general3A_109 {dimension_numbers = #tpu.dot_dimension_numbers<[1], [0], [0], [1], [0, 0, 1, 1], [], []>, transpose_lhs_hint = false} : vector<1024x128xf32>, vector<128x512xf32>, vector<1024x512xf32> -> vector<1024x512xf32>
    %add3A_111 = arith.addf %add3A_98, %dot_general3A_110 : vector<1024x512xf32>
    %get3A_112 = arith.constant 3 : index
    %get3A_113 = arith.constant 0 : index
    %get3A_114 = arith.constant 0 : index
    %get3A_115 = vector.load %arg2[%get3A_112, %get3A_113, %get3A_114] : memref<4x1024x128xf32, #tpu.memory_space<vmem>>, vector<1x1024x128xf32>
    %get3A_116 = vector.shape_cast %get3A_115 : vector<1x1024x128xf32> to vector<1024x128xf32>
    %mul3A_117 = vector.broadcast %div3A_12 : vector<1024x1xf32> to vector<1024x128xf32>
    %mul3A_118 = arith.mulf %get3A_116, %mul3A_117 : vector<1024x128xf32>
    %get3A_119 = arith.constant 3 : index
    %get3A_120 = arith.constant 0 : index
    %get3A_121 = arith.constant 0 : index
    %get3A_122 = vector.load %arg5[%get3A_119, %get3A_120, %get3A_121] : memref<4x128x512xf32, #tpu.memory_space<vmem>>, vector<1x128x512xf32>
    %get3A_123 = vector.shape_cast %get3A_122 : vector<1x128x512xf32> to vector<128x512xf32>
    %dot_general3A_124 = arith.constant dense<0.000000e+00> : vector<1024x512xf32>
    %dot_general3A_125 = tpu.matmul %mul3A_118, %get3A_123, %dot_general3A_124 {dimension_numbers = #tpu.dot_dimension_numbers<[1], [0], [0], [1], [0, 0, 1, 1], [], []>, transpose_lhs_hint = false} : vector<1024x128xf32>, vector<128x512xf32>, vector<1024x512xf32> -> vector<1024x512xf32>
    %add3A_126 = arith.addf %add3A_111, %dot_general3A_125 : vector<1024x512xf32>
    %swap3A = arith.constant 0 : index
    %swap3A_127 = arith.constant 0 : index
    %swap3A_128 = vector.load %arg7[%swap3A, %swap3A_127] : memref<1024x512xf32, #tpu.memory_space<vmem>>, vector<1024x512xf32>
    tpu.vector_store %arg7[%swap3A, %swap3A_127], %add3A_126 {strides = array<i32>} : memref<1024x512xf32, #tpu.memory_space<vmem>>, vector<1024x512xf32>,
    return
  }
  func.func @transform_0(%arg0: i32) -> (i32, i32, i32) {
    %c0_i32 = arith.constant 0 : i32
    %c0_i32_0 = arith.constant 0 : i32
    %c0_i32_1 = arith.constant 0 : i32
    return %c0_i32, %arg0, %c0_i32_0 : i32, i32, i32
  }
  func.func @transform_1(%arg0: i32) -> (i32, i32, i32) {
    %c0_i32 = arith.constant 0 : i32
    %c0_i32_0 = arith.constant 0 : i32
    %c0_i32_1 = arith.constant 0 : i32
    return %c0_i32, %arg0, %c0_i32_0 : i32, i32, i32
  }
  func.func @transform_2(%arg0: i32) -> (i32, i32, i32) {
    %c0_i32 = arith.constant 0 : i32
    %c0_i32_0 = arith.constant 0 : i32
    %c0_i32_1 = arith.constant 0 : i32
    return %c0_i32, %arg0, %c0_i32_0 : i32, i32, i32
  }
  func.func @transform_3(%arg0: i32) -> (i32, i32, i32) {
    %c0_i32 = arith.constant 0 : i32
    %c0_i32_0 = arith.constant 0 : i32
    %c0_i32_1 = arith.constant 0 : i32
    %c0_i32_2 = arith.constant 0 : i32
    return %c0_i32, %c0_i32_0, %c0_i32_1 : i32, i32, i32
  }
  func.func @transform_4(%arg0: i32) -> (i32, i32, i32) {
    %c0_i32 = arith.constant 0 : i32
    %c0_i32_0 = arith.constant 0 : i32
    %c0_i32_1 = arith.constant 0 : i32
    %c0_i32_2 = arith.constant 0 : i32
    return %c0_i32, %c0_i32_0, %c0_i32_1 : i32, i32, i32
  }
  func.func @transform_5(%arg0: i32) -> (i32, i32) {
    %c0_i32 = arith.constant 0 : i32
    %c0_i32_0 = arith.constant 0 : i32
    %c0_i32_1 = arith.constant 0 : i32
    return %c0_i32, %c0_i32_0 : i32, i32
  }
  func.func @transform_6(%arg0: i32) -> (i32, i32) {
    %c0_i32 = arith.constant 0 : i32
    %c0_i32_0 = arith.constant 0 : i32
    return %arg0, %c0_i32 : i32, i32
  }
}

</mosaic_0001>

<sc_bundles>
// kernel: kernel.12.cloned.1.call-start
scs
__scs_entry_jumppad:
0x0: {  	(pc) =	sbr.rel $0x88, $3  }
0x1: {  	(tag) =	ssettag $0x0;
	lr =	simm.s32 $0x1  }
0x2: {  	[smem:$0x3F96] =	sst lr;
	_ =	strace $0xD0000000  }
0x3: {  	_ = 	snop  }
0x4: {  	_ = 	snop  }
0x5: {  	_ = 	snop  }
0x6: {  	_ = 	snop  }
0x7: {  	_ = 	snop  }
__scs_overlays_trampoline_lowered:
0x8: {  	[smem:$0x3FA5] =	sst s0  }
0x9: {  	[smem:$0x3FA6] =	sst s1  }
0xa: {  	[smem:$0x3FA7] =	sst s2  }
0xb: {  	[smem:$0x3FA8] =	sst s3  }
0xc: {  	[smem:$0x3FA9] =	sst s4  }
0xd: {  	[smem:$0x3FAA] =	sst s5  }
0xe: {  	[smem:$0x3FAB] =	sst s6  }
0xf: {  	[smem:$0x3FAC] =	sst s7  }
0x10: {  	[smem:$0x3FAD] =	sst s8  }
0x11: {  	[smem:$0x3FAE] =	sst s9;
	s0 =	simm.s32 @!p0 $0x0  }
0x12: {  	s1 =	sld [smem:$0x3F94];
	s0 =	simm.s32 @p0 $0x1  }
0x13: {  	[smem:$0x3FAF] =	sst s0;
	s0 =	simm.s32 @!p1 $0x0  }
0x14: {  	s2 =	sld [smem:$0x3F93];
	s0 =	simm.s32 @p1 $0x1  }
0x15: {  	[smem:$0x3FB0] =	sst s0;
	s0 =	simm.s32 @!p2 $0x0  }
0x16: {  	s3 =	sld [smem:$0x3FDB];
	s0 =	simm.s32 @p2 $0x1  }
0x17: {  	s4 =	simm.s32 $0x1BF5;
	[smem:$0x3FB2] =	sst s0  }
0x18: {  	s0 =	sld [smem:$0x3F95];
	_ =	swait.ge [sflag:s4], $0x0  }
0x19: {  	s7 =	sld [smem:$0x3F96]  }
0x1a: {  	s8 =	sadd.s32 $0xFFFFE003, lr  }
0x1b: {  	s9 =	sadd.s32 $0xFFFFFEF7, lr;
	s5 =	simm.s32 $0xFFFFFFFF;
	p2 =	slt.u32 s8, $0xFFFFF086  }
0x1c: {  	p1 =	slt.u32 s9, $0xF7A;
	s5 =	simm.s32 @!p2 $0x0  }
0x1d: {  	s5 =	simm.s32 @p1 $0x1;
	p0 =	seq.s32 s7, s2  }
0x1e: {  	s7 =	smul.u32 @!p0 $0xF7A, s2;
	p2 =	seq.s32 @!p0 s5, $0x0  }
0x1f: {  	s9 =	smul.u32 $0xF7A, s1;
	s8 =	simm.s32 @!p0 $0x1BF5;
	p2 =	por !p2, p0  }
0x20: {  	[sflag:s8] =	ssyncset.s32 @!p0 $0xFFFFF086;
	s6 =	sadd.s32 @!p0 s3, s7;
	s7 =	simm.s32 @!p0 $0x108  }
0x21: {  	s3 =	sadd.s32 s3, s9;
	s6 =	sadd.s32 @!p0 $0x88, s6;
	s7 =	simm.s32 @p2 $0x1082  }
0x22: {  	[simem:s7], [sflag:s8] =	dma.local @!p0 [hbm:s6], $0xF7A  }
0x23: {  	s9 =	sor.u32 $0xD0000000, s2;
	s6 =	simm.s32 $0x108;
	_ =	swait.ge @!p0 [sflag:s8], $0x0  }
0x24: {  	s3 =	sadd.s32 $0x88, s3;
	s6 =	simm.s32 @!p1 $0x1082;
	[sflag:s4] =	ssyncset.s32 $0xFFFFF086  }
0x25: {  	[simem:s6], [sflag:s4] =	dma.local [hbm:s3], $0xF7A  }
0x26: {  	[smem:$0x3F96] =	sst s1;
	(tag) =	ssettag s2;
	_ =	strace s9  }
0x27: {  	s1 =	sld [smem:$0x3FA6]  }
0x28: {  	s2 =	sld [smem:$0x3FA7]  }
0x29: {  	s4 =	sld [smem:$0x3FA9]  }
0x2a: {  	p0 =	seq.s32 s5, $0x0;
	s5 =	sld [smem:$0x3FAA]  }
0x2b: {  	s6 =	sld [smem:$0x3FAB]  }
0x2c: {  	s7 =	sld [smem:$0x3FAC]  }
0x2d: {  	s3 =	simm.s32 $0x108;
	s8 =	sld [smem:$0x3FAD]  }
0x2e: {  	s3 =	simm.s32 @!p0 $0x1082;
	s9 =	sld [smem:$0x3FAE]  }
0x2f: {  	lr =	sadd.s32 s0, s3;
	s0 =	sld [smem:$0x3FA5]  }
0x30: {  	s3 =	sld [smem:$0x3FA8]  }
0x31: {  	[smem:$0x3FB1] =	sst s10  }
0x32: {  	s10 =	sld [smem:$0x3FAF];
	_ =	sdelay $0x3  }
0x33: {  	p0 =	seq.s32 s10, $0x1;
	s10 =	sld [smem:$0x3FB1];
	_ =	sdelay $0x3  }
0x34: {  	[smem:$0x3FB1] =	sst s10  }
0x35: {  	s10 =	sld [smem:$0x3FB0];
	_ =	sdelay $0x3  }
0x36: {  	p1 =	seq.s32 s10, $0x1;
	s10 =	sld [smem:$0x3FB1];
	_ =	sdelay $0x3  }
0x37: {  	[smem:$0x3FB1] =	sst s10  }
0x38: {  	s10 =	sld [smem:$0x3FB2]  }
0x39: {  	_ = 	snop;
	(pc) =	sbr.ind lr, $3  }
0x3a: {  	_ = 	snop  }
0x3b: {  	_ = 	snop  }
0x3c: {  	p2 =	seq.s32 s10, $0x1;
	s10 =	sld [smem:$0x3FB1]  }
0x3d: {  	_ =	shalt  }
0x3e: {  	_ =	shalt  }
0x3f: {  	_ =	shalt  }
0x40: {  	_ =	shalt  }
0x41: {  	_ =	shalt  }
0x42: {  	_ =	shalt  }
0x43: {  	_ =	shalt  }
0x44: {  	_ =	shalt  }
0x45: {  	_ =	shalt  }
0x46: {  	_ =	shalt  }
0x47: {  	_ =	shalt  }
0x48: {  	_ =	shalt  }
0x49: {  	_ =	shalt  }
0x4a: {  	_ =	shalt  }
0x4b: {  	_ =	shalt  }
0x4c: {  	_ =	shalt  }
0x4d: {  	_ =	shalt  }
0x4e: {  	_ =	shalt  }
0x4f: {  	_ =	shalt  }
0x50: {  	_ =	shalt  }
0x51: {  	_ =	shalt  }
0x52: {  	_ =	shalt  }
0x53: {  	_ =	shalt  }
0x54: {  	_ =	shalt  }
0x55: {  	_ =	shalt  }
0x56: {  	_ =	shalt  }
0x57: {  	_ =	shalt  }
0x58: {  	_ =	shalt  }
0x59: {  	_ =	shalt  }
0x5a: {  	_ =	shalt  }
0x5b: {  	_ =	shalt  }
0x5c: {  	_ =	shalt  }
0x5d: {  	_ =	shalt  }
0x5e: {  	_ =	shalt  }
0x5f: {  	_ =	shalt  }
0x60: {  	_ =	shalt  }
0x61: {  	_ =	shalt  }
0x62: {  	_ =	shalt  }
0x63: {  	_ =	shalt  }
0x64: {  	_ =	shalt  }
0x65: {  	_ =	shalt  }
0x66: {  	_ =	shalt  }
0x67: {  	_ =	shalt  }
0x68: {  	_ =	shalt  }
0x69: {  	_ =	shalt  }
0x6a: {  	_ =	shalt  }
0x6b: {  	_ =	shalt  }
0x6c: {  	_ =	shalt  }
0x6d: {  	_ =	shalt  }
0x6e: {  	_ =	shalt  }
0x6f: {  	_ =	shalt  }
0x70: {  	_ =	shalt  }
0x71: {  	_ =	shalt  }
0x72: {  	_ =	shalt  }
0x73: {  	_ =	shalt  }
0x74: {  	_ =	shalt  }
0x75: {  	_ =	shalt  }
0x76: {  	_ =	shalt  }
0x77: {  	_ =	shalt  }
0x78: {  	_ =	shalt  }
0x79: {  	_ =	shalt  }
0x7a: {  	_ =	shalt  }
0x7b: {  	_ =	shalt  }
0x7c: {  	_ =	shalt  }
0x7d: {  	_ =	shalt  }
0x7e: {  	_ =	shalt  }
0x7f: {  	_ =	shalt  }
0x80: {  	_ =	shalt  }
0x81: {  	_ =	shalt  }
0x82: {  	_ =	shalt  }
0x83: {  	_ =	shalt  }
0x84: {  	_ =	shalt  }
0x85: {  	_ =	shalt  }
0x86: {  	_ =	shalt  }
0x87: {  	_ =	shalt  }
.Lfunc_end0:
.L_simem_size_0:
called_computation.1_lowered:
.L_overlay_start_0:
0x88: {  	s2 =	sld [smem:$0x3FD9]  }
0x89: {  	s3 =	sld [smem:$0x3FFE];
	_ =	sdelay $0x1  }
0x8a: {  	s1 =	srdreg.scid  }
0x8b: {  	s0 =	sand.u32 $0x1, s1  }
0x8c: {  	s17 =	sshll.u32 s0, $0xA;
	s2 =	sadd.s32 s3, s2  }
0x8d: {  	s2 =	sadd.s32 s2, s17  }
0x8e: {  	[smem:$0x3FBD] =	sst s2  }
0x8f: {  	_ = 	snop  }
0x90: {  	s2 =	sld [smem:$0x3FD0];
	(tm) =	ssettm $0x1  }
0x91: {  	s18 =	sld [smem:$0x3FFB];
	_ =	sdelay $0x3  }
0x92: {  	_ =	strace s18  }
0x93: {  	s3 =	sld [smem:$0x3FFC];
	_ =	sdelay $0x3  }
0x94: {  	_ =	strace s3  }
0x95: {  	s3 =	sld [smem:$0x3FFD];
	_ =	sdelay $0x3  }
0x96: {  	_ =	strace s3  }
0x97: {  	_ =	strace $0x8FFFFFFF  }
0x98: {  	s19 =	sld [smem:$0x3FDB];
	_ =	sdelay $0x1  }
0x99: {  	s4 =	simm.s32 $_scs_section_size  }
0x9a: {  	s5 =	simm.s32 $_size__tile_overlayer_lowered;
	s6 =	simm.s32 $_tile_overlayer_lowered  }
0x9b: {  	s22 =	simm.s32 $0x1BFF;
	s21 =	sshll.u32 s6, $0x1;
	s3 =	sadd.s32 s4, s19  }
0x9c: {  	s7 =	simm.s32 $0x0;
	s20 =	sshll.u32 s5, $0x1;
	s5 =	sadd.s32 s21, s3  }
0x9d: {  	[timem:s7], [sflag:s22] =	dma.local [hbm:s5], s20  }
0x9e: {  	_ =	swait.ge [sflag:s22], s20  }
0x9f: {  	s4 =	ssub.s32 $0x0, s20;
	[sflag:s22] =	ssyncset.done $0x0  }
0xa0: {  	[sflag:s22] =	ssyncadd.s32 s4;
	_ =	sdelay $0x1  }
0xa1: {  	s23 =	simm.s32 $0x1B8B  }
0xa2: {  	_ =	swait.ge [sflag:s23], $0x1  }
0xa3: {  	[sflag:s23] =	ssyncset.done $0x0  }
0xa4: {  	s25 =	simm.s32 $0x1B8E;
	s24 =	sld [smem:$0x3FFE];
	[sflag:s23] =	ssyncadd.s32 $0xFFFFFFFF  }
0xa5: {  	s26 =	simm.s32 $execute0_lowered;
	[smem:$0x3FD2] =	sst s25  }
0xa6: {  	s5 =	sshll.u32 s26, $0x1;
	_ =	strace $0x80000046;
	[dreg:$0x1] =	wrdreg $0xFFFFFFFF  }
0xa7: {  	s28 =	simm.s32 $_size_execute0_lowered;
	s3 =	sadd.s32 s3, s5;
	[dreg:$0x0] =	wrdreg $0x0  }
0xa8: {  	s5 =	sshll.u32 s28, $0x1;
	[dreg:$0x2] =	wrdreg s3  }
0xa9: {  	[dreg:$0x3] =	wrdreg s5  }
0xaa: {  	[dreg:$0x4] =	wrdreg $0xC0  }
0xab: {  	_ =	task [dreg:s7], $0x5FFFF  }
0xac: {  	[dreg:$0x1] =	wrdreg $0xFFFFFFFF  }
0xad: {  	[dreg:$0x0] =	wrdreg $0x60  }
0xae: {  	[dreg:$0x2] =	wrdreg s2  }
0xaf: {  	[dreg:$0x3] =	wrdreg s24  }
0xb0: {  	[dreg:$0x4] =	wrdreg $0x81000  }
0xb1: {  	[dreg:$0x5] =	wrdreg $0xA  }
0xb2: {  	_ =	task.clear_ibuf [dreg:s7], $0x6FFFF;
	_ =	strace $0x90000046  }
0xb3: {  	s29 =	simm.s32 $0xA;
	_ =	strace $0x80000048  }
0xb4: {  	_ =	swait.ge [sflag:s29], $0x1  }
0xb5: {  	[sflag:s29] =	ssyncadd.s32 $0xFFFFFFFF  }
0xb6: {  	_ =	strace $0x90000048  }
0xb7: {  	_ =	sfence  }
0xb8: {  	s30 =	sld [smem:$0x0];
	_ =	sdelay $0x2  }
0xb9: {  	s31 =	sshll.u32 s1, $0xD;
	s1 =	sshrl.u32 s1, $0x2  }
0xba: {  	s3 =	sand.u32 $0x4000, s31;
	s1 =	sadd.s32 s1, s30  }
0xbb: {  	s0 =	sor.u32 s3, s0;
	s1 =	sshll.u32 s1, $0x11  }
0xbc: {  	s0 =	sor.u32 s1, s0  }
0xbd: {  	s0 =	sadd.s32 $0x8F2B, s0  }
0xbe: {  	[sflag:s0] =	ssyncadd.remote.s32 $0x1  }
0xbf: {  	_ =	sfence.sel $0xFFFF  }
0xc0: {  	[dreg:$0x0] =	wrdreg $0xFFFFFFFF;
	(pc) =	sbr.abs _section_cstart, $3  }
0xc1: {  	[dreg:$0x1] =	wrdreg $0xFFFFFFFF  }
0xc2: {  	_ =	task.clear_ibuf [dreg:s7], $0x2FFFF;
	_ =	strace $0x9FFFFFFF  }
0xc3: {  	(tm) =	ssettm $0x7FFFFFFF  }
tec
execute0_lowered:
.L_overlay_start_1:
0x0: {  	(tag) =	ssettag $0x1  }
0x1: {  	s1 =	rddreg [dreg:$0x0]  }
0x2: {  	s5 =	rddreg [dreg:$0x1]  }
0x3: {  	s2 =	rddreg [dreg:$0x2]  }
0x4: {  	s0 =	rddreg [dreg:$0x3]  }
0x5: {  	s4 =	simm.s32 $0x0;
	s6 =	srdreg.scid;
	s3 =	stileid.u32  }
0x6: {  	s22 =	simm.s32 $0x100;
	s23 =	simm.s32 $0x0;
	[smem:$0x7FF] =	sst s4  }
0x7: {  	s6 =	sand.u32 $0x1, s6;
	s7 =	sshll.u32 s3, $0x4;
	s10 =	smul.u32 $0x280, s3  }
0x8: {  	s9 =	smul.u32 $0x50000, s3;
	s15 =	sadd.s32 $0xD400, s5;
	s12 =	ssub.s32 $0x4F1, s3  }
0x9: {  	_ =	strace $0x80000047;
	s8 =	ssub.s32 $0x2, s6;
	s18 =	sadd.s32 s7, s5  }
0xa: {  	s21 =	smul.u32 $0x2800, s6;
	s24 =	sshrl.u32 s8, $0x1;
	s11 =	sadd.s32 $0x80, s10  }
0xb: {  	s25 =	sshrl.u32 s9, $0x2;
	s13 =	sadd.s32 $0x100, s10;
	s14 =	sadd.s32 $0x180, s10  }
0xc: {  	s17 =	sadd.s32 $0x200, s10;
	s16 =	ssub.s32 s8, s24;
	s26 =	sshll.u32 s11, $0x7  }
0xd: {  	s5 =	sadd.s32 s25, s2;
	s28 =	sshll.u32 s13, $0x7;
	s29 =	sshll.u32 s14, $0x7  }
0xe: {  	s30 =	sshll.u32 s17, $0x7;
	s10 =	sadd.s32 s10, s21;
	s20 =	sadd.s32 s21, s11  }
0xf: {  	s13 =	sadd.s32 s21, s13;
	s14 =	sadd.s32 s21, s14;
	s17 =	sadd.s32 s21, s17  }
0x10: {  	v0 =	vmov s21;
	s21 =	simm.s32 $0x80;
	s6 =	sadd.s32 s26, s2;
	s7 =	sadd.s32 s28, s2  }
0x11: {  	s8 =	sadd.s32 s29, s2;
	s9 =	sadd.s32 s30, s2;
	s19 =	sshll.u32 s10, $0x4  }
0x12: {  	s10 =	sshrl.u32 s12, $0x4;
	s31 =	sshll.u32 s20, $0x4;
	s13 =	sshll.u32 s13, $0x4  }
0x13: {  	s14 =	sshll.u32 s14, $0x4;
	s17 =	sshll.u32 s17, $0x4;
	s16 =	smax.u32 s16, $0x1  }
0x14: {  	s20 =	simm.s32 $0x1;
	s11 =	sadd.s32 s15, s19;
	s12 =	sadd.s32 s15, s31  }
0x15: {  	s13 =	sadd.s32 s15, s13;
	s14 =	sadd.s32 s15, s14;
	s15 =	sadd.s32 s15, s17  }
0x16: {  	v1 =	vimm.f32 $0.0e+00;
	s17 =	sadd.s32 $0x3400, s18;
	s18 =	sadd.s32 $0x8400, s18;
	s19 =	simm.s32 $0x4100  }
.LBB2_1:
0x17: {  	s24 =	sand.u32 $0xFE00, s4  }
0x18: {  	s25 =	sand.u32 $0x70, s4;
	s26 =	sshrl.u32 s24, $0x2  }
0x19: {  	s24 =	simm.s32 $0x40;
	s26 =	sor.u32 s25, s26;
	s25 =	simm.s32 $0x0  }
.LBB2_2:
0x1a: {  	p0 =	sne.s32 s24, $0xFFC0  }
0x1b: {  	[tilespmem:s26+$0x4100] =	vst v1;
	s25 =	sadd.s32 $0x10, s25;
	s26 =	smov.u32 s24;
	s24 =	sadd.s32 $0x40, s24  }
.Ltmp0:
0x1c: {  	(pc) =	sbr.rel @p0 .LBB2_2-.Ltmp0, $4  }
0x1d: {  	_ = 	snop  }
0x1e: {  	s26 =	sand.u32 $0xFE00, s26  }
0x1f: {  	s28 =	sand.u32 $0x70, s25;
	s26 =	sshrl.u32 s26, $0x2  }
0x20: {  	s26 =	sor.u32 s28, s26  }
0x21: {  	[tilespmem:s26+$0x4100] =	vst v1  }
0x22: {  	[spmem:s5] =	stream.linear.scatter [tilespmem:s19], [sflag:$0x1], $0x4000, $0x38;
	[tilespmem:$0x1C100] =	vst v63  }
0x23: {  	_ =	swait.ge [sflag:s20], $0x4000  }
0x24: {  	[sflag:s20] =	ssyncset.done $0x0  }
0x25: {  	[sflag:s20] =	ssyncadd.s32 $0xFFFFC000  }
0x26: {  	[spmem:s6] =	stream.linear.scatter [tilespmem:s19], [sflag:$0x1], $0x4000, $0x38;
	[tilespmem:$0x1C100] =	vst v63  }
0x27: {  	_ =	swait.ge [sflag:s20], $0x4000  }
0x28: {  	[sflag:s20] =	ssyncset.done $0x0  }
0x29: {  	[sflag:s20] =	ssyncadd.s32 $0xFFFFC000  }
0x2a: {  	[spmem:s7] =	stream.linear.scatter [tilespmem:s19], [sflag:$0x1], $0x4000, $0x38;
	[tilespmem:$0x1C100] =	vst v63  }
0x2b: {  	_ =	swait.ge [sflag:s20], $0x4000  }
0x2c: {  	[sflag:s20] =	ssyncset.done $0x0  }
0x2d: {  	[sflag:s20] =	ssyncadd.s32 $0xFFFFC000  }
0x2e: {  	[spmem:s8] =	stream.linear.scatter [tilespmem:s19], [sflag:$0x1], $0x4000, $0x38;
	[tilespmem:$0x1C100] =	vst v63  }
0x2f: {  	_ =	swait.ge [sflag:s20], $0x4000  }
0x30: {  	[sflag:s20] =	ssyncset.done $0x0  }
0x31: {  	[sflag:s20] =	ssyncadd.s32 $0xFFFFC000  }
0x32: {  	[spmem:s9] =	stream.linear.scatter [tilespmem:s19], [sflag:$0x1], $0x4000, $0x38;
	[tilespmem:$0x1C100] =	vst v63  }
0x33: {  	_ =	swait.ge [sflag:s20], $0x4000  }
0x34: {  	[sflag:s20] =	ssyncset.done $0x0  }
0x35: {  	[sflag:s20] =	ssyncadd.s32 $0xFFFFC000  }
0x36: {  	[bflag:$0x0] =	sbarrier.arrive $0xFFFF  }
0x37: {  	[tilespmem:s4], [sflag:$0x1] =	stream.linear.gather [hbm4b:s18+s4], $0x80, $0x38;
	[tilespmem:$0x1C100] =	vst v63  }
0x38: {  	_ =	swait.ge [sflag:s20], $0x80  }
0x39: {  	[sflag:s20] =	ssyncset.done $0x0  }
0x3a: {  	[sflag:s20] =	ssyncadd.s32 $0xFFFFFF80  }
0x3b: {  	[tilespmem:s21], [sflag:$0x1] =	stream.linear.gather [hbm4b:s17+s4], $0x80, $0x38;
	[tilespmem:$0x1C100] =	vst v63  }
0x3c: {  	_ =	swait.ge [sflag:s20], $0x80  }
0x3d: {  	[sflag:s20] =	ssyncset.done $0x0  }
0x3e: {  	[sflag:s20] =	ssyncadd.s32 $0xFFFFFF80  }
0x3f: {  	v2 =	vld [tilespmem:$0x70]  }
0x40: {  	v3 =	vld [tilespmem:$0x60]  }
0x41: {  	v4 =	vld [tilespmem:$0x50]  }
0x42: {  	v6 =	vld [tilespmem:$0x20]  }
0x43: {  	v5 =	vld [tilespmem:$0x30]  }
0x44: {  	v7 =	vld [tilespmem:$0x10];
	v2 =	vadd.s32 v0, v2  }
0x45: {  	v8 =	vld [tilespmem:$0x40];
	v3 =	vadd.s32 v0, v3;
	[tilespmem:$0x70] =	vst v2  }
0x46: {  	v4 =	vadd.s32 v0, v4;
	v2 =	vld [tilespmem:$0x0];
	[tilespmem:$0x60] =	vst v3  }
0x47: {  	p0 =	sne.s32 s10, $0x1;
	v63 =	vadd.s32 v0, v6;
	[tilespmem:$0x50] =	vst v4  }
.Ltmp1:
0x48: {  	v3 =	vadd.s32 v0, v5;
	[tilespmem:$0x20] =	vst v63;
	(pc) =	sbr.rel @!p0 .LBB2_5-.Ltmp1, $4  }
0x49: {  	[tilespmem:$0x30] =	vst v3;
	v3 =	vadd.s32 v0, v7  }
0x4a: {  	[tilespmem:$0x10] =	vst v3;
	v3 =	vadd.s32 v0, v8  }
0x4b: {  	[tilespmem:$0x40] =	vst v3;
	v2 =	vadd.s32 v0, v2  }
0x4c: {  	s24 =	sadd.s32 $0xFFFFFFFF, s10;
	s25 =	sadd.s32 $0x100, s17;
	s26 =	sadd.s32 $0x100, s18;
	[tilespmem:$0x0] =	vst v2  }
.LBB2_4:
0x4d: {  	[tilespmem:s22], [sflag:$0x1] =	stream.indirect.gather [hbm4b:s1+s21], $0x80, s4, s21, $0xb8;
	[tilespmem:$0x1C100] =	vst v63  }
0x4e: {  	p0 =	sne.s32 s24, $0x1;
	s24 =	sadd.s32 $0xFFFFFFFF, s24;
	_ =	swait.ge [sflag:s20], $0x4000  }
0x4f: {  	[sflag:s20] =	ssyncset.done $0x0  }
0x50: {  	[sflag:s20] =	ssyncadd.s32 $0xFFFFC000  }
0x51: {  	[spmem:s2] =	stream.indirect.scatter.add.f32 [tilespmem:s22], [sflag:$0x1], $0x80, s21, s21, $0xb8;
	[tilespmem:$0x1C100] =	vst v63  }
0x52: {  	_ =	swait.ge [sflag:s20], $0x4000  }
0x53: {  	[sflag:s20] =	ssyncset.done $0x0  }
0x54: {  	[sflag:s20] =	ssyncadd.s32 $0xFFFFC000  }
0x55: {  	[tilespmem:s4], [sflag:$0x1] =	stream.linear.gather [hbm4b:s26+s4], $0x80, $0x38;
	[tilespmem:$0x1C100] =	vst v63  }
0x56: {  	_ =	swait.ge [sflag:s20], $0x80  }
0x57: {  	[sflag:s20] =	ssyncset.done $0x0  }
0x58: {  	[sflag:s20] =	ssyncadd.s32 $0xFFFFFF80  }
0x59: {  	[tilespmem:s21], [sflag:$0x1] =	stream.linear.gather [hbm4b:s25+s4], $0x80, $0x38;
	[tilespmem:$0x1C100] =	vst v63  }
0x5a: {  	_ =	swait.ge [sflag:s20], $0x80  }
0x5b: {  	[sflag:s20] =	ssyncset.done $0x0  }
0x5c: {  	[sflag:s20] =	ssyncadd.s32 $0xFFFFFF80  }
0x5d: {  	v2 =	vld [tilespmem:$0x70]  }
0x5e: {  	v3 =	vld [tilespmem:$0x60]  }
0x5f: {  	v4 =	vld [tilespmem:$0x50]  }
0x60: {  	v5 =	vld [tilespmem:$0x30]  }
0x61: {  	v6 =	vld [tilespmem:$0x20]  }
0x62: {  	v7 =	vld [tilespmem:$0x10];
	v2 =	vadd.s32 v0, v2  }
0x63: {  	v8 =	vld [tilespmem:$0x40];
	v3 =	vadd.s32 v0, v3;
	[tilespmem:$0x70] =	vst v2  }
0x64: {  	v2 =	vld [tilespmem:$0x0];
	v4 =	vadd.s32 v0, v4;
	[tilespmem:$0x60] =	vst v3  }
0x65: {  	v3 =	vadd.s32 v0, v5;
	[tilespmem:$0x50] =	vst v4  }
.Ltmp2:
0x66: {  	v4 =	vadd.s32 v0, v6;
	[tilespmem:$0x30] =	vst v3;
	(pc) =	sbr.rel @p0 .LBB2_4-.Ltmp2, $4  }
0x67: {  	v3 =	vadd.s32 v0, v7;
	[tilespmem:$0x20] =	vst v4  }
0x68: {  	[tilespmem:$0x10] =	vst v3;
	v3 =	vadd.s32 v0, v8  }
0x69: {  	v2 =	vadd.s32 v0, v2;
	[tilespmem:$0x40] =	vst v3  }
0x6a: {  	s26 =	sadd.s32 $0x100, s26;
	s25 =	sadd.s32 $0x100, s25;
	[tilespmem:$0x0] =	vst v2  }
.LBB2_5:
0x6b: {  	[tilespmem:s22], [sflag:$0x1] =	stream.indirect.gather [hbm4b:s1+s21], $0x80, s4, s21, $0xb8;
	[tilespmem:$0x1C100] =	vst v63  }
0x6c: {  	_ =	swait.ge [sflag:s20], $0x4000  }
0x6d: {  	[sflag:s20] =	ssyncset.done $0x0  }
0x6e: {  	[sflag:s20] =	ssyncadd.s32 $0xFFFFC000  }
0x6f: {  	[spmem:s2] =	stream.indirect.scatter.add.f32 [tilespmem:s22], [sflag:$0x1], $0x80, s21, s21, $0xb8;
	[tilespmem:$0x1C100] =	vst v63  }
0x70: {  	_ =	swait.ge [sflag:s20], $0x4000  }
0x71: {  	[sflag:s20] =	ssyncset.done $0x0  }
0x72: {  	s24 =	sshll.u32 s3, $0x6;
	[sflag:s20] =	ssyncadd.s32 $0xFFFFC000  }
0x73: {  	s25 =	sshrl.u32 s5, $0x3;
	s24 =	sor.u32 $0x1C01, s24;
	[bflag:$0x0] =	sbarrier.arrive $0xFFFF  }
0x74: {  	[hbm:s11], [sflag:s24] =	dma.local [spmem:s25], $0x800  }
0x75: {  	_ =	swait.ge [sflag:s20], $0x800  }
0x76: {  	[sflag:s20] =	ssyncset.done $0x0  }
0x77: {  	s28 =	sshrl.u32 s6, $0x3;
	[sflag:s20] =	ssyncadd.s32 $0xFFFFF800  }
0x78: {  	[hbm:s12], [sflag:s24] =	dma.local [spmem:s28], $0x800  }
0x79: {  	_ =	swait.ge [sflag:s20], $0x800  }
0x7a: {  	[sflag:s20] =	ssyncset.done $0x0  }
0x7b: {  	s29 =	sshrl.u32 s7, $0x3;
	[sflag:s20] =	ssyncadd.s32 $0xFFFFF800  }
0x7c: {  	[hbm:s13], [sflag:s24] =	dma.local [spmem:s29], $0x800  }
0x7d: {  	_ =	swait.ge [sflag:s20], $0x800  }
0x7e: {  	[sflag:s20] =	ssyncset.done $0x0  }
0x7f: {  	s30 =	sshrl.u32 s8, $0x3;
	[sflag:s20] =	ssyncadd.s32 $0xFFFFF800  }
0x80: {  	[hbm:s14], [sflag:s24] =	dma.local [spmem:s30], $0x800  }
0x81: {  	s23 =	sadd.s32 $0x1, s23;
	_ =	swait.ge [sflag:s20], $0x800  }
0x82: {  	p0 =	sne.s32 s23, s16;
	[sflag:s20] =	ssyncset.done $0x0  }
.Ltmp3:
0x83: {  	s31 =	sshrl.u32 s9, $0x3;
	[sflag:s20] =	ssyncadd.s32 $0xFFFFF800;
	(pc) =	sbr.rel @p0 .LBB2_1-.Ltmp3, $4  }
0x84: {  	[hbm:s15], [sflag:s24] =	dma.local [spmem:s31], $0x800  }
0x85: {  	_ =	swait.ge [sflag:s20], $0x800  }
0x86: {  	[sflag:s20] =	ssyncset.done $0x0  }
0x87: {  	[sflag:s20] =	ssyncadd.s32 $0xFFFFF800  }
0x88: {  	_ =	sfence.sel $0x180000  }
0x89: {  	[bflag:$0x0] =	sbarrier.arrive $0xFFFF  }
0x8a: {  	p0 =	sne.s32 s3, $0x0;
	_ =	strace $0x90000047  }
0x8b: {  	s0 =	sadd.s32 @!p0 $0x100000, s0;
	[bflag:$0x2] =	sbarrier.arrive $0xFFFF  }
0x8c: {  	[sflag:s0] =	ssyncadd.tile.s32 @!p0 $0x1;
	_ =	shalt  }
.Lfunc_end2:
_tile_overlayer_lowered:
.L_overlay_start_2:
0x8d: {  	(tag) =	ssettag $0x2  }
0x8e: {  	s0 =	rddreg [dreg:$0x0];
	s2 =	stileid.u32  }
0x8f: {  	s1 =	rddreg [dreg:$0x1];
	p0 =	sne.s32 s2, $0x0  }
0x90: {  	s3 =	rddreg [dreg:$0x2];
	[bflag:$0x3] =	sbarrier.arrive $0xFFFF;
	s2 =	simm.s32 @!p0 $0x1C01  }
0x91: {  	[timem:s3], [sflag:s2] =	dma.local @!p0 [hbm:s0], s1  }
0x92: {  	s0 =	simm.s32 @!p0 $0x1  }
0x93: {  	_ =	swait.ge @!p0 [sflag:s0], s1  }
0x94: {  	s1 =	ssub.s32 @!p0 $0x0, s1;
	[sflag:s0] =	ssyncset.done @!p0 $0x0  }
0x95: {  	[sflag:s0] =	ssyncadd.s32 @!p0 s1  }
0x96: {  	[bflag:$0x3] =	sbarrier.arrive $0xFFFF  }
0x97: {  	_ =	shalt  }

// kernel: kernel.15.cloned.1.call-start
scs
__scs_entry_jumppad:
0x0: {  	(pc) =	sbr.rel $0x88, $3  }
0x1: {  	(tag) =	ssettag $0x0;
	lr =	simm.s32 $0x1  }
0x2: {  	[smem:$0x3F96] =	sst lr;
	_ =	strace $0xD0000000  }
0x3: {  	_ = 	snop  }
0x4: {  	_ = 	snop  }
0x5: {  	_ = 	snop  }
0x6: {  	_ = 	snop  }
0x7: {  	_ = 	snop  }
__scs_overlays_trampoline_lowered:
0x8: {  	[smem:$0x3FA5] =	sst s0  }
0x9: {  	[smem:$0x3FA6] =	sst s1  }
0xa: {  	[smem:$0x3FA7] =	sst s2  }
0xb: {  	[smem:$0x3FA8] =	sst s3  }
0xc: {  	[smem:$0x3FA9] =	sst s4  }
0xd: {  	[smem:$0x3FAA] =	sst s5  }
0xe: {  	[smem:$0x3FAB] =	sst s6  }
0xf: {  	[smem:$0x3FAC] =	sst s7  }
0x10: {  	[smem:$0x3FAD] =	sst s8  }
0x11: {  	[smem:$0x3FAE] =	sst s9;
	s0 =	simm.s32 @!p0 $0x0  }
0x12: {  	s1 =	sld [smem:$0x3F94];
	s0 =	simm.s32 @p0 $0x1  }
0x13: {  	[smem:$0x3FAF] =	sst s0;
	s0 =	simm.s32 @!p1 $0x0  }
0x14: {  	s2 =	sld [smem:$0x3F93];
	s0 =	simm.s32 @p1 $0x1  }
0x15: {  	[smem:$0x3FB0] =	sst s0;
	s0 =	simm.s32 @!p2 $0x0  }
0x16: {  	s3 =	sld [smem:$0x3FDB];
	s0 =	simm.s32 @p2 $0x1  }
0x17: {  	s4 =	simm.s32 $0x1BF5;
	[smem:$0x3FB2] =	sst s0  }
0x18: {  	s0 =	sld [smem:$0x3F95];
	_ =	swait.ge [sflag:s4], $0x0  }
0x19: {  	s7 =	sld [smem:$0x3F96]  }
0x1a: {  	s8 =	sadd.s32 $0xFFFFE003, lr  }
0x1b: {  	s9 =	sadd.s32 $0xFFFFFEF7, lr;
	s5 =	simm.s32 $0xFFFFFFFF;
	p2 =	slt.u32 s8, $0xFFFFF086  }
0x1c: {  	p1 =	slt.u32 s9, $0xF7A;
	s5 =	simm.s32 @!p2 $0x0  }
0x1d: {  	s5 =	simm.s32 @p1 $0x1;
	p0 =	seq.s32 s7, s2  }
0x1e: {  	s7 =	smul.u32 @!p0 $0xF7A, s2;
	p2 =	seq.s32 @!p0 s5, $0x0  }
0x1f: {  	s9 =	smul.u32 $0xF7A, s1;
	s8 =	simm.s32 @!p0 $0x1BF5;
	p2 =	por !p2, p0  }
0x20: {  	[sflag:s8] =	ssyncset.s32 @!p0 $0xFFFFF086;
	s6 =	sadd.s32 @!p0 s3, s7;
	s7 =	simm.s32 @!p0 $0x108  }
0x21: {  	s3 =	sadd.s32 s3, s9;
	s6 =	sadd.s32 @!p0 $0x88, s6;
	s7 =	simm.s32 @p2 $0x1082  }
0x22: {  	[simem:s7], [sflag:s8] =	dma.local @!p0 [hbm:s6], $0xF7A  }
0x23: {  	s9 =	sor.u32 $0xD0000000, s2;
	s6 =	simm.s32 $0x108;
	_ =	swait.ge @!p0 [sflag:s8], $0x0  }
0x24: {  	s3 =	sadd.s32 $0x88, s3;
	s6 =	simm.s32 @!p1 $0x1082;
	[sflag:s4] =	ssyncset.s32 $0xFFFFF086  }
0x25: {  	[simem:s6], [sflag:s4] =	dma.local [hbm:s3], $0xF7A  }
0x26: {  	[smem:$0x3F96] =	sst s1;
	(tag) =	ssettag s2;
	_ =	strace s9  }
0x27: {  	s1 =	sld [smem:$0x3FA6]  }
0x28: {  	s2 =	sld [smem:$0x3FA7]  }
0x29: {  	s4 =	sld [smem:$0x3FA9]  }
0x2a: {  	p0 =	seq.s32 s5, $0x0;
	s5 =	sld [smem:$0x3FAA]  }
0x2b: {  	s6 =	sld [smem:$0x3FAB]  }
0x2c: {  	s7 =	sld [smem:$0x3FAC]  }
0x2d: {  	s3 =	simm.s32 $0x108;
	s8 =	sld [smem:$0x3FAD]  }
0x2e: {  	s3 =	simm.s32 @!p0 $0x1082;
	s9 =	sld [smem:$0x3FAE]  }
0x2f: {  	lr =	sadd.s32 s0, s3;
	s0 =	sld [smem:$0x3FA5]  }
0x30: {  	s3 =	sld [smem:$0x3FA8]  }
0x31: {  	[smem:$0x3FB1] =	sst s10  }
0x32: {  	s10 =	sld [smem:$0x3FAF];
	_ =	sdelay $0x3  }
0x33: {  	p0 =	seq.s32 s10, $0x1;
	s10 =	sld [smem:$0x3FB1];
	_ =	sdelay $0x3  }
0x34: {  	[smem:$0x3FB1] =	sst s10  }
0x35: {  	s10 =	sld [smem:$0x3FB0];
	_ =	sdelay $0x3  }
0x36: {  	p1 =	seq.s32 s10, $0x1;
	s10 =	sld [smem:$0x3FB1];
	_ =	sdelay $0x3  }
0x37: {  	[smem:$0x3FB1] =	sst s10  }
0x38: {  	s10 =	sld [smem:$0x3FB2]  }
0x39: {  	_ = 	snop;
	(pc) =	sbr.ind lr, $3  }
0x3a: {  	_ = 	snop  }
0x3b: {  	_ = 	snop  }
0x3c: {  	p2 =	seq.s32 s10, $0x1;
	s10 =	sld [smem:$0x3FB1]  }
0x3d: {  	_ =	shalt  }
0x3e: {  	_ =	shalt  }
0x3f: {  	_ =	shalt  }
0x40: {  	_ =	shalt  }
0x41: {  	_ =	shalt  }
0x42: {  	_ =	shalt  }
0x43: {  	_ =	shalt  }
0x44: {  	_ =	shalt  }
0x45: {  	_ =	shalt  }
0x46: {  	_ =	shalt  }
0x47: {  	_ =	shalt  }
0x48: {  	_ =	shalt  }
0x49: {  	_ =	shalt  }
0x4a: {  	_ =	shalt  }
0x4b: {  	_ =	shalt  }
0x4c: {  	_ =	shalt  }
0x4d: {  	_ =	shalt  }
0x4e: {  	_ =	shalt  }
0x4f: {  	_ =	shalt  }
0x50: {  	_ =	shalt  }
0x51: {  	_ =	shalt  }
0x52: {  	_ =	shalt  }
0x53: {  	_ =	shalt  }
0x54: {  	_ =	shalt  }
0x55: {  	_ =	shalt  }
0x56: {  	_ =	shalt  }
0x57: {  	_ =	shalt  }
0x58: {  	_ =	shalt  }
0x59: {  	_ =	shalt  }
0x5a: {  	_ =	shalt  }
0x5b: {  	_ =	shalt  }
0x5c: {  	_ =	shalt  }
0x5d: {  	_ =	shalt  }
0x5e: {  	_ =	shalt  }
0x5f: {  	_ =	shalt  }
0x60: {  	_ =	shalt  }
0x61: {  	_ =	shalt  }
0x62: {  	_ =	shalt  }
0x63: {  	_ =	shalt  }
0x64: {  	_ =	shalt  }
0x65: {  	_ =	shalt  }
0x66: {  	_ =	shalt  }
0x67: {  	_ =	shalt  }
0x68: {  	_ =	shalt  }
0x69: {  	_ =	shalt  }
0x6a: {  	_ =	shalt  }
0x6b: {  	_ =	shalt  }
0x6c: {  	_ =	shalt  }
0x6d: {  	_ =	shalt  }
0x6e: {  	_ =	shalt  }
0x6f: {  	_ =	shalt  }
0x70: {  	_ =	shalt  }
0x71: {  	_ =	shalt  }
0x72: {  	_ =	shalt  }
0x73: {  	_ =	shalt  }
0x74: {  	_ =	shalt  }
0x75: {  	_ =	shalt  }
0x76: {  	_ =	shalt  }
0x77: {  	_ =	shalt  }
0x78: {  	_ =	shalt  }
0x79: {  	_ =	shalt  }
0x7a: {  	_ =	shalt  }
0x7b: {  	_ =	shalt  }
0x7c: {  	_ =	shalt  }
0x7d: {  	_ =	shalt  }
0x7e: {  	_ =	shalt  }
0x7f: {  	_ =	shalt  }
0x80: {  	_ =	shalt  }
0x81: {  	_ =	shalt  }
0x82: {  	_ =	shalt  }
0x83: {  	_ =	shalt  }
0x84: {  	_ =	shalt  }
0x85: {  	_ =	shalt  }
0x86: {  	_ =	shalt  }
0x87: {  	_ =	shalt  }
.Lfunc_end0:
.L_simem_size_0:
called_computation.2_lowered:
.L_overlay_start_0:
0x88: {  	s2 =	sld [smem:$0x3FD9]  }
0x89: {  	s3 =	sld [smem:$0x3FFE];
	_ =	sdelay $0x1  }
0x8a: {  	s1 =	srdreg.scid  }
0x8b: {  	s0 =	sand.u32 $0x1, s1  }
0x8c: {  	s16 =	sshll.u32 s0, $0xA;
	s2 =	sadd.s32 s3, s2  }
0x8d: {  	s2 =	sadd.s32 s2, s16  }
0x8e: {  	[smem:$0x3FBD] =	sst s2  }
0x8f: {  	_ = 	snop  }
0x90: {  	(tm) =	ssettm $0x1  }
0x91: {  	s17 =	sld [smem:$0x3FFB];
	_ =	sdelay $0x3  }
0x92: {  	_ =	strace s17  }
0x93: {  	s2 =	sld [smem:$0x3FFC];
	_ =	sdelay $0x3  }
0x94: {  	_ =	strace s2  }
0x95: {  	s2 =	sld [smem:$0x3FFD];
	_ =	sdelay $0x3  }
0x96: {  	_ =	strace s2  }
0x97: {  	_ =	strace $0x8FFFFFFF  }
0x98: {  	s18 =	sld [smem:$0x3FDB];
	_ =	sdelay $0x1  }
0x99: {  	s19 =	simm.s32 $_scs_section_size  }
0x9a: {  	s4 =	simm.s32 $_size__tile_overlayer_lowered;
	s5 =	simm.s32 $_tile_overlayer_lowered  }
0x9b: {  	s22 =	simm.s32 $0x1BFF;
	s21 =	sshll.u32 s5, $0x1;
	s2 =	sadd.s32 s19, s18  }
0x9c: {  	s6 =	simm.s32 $0x0;
	s20 =	sshll.u32 s4, $0x1;
	s4 =	sadd.s32 s21, s2  }
0x9d: {  	[timem:s6], [sflag:s22] =	dma.local [hbm:s4], s20  }
0x9e: {  	_ =	swait.ge [sflag:s22], s20  }
0x9f: {  	s3 =	ssub.s32 $0x0, s20;
	[sflag:s22] =	ssyncset.done $0x0  }
0xa0: {  	[sflag:s22] =	ssyncadd.s32 s3;
	_ =	sdelay $0x1  }
0xa1: {  	s23 =	simm.s32 $0x1B8B  }
0xa2: {  	_ =	swait.ge [sflag:s23], $0x1  }
0xa3: {  	[sflag:s23] =	ssyncset.done $0x0  }
0xa4: {  	s25 =	simm.s32 $0x1B8E;
	s24 =	sld [smem:$0x3FFE];
	[sflag:s23] =	ssyncadd.s32 $0xFFFFFFFF  }
0xa5: {  	s26 =	simm.s32 $execute0_lowered;
	[smem:$0x3FD2] =	sst s25  }
0xa6: {  	s4 =	sshll.u32 s26, $0x1;
	_ =	strace $0x8000004C;
	[dreg:$0x1] =	wrdreg $0xFFFFFFFF  }
0xa7: {  	s28 =	simm.s32 $_size_execute0_lowered;
	s2 =	sadd.s32 s2, s4;
	[dreg:$0x0] =	wrdreg $0x0  }
0xa8: {  	s4 =	sshll.u32 s28, $0x1;
	[dreg:$0x2] =	wrdreg s2  }
0xa9: {  	[dreg:$0x3] =	wrdreg s4  }
0xaa: {  	[dreg:$0x4] =	wrdreg $0xC0  }
0xab: {  	_ =	task [dreg:s6], $0x5FFFF  }
0xac: {  	[dreg:$0x1] =	wrdreg $0xFFFFFFFF  }
0xad: {  	[dreg:$0x0] =	wrdreg $0x60  }
0xae: {  	[dreg:$0x2] =	wrdreg s24  }
0xaf: {  	[dreg:$0x3] =	wrdreg $0x81000  }
0xb0: {  	[dreg:$0x4] =	wrdreg $0x9  }
0xb1: {  	_ =	task.clear_ibuf [dreg:s6], $0x5FFFF;
	_ =	strace $0x9000004C  }
0xb2: {  	s29 =	simm.s32 $0x9;
	_ =	strace $0x8000004E  }
0xb3: {  	_ =	swait.ge [sflag:s29], $0x1  }
0xb4: {  	[sflag:s29] =	ssyncadd.s32 $0xFFFFFFFF  }
0xb5: {  	_ =	strace $0x9000004E  }
0xb6: {  	_ =	sfence  }
0xb7: {  	s30 =	sld [smem:$0x0];
	_ =	sdelay $0x2  }
0xb8: {  	s31 =	sshll.u32 s1, $0xD;
	s1 =	sshrl.u32 s1, $0x2  }
0xb9: {  	s3 =	sand.u32 $0x4000, s31;
	s1 =	sadd.s32 s1, s30  }
0xba: {  	s0 =	sor.u32 s3, s0;
	s1 =	sshll.u32 s1, $0x11  }
0xbb: {  	s0 =	sor.u32 s1, s0  }
0xbc: {  	s0 =	sadd.s32 $0x8F2B, s0  }
0xbd: {  	[sflag:s0] =	ssyncadd.remote.s32 $0x1  }
0xbe: {  	_ =	sfence.sel $0xFFFF  }
0xbf: {  	[dreg:$0x0] =	wrdreg $0xFFFFFFFF;
	(pc) =	sbr.abs _section_cstart, $3  }
0xc0: {  	[dreg:$0x1] =	wrdreg $0xFFFFFFFF  }
0xc1: {  	_ =	task.clear_ibuf [dreg:s6], $0x2FFFF;
	_ =	strace $0x9FFFFFFF  }
0xc2: {  	(tm) =	ssettm $0x7FFFFFFF  }
0xc3: {  	_ =	shalt  }
tec
execute0_lowered:
.L_overlay_start_1:
0x0: {  	(tag) =	ssettag $0x1  }
0x1: {  	s0 =	rddreg [dreg:$0x0]  }
0x2: {  	s1 =	rddreg [dreg:$0x1];
	s3 =	simm.s32 $0x0  }
0x3: {  	s10 =	stileid.u32;
	s2 =	srdreg.scid;
	s28 =	simm.s32 $0x100  }
0x4: {  	s29 =	simm.s32 $0x0;
	[smem:$0x7FF] =	sst s3;
	s4 =	sadd.s32 $0xAD400, s0  }
0x5: {  	s2 =	sand.u32 $0x1, s2;
	s11 =	smul.u32 $0x280, s10;
	s5 =	sshll.u32 s10, $0x4  }
0x6: {  	s7 =	smul.u32 $0x50000, s10;
	s10 =	ssub.s32 $0x4F1, s10;
	_ =	strace $0x8000004D  }
0x7: {  	s6 =	ssub.s32 $0x2, s2;
	s12 =	sadd.s32 s5, s0;
	s0 =	sadd.s32 $0x14D400, s0  }
0x8: {  	s2 =	smul.u32 $0x2800, s2;
	s10 =	sshrl.u32 s10, $0x4;
	s23 =	sshrl.u32 s6, $0x1  }
0x9: {  	s24 =	sshrl.u32 s7, $0x2;
	s14 =	sadd.s32 $0x80, s11;
	s15 =	sadd.s32 $0x100, s11  }
0xa: {  	s18 =	sadd.s32 $0x180, s11;
	s19 =	sadd.s32 $0x200, s11;
	s13 =	ssub.s32 s6, s23  }
0xb: {  	s5 =	sadd.s32 s24, s1;
	s25 =	sshll.u32 s14, $0x7;
	s26 =	sshll.u32 s15, $0x7  }
0xc: {  	s8 =	sshll.u32 s18, $0x7;
	s9 =	sshll.u32 s19, $0x7;
	s16 =	sadd.s32 s11, s2  }
0xd: {  	s17 =	sadd.s32 s2, s14;
	s31 =	sadd.s32 s2, s15;
	s20 =	sadd.s32 s2, s18  }
0xe: {  	s22 =	sadd.s32 s2, s19;
	s6 =	sadd.s32 s25, s1;
	s7 =	sadd.s32 s26, s1  }
0xf: {  	s8 =	sadd.s32 s8, s1;
	s9 =	sadd.s32 s9, s1;
	s16 =	sshll.u32 s16, $0x4  }
0x10: {  	s30 =	sshll.u32 s17, $0x4;
	s17 =	sshll.u32 s31, $0x4;
	s26 =	sadd.s32 $0x5000, s2  }
0x11: {  	s21 =	sshll.u32 s20, $0x4;
	s16 =	sadd.s32 s0, s16;
	s11 =	sadd.s32 s11, s26  }
0x12: {  	s14 =	sadd.s32 s14, s26;
	s24 =	sadd.s32 s15, s26;
	s25 =	sadd.s32 s18, s26  }
0x13: {  	[dreg:$0x3] =	wrdreg s16;
	s16 =	sadd.s32 s0, s30;
	s11 =	sshll.u32 s11, $0x4  }
0x14: {  	s23 =	sshll.u32 s14, $0x4;
	s14 =	sshll.u32 s25, $0x4;
	s30 =	sadd.s32 s19, s26  }
0x15: {  	v1 =	vmov s26;
	s25 =	simm.s32 $0x1;
	s26 =	simm.s32 $0x80;
	[dreg:$0x4] =	wrdreg s16  }
0x16: {  	s16 =	sadd.s32 s0, s17;
	s17 =	sadd.s32 s0, s23;
	s19 =	sadd.s32 s0, s14  }
0x17: {  	s31 =	sshll.u32 s30, $0x4;
	[dreg:$0x5] =	wrdreg s16;
	s16 =	sadd.s32 s0, s21  }
0x18: {  	s23 =	sadd.s32 $0x8400, s12;
	[dreg:$0x6] =	wrdreg s16;
	s16 =	sshll.u32 s22, $0x4  }
0x19: {  	s20 =	sadd.s32 s0, s31;
	s21 =	smax.u32 s13, $0x1;
	s16 =	sadd.s32 s0, s16  }
0x1a: {  	[dreg:$0x7] =	wrdreg s16;
	s16 =	sadd.s32 s0, s11;
	s11 =	sshll.u32 s24, $0x4  }
0x1b: {  	v2 =	vimm.f32 $0.0e+00;
	v0 =	vmov s2;
	s22 =	sadd.s32 $0x3400, s12;
	s24 =	simm.s32 $0x4100;
	s18 =	sadd.s32 s0, s11  }
.LBB2_1:
0x1c: {  	s0 =	sand.u32 $0xFE00, s3  }
0x1d: {  	s2 =	sand.u32 $0x70, s3;
	s11 =	sshrl.u32 s0, $0x2  }
0x1e: {  	s0 =	simm.s32 $0x40;
	s11 =	sor.u32 s2, s11;
	s2 =	simm.s32 $0x0  }
.LBB2_2:
0x1f: {  	p0 =	sne.s32 s0, $0xFFC0  }
0x20: {  	[tilespmem:s11+$0x4100] =	vst v2;
	s2 =	sadd.s32 $0x10, s2;
	s11 =	smov.u32 s0;
	s0 =	sadd.s32 $0x40, s0  }
.Ltmp0:
0x21: {  	(pc) =	sbr.rel @p0 .LBB2_2-.Ltmp0, $4  }
0x22: {  	_ = 	snop  }
0x23: {  	s11 =	sand.u32 $0xFE00, s11  }
0x24: {  	s12 =	sand.u32 $0x70, s2;
	s11 =	sshrl.u32 s11, $0x2  }
0x25: {  	s11 =	sor.u32 s12, s11  }
0x26: {  	[tilespmem:s11+$0x4100] =	vst v2  }
0x27: {  	[spmem:s5] =	stream.linear.scatter [tilespmem:s24], [sflag:$0x1], $0x4000, $0x38;
	[tilespmem:$0x1C100] =	vst v63  }
0x28: {  	_ =	swait.ge [sflag:s25], $0x4000  }
0x29: {  	[sflag:s25] =	ssyncset.done $0x0  }
0x2a: {  	[sflag:s25] =	ssyncadd.s32 $0xFFFFC000  }
0x2b: {  	[spmem:s6] =	stream.linear.scatter [tilespmem:s24], [sflag:$0x1], $0x4000, $0x38;
	[tilespmem:$0x1C100] =	vst v63  }
0x2c: {  	_ =	swait.ge [sflag:s25], $0x4000  }
0x2d: {  	[sflag:s25] =	ssyncset.done $0x0  }
0x2e: {  	[sflag:s25] =	ssyncadd.s32 $0xFFFFC000  }
0x2f: {  	[spmem:s7] =	stream.linear.scatter [tilespmem:s24], [sflag:$0x1], $0x4000, $0x38;
	[tilespmem:$0x1C100] =	vst v63  }
0x30: {  	_ =	swait.ge [sflag:s25], $0x4000  }
0x31: {  	[sflag:s25] =	ssyncset.done $0x0  }
0x32: {  	[sflag:s25] =	ssyncadd.s32 $0xFFFFC000  }
0x33: {  	[spmem:s8] =	stream.linear.scatter [tilespmem:s24], [sflag:$0x1], $0x4000, $0x38;
	[tilespmem:$0x1C100] =	vst v63  }
0x34: {  	_ =	swait.ge [sflag:s25], $0x4000  }
0x35: {  	[sflag:s25] =	ssyncset.done $0x0  }
0x36: {  	[sflag:s25] =	ssyncadd.s32 $0xFFFFC000  }
0x37: {  	[spmem:s9] =	stream.linear.scatter [tilespmem:s24], [sflag:$0x1], $0x4000, $0x38;
	[tilespmem:$0x1C100] =	vst v63  }
0x38: {  	_ =	swait.ge [sflag:s25], $0x4000  }
0x39: {  	[sflag:s25] =	ssyncset.done $0x0  }
0x3a: {  	[sflag:s25] =	ssyncadd.s32 $0xFFFFC000  }
0x3b: {  	[bflag:$0x0] =	sbarrier.arrive $0xFFFF  }
0x3c: {  	[tilespmem:s3], [sflag:$0x1] =	stream.linear.gather [hbm4b:s23+s3], $0x80, $0x38;
	[tilespmem:$0x1C100] =	vst v63  }
0x3d: {  	_ =	swait.ge [sflag:s25], $0x80  }
0x3e: {  	[sflag:s25] =	ssyncset.done $0x0  }
0x3f: {  	[sflag:s25] =	ssyncadd.s32 $0xFFFFFF80  }
0x40: {  	[tilespmem:s26], [sflag:$0x1] =	stream.linear.gather [hbm4b:s22+s3], $0x80, $0x38;
	[tilespmem:$0x1C100] =	vst v63  }
0x41: {  	_ =	swait.ge [sflag:s25], $0x80  }
0x42: {  	[sflag:s25] =	ssyncset.done $0x0  }
0x43: {  	[sflag:s25] =	ssyncadd.s32 $0xFFFFFF80  }
0x44: {  	v3 =	vld [tilespmem:$0x70]  }
0x45: {  	v4 =	vld [tilespmem:$0x60]  }
0x46: {  	v5 =	vld [tilespmem:$0x50]  }
0x47: {  	v6 =	vld [tilespmem:$0x30]  }
0x48: {  	v7 =	vld [tilespmem:$0x20]  }
0x49: {  	v8 =	vld [tilespmem:$0x10];
	v3 =	vadd.s32 v0, v3  }
0x4a: {  	v9 =	vld [tilespmem:$0x40];
	v4 =	vadd.s32 v0, v4;
	[tilespmem:$0x70] =	vst v3  }
0x4b: {  	v5 =	vadd.s32 v0, v5;
	v3 =	vld [tilespmem:$0x0];
	[tilespmem:$0x60] =	vst v4  }
0x4c: {  	p0 =	sne.s32 s10, $0x1;
	v60 =	vadd.s32 v0, v6;
	[tilespmem:$0x50] =	vst v5  }
.Ltmp1:
0x4d: {  	v61 =	vadd.s32 v0, v7;
	[tilespmem:$0x30] =	vst v60;
	(pc) =	sbr.rel @!p0 .LBB2_5-.Ltmp1, $4  }
0x4e: {  	v62 =	vadd.s32 v0, v8;
	[tilespmem:$0x20] =	vst v61  }
0x4f: {  	v63 =	vadd.s32 v0, v9;
	[tilespmem:$0x10] =	vst v62  }
0x50: {  	[tilespmem:$0x40] =	vst v63;
	v3 =	vadd.s32 v0, v3  }
0x51: {  	s0 =	sadd.s32 $0xFFFFFFFF, s10;
	s2 =	sadd.s32 $0x100, s22;
	s11 =	sadd.s32 $0x100, s23;
	[tilespmem:$0x0] =	vst v3  }
.LBB2_4:
0x52: {  	[tilespmem:s28], [sflag:$0x1] =	stream.indirect.gather [hbm4b:s4+s26], $0x80, s3, s26, $0xb8;
	[tilespmem:$0x1C100] =	vst v63  }
0x53: {  	p1 =	sne.s32 s0, $0x1;
	s0 =	sadd.s32 $0xFFFFFFFF, s0;
	_ =	swait.ge [sflag:s25], $0x4000  }
0x54: {  	[sflag:s25] =	ssyncset.done $0x0  }
0x55: {  	[sflag:s25] =	ssyncadd.s32 $0xFFFFC000  }
0x56: {  	[spmem:s1] =	stream.indirect.scatter.add.f32 [tilespmem:s28], [sflag:$0x1], $0x80, s26, s26, $0xb8;
	[tilespmem:$0x1C100] =	vst v63  }
0x57: {  	_ =	swait.ge [sflag:s25], $0x4000  }
0x58: {  	[sflag:s25] =	ssyncset.done $0x0  }
0x59: {  	[sflag:s25] =	ssyncadd.s32 $0xFFFFC000  }
0x5a: {  	[tilespmem:s3], [sflag:$0x1] =	stream.linear.gather [hbm4b:s11+s3], $0x80, $0x38;
	[tilespmem:$0x1C100] =	vst v63  }
0x5b: {  	_ =	swait.ge [sflag:s25], $0x80  }
0x5c: {  	[sflag:s25] =	ssyncset.done $0x0  }
0x5d: {  	[sflag:s25] =	ssyncadd.s32 $0xFFFFFF80  }
0x5e: {  	[tilespmem:s26], [sflag:$0x1] =	stream.linear.gather [hbm4b:s2+s3], $0x80, $0x38;
	[tilespmem:$0x1C100] =	vst v63  }
0x5f: {  	_ =	swait.ge [sflag:s25], $0x80  }
0x60: {  	[sflag:s25] =	ssyncset.done $0x0  }
0x61: {  	[sflag:s25] =	ssyncadd.s32 $0xFFFFFF80  }
0x62: {  	v3 =	vld [tilespmem:$0x70]  }
0x63: {  	v4 =	vld [tilespmem:$0x60]  }
0x64: {  	v5 =	vld [tilespmem:$0x50]  }
0x65: {  	v6 =	vld [tilespmem:$0x30]  }
0x66: {  	v7 =	vld [tilespmem:$0x20]  }
0x67: {  	v8 =	vld [tilespmem:$0x10];
	v3 =	vadd.s32 v0, v3  }
0x68: {  	v9 =	vld [tilespmem:$0x40];
	v4 =	vadd.s32 v0, v4;
	[tilespmem:$0x70] =	vst v3  }
0x69: {  	v3 =	vld [tilespmem:$0x0];
	v5 =	vadd.s32 v0, v5;
	[tilespmem:$0x60] =	vst v4  }
0x6a: {  	v4 =	vadd.s32 v0, v6;
	[tilespmem:$0x50] =	vst v5  }
.Ltmp2:
0x6b: {  	v5 =	vadd.s32 v0, v7;
	[tilespmem:$0x30] =	vst v4;
	(pc) =	sbr.rel @p1 .LBB2_4-.Ltmp2, $4  }
0x6c: {  	v4 =	vadd.s32 v0, v8;
	[tilespmem:$0x20] =	vst v5  }
0x6d: {  	[tilespmem:$0x10] =	vst v4;
	v4 =	vadd.s32 v0, v9  }
0x6e: {  	v3 =	vadd.s32 v0, v3;
	[tilespmem:$0x40] =	vst v4  }
0x6f: {  	s11 =	sadd.s32 $0x100, s11;
	s2 =	sadd.s32 $0x100, s2;
	[tilespmem:$0x0] =	vst v3  }
.LBB2_5:
0x70: {  	[tilespmem:s28], [sflag:$0x1] =	stream.indirect.gather [hbm4b:s4+s26], $0x80, s3, s26, $0xb8;
	[tilespmem:$0x1C100] =	vst v63  }
0x71: {  	_ =	swait.ge [sflag:s25], $0x4000  }
0x72: {  	[sflag:s25] =	ssyncset.done $0x0  }
0x73: {  	[sflag:s25] =	ssyncadd.s32 $0xFFFFC000  }
0x74: {  	[spmem:s1] =	stream.indirect.scatter.add.f32 [tilespmem:s28], [sflag:$0x1], $0x80, s26, s26, $0xb8;
	[tilespmem:$0x1C100] =	vst v63  }
0x75: {  	_ =	swait.ge [sflag:s25], $0x4000  }
0x76: {  	[sflag:s25] =	ssyncset.done $0x0  }
0x77: {  	s0 =	stileid.u32;
	[sflag:s25] =	ssyncadd.s32 $0xFFFFC000  }
0x78: {  	s0 =	sshll.u32 s0, $0x6;
	[bflag:$0x0] =	sbarrier.arrive $0xFFFF  }
0x79: {  	s31 =	sshrl.u32 s5, $0x3;
	s30 =	sor.u32 $0x1C01, s0;
	s15 =	rddreg [dreg:$0x3]  }
0x7a: {  	[hbm:s15], [sflag:s30] =	dma.local [spmem:s31], $0x800  }
0x7b: {  	_ =	swait.ge [sflag:s25], $0x800  }
0x7c: {  	[sflag:s25] =	ssyncset.done $0x0  }
0x7d: {  	s0 =	sshrl.u32 s6, $0x3;
	s2 =	rddreg [dreg:$0x4];
	[sflag:s25] =	ssyncadd.s32 $0xFFFFF800  }
0x7e: {  	[hbm:s2], [sflag:s30] =	dma.local [spmem:s0], $0x800  }
0x7f: {  	_ =	swait.ge [sflag:s25], $0x800  }
0x80: {  	[sflag:s25] =	ssyncset.done $0x0  }
0x81: {  	s2 =	sshrl.u32 s7, $0x3;
	s11 =	rddreg [dreg:$0x5];
	[sflag:s25] =	ssyncadd.s32 $0xFFFFF800  }
0x82: {  	[hbm:s11], [sflag:s30] =	dma.local [spmem:s2], $0x800  }
0x83: {  	_ =	swait.ge [sflag:s25], $0x800  }
0x84: {  	[sflag:s25] =	ssyncset.done $0x0  }
0x85: {  	s11 =	sshrl.u32 s8, $0x3;
	s12 =	rddreg [dreg:$0x6];
	[sflag:s25] =	ssyncadd.s32 $0xFFFFF800  }
0x86: {  	[hbm:s12], [sflag:s30] =	dma.local [spmem:s11], $0x800  }
0x87: {  	_ =	swait.ge [sflag:s25], $0x800  }
0x88: {  	[sflag:s25] =	ssyncset.done $0x0  }
0x89: {  	s12 =	sshrl.u32 s9, $0x3;
	s13 =	rddreg [dreg:$0x7];
	[sflag:s25] =	ssyncadd.s32 $0xFFFFF800  }
0x8a: {  	[hbm:s13], [sflag:s30] =	dma.local [spmem:s12], $0x800  }
0x8b: {  	_ =	swait.ge [sflag:s25], $0x800  }
0x8c: {  	[sflag:s25] =	ssyncset.done $0x0  }
0x8d: {  	[sflag:s25] =	ssyncadd.s32 $0xFFFFF800  }
0x8e: {  	[spmem:s5] =	stream.linear.scatter [tilespmem:s24], [sflag:$0x1], $0x4000, $0x38;
	[tilespmem:$0x1C100] =	vst v63  }
0x8f: {  	_ =	swait.ge [sflag:s25], $0x4000  }
0x90: {  	[sflag:s25] =	ssyncset.done $0x0  }
0x91: {  	[sflag:s25] =	ssyncadd.s32 $0xFFFFC000  }
0x92: {  	[spmem:s6] =	stream.linear.scatter [tilespmem:s24], [sflag:$0x1], $0x4000, $0x38;
	[tilespmem:$0x1C100] =	vst v63  }
0x93: {  	_ =	swait.ge [sflag:s25], $0x4000  }
0x94: {  	[sflag:s25] =	ssyncset.done $0x0  }
0x95: {  	[sflag:s25] =	ssyncadd.s32 $0xFFFFC000  }
0x96: {  	[spmem:s7] =	stream.linear.scatter [tilespmem:s24], [sflag:$0x1], $0x4000, $0x38;
	[tilespmem:$0x1C100] =	vst v63  }
0x97: {  	_ =	swait.ge [sflag:s25], $0x4000  }
0x98: {  	[sflag:s25] =	ssyncset.done $0x0  }
0x99: {  	[sflag:s25] =	ssyncadd.s32 $0xFFFFC000  }
0x9a: {  	[spmem:s8] =	stream.linear.scatter [tilespmem:s24], [sflag:$0x1], $0x4000, $0x38;
	[tilespmem:$0x1C100] =	vst v63  }
0x9b: {  	_ =	swait.ge [sflag:s25], $0x4000  }
0x9c: {  	[sflag:s25] =	ssyncset.done $0x0  }
0x9d: {  	[sflag:s25] =	ssyncadd.s32 $0xFFFFC000  }
0x9e: {  	[spmem:s9] =	stream.linear.scatter [tilespmem:s24], [sflag:$0x1], $0x4000, $0x38;
	[tilespmem:$0x1C100] =	vst v63  }
0x9f: {  	_ =	swait.ge [sflag:s25], $0x4000  }
0xa0: {  	[sflag:s25] =	ssyncset.done $0x0  }
0xa1: {  	[sflag:s25] =	ssyncadd.s32 $0xFFFFC000  }
0xa2: {  	[bflag:$0x0] =	sbarrier.arrive $0xFFFF  }
0xa3: {  	[tilespmem:s3], [sflag:$0x1] =	stream.linear.gather [hbm4b:s23+s3], $0x80, $0x38;
	[tilespmem:$0x1C100] =	vst v63  }
0xa4: {  	_ =	swait.ge [sflag:s25], $0x80  }
0xa5: {  	[sflag:s25] =	ssyncset.done $0x0  }
0xa6: {  	[sflag:s25] =	ssyncadd.s32 $0xFFFFFF80  }
0xa7: {  	[tilespmem:s26], [sflag:$0x1] =	stream.linear.gather [hbm4b:s22+s3], $0x80, $0x38;
	[tilespmem:$0x1C100] =	vst v63  }
0xa8: {  	_ =	swait.ge [sflag:s25], $0x80  }
0xa9: {  	[sflag:s25] =	ssyncset.done $0x0  }
0xaa: {  	[sflag:s25] =	ssyncadd.s32 $0xFFFFFF80  }
0xab: {  	v3 =	vld [tilespmem:$0x70]  }
0xac: {  	v4 =	vld [tilespmem:$0x60]  }
0xad: {  	v5 =	vld [tilespmem:$0x50]  }
0xae: {  	v6 =	vld [tilespmem:$0x30]  }
0xaf: {  	v7 =	vld [tilespmem:$0x20]  }
0xb0: {  	v8 =	vld [tilespmem:$0x10];
	v3 =	vadd.s32 v1, v3  }
0xb1: {  	v9 =	vld [tilespmem:$0x40];
	v4 =	vadd.s32 v1, v4;
	[tilespmem:$0x70] =	vst v3  }
0xb2: {  	v5 =	vadd.s32 v1, v5;
	v3 =	vld [tilespmem:$0x0];
	[tilespmem:$0x60] =	vst v4  }
0xb3: {  	v60 =	vadd.s32 v1, v6;
	[tilespmem:$0x50] =	vst v5  }
.Ltmp3:
0xb4: {  	v61 =	vadd.s32 v1, v7;
	[tilespmem:$0x30] =	vst v60;
	(pc) =	sbr.rel @!p0 .LBB2_7-.Ltmp3, $4  }
0xb5: {  	v62 =	vadd.s32 v1, v8;
	[tilespmem:$0x20] =	vst v61  }
0xb6: {  	v63 =	vadd.s32 v1, v9;
	[tilespmem:$0x10] =	vst v62  }
0xb7: {  	[tilespmem:$0x40] =	vst v63;
	v3 =	vadd.s32 v1, v3  }
0xb8: {  	s14 =	sadd.s32 $0x100, s22;
	s15 =	sadd.s32 $0x100, s23;
	s13 =	sadd.s32 $0xFFFFFFFF, s10;
	[tilespmem:$0x0] =	vst v3  }
.LBB2_6:
0xb9: {  	[tilespmem:s28], [sflag:$0x1] =	stream.indirect.gather [hbm4b:s4+s26], $0x80, s3, s26, $0xb8;
	[tilespmem:$0x1C100] =	vst v63  }
0xba: {  	p0 =	sne.s32 s13, $0x1;
	s13 =	sadd.s32 $0xFFFFFFFF, s13;
	_ =	swait.ge [sflag:s25], $0x4000  }
0xbb: {  	[sflag:s25] =	ssyncset.done $0x0  }
0xbc: {  	[sflag:s25] =	ssyncadd.s32 $0xFFFFC000  }
0xbd: {  	[spmem:s1] =	stream.indirect.scatter.add.f32 [tilespmem:s28], [sflag:$0x1], $0x80, s26, s26, $0xb8;
	[tilespmem:$0x1C100] =	vst v63  }
0xbe: {  	_ =	swait.ge [sflag:s25], $0x4000  }
0xbf: {  	[sflag:s25] =	ssyncset.done $0x0  }
0xc0: {  	[sflag:s25] =	ssyncadd.s32 $0xFFFFC000  }
0xc1: {  	[tilespmem:s3], [sflag:$0x1] =	stream.linear.gather [hbm4b:s15+s3], $0x80, $0x38;
	[tilespmem:$0x1C100] =	vst v63  }
0xc2: {  	_ =	swait.ge [sflag:s25], $0x80  }
0xc3: {  	[sflag:s25] =	ssyncset.done $0x0  }
0xc4: {  	[sflag:s25] =	ssyncadd.s32 $0xFFFFFF80  }
0xc5: {  	[tilespmem:s26], [sflag:$0x1] =	stream.linear.gather [hbm4b:s14+s3], $0x80, $0x38;
	[tilespmem:$0x1C100] =	vst v63  }
0xc6: {  	_ =	swait.ge [sflag:s25], $0x80  }
0xc7: {  	[sflag:s25] =	ssyncset.done $0x0  }
0xc8: {  	[sflag:s25] =	ssyncadd.s32 $0xFFFFFF80  }
0xc9: {  	v3 =	vld [tilespmem:$0x70]  }
0xca: {  	v4 =	vld [tilespmem:$0x60]  }
0xcb: {  	v5 =	vld [tilespmem:$0x50]  }
0xcc: {  	v6 =	vld [tilespmem:$0x30]  }
0xcd: {  	v7 =	vld [tilespmem:$0x20]  }
0xce: {  	v8 =	vld [tilespmem:$0x10];
	v3 =	vadd.s32 v1, v3  }
0xcf: {  	v9 =	vld [tilespmem:$0x40];
	v4 =	vadd.s32 v1, v4;
	[tilespmem:$0x70] =	vst v3  }
0xd0: {  	v3 =	vld [tilespmem:$0x0];
	v5 =	vadd.s32 v1, v5;
	[tilespmem:$0x60] =	vst v4  }
0xd1: {  	v4 =	vadd.s32 v1, v6;
	[tilespmem:$0x50] =	vst v5  }
.Ltmp4:
0xd2: {  	v5 =	vadd.s32 v1, v7;
	[tilespmem:$0x30] =	vst v4;
	(pc) =	sbr.rel @p0 .LBB2_6-.Ltmp4, $4  }
0xd3: {  	v4 =	vadd.s32 v1, v8;
	[tilespmem:$0x20] =	vst v5  }
0xd4: {  	[tilespmem:$0x10] =	vst v4;
	v4 =	vadd.s32 v1, v9  }
0xd5: {  	v3 =	vadd.s32 v1, v3;
	[tilespmem:$0x40] =	vst v4  }
0xd6: {  	s15 =	sadd.s32 $0x100, s15;
	s14 =	sadd.s32 $0x100, s14;
	[tilespmem:$0x0] =	vst v3  }
.LBB2_7:
0xd7: {  	[tilespmem:s28], [sflag:$0x1] =	stream.indirect.gather [hbm4b:s4+s26], $0x80, s3, s26, $0xb8;
	[tilespmem:$0x1C100] =	vst v63  }
0xd8: {  	_ =	swait.ge [sflag:s25], $0x4000  }
0xd9: {  	[sflag:s25] =	ssyncset.done $0x0  }
0xda: {  	[sflag:s25] =	ssyncadd.s32 $0xFFFFC000  }
0xdb: {  	[spmem:s1] =	stream.indirect.scatter.add.f32 [tilespmem:s28], [sflag:$0x1], $0x80, s26, s26, $0xb8;
	[tilespmem:$0x1C100] =	vst v63  }
0xdc: {  	_ =	swait.ge [sflag:s25], $0x4000  }
0xdd: {  	[sflag:s25] =	ssyncset.done $0x0  }
0xde: {  	[sflag:s25] =	ssyncadd.s32 $0xFFFFC000  }
0xdf: {  	[bflag:$0x0] =	sbarrier.arrive $0xFFFF  }
0xe0: {  	[hbm:s16], [sflag:s30] =	dma.local [spmem:s31], $0x800  }
0xe1: {  	_ =	swait.ge [sflag:s25], $0x800  }
0xe2: {  	[sflag:s25] =	ssyncset.done $0x0  }
0xe3: {  	[sflag:s25] =	ssyncadd.s32 $0xFFFFF800  }
0xe4: {  	[hbm:s17], [sflag:s30] =	dma.local [spmem:s0], $0x800  }
0xe5: {  	_ =	swait.ge [sflag:s25], $0x800  }
0xe6: {  	[sflag:s25] =	ssyncset.done $0x0  }
0xe7: {  	[sflag:s25] =	ssyncadd.s32 $0xFFFFF800  }
0xe8: {  	[hbm:s18], [sflag:s30] =	dma.local [spmem:s2], $0x800  }
0xe9: {  	_ =	swait.ge [sflag:s25], $0x800  }
0xea: {  	[sflag:s25] =	ssyncset.done $0x0  }
0xeb: {  	[sflag:s25] =	ssyncadd.s32 $0xFFFFF800  }
0xec: {  	[hbm:s19], [sflag:s30] =	dma.local [spmem:s11], $0x800  }
0xed: {  	s29 =	sadd.s32 $0x1, s29;
	_ =	swait.ge [sflag:s25], $0x800  }
0xee: {  	p0 =	sne.s32 s29, s21;
	[sflag:s25] =	ssyncset.done $0x0  }
.Ltmp5:
0xef: {  	[sflag:s25] =	ssyncadd.s32 $0xFFFFF800;
	(pc) =	sbr.rel @p0 .LBB2_1-.Ltmp5, $4  }
0xf0: {  	[hbm:s20], [sflag:s30] =	dma.local [spmem:s12], $0x800  }
0xf1: {  	_ =	swait.ge [sflag:s25], $0x800  }
0xf2: {  	[sflag:s25] =	ssyncset.done $0x0  }
0xf3: {  	[sflag:s25] =	ssyncadd.s32 $0xFFFFF800  }
0xf4: {  	_ =	sfence.sel $0x180000  }
0xf5: {  	[bflag:$0x0] =	sbarrier.arrive $0xFFFF  }
0xf6: {  	_ =	strace $0x9000004D  }
0xf7: {  	s0 =	stileid.u32;
	[bflag:$0x2] =	sbarrier.arrive $0xFFFF  }
0xf8: {  	p0 =	sne.s32 s0, $0x0;
	s0 =	rddreg [dreg:$0x2]  }
0xf9: {  	s0 =	sadd.s32 @!p0 $0x100000, s0  }
0xfa: {  	[sflag:s0] =	ssyncadd.tile.s32 @!p0 $0x1;
	_ =	shalt  }
.Lfunc_end2:
_tile_overlayer_lowered:
.L_overlay_start_2:
0xfb: {  	(tag) =	ssettag $0x2  }
0xfc: {  	s0 =	rddreg [dreg:$0x0];
	s2 =	stileid.u32  }
0xfd: {  	s1 =	rddreg [dreg:$0x1];
	p0 =	sne.s32 s2, $0x0  }
0xfe: {  	s3 =	rddreg [dreg:$0x2];
	[bflag:$0x3] =	sbarrier.arrive $0xFFFF;
	s2 =	simm.s32 @!p0 $0x1C01  }
0xff: {  	[timem:s3], [sflag:s2] =	dma.local @!p0 [hbm:s0], s1  }
0x100: {  	s0 =	simm.s32 @!p0 $0x1  }
0x101: {  	_ =	swait.ge @!p0 [sflag:s0], s1  }
0x102: {  	s1 =	ssub.s32 @!p0 $0x0, s1;
	[sflag:s0] =	ssyncset.done @!p0 $0x0  }
0x103: {  	[sflag:s0] =	ssyncadd.s32 @!p0 s1  }
0x104: {  	[bflag:$0x3] =	sbarrier.arrive $0xFFFF  }
0x105: {  	_ =	shalt  }

// kernel: kernel.18.cloned.1.call-start
scs
__scs_entry_jumppad:
0x0: {  	(pc) =	sbr.rel $0x88, $3  }
0x1: {  	(tag) =	ssettag $0x0;
	lr =	simm.s32 $0x1  }
0x2: {  	[smem:$0x3F96] =	sst lr;
	_ =	strace $0xD0000000  }
0x3: {  	_ = 	snop  }
0x4: {  	_ = 	snop  }
0x5: {  	_ = 	snop  }
0x6: {  	_ = 	snop  }
0x7: {  	_ = 	snop  }
__scs_overlays_trampoline_lowered:
0x8: {  	[smem:$0x3FA5] =	sst s0  }
0x9: {  	[smem:$0x3FA6] =	sst s1  }
0xa: {  	[smem:$0x3FA7] =	sst s2  }
0xb: {  	[smem:$0x3FA8] =	sst s3  }
0xc: {  	[smem:$0x3FA9] =	sst s4  }
0xd: {  	[smem:$0x3FAA] =	sst s5  }
0xe: {  	[smem:$0x3FAB] =	sst s6  }
0xf: {  	[smem:$0x3FAC] =	sst s7  }
0x10: {  	[smem:$0x3FAD] =	sst s8  }
0x11: {  	[smem:$0x3FAE] =	sst s9;
	s0 =	simm.s32 @!p0 $0x0  }
0x12: {  	s1 =	sld [smem:$0x3F94];
	s0 =	simm.s32 @p0 $0x1  }
0x13: {  	[smem:$0x3FAF] =	sst s0;
	s0 =	simm.s32 @!p1 $0x0  }
0x14: {  	s2 =	sld [smem:$0x3F93];
	s0 =	simm.s32 @p1 $0x1  }
0x15: {  	[smem:$0x3FB0] =	sst s0;
	s0 =	simm.s32 @!p2 $0x0  }
0x16: {  	s3 =	sld [smem:$0x3FDB];
	s0 =	simm.s32 @p2 $0x1  }
0x17: {  	s4 =	simm.s32 $0x1BF5;
	[smem:$0x3FB2] =	sst s0  }
0x18: {  	s0 =	sld [smem:$0x3F95];
	_ =	swait.ge [sflag:s4], $0x0  }
0x19: {  	s7 =	sld [smem:$0x3F96]  }
0x1a: {  	s8 =	sadd.s32 $0xFFFFE003, lr  }
0x1b: {  	s9 =	sadd.s32 $0xFFFFFEF7, lr;
	s5 =	simm.s32 $0xFFFFFFFF;
	p2 =	slt.u32 s8, $0xFFFFF086  }
0x1c: {  	p1 =	slt.u32 s9, $0xF7A;
	s5 =	simm.s32 @!p2 $0x0  }
0x1d: {  	s5 =	simm.s32 @p1 $0x1;
	p0 =	seq.s32 s7, s2  }
0x1e: {  	s7 =	smul.u32 @!p0 $0xF7A, s2;
	p2 =	seq.s32 @!p0 s5, $0x0  }
0x1f: {  	s9 =	smul.u32 $0xF7A, s1;
	s8 =	simm.s32 @!p0 $0x1BF5;
	p2 =	por !p2, p0  }
0x20: {  	[sflag:s8] =	ssyncset.s32 @!p0 $0xFFFFF086;
	s6 =	sadd.s32 @!p0 s3, s7;
	s7 =	simm.s32 @!p0 $0x108  }
0x21: {  	s3 =	sadd.s32 s3, s9;
	s6 =	sadd.s32 @!p0 $0x88, s6;
	s7 =	simm.s32 @p2 $0x1082  }
0x22: {  	[simem:s7], [sflag:s8] =	dma.local @!p0 [hbm:s6], $0xF7A  }
0x23: {  	s9 =	sor.u32 $0xD0000000, s2;
	s6 =	simm.s32 $0x108;
	_ =	swait.ge @!p0 [sflag:s8], $0x0  }
0x24: {  	s3 =	sadd.s32 $0x88, s3;
	s6 =	simm.s32 @!p1 $0x1082;
	[sflag:s4] =	ssyncset.s32 $0xFFFFF086  }
0x25: {  	[simem:s6], [sflag:s4] =	dma.local [hbm:s3], $0xF7A  }
0x26: {  	[smem:$0x3F96] =	sst s1;
	(tag) =	ssettag s2;
	_ =	strace s9  }
0x27: {  	s1 =	sld [smem:$0x3FA6]  }
0x28: {  	s2 =	sld [smem:$0x3FA7]  }
0x29: {  	s4 =	sld [smem:$0x3FA9]  }
0x2a: {  	p0 =	seq.s32 s5, $0x0;
	s5 =	sld [smem:$0x3FAA]  }
0x2b: {  	s6 =	sld [smem:$0x3FAB]  }
0x2c: {  	s7 =	sld [smem:$0x3FAC]  }
0x2d: {  	s3 =	simm.s32 $0x108;
	s8 =	sld [smem:$0x3FAD]  }
0x2e: {  	s3 =	simm.s32 @!p0 $0x1082;
	s9 =	sld [smem:$0x3FAE]  }
0x2f: {  	lr =	sadd.s32 s0, s3;
	s0 =	sld [smem:$0x3FA5]  }
0x30: {  	s3 =	sld [smem:$0x3FA8]  }
0x31: {  	[smem:$0x3FB1] =	sst s10  }
0x32: {  	s10 =	sld [smem:$0x3FAF];
	_ =	sdelay $0x3  }
0x33: {  	p0 =	seq.s32 s10, $0x1;
	s10 =	sld [smem:$0x3FB1];
	_ =	sdelay $0x3  }
0x34: {  	[smem:$0x3FB1] =	sst s10  }
0x35: {  	s10 =	sld [smem:$0x3FB0];
	_ =	sdelay $0x3  }
0x36: {  	p1 =	seq.s32 s10, $0x1;
	s10 =	sld [smem:$0x3FB1];
	_ =	sdelay $0x3  }
0x37: {  	[smem:$0x3FB1] =	sst s10  }
0x38: {  	s10 =	sld [smem:$0x3FB2]  }
0x39: {  	_ = 	snop;
	(pc) =	sbr.ind lr, $3  }
0x3a: {  	_ = 	snop  }
0x3b: {  	_ = 	snop  }
0x3c: {  	p2 =	seq.s32 s10, $0x1;
	s10 =	sld [smem:$0x3FB1]  }
0x3d: {  	_ =	shalt  }
0x3e: {  	_ =	shalt  }
0x3f: {  	_ =	shalt  }
0x40: {  	_ =	shalt  }
0x41: {  	_ =	shalt  }
0x42: {  	_ =	shalt  }
0x43: {  	_ =	shalt  }
0x44: {  	_ =	shalt  }
0x45: {  	_ =	shalt  }
0x46: {  	_ =	shalt  }
0x47: {  	_ =	shalt  }
0x48: {  	_ =	shalt  }
0x49: {  	_ =	shalt  }
0x4a: {  	_ =	shalt  }
0x4b: {  	_ =	shalt  }
0x4c: {  	_ =	shalt  }
0x4d: {  	_ =	shalt  }
0x4e: {  	_ =	shalt  }
0x4f: {  	_ =	shalt  }
0x50: {  	_ =	shalt  }
0x51: {  	_ =	shalt  }
0x52: {  	_ =	shalt  }
0x53: {  	_ =	shalt  }
0x54: {  	_ =	shalt  }
0x55: {  	_ =	shalt  }
0x56: {  	_ =	shalt  }
0x57: {  	_ =	shalt  }
0x58: {  	_ =	shalt  }
0x59: {  	_ =	shalt  }
0x5a: {  	_ =	shalt  }
0x5b: {  	_ =	shalt  }
0x5c: {  	_ =	shalt  }
0x5d: {  	_ =	shalt  }
0x5e: {  	_ =	shalt  }
0x5f: {  	_ =	shalt  }
0x60: {  	_ =	shalt  }
0x61: {  	_ =	shalt  }
0x62: {  	_ =	shalt  }
0x63: {  	_ =	shalt  }
0x64: {  	_ =	shalt  }
0x65: {  	_ =	shalt  }
0x66: {  	_ =	shalt  }
0x67: {  	_ =	shalt  }
0x68: {  	_ =	shalt  }
0x69: {  	_ =	shalt  }
0x6a: {  	_ =	shalt  }
0x6b: {  	_ =	shalt  }
0x6c: {  	_ =	shalt  }
0x6d: {  	_ =	shalt  }
0x6e: {  	_ =	shalt  }
0x6f: {  	_ =	shalt  }
0x70: {  	_ =	shalt  }
0x71: {  	_ =	shalt  }
0x72: {  	_ =	shalt  }
0x73: {  	_ =	shalt  }
0x74: {  	_ =	shalt  }
0x75: {  	_ =	shalt  }
0x76: {  	_ =	shalt  }
0x77: {  	_ =	shalt  }
0x78: {  	_ =	shalt  }
0x79: {  	_ =	shalt  }
0x7a: {  	_ =	shalt  }
0x7b: {  	_ =	shalt  }
0x7c: {  	_ =	shalt  }
0x7d: {  	_ =	shalt  }
0x7e: {  	_ =	shalt  }
0x7f: {  	_ =	shalt  }
0x80: {  	_ =	shalt  }
0x81: {  	_ =	shalt  }
0x82: {  	_ =	shalt  }
0x83: {  	_ =	shalt  }
0x84: {  	_ =	shalt  }
0x85: {  	_ =	shalt  }
0x86: {  	_ =	shalt  }
0x87: {  	_ =	shalt  }
.Lfunc_end0:
.L_simem_size_0:
called_computation.3_lowered:
.L_overlay_start_0:
0x88: {  	s2 =	sld [smem:$0x3FD9]  }
0x89: {  	s3 =	sld [smem:$0x3FFE];
	_ =	sdelay $0x1  }
0x8a: {  	s1 =	srdreg.scid  }
0x8b: {  	s0 =	sand.u32 $0x1, s1  }
0x8c: {  	s16 =	sshll.u32 s0, $0xA;
	s2 =	sadd.s32 s3, s2  }
0x8d: {  	s2 =	sadd.s32 s2, s16  }
0x8e: {  	[smem:$0x3FBD] =	sst s2  }
0x8f: {  	_ = 	snop  }
0x90: {  	(tm) =	ssettm $0x1  }
0x91: {  	s17 =	sld [smem:$0x3FFB];
	_ =	sdelay $0x3  }
0x92: {  	_ =	strace s17  }
0x93: {  	s2 =	sld [smem:$0x3FFC];
	_ =	sdelay $0x3  }
0x94: {  	_ =	strace s2  }
0x95: {  	s2 =	sld [smem:$0x3FFD];
	_ =	sdelay $0x3  }
0x96: {  	_ =	strace s2  }
0x97: {  	_ =	strace $0x8FFFFFFF  }
0x98: {  	s18 =	sld [smem:$0x3FDB];
	_ =	sdelay $0x1  }
0x99: {  	s19 =	simm.s32 $_scs_section_size  }
0x9a: {  	s4 =	simm.s32 $_size__tile_overlayer_lowered;
	s5 =	simm.s32 $_tile_overlayer_lowered  }
0x9b: {  	s22 =	simm.s32 $0x1BFF;
	s21 =	sshll.u32 s5, $0x1;
	s2 =	sadd.s32 s19, s18  }
0x9c: {  	s6 =	simm.s32 $0x0;
	s20 =	sshll.u32 s4, $0x1;
	s4 =	sadd.s32 s21, s2  }
0x9d: {  	[timem:s6], [sflag:s22] =	dma.local [hbm:s4], s20  }
0x9e: {  	_ =	swait.ge [sflag:s22], s20  }
0x9f: {  	s3 =	ssub.s32 $0x0, s20;
	[sflag:s22] =	ssyncset.done $0x0  }
0xa0: {  	[sflag:s22] =	ssyncadd.s32 s3;
	_ =	sdelay $0x1  }
0xa1: {  	s23 =	simm.s32 $0x1B8B  }
0xa2: {  	_ =	swait.ge [sflag:s23], $0x1  }
0xa3: {  	[sflag:s23] =	ssyncset.done $0x0  }
0xa4: {  	s25 =	simm.s32 $0x1B8E;
	s24 =	sld [smem:$0x3FFE];
	[sflag:s23] =	ssyncadd.s32 $0xFFFFFFFF  }
0xa5: {  	s26 =	simm.s32 $execute0_lowered;
	[smem:$0x3FD2] =	sst s25  }
0xa6: {  	s4 =	sshll.u32 s26, $0x1;
	_ =	strace $0x8000004F;
	[dreg:$0x1] =	wrdreg $0xFFFFFFFF  }
0xa7: {  	s28 =	simm.s32 $_size_execute0_lowered;
	s2 =	sadd.s32 s2, s4;
	[dreg:$0x0] =	wrdreg $0x0  }
0xa8: {  	s4 =	sshll.u32 s28, $0x1;
	[dreg:$0x2] =	wrdreg s2  }
0xa9: {  	[dreg:$0x3] =	wrdreg s4  }
0xaa: {  	[dreg:$0x4] =	wrdreg $0xC0  }
0xab: {  	_ =	task [dreg:s6], $0x5FFFF  }
0xac: {  	[dreg:$0x1] =	wrdreg $0xFFFFFFFF  }
0xad: {  	[dreg:$0x0] =	wrdreg $0x60  }
0xae: {  	[dreg:$0x2] =	wrdreg s24  }
0xaf: {  	[dreg:$0x3] =	wrdreg $0x81000  }
0xb0: {  	[dreg:$0x4] =	wrdreg $0x9  }
0xb1: {  	_ =	task.clear_ibuf [dreg:s6], $0x5FFFF;
	_ =	strace $0x9000004F  }
0xb2: {  	s29 =	simm.s32 $0x9;
	_ =	strace $0x80000051  }
0xb3: {  	_ =	swait.ge [sflag:s29], $0x1  }
0xb4: {  	[sflag:s29] =	ssyncadd.s32 $0xFFFFFFFF  }
0xb5: {  	_ =	strace $0x90000051  }
0xb6: {  	_ =	sfence  }
0xb7: {  	s30 =	sld [smem:$0x0];
	_ =	sdelay $0x2  }
0xb8: {  	s31 =	sshll.u32 s1, $0xD;
	s1 =	sshrl.u32 s1, $0x2  }
0xb9: {  	s3 =	sand.u32 $0x4000, s31;
	s1 =	sadd.s32 s1, s30  }
0xba: {  	s0 =	sor.u32 s3, s0;
	s1 =	sshll.u32 s1, $0x11  }
0xbb: {  	s0 =	sor.u32 s1, s0  }
0xbc: {  	s0 =	sadd.s32 $0x8F2B, s0  }
0xbd: {  	[sflag:s0] =	ssyncadd.remote.s32 $0x1  }
0xbe: {  	_ =	sfence.sel $0xFFFF  }
0xbf: {  	[dreg:$0x0] =	wrdreg $0xFFFFFFFF;
	(pc) =	sbr.abs _section_cstart, $3  }
0xc0: {  	[dreg:$0x1] =	wrdreg $0xFFFFFFFF  }
0xc1: {  	_ =	task.clear_ibuf [dreg:s6], $0x2FFFF;
	_ =	strace $0x9FFFFFFF  }
0xc2: {  	(tm) =	ssettm $0x7FFFFFFF  }
0xc3: {  	_ =	shalt  }
tec
execute0_lowered:
.L_overlay_start_1:
0x0: {  	(tag) =	ssettag $0x1  }
0x1: {  	s0 =	rddreg [dreg:$0x0]  }
0x2: {  	s1 =	rddreg [dreg:$0x1];
	s3 =	simm.s32 $0x0  }
0x3: {  	s10 =	stileid.u32;
	s2 =	srdreg.scid;
	s28 =	simm.s32 $0x100  }
0x4: {  	s29 =	simm.s32 $0x0;
	[smem:$0x7FF] =	sst s3;
	s4 =	sadd.s32 $0xD400, s0  }
0x5: {  	s2 =	sand.u32 $0x1, s2;
	s11 =	smul.u32 $0x280, s10;
	s5 =	sshll.u32 s10, $0x4  }
0x6: {  	s7 =	smul.u32 $0x50000, s10;
	s10 =	ssub.s32 $0x4F1, s10;
	_ =	strace $0x80000050  }
0x7: {  	s6 =	ssub.s32 $0x2, s2;
	s12 =	sadd.s32 s5, s0;
	s0 =	sadd.s32 $0xAD400, s0  }
0x8: {  	s2 =	smul.u32 $0x2800, s2;
	s10 =	sshrl.u32 s10, $0x4;
	s23 =	sshrl.u32 s6, $0x1  }
0x9: {  	s24 =	sshrl.u32 s7, $0x2;
	s14 =	sadd.s32 $0x80, s11;
	s15 =	sadd.s32 $0x100, s11  }
0xa: {  	s18 =	sadd.s32 $0x180, s11;
	s19 =	sadd.s32 $0x200, s11;
	s13 =	ssub.s32 s6, s23  }
0xb: {  	s5 =	sadd.s32 s24, s1;
	s25 =	sshll.u32 s14, $0x7;
	s26 =	sshll.u32 s15, $0x7  }
0xc: {  	s8 =	sshll.u32 s18, $0x7;
	s9 =	sshll.u32 s19, $0x7;
	s16 =	sadd.s32 s11, s2  }
0xd: {  	s17 =	sadd.s32 s2, s14;
	s31 =	sadd.s32 s2, s15;
	s20 =	sadd.s32 s2, s18  }
0xe: {  	s22 =	sadd.s32 s2, s19;
	s6 =	sadd.s32 s25, s1;
	s7 =	sadd.s32 s26, s1  }
0xf: {  	s8 =	sadd.s32 s8, s1;
	s9 =	sadd.s32 s9, s1;
	s16 =	sshll.u32 s16, $0x4  }
0x10: {  	s30 =	sshll.u32 s17, $0x4;
	s17 =	sshll.u32 s31, $0x4;
	s26 =	sadd.s32 $0x5000, s2  }
0x11: {  	s21 =	sshll.u32 s20, $0x4;
	s16 =	sadd.s32 s0, s16;
	s11 =	sadd.s32 s11, s26  }
0x12: {  	s14 =	sadd.s32 s14, s26;
	s24 =	sadd.s32 s15, s26;
	s25 =	sadd.s32 s18, s26  }
0x13: {  	[dreg:$0x3] =	wrdreg s16;
	s16 =	sadd.s32 s0, s30;
	s11 =	sshll.u32 s11, $0x4  }
0x14: {  	s23 =	sshll.u32 s14, $0x4;
	s14 =	sshll.u32 s25, $0x4;
	s30 =	sadd.s32 s19, s26  }
0x15: {  	v1 =	vmov s26;
	s25 =	simm.s32 $0x1;
	s26 =	simm.s32 $0x80;
	[dreg:$0x4] =	wrdreg s16  }
0x16: {  	s16 =	sadd.s32 s0, s17;
	s17 =	sadd.s32 s0, s23;
	s19 =	sadd.s32 s0, s14  }
0x17: {  	s31 =	sshll.u32 s30, $0x4;
	[dreg:$0x5] =	wrdreg s16;
	s16 =	sadd.s32 s0, s21  }
0x18: {  	s23 =	sadd.s32 $0x8400, s12;
	[dreg:$0x6] =	wrdreg s16;
	s16 =	sshll.u32 s22, $0x4  }
0x19: {  	s20 =	sadd.s32 s0, s31;
	s21 =	smax.u32 s13, $0x1;
	s16 =	sadd.s32 s0, s16  }
0x1a: {  	[dreg:$0x7] =	wrdreg s16;
	s16 =	sadd.s32 s0, s11;
	s11 =	sshll.u32 s24, $0x4  }
0x1b: {  	v2 =	vimm.f32 $0.0e+00;
	v0 =	vmov s2;
	s22 =	sadd.s32 $0x3400, s12;
	s24 =	simm.s32 $0x4100;
	s18 =	sadd.s32 s0, s11  }
.LBB2_1:
0x1c: {  	s0 =	sand.u32 $0xFE00, s3  }
0x1d: {  	s2 =	sand.u32 $0x70, s3;
	s11 =	sshrl.u32 s0, $0x2  }
0x1e: {  	s0 =	simm.s32 $0x40;
	s11 =	sor.u32 s2, s11;
	s2 =	simm.s32 $0x0  }
.LBB2_2:
0x1f: {  	p0 =	sne.s32 s0, $0xFFC0  }
0x20: {  	[tilespmem:s11+$0x4100] =	vst v2;
	s2 =	sadd.s32 $0x10, s2;
	s11 =	smov.u32 s0;
	s0 =	sadd.s32 $0x40, s0  }
.Ltmp0:
0x21: {  	(pc) =	sbr.rel @p0 .LBB2_2-.Ltmp0, $4  }
0x22: {  	_ = 	snop  }
0x23: {  	s11 =	sand.u32 $0xFE00, s11  }
0x24: {  	s12 =	sand.u32 $0x70, s2;
	s11 =	sshrl.u32 s11, $0x2  }
0x25: {  	s11 =	sor.u32 s12, s11  }
0x26: {  	[tilespmem:s11+$0x4100] =	vst v2  }
0x27: {  	[spmem:s5] =	stream.linear.scatter [tilespmem:s24], [sflag:$0x1], $0x4000, $0x38;
	[tilespmem:$0x1C100] =	vst v63  }
0x28: {  	_ =	swait.ge [sflag:s25], $0x4000  }
0x29: {  	[sflag:s25] =	ssyncset.done $0x0  }
0x2a: {  	[sflag:s25] =	ssyncadd.s32 $0xFFFFC000  }
0x2b: {  	[spmem:s6] =	stream.linear.scatter [tilespmem:s24], [sflag:$0x1], $0x4000, $0x38;
	[tilespmem:$0x1C100] =	vst v63  }
0x2c: {  	_ =	swait.ge [sflag:s25], $0x4000  }
0x2d: {  	[sflag:s25] =	ssyncset.done $0x0  }
0x2e: {  	[sflag:s25] =	ssyncadd.s32 $0xFFFFC000  }
0x2f: {  	[spmem:s7] =	stream.linear.scatter [tilespmem:s24], [sflag:$0x1], $0x4000, $0x38;
	[tilespmem:$0x1C100] =	vst v63  }
0x30: {  	_ =	swait.ge [sflag:s25], $0x4000  }
0x31: {  	[sflag:s25] =	ssyncset.done $0x0  }
0x32: {  	[sflag:s25] =	ssyncadd.s32 $0xFFFFC000  }
0x33: {  	[spmem:s8] =	stream.linear.scatter [tilespmem:s24], [sflag:$0x1], $0x4000, $0x38;
	[tilespmem:$0x1C100] =	vst v63  }
0x34: {  	_ =	swait.ge [sflag:s25], $0x4000  }
0x35: {  	[sflag:s25] =	ssyncset.done $0x0  }
0x36: {  	[sflag:s25] =	ssyncadd.s32 $0xFFFFC000  }
0x37: {  	[spmem:s9] =	stream.linear.scatter [tilespmem:s24], [sflag:$0x1], $0x4000, $0x38;
	[tilespmem:$0x1C100] =	vst v63  }
0x38: {  	_ =	swait.ge [sflag:s25], $0x4000  }
0x39: {  	[sflag:s25] =	ssyncset.done $0x0  }
0x3a: {  	[sflag:s25] =	ssyncadd.s32 $0xFFFFC000  }
0x3b: {  	[bflag:$0x0] =	sbarrier.arrive $0xFFFF  }
0x3c: {  	[tilespmem:s3], [sflag:$0x1] =	stream.linear.gather [hbm4b:s23+s3], $0x80, $0x38;
	[tilespmem:$0x1C100] =	vst v63  }
0x3d: {  	_ =	swait.ge [sflag:s25], $0x80  }
0x3e: {  	[sflag:s25] =	ssyncset.done $0x0  }
0x3f: {  	[sflag:s25] =	ssyncadd.s32 $0xFFFFFF80  }
0x40: {  	[tilespmem:s26], [sflag:$0x1] =	stream.linear.gather [hbm4b:s22+s3], $0x80, $0x38;
	[tilespmem:$0x1C100] =	vst v63  }
0x41: {  	_ =	swait.ge [sflag:s25], $0x80  }
0x42: {  	[sflag:s25] =	ssyncset.done $0x0  }
0x43: {  	[sflag:s25] =	ssyncadd.s32 $0xFFFFFF80  }
0x44: {  	v3 =	vld [tilespmem:$0x70]  }
0x45: {  	v4 =	vld [tilespmem:$0x60]  }
0x46: {  	v5 =	vld [tilespmem:$0x50]  }
0x47: {  	v6 =	vld [tilespmem:$0x30]  }
0x48: {  	v7 =	vld [tilespmem:$0x20]  }
0x49: {  	v8 =	vld [tilespmem:$0x10];
	v3 =	vadd.s32 v0, v3  }
0x4a: {  	v9 =	vld [tilespmem:$0x40];
	v4 =	vadd.s32 v0, v4;
	[tilespmem:$0x70] =	vst v3  }
0x4b: {  	v5 =	vadd.s32 v0, v5;
	v3 =	vld [tilespmem:$0x0];
	[tilespmem:$0x60] =	vst v4  }
0x4c: {  	p0 =	sne.s32 s10, $0x1;
	v60 =	vadd.s32 v0, v6;
	[tilespmem:$0x50] =	vst v5  }
.Ltmp1:
0x4d: {  	v61 =	vadd.s32 v0, v7;
	[tilespmem:$0x30] =	vst v60;
	(pc) =	sbr.rel @!p0 .LBB2_5-.Ltmp1, $4  }
0x4e: {  	v62 =	vadd.s32 v0, v8;
	[tilespmem:$0x20] =	vst v61  }
0x4f: {  	v63 =	vadd.s32 v0, v9;
	[tilespmem:$0x10] =	vst v62  }
0x50: {  	[tilespmem:$0x40] =	vst v63;
	v3 =	vadd.s32 v0, v3  }
0x51: {  	s0 =	sadd.s32 $0xFFFFFFFF, s10;
	s2 =	sadd.s32 $0x100, s22;
	s11 =	sadd.s32 $0x100, s23;
	[tilespmem:$0x0] =	vst v3  }
.LBB2_4:
0x52: {  	[tilespmem:s28], [sflag:$0x1] =	stream.indirect.gather [hbm4b:s4+s26], $0x80, s3, s26, $0xb8;
	[tilespmem:$0x1C100] =	vst v63  }
0x53: {  	p1 =	sne.s32 s0, $0x1;
	s0 =	sadd.s32 $0xFFFFFFFF, s0;
	_ =	swait.ge [sflag:s25], $0x4000  }
0x54: {  	[sflag:s25] =	ssyncset.done $0x0  }
0x55: {  	[sflag:s25] =	ssyncadd.s32 $0xFFFFC000  }
0x56: {  	[spmem:s1] =	stream.indirect.scatter.add.f32 [tilespmem:s28], [sflag:$0x1], $0x80, s26, s26, $0xb8;
	[tilespmem:$0x1C100] =	vst v63  }
0x57: {  	_ =	swait.ge [sflag:s25], $0x4000  }
0x58: {  	[sflag:s25] =	ssyncset.done $0x0  }
0x59: {  	[sflag:s25] =	ssyncadd.s32 $0xFFFFC000  }
0x5a: {  	[tilespmem:s3], [sflag:$0x1] =	stream.linear.gather [hbm4b:s11+s3], $0x80, $0x38;
	[tilespmem:$0x1C100] =	vst v63  }
0x5b: {  	_ =	swait.ge [sflag:s25], $0x80  }
0x5c: {  	[sflag:s25] =	ssyncset.done $0x0  }
0x5d: {  	[sflag:s25] =	ssyncadd.s32 $0xFFFFFF80  }
0x5e: {  	[tilespmem:s26], [sflag:$0x1] =	stream.linear.gather [hbm4b:s2+s3], $0x80, $0x38;
	[tilespmem:$0x1C100] =	vst v63  }
0x5f: {  	_ =	swait.ge [sflag:s25], $0x80  }
0x60: {  	[sflag:s25] =	ssyncset.done $0x0  }
0x61: {  	[sflag:s25] =	ssyncadd.s32 $0xFFFFFF80  }
0x62: {  	v3 =	vld [tilespmem:$0x70]  }
0x63: {  	v4 =	vld [tilespmem:$0x60]  }
0x64: {  	v5 =	vld [tilespmem:$0x50]  }
0x65: {  	v6 =	vld [tilespmem:$0x30]  }
0x66: {  	v7 =	vld [tilespmem:$0x20]  }
0x67: {  	v8 =	vld [tilespmem:$0x10];
	v3 =	vadd.s32 v0, v3  }
0x68: {  	v9 =	vld [tilespmem:$0x40];
	v4 =	vadd.s32 v0, v4;
	[tilespmem:$0x70] =	vst v3  }
0x69: {  	v3 =	vld [tilespmem:$0x0];
	v5 =	vadd.s32 v0, v5;
	[tilespmem:$0x60] =	vst v4  }
0x6a: {  	v4 =	vadd.s32 v0, v6;
	[tilespmem:$0x50] =	vst v5  }
.Ltmp2:
0x6b: {  	v5 =	vadd.s32 v0, v7;
	[tilespmem:$0x30] =	vst v4;
	(pc) =	sbr.rel @p1 .LBB2_4-.Ltmp2, $4  }
0x6c: {  	v4 =	vadd.s32 v0, v8;
	[tilespmem:$0x20] =	vst v5  }
0x6d: {  	[tilespmem:$0x10] =	vst v4;
	v4 =	vadd.s32 v0, v9  }
0x6e: {  	v3 =	vadd.s32 v0, v3;
	[tilespmem:$0x40] =	vst v4  }
0x6f: {  	s11 =	sadd.s32 $0x100, s11;
	s2 =	sadd.s32 $0x100, s2;
	[tilespmem:$0x0] =	vst v3  }
.LBB2_5:
0x70: {  	[tilespmem:s28], [sflag:$0x1] =	stream.indirect.gather [hbm4b:s4+s26], $0x80, s3, s26, $0xb8;
	[tilespmem:$0x1C100] =	vst v63  }
0x71: {  	_ =	swait.ge [sflag:s25], $0x4000  }
0x72: {  	[sflag:s25] =	ssyncset.done $0x0  }
0x73: {  	[sflag:s25] =	ssyncadd.s32 $0xFFFFC000  }
0x74: {  	[spmem:s1] =	stream.indirect.scatter.add.f32 [tilespmem:s28], [sflag:$0x1], $0x80, s26, s26, $0xb8;
	[tilespmem:$0x1C100] =	vst v63  }
0x75: {  	_ =	swait.ge [sflag:s25], $0x4000  }
0x76: {  	[sflag:s25] =	ssyncset.done $0x0  }
0x77: {  	s0 =	stileid.u32;
	[sflag:s25] =	ssyncadd.s32 $0xFFFFC000  }
0x78: {  	s0 =	sshll.u32 s0, $0x6;
	[bflag:$0x0] =	sbarrier.arrive $0xFFFF  }
0x79: {  	s31 =	sshrl.u32 s5, $0x3;
	s30 =	sor.u32 $0x1C01, s0;
	s15 =	rddreg [dreg:$0x3]  }
0x7a: {  	[hbm:s15], [sflag:s30] =	dma.local [spmem:s31], $0x800  }
0x7b: {  	_ =	swait.ge [sflag:s25], $0x800  }
0x7c: {  	[sflag:s25] =	ssyncset.done $0x0  }
0x7d: {  	s0 =	sshrl.u32 s6, $0x3;
	s2 =	rddreg [dreg:$0x4];
	[sflag:s25] =	ssyncadd.s32 $0xFFFFF800  }
0x7e: {  	[hbm:s2], [sflag:s30] =	dma.local [spmem:s0], $0x800  }
0x7f: {  	_ =	swait.ge [sflag:s25], $0x800  }
0x80: {  	[sflag:s25] =	ssyncset.done $0x0  }
0x81: {  	s2 =	sshrl.u32 s7, $0x3;
	s11 =	rddreg [dreg:$0x5];
	[sflag:s25] =	ssyncadd.s32 $0xFFFFF800  }
0x82: {  	[hbm:s11], [sflag:s30] =	dma.local [spmem:s2], $0x800  }
0x83: {  	_ =	swait.ge [sflag:s25], $0x800  }
0x84: {  	[sflag:s25] =	ssyncset.done $0x0  }
0x85: {  	s11 =	sshrl.u32 s8, $0x3;
	s12 =	rddreg [dreg:$0x6];
	[sflag:s25] =	ssyncadd.s32 $0xFFFFF800  }
0x86: {  	[hbm:s12], [sflag:s30] =	dma.local [spmem:s11], $0x800  }
0x87: {  	_ =	swait.ge [sflag:s25], $0x800  }
0x88: {  	[sflag:s25] =	ssyncset.done $0x0  }
0x89: {  	s12 =	sshrl.u32 s9, $0x3;
	s13 =	rddreg [dreg:$0x7];
	[sflag:s25] =	ssyncadd.s32 $0xFFFFF800  }
0x8a: {  	[hbm:s13], [sflag:s30] =	dma.local [spmem:s12], $0x800  }
0x8b: {  	_ =	swait.ge [sflag:s25], $0x800  }
0x8c: {  	[sflag:s25] =	ssyncset.done $0x0  }
0x8d: {  	[sflag:s25] =	ssyncadd.s32 $0xFFFFF800  }
0x8e: {  	[spmem:s5] =	stream.linear.scatter [tilespmem:s24], [sflag:$0x1], $0x4000, $0x38;
	[tilespmem:$0x1C100] =	vst v63  }
0x8f: {  	_ =	swait.ge [sflag:s25], $0x4000  }
0x90: {  	[sflag:s25] =	ssyncset.done $0x0  }
0x91: {  	[sflag:s25] =	ssyncadd.s32 $0xFFFFC000  }
0x92: {  	[spmem:s6] =	stream.linear.scatter [tilespmem:s24], [sflag:$0x1], $0x4000, $0x38;
	[tilespmem:$0x1C100] =	vst v63  }
0x93: {  	_ =	swait.ge [sflag:s25], $0x4000  }
0x94: {  	[sflag:s25] =	ssyncset.done $0x0  }
0x95: {  	[sflag:s25] =	ssyncadd.s32 $0xFFFFC000  }
0x96: {  	[spmem:s7] =	stream.linear.scatter [tilespmem:s24], [sflag:$0x1], $0x4000, $0x38;
	[tilespmem:$0x1C100] =	vst v63  }
0x97: {  	_ =	swait.ge [sflag:s25], $0x4000  }
0x98: {  	[sflag:s25] =	ssyncset.done $0x0  }
0x99: {  	[sflag:s25] =	ssyncadd.s32 $0xFFFFC000  }
0x9a: {  	[spmem:s8] =	stream.linear.scatter [tilespmem:s24], [sflag:$0x1], $0x4000, $0x38;
	[tilespmem:$0x1C100] =	vst v63  }
0x9b: {  	_ =	swait.ge [sflag:s25], $0x4000  }
0x9c: {  	[sflag:s25] =	ssyncset.done $0x0  }
0x9d: {  	[sflag:s25] =	ssyncadd.s32 $0xFFFFC000  }
0x9e: {  	[spmem:s9] =	stream.linear.scatter [tilespmem:s24], [sflag:$0x1], $0x4000, $0x38;
	[tilespmem:$0x1C100] =	vst v63  }
0x9f: {  	_ =	swait.ge [sflag:s25], $0x4000  }
0xa0: {  	[sflag:s25] =	ssyncset.done $0x0  }
0xa1: {  	[sflag:s25] =	ssyncadd.s32 $0xFFFFC000  }
0xa2: {  	[bflag:$0x0] =	sbarrier.arrive $0xFFFF  }
0xa3: {  	[tilespmem:s3], [sflag:$0x1] =	stream.linear.gather [hbm4b:s23+s3], $0x80, $0x38;
	[tilespmem:$0x1C100] =	vst v63  }
0xa4: {  	_ =	swait.ge [sflag:s25], $0x80  }
0xa5: {  	[sflag:s25] =	ssyncset.done $0x0  }
0xa6: {  	[sflag:s25] =	ssyncadd.s32 $0xFFFFFF80  }
0xa7: {  	[tilespmem:s26], [sflag:$0x1] =	stream.linear.gather [hbm4b:s22+s3], $0x80, $0x38;
	[tilespmem:$0x1C100] =	vst v63  }
0xa8: {  	_ =	swait.ge [sflag:s25], $0x80  }
0xa9: {  	[sflag:s25] =	ssyncset.done $0x0  }
0xaa: {  	[sflag:s25] =	ssyncadd.s32 $0xFFFFFF80  }
0xab: {  	v3 =	vld [tilespmem:$0x70]  }
0xac: {  	v4 =	vld [tilespmem:$0x60]  }
0xad: {  	v5 =	vld [tilespmem:$0x50]  }
0xae: {  	v6 =	vld [tilespmem:$0x30]  }
0xaf: {  	v7 =	vld [tilespmem:$0x20]  }
0xb0: {  	v8 =	vld [tilespmem:$0x10];
	v3 =	vadd.s32 v1, v3  }
0xb1: {  	v9 =	vld [tilespmem:$0x40];
	v4 =	vadd.s32 v1, v4;
	[tilespmem:$0x70] =	vst v3  }
0xb2: {  	v5 =	vadd.s32 v1, v5;
	v3 =	vld [tilespmem:$0x0];
	[tilespmem:$0x60] =	vst v4  }
0xb3: {  	v60 =	vadd.s32 v1, v6;
	[tilespmem:$0x50] =	vst v5  }
.Ltmp3:
0xb4: {  	v61 =	vadd.s32 v1, v7;
	[tilespmem:$0x30] =	vst v60;
	(pc) =	sbr.rel @!p0 .LBB2_7-.Ltmp3, $4  }
0xb5: {  	v62 =	vadd.s32 v1, v8;
	[tilespmem:$0x20] =	vst v61  }
0xb6: {  	v63 =	vadd.s32 v1, v9;
	[tilespmem:$0x10] =	vst v62  }
0xb7: {  	[tilespmem:$0x40] =	vst v63;
	v3 =	vadd.s32 v1, v3  }
0xb8: {  	s14 =	sadd.s32 $0x100, s22;
	s15 =	sadd.s32 $0x100, s23;
	s13 =	sadd.s32 $0xFFFFFFFF, s10;
	[tilespmem:$0x0] =	vst v3  }
.LBB2_6:
0xb9: {  	[tilespmem:s28], [sflag:$0x1] =	stream.indirect.gather [hbm4b:s4+s26], $0x80, s3, s26, $0xb8;
	[tilespmem:$0x1C100] =	vst v63  }
0xba: {  	p0 =	sne.s32 s13, $0x1;
	s13 =	sadd.s32 $0xFFFFFFFF, s13;
	_ =	swait.ge [sflag:s25], $0x4000  }
0xbb: {  	[sflag:s25] =	ssyncset.done $0x0  }
0xbc: {  	[sflag:s25] =	ssyncadd.s32 $0xFFFFC000  }
0xbd: {  	[spmem:s1] =	stream.indirect.scatter.add.f32 [tilespmem:s28], [sflag:$0x1], $0x80, s26, s26, $0xb8;
	[tilespmem:$0x1C100] =	vst v63  }
0xbe: {  	_ =	swait.ge [sflag:s25], $0x4000  }
0xbf: {  	[sflag:s25] =	ssyncset.done $0x0  }
0xc0: {  	[sflag:s25] =	ssyncadd.s32 $0xFFFFC000  }
0xc1: {  	[tilespmem:s3], [sflag:$0x1] =	stream.linear.gather [hbm4b:s15+s3], $0x80, $0x38;
	[tilespmem:$0x1C100] =	vst v63  }
0xc2: {  	_ =	swait.ge [sflag:s25], $0x80  }
0xc3: {  	[sflag:s25] =	ssyncset.done $0x0  }
0xc4: {  	[sflag:s25] =	ssyncadd.s32 $0xFFFFFF80  }
0xc5: {  	[tilespmem:s26], [sflag:$0x1] =	stream.linear.gather [hbm4b:s14+s3], $0x80, $0x38;
	[tilespmem:$0x1C100] =	vst v63  }
0xc6: {  	_ =	swait.ge [sflag:s25], $0x80  }
0xc7: {  	[sflag:s25] =	ssyncset.done $0x0  }
0xc8: {  	[sflag:s25] =	ssyncadd.s32 $0xFFFFFF80  }
0xc9: {  	v3 =	vld [tilespmem:$0x70]  }
0xca: {  	v4 =	vld [tilespmem:$0x60]  }
0xcb: {  	v5 =	vld [tilespmem:$0x50]  }
0xcc: {  	v6 =	vld [tilespmem:$0x30]  }
0xcd: {  	v7 =	vld [tilespmem:$0x20]  }
0xce: {  	v8 =	vld [tilespmem:$0x10];
	v3 =	vadd.s32 v1, v3  }
0xcf: {  	v9 =	vld [tilespmem:$0x40];
	v4 =	vadd.s32 v1, v4;
	[tilespmem:$0x70] =	vst v3  }
0xd0: {  	v3 =	vld [tilespmem:$0x0];
	v5 =	vadd.s32 v1, v5;
	[tilespmem:$0x60] =	vst v4  }
0xd1: {  	v4 =	vadd.s32 v1, v6;
	[tilespmem:$0x50] =	vst v5  }
.Ltmp4:
0xd2: {  	v5 =	vadd.s32 v1, v7;
	[tilespmem:$0x30] =	vst v4;
	(pc) =	sbr.rel @p0 .LBB2_6-.Ltmp4, $4  }
0xd3: {  	v4 =	vadd.s32 v1, v8;
	[tilespmem:$0x20] =	vst v5  }
0xd4: {  	[tilespmem:$0x10] =	vst v4;
	v4 =	vadd.s32 v1, v9  }
0xd5: {  	v3 =	vadd.s32 v1, v3;
	[tilespmem:$0x40] =	vst v4  }
0xd6: {  	s15 =	sadd.s32 $0x100, s15;
	s14 =	sadd.s32 $0x100, s14;
	[tilespmem:$0x0] =	vst v3  }
.LBB2_7:
0xd7: {  	[tilespmem:s28], [sflag:$0x1] =	stream.indirect.gather [hbm4b:s4+s26], $0x80, s3, s26, $0xb8;
	[tilespmem:$0x1C100] =	vst v63  }
0xd8: {  	_ =	swait.ge [sflag:s25], $0x4000  }
0xd9: {  	[sflag:s25] =	ssyncset.done $0x0  }
0xda: {  	[sflag:s25] =	ssyncadd.s32 $0xFFFFC000  }
0xdb: {  	[spmem:s1] =	stream.indirect.scatter.add.f32 [tilespmem:s28], [sflag:$0x1], $0x80, s26, s26, $0xb8;
	[tilespmem:$0x1C100] =	vst v63  }
0xdc: {  	_ =	swait.ge [sflag:s25], $0x4000  }
0xdd: {  	[sflag:s25] =	ssyncset.done $0x0  }
0xde: {  	[sflag:s25] =	ssyncadd.s32 $0xFFFFC000  }
0xdf: {  	[bflag:$0x0] =	sbarrier.arrive $0xFFFF  }
0xe0: {  	[hbm:s16], [sflag:s30] =	dma.local [spmem:s31], $0x800  }
0xe1: {  	_ =	swait.ge [sflag:s25], $0x800  }
0xe2: {  	[sflag:s25] =	ssyncset.done $0x0  }
0xe3: {  	[sflag:s25] =	ssyncadd.s32 $0xFFFFF800  }
0xe4: {  	[hbm:s17], [sflag:s30] =	dma.local [spmem:s0], $0x800  }
0xe5: {  	_ =	swait.ge [sflag:s25], $0x800  }
0xe6: {  	[sflag:s25] =	ssyncset.done $0x0  }
0xe7: {  	[sflag:s25] =	ssyncadd.s32 $0xFFFFF800  }
0xe8: {  	[hbm:s18], [sflag:s30] =	dma.local [spmem:s2], $0x800  }
0xe9: {  	_ =	swait.ge [sflag:s25], $0x800  }
0xea: {  	[sflag:s25] =	ssyncset.done $0x0  }
0xeb: {  	[sflag:s25] =	ssyncadd.s32 $0xFFFFF800  }
0xec: {  	[hbm:s19], [sflag:s30] =	dma.local [spmem:s11], $0x800  }
0xed: {  	s29 =	sadd.s32 $0x1, s29;
	_ =	swait.ge [sflag:s25], $0x800  }
0xee: {  	p0 =	sne.s32 s29, s21;
	[sflag:s25] =	ssyncset.done $0x0  }
.Ltmp5:
0xef: {  	[sflag:s25] =	ssyncadd.s32 $0xFFFFF800;
	(pc) =	sbr.rel @p0 .LBB2_1-.Ltmp5, $4  }
0xf0: {  	[hbm:s20], [sflag:s30] =	dma.local [spmem:s12], $0x800  }
0xf1: {  	_ =	swait.ge [sflag:s25], $0x800  }
0xf2: {  	[sflag:s25] =	ssyncset.done $0x0  }
0xf3: {  	[sflag:s25] =	ssyncadd.s32 $0xFFFFF800  }
0xf4: {  	_ =	sfence.sel $0x180000  }
0xf5: {  	[bflag:$0x0] =	sbarrier.arrive $0xFFFF  }
0xf6: {  	_ =	strace $0x90000050  }
0xf7: {  	s0 =	stileid.u32;
	[bflag:$0x2] =	sbarrier.arrive $0xFFFF  }
0xf8: {  	p0 =	sne.s32 s0, $0x0;
	s0 =	rddreg [dreg:$0x2]  }
0xf9: {  	s0 =	sadd.s32 @!p0 $0x100000, s0  }
0xfa: {  	[sflag:s0] =	ssyncadd.tile.s32 @!p0 $0x1;
	_ =	shalt  }
.Lfunc_end2:
_tile_overlayer_lowered:
.L_overlay_start_2:
0xfb: {  	(tag) =	ssettag $0x2  }
0xfc: {  	s0 =	rddreg [dreg:$0x0];
	s2 =	stileid.u32  }
0xfd: {  	s1 =	rddreg [dreg:$0x1];
	p0 =	sne.s32 s2, $0x0  }
0xfe: {  	s3 =	rddreg [dreg:$0x2];
	[bflag:$0x3] =	sbarrier.arrive $0xFFFF;
	s2 =	simm.s32 @!p0 $0x1C01  }
0xff: {  	[timem:s3], [sflag:s2] =	dma.local @!p0 [hbm:s0], s1  }
0x100: {  	s0 =	simm.s32 @!p0 $0x1  }
0x101: {  	_ =	swait.ge @!p0 [sflag:s0], s1  }
0x102: {  	s1 =	ssub.s32 @!p0 $0x0, s1;
	[sflag:s0] =	ssyncset.done @!p0 $0x0  }
0x103: {  	[sflag:s0] =	ssyncadd.s32 @!p0 s1  }
0x104: {  	[bflag:$0x3] =	sbarrier.arrive $0xFFFF  }
0x105: {  	_ =	shalt  }

// kernel: kernel.9.cloned.1.call-start
scs
__scs_entry_jumppad:
0x0: {  	(pc) =	sbr.rel $0x88, $3  }
0x1: {  	(tag) =	ssettag $0x0;
	lr =	simm.s32 $0x1  }
0x2: {  	[smem:$0x3F96] =	sst lr;
	_ =	strace $0xD0000000  }
0x3: {  	_ = 	snop  }
0x4: {  	_ = 	snop  }
0x5: {  	_ = 	snop  }
0x6: {  	_ = 	snop  }
0x7: {  	_ = 	snop  }
__scs_overlays_trampoline_lowered:
0x8: {  	[smem:$0x3FA5] =	sst s0  }
0x9: {  	[smem:$0x3FA6] =	sst s1  }
0xa: {  	[smem:$0x3FA7] =	sst s2  }
0xb: {  	[smem:$0x3FA8] =	sst s3  }
0xc: {  	[smem:$0x3FA9] =	sst s4  }
0xd: {  	[smem:$0x3FAA] =	sst s5  }
0xe: {  	[smem:$0x3FAB] =	sst s6  }
0xf: {  	[smem:$0x3FAC] =	sst s7  }
0x10: {  	[smem:$0x3FAD] =	sst s8  }
0x11: {  	[smem:$0x3FAE] =	sst s9;
	s0 =	simm.s32 @!p0 $0x0  }
0x12: {  	s1 =	sld [smem:$0x3F94];
	s0 =	simm.s32 @p0 $0x1  }
0x13: {  	[smem:$0x3FAF] =	sst s0;
	s0 =	simm.s32 @!p1 $0x0  }
0x14: {  	s2 =	sld [smem:$0x3F93];
	s0 =	simm.s32 @p1 $0x1  }
0x15: {  	[smem:$0x3FB0] =	sst s0;
	s0 =	simm.s32 @!p2 $0x0  }
0x16: {  	s3 =	sld [smem:$0x3FDB];
	s0 =	simm.s32 @p2 $0x1  }
0x17: {  	s4 =	simm.s32 $0x1BF5;
	[smem:$0x3FB2] =	sst s0  }
0x18: {  	s0 =	sld [smem:$0x3F95];
	_ =	swait.ge [sflag:s4], $0x0  }
0x19: {  	s7 =	sld [smem:$0x3F96]  }
0x1a: {  	s8 =	sadd.s32 $0xFFFFE003, lr  }
0x1b: {  	s9 =	sadd.s32 $0xFFFFFEF7, lr;
	s5 =	simm.s32 $0xFFFFFFFF;
	p2 =	slt.u32 s8, $0xFFFFF086  }
0x1c: {  	p1 =	slt.u32 s9, $0xF7A;
	s5 =	simm.s32 @!p2 $0x0  }
0x1d: {  	s5 =	simm.s32 @p1 $0x1;
	p0 =	seq.s32 s7, s2  }
0x1e: {  	s7 =	smul.u32 @!p0 $0xF7A, s2;
	p2 =	seq.s32 @!p0 s5, $0x0  }
0x1f: {  	s9 =	smul.u32 $0xF7A, s1;
	s8 =	simm.s32 @!p0 $0x1BF5;
	p2 =	por !p2, p0  }
0x20: {  	[sflag:s8] =	ssyncset.s32 @!p0 $0xFFFFF086;
	s6 =	sadd.s32 @!p0 s3, s7;
	s7 =	simm.s32 @!p0 $0x108  }
0x21: {  	s3 =	sadd.s32 s3, s9;
	s6 =	sadd.s32 @!p0 $0x88, s6;
	s7 =	simm.s32 @p2 $0x1082  }
0x22: {  	[simem:s7], [sflag:s8] =	dma.local @!p0 [hbm:s6], $0xF7A  }
0x23: {  	s9 =	sor.u32 $0xD0000000, s2;
	s6 =	simm.s32 $0x108;
	_ =	swait.ge @!p0 [sflag:s8], $0x0  }
0x24: {  	s3 =	sadd.s32 $0x88, s3;
	s6 =	simm.s32 @!p1 $0x1082;
	[sflag:s4] =	ssyncset.s32 $0xFFFFF086  }
0x25: {  	[simem:s6], [sflag:s4] =	dma.local [hbm:s3], $0xF7A  }
0x26: {  	[smem:$0x3F96] =	sst s1;
	(tag) =	ssettag s2;
	_ =	strace s9  }
0x27: {  	s1 =	sld [smem:$0x3FA6]  }
0x28: {  	s2 =	sld [smem:$0x3FA7]  }
0x29: {  	s4 =	sld [smem:$0x3FA9]  }
0x2a: {  	p0 =	seq.s32 s5, $0x0;
	s5 =	sld [smem:$0x3FAA]  }
0x2b: {  	s6 =	sld [smem:$0x3FAB]  }
0x2c: {  	s7 =	sld [smem:$0x3FAC]  }
0x2d: {  	s3 =	simm.s32 $0x108;
	s8 =	sld [smem:$0x3FAD]  }
0x2e: {  	s3 =	simm.s32 @!p0 $0x1082;
	s9 =	sld [smem:$0x3FAE]  }
0x2f: {  	lr =	sadd.s32 s0, s3;
	s0 =	sld [smem:$0x3FA5]  }
0x30: {  	s3 =	sld [smem:$0x3FA8]  }
0x31: {  	[smem:$0x3FB1] =	sst s10  }
0x32: {  	s10 =	sld [smem:$0x3FAF];
	_ =	sdelay $0x3  }
0x33: {  	p0 =	seq.s32 s10, $0x1;
	s10 =	sld [smem:$0x3FB1];
	_ =	sdelay $0x3  }
0x34: {  	[smem:$0x3FB1] =	sst s10  }
0x35: {  	s10 =	sld [smem:$0x3FB0];
	_ =	sdelay $0x3  }
0x36: {  	p1 =	seq.s32 s10, $0x1;
	s10 =	sld [smem:$0x3FB1];
	_ =	sdelay $0x3  }
0x37: {  	[smem:$0x3FB1] =	sst s10  }
0x38: {  	s10 =	sld [smem:$0x3FB2]  }
0x39: {  	_ = 	snop;
	(pc) =	sbr.ind lr, $3  }
0x3a: {  	_ = 	snop  }
0x3b: {  	_ = 	snop  }
0x3c: {  	p2 =	seq.s32 s10, $0x1;
	s10 =	sld [smem:$0x3FB1]  }
0x3d: {  	_ =	shalt  }
0x3e: {  	_ =	shalt  }
0x3f: {  	_ =	shalt  }
0x40: {  	_ =	shalt  }
0x41: {  	_ =	shalt  }
0x42: {  	_ =	shalt  }
0x43: {  	_ =	shalt  }
0x44: {  	_ =	shalt  }
0x45: {  	_ =	shalt  }
0x46: {  	_ =	shalt  }
0x47: {  	_ =	shalt  }
0x48: {  	_ =	shalt  }
0x49: {  	_ =	shalt  }
0x4a: {  	_ =	shalt  }
0x4b: {  	_ =	shalt  }
0x4c: {  	_ =	shalt  }
0x4d: {  	_ =	shalt  }
0x4e: {  	_ =	shalt  }
0x4f: {  	_ =	shalt  }
0x50: {  	_ =	shalt  }
0x51: {  	_ =	shalt  }
0x52: {  	_ =	shalt  }
0x53: {  	_ =	shalt  }
0x54: {  	_ =	shalt  }
0x55: {  	_ =	shalt  }
0x56: {  	_ =	shalt  }
0x57: {  	_ =	shalt  }
0x58: {  	_ =	shalt  }
0x59: {  	_ =	shalt  }
0x5a: {  	_ =	shalt  }
0x5b: {  	_ =	shalt  }
0x5c: {  	_ =	shalt  }
0x5d: {  	_ =	shalt  }
0x5e: {  	_ =	shalt  }
0x5f: {  	_ =	shalt  }
0x60: {  	_ =	shalt  }
0x61: {  	_ =	shalt  }
0x62: {  	_ =	shalt  }
0x63: {  	_ =	shalt  }
0x64: {  	_ =	shalt  }
0x65: {  	_ =	shalt  }
0x66: {  	_ =	shalt  }
0x67: {  	_ =	shalt  }
0x68: {  	_ =	shalt  }
0x69: {  	_ =	shalt  }
0x6a: {  	_ =	shalt  }
0x6b: {  	_ =	shalt  }
0x6c: {  	_ =	shalt  }
0x6d: {  	_ =	shalt  }
0x6e: {  	_ =	shalt  }
0x6f: {  	_ =	shalt  }
0x70: {  	_ =	shalt  }
0x71: {  	_ =	shalt  }
0x72: {  	_ =	shalt  }
0x73: {  	_ =	shalt  }
0x74: {  	_ =	shalt  }
0x75: {  	_ =	shalt  }
0x76: {  	_ =	shalt  }
0x77: {  	_ =	shalt  }
0x78: {  	_ =	shalt  }
0x79: {  	_ =	shalt  }
0x7a: {  	_ =	shalt  }
0x7b: {  	_ =	shalt  }
0x7c: {  	_ =	shalt  }
0x7d: {  	_ =	shalt  }
0x7e: {  	_ =	shalt  }
0x7f: {  	_ =	shalt  }
0x80: {  	_ =	shalt  }
0x81: {  	_ =	shalt  }
0x82: {  	_ =	shalt  }
0x83: {  	_ =	shalt  }
0x84: {  	_ =	shalt  }
0x85: {  	_ =	shalt  }
0x86: {  	_ =	shalt  }
0x87: {  	_ =	shalt  }
.Lfunc_end0:
.L_simem_size_0:
called_computation_lowered:
.L_overlay_start_0:
0x88: {  	s2 =	sld [smem:$0x3FD9]  }
0x89: {  	s3 =	sld [smem:$0x3FFE];
	_ =	sdelay $0x1  }
0x8a: {  	s1 =	srdreg.scid  }
0x8b: {  	s0 =	sand.u32 $0x1, s1  }
0x8c: {  	s17 =	sshll.u32 s0, $0xA;
	s2 =	sadd.s32 s3, s2  }
0x8d: {  	s2 =	sadd.s32 s2, s17  }
0x8e: {  	[smem:$0x3FBD] =	sst s2  }
0x8f: {  	_ = 	snop  }
0x90: {  	(tm) =	ssettm $0x1  }
0x91: {  	s18 =	sld [smem:$0x3FFB];
	_ =	sdelay $0x3  }
0x92: {  	_ =	strace s18  }
0x93: {  	s2 =	sld [smem:$0x3FFC];
	_ =	sdelay $0x3  }
0x94: {  	_ =	strace s2  }
0x95: {  	s2 =	sld [smem:$0x3FFD];
	_ =	sdelay $0x3  }
0x96: {  	_ =	strace s2  }
0x97: {  	_ =	strace $0x8FFFFFFF  }
0x98: {  	s19 =	sld [smem:$0x3FDB];
	_ =	sdelay $0x1  }
0x99: {  	s20 =	simm.s32 $_scs_section_size  }
0x9a: {  	s4 =	simm.s32 $_size__tile_overlayer_lowered;
	s5 =	simm.s32 $_tile_overlayer_lowered  }
0x9b: {  	s6 =	simm.s32 $0x1BFF;
	s21 =	sshll.u32 s5, $0x1;
	s3 =	sadd.s32 s20, s19  }
0x9c: {  	s22 =	simm.s32 $0x0;
	s4 =	sshll.u32 s4, $0x1;
	s5 =	sadd.s32 s21, s3  }
0x9d: {  	[timem:s22], [sflag:s6] =	dma.local [hbm:s5], s4  }
0x9e: {  	_ =	swait.ge [sflag:s6], s4  }
0x9f: {  	s4 =	ssub.s32 $0x0, s4;
	[sflag:s6] =	ssyncset.done $0x0  }
0xa0: {  	[sflag:s6] =	ssyncadd.s32 s4;
	_ =	sdelay $0x1  }
0xa1: {  	s23 =	simm.s32 $0x1B8B  }
0xa2: {  	_ =	swait.ge [sflag:s23], $0x1  }
0xa3: {  	[sflag:s23] =	ssyncset.done $0x0  }
0xa4: {  	[sflag:s23] =	ssyncadd.s32 $0xFFFFFFFF  }
0xa5: {  	s4 =	sld [smem:$0x0]  }
0xa6: {  	s5 =	sand.u32 $0xFFFFFFFE, s1  }
0xa7: {  	p0 =	sne.s32 s1, s5  }
0xa8: {  	s5 =	sshll.u32 @p0 s5, $0xE  }
0xa9: {  	s5 =	sadd.s32 @p0 $0x11B8D, s5;
	s6 =	sshll.u32 @p0 s4, $0x11  }
0xaa: {  	s5 =	sor.u32 @p0 s6, s5  }
0xab: {  	[sflag:s5] =	ssyncadd.remote.s32 @p0 $0x1;
	_ =	sdelay $0x1  }
0xac: {  	s5 =	simm.s32 @p0 $0x1B8D  }
0xad: {  	_ =	swait.eq @p0 [sflag:s5], $0x1  }
0xae: {  	[sflag:s5] =	ssyncadd.s32 @p0 $0xFFFFFFFF  }
0xaf: {  	s6 =	sshll.u32 @!p0 s1, $0xE  }
0xb0: {  	s6 =	sor.u32 @!p0 $0x4000, s6;
	s5 =	simm.s32 @!p0 $0x1B8D  }
0xb1: {  	s4 =	sshll.u32 @!p0 s4, $0x11;
	s6 =	sadd.s32 @!p0 $0x11B8D, s6;
	_ =	swait.eq @!p0 [sflag:s5], $0x1  }
0xb2: {  	s4 =	sor.u32 @!p0 s4, s6;
	[sflag:s5] =	ssyncadd.s32 @!p0 $0xFFFFFFFF  }
0xb3: {  	s25 =	simm.s32 $0x1B8E;
	s24 =	sld [smem:$0x3FFE];
	[sflag:s4] =	ssyncadd.remote.s32 @!p0 $0x1  }
0xb4: {  	s26 =	simm.s32 $execute0_lowered;
	[smem:$0x3FD2] =	sst s25  }
0xb5: {  	s5 =	sshll.u32 s26, $0x1;
	_ =	strace $0x80000049;
	[dreg:$0x1] =	wrdreg $0xFFFFFFFF  }
0xb6: {  	s28 =	simm.s32 $_size_execute0_lowered;
	s3 =	sadd.s32 s3, s5;
	[dreg:$0x0] =	wrdreg $0x0  }
0xb7: {  	s5 =	sshll.u32 s28, $0x1;
	[dreg:$0x2] =	wrdreg s3  }
0xb8: {  	[dreg:$0x3] =	wrdreg s5  }
0xb9: {  	[dreg:$0x4] =	wrdreg $0xC0  }
0xba: {  	_ =	task [dreg:s22], $0x5FFFF  }
0xbb: {  	[dreg:$0x1] =	wrdreg $0xFFFFFFFF  }
0xbc: {  	[dreg:$0x0] =	wrdreg $0x60  }
0xbd: {  	[dreg:$0x2] =	wrdreg s24  }
0xbe: {  	[dreg:$0x3] =	wrdreg $0x80800  }
0xbf: {  	[dreg:$0x4] =	wrdreg $0x9  }
0xc0: {  	_ =	task.clear_ibuf [dreg:s22], $0x5FFFF;
	_ =	strace $0x90000049  }
0xc1: {  	s29 =	simm.s32 $0x9;
	_ =	strace $0x8000004B  }
0xc2: {  	_ =	swait.ge [sflag:s29], $0x1  }
0xc3: {  	[sflag:s29] =	ssyncadd.s32 $0xFFFFFFFF  }
0xc4: {  	_ =	strace $0x9000004B  }
0xc5: {  	_ =	sfence  }
0xc6: {  	s30 =	sld [smem:$0x0];
	_ =	sdelay $0x2  }
0xc7: {  	s31 =	sshll.u32 s1, $0xD;
	s1 =	sshrl.u32 s1, $0x2  }
0xc8: {  	s4 =	sand.u32 $0x4000, s31;
	s1 =	sadd.s32 s1, s30  }
0xc9: {  	s0 =	sor.u32 s4, s0;
	s1 =	sshll.u32 s1, $0x11  }
0xca: {  	s0 =	sor.u32 s1, s0  }
0xcb: {  	s0 =	sadd.s32 $0x8F2B, s0  }
0xcc: {  	[sflag:s0] =	ssyncadd.remote.s32 $0x1  }
0xcd: {  	_ =	sfence.sel $0xFFFF  }
0xce: {  	[dreg:$0x0] =	wrdreg $0xFFFFFFFF;
	(pc) =	sbr.abs _section_cstart, $3  }
0xcf: {  	[dreg:$0x1] =	wrdreg $0xFFFFFFFF  }
0xd0: {  	_ =	task.clear_ibuf [dreg:s22], $0x2FFFF;
	_ =	strace $0x9FFFFFFF  }
0xd1: {  	(tm) =	ssettm $0x7FFFFFFF  }
tec
execute0_lowered:
.L_overlay_start_1:
0x0: {  	(tag) =	ssettag $0x1  }
0x1: {  	s5 =	rddreg [dreg:$0x0]  }
0x2: {  	s2 =	rddreg [dreg:$0x1]  }
0x3: {  	s0 =	rddreg [dreg:$0x2]  }
0x4: {  	s3 =	simm.s32 $0x0;
	s4 =	srdreg.scid;
	s1 =	stileid.u32  }
0x5: {  	s21 =	simm.s32 $0x0;
	[smem:$0x7FF] =	sst s3;
	s6 =	smul.u32 $0x50000, s1  }
0x6: {  	s16 =	sand.u32 $0x1, s4;
	s4 =	sadd.s32 $0x3400, s5;
	s9 =	smul.u32 $0x14000, s1  }
0x7: {  	s14 =	sadd.s32 $0x5D400, s5;
	s20 =	sshll.u32 s1, $0x1;
	s30 =	sshll.u32 s1, $0x8  }
0x8: {  	_ =	strace $0x8000004A;
	s7 =	ssub.s32 $0x2, s16;
	s13 =	smul.u32 $0x140000, s16  }
0x9: {  	s29 =	sor.u32 s20, s16;
	s31 =	sshll.u32 s16, $0x7;
	s20 =	simm.s32 $0x80  }
0xa: {  	s8 =	sshrl.u32 s7, $0x1;
	s6 =	sshrl.u32 s6, $0x2;
	s10 =	sadd.s32 $0x4000, s9  }
0xb: {  	s12 =	sadd.s32 $0x8000, s9;
	s17 =	sadd.s32 $0xC000, s9;
	s18 =	sadd.s32 $0x10000, s9  }
0xc: {  	s15 =	ssub.s32 s7, s8;
	s5 =	sadd.s32 s6, s2;
	s6 =	sadd.s32 s10, s2  }
0xd: {  	s7 =	sadd.s32 s12, s2;
	s8 =	sadd.s32 s17, s2;
	s11 =	sadd.s32 s9, s13  }
0xe: {  	s9 =	sadd.s32 s18, s2;
	s19 =	sadd.s32 s13, s10;
	s12 =	sadd.s32 s13, s12  }
0xf: {  	s17 =	sadd.s32 s13, s17;
	s18 =	sadd.s32 s13, s18;
	s11 =	sshrl.u32 s11, $0x3  }
0x10: {  	s26 =	sshrl.u32 s19, $0x3;
	s12 =	sshrl.u32 s12, $0x3;
	s17 =	sshrl.u32 s17, $0x3  }
0x11: {  	s28 =	sshrl.u32 s18, $0x3;
	s15 =	smax.u32 s15, $0x1;
	s18 =	simm.s32 $0x4080  }
0x12: {  	s19 =	simm.s32 $0x1;
	s10 =	sadd.s32 s14, s11;
	s11 =	sadd.s32 s14, s26  }
0x13: {  	s12 =	sadd.s32 s14, s12;
	s13 =	sadd.s32 s14, s17;
	s17 =	ssub.s32 $0x501, s29  }
0x14: {  	v0 =	vimm.f32 $1.000000000e+00;
	v1 =	vimm.f32 $0.0e+00;
	s14 =	sadd.s32 s14, s28;
	s16 =	sshrl.u32 s17, $0x5;
	s17 =	sor.u32 s31, s30  }
.LBB2_1:
0x15: {  	s22 =	simm.s32 $0x40;
	s23 =	simm.s32 $0x0  }
.LBB2_2:
0x16: {  	p0 =	sne.s32 s22, $0xFFC0;
	[tilespmem:s23+$0x80] =	vst v0;
	s24 =	smov.u32 s22;
	s22 =	sadd.s32 $0x40, s22  }
.Ltmp0:
0x17: {  	[tilespmem:s23+$0x4080] =	vst v1;
	(pc) =	sbr.rel @p0 .LBB2_2-.Ltmp0, $2  }
0x18: {  	_ =	sdelay $0x2  }
0x19: {  	s23 =	sshra.s32 s24, $0x2  }
0x1a: {  	[tilespmem:s23+$0x80] =	vst v0  }
0x1b: {  	[tilespmem:s23+$0x4080] =	vst v1  }
0x1c: {  	[spmem:s5] =	stream.linear.scatter [tilespmem:s18], [sflag:$0x1], $0x4000, $0x38;
	[tilespmem:$0x1C080] =	vst v63  }
0x1d: {  	_ =	swait.ge [sflag:s19], $0x4000  }
0x1e: {  	[sflag:s19] =	ssyncset.done $0x0  }
0x1f: {  	[sflag:s19] =	ssyncadd.s32 $0xFFFFC000  }
0x20: {  	[spmem:s6] =	stream.linear.scatter [tilespmem:s18], [sflag:$0x1], $0x4000, $0x38;
	[tilespmem:$0x1C080] =	vst v63  }
0x21: {  	_ =	swait.ge [sflag:s19], $0x4000  }
0x22: {  	[sflag:s19] =	ssyncset.done $0x0  }
0x23: {  	[sflag:s19] =	ssyncadd.s32 $0xFFFFC000  }
0x24: {  	[spmem:s7] =	stream.linear.scatter [tilespmem:s18], [sflag:$0x1], $0x4000, $0x38;
	[tilespmem:$0x1C080] =	vst v63  }
0x25: {  	_ =	swait.ge [sflag:s19], $0x4000  }
0x26: {  	[sflag:s19] =	ssyncset.done $0x0  }
0x27: {  	[sflag:s19] =	ssyncadd.s32 $0xFFFFC000  }
0x28: {  	[spmem:s8] =	stream.linear.scatter [tilespmem:s18], [sflag:$0x1], $0x4000, $0x38;
	[tilespmem:$0x1C080] =	vst v63  }
0x29: {  	_ =	swait.ge [sflag:s19], $0x4000  }
0x2a: {  	[sflag:s19] =	ssyncset.done $0x0  }
0x2b: {  	p1 =	sne.s32 s16, $0x1;
	[sflag:s19] =	ssyncadd.s32 $0xFFFFC000  }
0x2c: {  	[spmem:s9] =	stream.linear.scatter [tilespmem:s18], [sflag:$0x1], $0x4000, $0x38;
	[tilespmem:$0x1C080] =	vst v63  }
.Ltmp1:
0x2d: {  	_ =	swait.ge [sflag:s19], $0x4000;
	(pc) =	sbr.rel @!p1 .LBB2_6-.Ltmp1, $4  }
0x2e: {  	[sflag:s19] =	ssyncset.done $0x0  }
0x2f: {  	[sflag:s19] =	ssyncadd.s32 $0xFFFFC000  }
0x30: {  	[bflag:$0x0] =	sbarrier.arrive $0xFFFF  }
0x31: {  	s22 =	sadd.s32 $0xFFFFFFFF, s16;
	s24 =	sshrl.u32 s17, $0x3;
	p0 =	por $0x0, $0x0  }
0x32: {  	s23 =	sadd.s32 s4, s24  }
0x33: {  	[tilespmem:s3], [sflag:$0x1] =	stream.linear.gather [hbm4b:s23+s3], $0x80, $0x38;
	[tilespmem:$0x1C080] =	vst v63  }
0x34: {  	p1 =	sne.s32 s22, $0x1;
	_ =	swait.ge [sflag:s19], $0x80  }
.Ltmp2:
0x35: {  	[sflag:s19] =	ssyncset.done $0x0;
	(pc) =	sbr.rel @!p1 .LBB2_6-.Ltmp2, $4  }
0x36: {  	[sflag:s19] =	ssyncadd.s32 $0xFFFFFF80  }
0x37: {  	[spmem:s2] =	stream.indirect.scatter.add.f32 [tilespmem:s20], [sflag:$0x1], $0x80, s3, s20, $0xb8;
	[tilespmem:$0x1C080] =	vst v63  }
0x38: {  	s22 =	sadd.s32 $0xFFFFFFFF, s22;
	s23 =	sadd.s32 $0x1000, s17;
	_ =	swait.ge [sflag:s19], $0x4000  }
0x39: {  	p0 =	por $0x1, $0x1;
	s24 =	sshrl.u32 s23, $0x3;
	[sflag:s19] =	ssyncset.done $0x0  }
.LBB2_5:
0x3a: {  	p1 =	sne.s32 s22, $0x1;
	s24 =	sadd.s32 s4, s24;
	[sflag:s19] =	ssyncadd.s32 $0xFFFFC000  }
0x3b: {  	[tilespmem:s3], [sflag:$0x1] =	stream.linear.gather [hbm4b:s24+s3], $0x80, $0x38;
	[tilespmem:$0x1C080] =	vst v63  }
0x3c: {  	s22 =	sadd.s32 $0xFFFFFFFF, s22;
	_ =	swait.ge [sflag:s19], $0x80  }
.Ltmp3:
0x3d: {  	[sflag:s19] =	ssyncset.done $0x0;
	(pc) =	sbr.rel @p1 .LBB2_5-.Ltmp3, $4  }
0x3e: {  	[sflag:s19] =	ssyncadd.s32 $0xFFFFFF80  }
0x3f: {  	[spmem:s2] =	stream.indirect.scatter.add.f32 [tilespmem:s20], [sflag:$0x1], $0x80, s3, s20, $0xb8;
	[tilespmem:$0x1C080] =	vst v63  }
0x40: {  	s23 =	sadd.s32 $0x1000, s23;
	_ =	swait.ge [sflag:s19], $0x4000  }
0x41: {  	s24 =	sshrl.u32 s23, $0x3;
	[sflag:s19] =	ssyncset.done $0x0  }
.LBB2_6:
0x42: {  	s22 =	sadd.s32 s4, s24;
	[sflag:s19] =	ssyncadd.s32 @p0 $0xFFFFC000  }
0x43: {  	[tilespmem:s3], [sflag:$0x1] =	stream.linear.gather [hbm4b:s22+s3], $0x80, $0x38;
	[tilespmem:$0x1C080] =	vst v63  }
0x44: {  	_ =	swait.ge [sflag:s19], $0x80  }
0x45: {  	[sflag:s19] =	ssyncset.done $0x0  }
0x46: {  	[sflag:s19] =	ssyncadd.s32 $0xFFFFFF80  }
0x47: {  	[spmem:s2] =	stream.indirect.scatter.add.f32 [tilespmem:s20], [sflag:$0x1], $0x80, s3, s20, $0xb8;
	[tilespmem:$0x1C080] =	vst v63  }
0x48: {  	_ =	swait.ge [sflag:s19], $0x4000  }
0x49: {  	[sflag:s19] =	ssyncset.done $0x0  }
0x4a: {  	s26 =	sshll.u32 s1, $0x6;
	[sflag:s19] =	ssyncadd.s32 $0xFFFFC000  }
0x4b: {  	s23 =	sshrl.u32 s5, $0x3;
	s22 =	sor.u32 $0x1C01, s26;
	[bflag:$0x0] =	sbarrier.arrive $0xFFFF  }
0x4c: {  	[hbm:s10], [sflag:s22] =	dma.local [spmem:s23], $0x800  }
0x4d: {  	_ =	swait.ge [sflag:s19], $0x800  }
0x4e: {  	[sflag:s19] =	ssyncset.done $0x0  }
0x4f: {  	s28 =	sshrl.u32 s6, $0x3;
	[sflag:s19] =	ssyncadd.s32 $0xFFFFF800  }
0x50: {  	[hbm:s11], [sflag:s22] =	dma.local [spmem:s28], $0x800  }
0x51: {  	_ =	swait.ge [sflag:s19], $0x800  }
0x52: {  	[sflag:s19] =	ssyncset.done $0x0  }
0x53: {  	s29 =	sshrl.u32 s7, $0x3;
	[sflag:s19] =	ssyncadd.s32 $0xFFFFF800  }
0x54: {  	[hbm:s12], [sflag:s22] =	dma.local [spmem:s29], $0x800  }
0x55: {  	_ =	swait.ge [sflag:s19], $0x800  }
0x56: {  	[sflag:s19] =	ssyncset.done $0x0  }
0x57: {  	s30 =	sshrl.u32 s8, $0x3;
	[sflag:s19] =	ssyncadd.s32 $0xFFFFF800  }
0x58: {  	[hbm:s13], [sflag:s22] =	dma.local [spmem:s30], $0x800  }
0x59: {  	s21 =	sadd.s32 $0x1, s21;
	_ =	swait.ge [sflag:s19], $0x800  }
0x5a: {  	p0 =	sne.s32 s21, s15;
	[sflag:s19] =	ssyncset.done $0x0  }
.Ltmp4:
0x5b: {  	s31 =	sshrl.u32 s9, $0x3;
	[sflag:s19] =	ssyncadd.s32 $0xFFFFF800;
	(pc) =	sbr.rel @p0 .LBB2_1-.Ltmp4, $4  }
0x5c: {  	[hbm:s14], [sflag:s22] =	dma.local [spmem:s31], $0x800  }
0x5d: {  	_ =	swait.ge [sflag:s19], $0x800  }
0x5e: {  	[sflag:s19] =	ssyncset.done $0x0  }
0x5f: {  	[sflag:s19] =	ssyncadd.s32 $0xFFFFF800  }
0x60: {  	_ =	sfence.sel $0x180000  }
0x61: {  	[bflag:$0x0] =	sbarrier.arrive $0xFFFF  }
0x62: {  	p0 =	sne.s32 s1, $0x0;
	_ =	strace $0x9000004A  }
0x63: {  	s0 =	sadd.s32 @!p0 $0x100000, s0;
	[bflag:$0x2] =	sbarrier.arrive $0xFFFF  }
0x64: {  	[sflag:s0] =	ssyncadd.tile.s32 @!p0 $0x1;
	_ =	shalt  }
.Lfunc_end2:
_tile_overlayer_lowered:
.L_overlay_start_2:
0x65: {  	(tag) =	ssettag $0x2  }
0x66: {  	s0 =	rddreg [dreg:$0x0];
	s2 =	stileid.u32  }
0x67: {  	s1 =	rddreg [dreg:$0x1];
	p0 =	sne.s32 s2, $0x0  }
0x68: {  	s3 =	rddreg [dreg:$0x2];
	[bflag:$0x3] =	sbarrier.arrive $0xFFFF;
	s2 =	simm.s32 @!p0 $0x1C01  }
0x69: {  	[timem:s3], [sflag:s2] =	dma.local @!p0 [hbm:s0], s1  }
0x6a: {  	s0 =	simm.s32 @!p0 $0x1  }
0x6b: {  	_ =	swait.ge @!p0 [sflag:s0], s1  }
0x6c: {  	s1 =	ssub.s32 @!p0 $0x0, s1;
	[sflag:s0] =	ssyncset.done @!p0 $0x0  }
0x6d: {  	[sflag:s0] =	ssyncadd.s32 @!p0 s1  }
0x6e: {  	[bflag:$0x3] =	sbarrier.arrive $0xFFFF  }
0x6f: {  	_ =	shalt  }

</sc_bundles>
